<compile_context>
chip_gen: v7x
topology: tpu7x:2x2x1
jax: 0.10.2.dev20260603
libtpu: 0.0.44.dev20260713+nightly
codegen_flags: <defaults>
</compile_context>

<pallas_src>
import jax
import jax.numpy as jnp
from jax import lax
from jax.experimental import pallas as pl
from jax.experimental.pallas import tpu as pltpu
from jax.experimental.pallas import tpu_sc as plsc

B = 8
N = 512
H = 16
S = 512
L = 16
NC = 2
NS = 16
NW = NC * NS
BK = 128
PT = 136
NB = N // BK
TOT = B * NB * NB
PER = TOT // NW
ISUB = 8
JV = BK // L


def _decode(t):
    b = t // (NB * NB)
    r = t % (NB * NB)
    return b, (r // NB) * BK, (r % NB) * BK


def _body(ab_hbm, sp_hbm, wt_hbm, wrt_hbm, out_hbm,
          spA0, spA1, spB, spBT, abA, wv, wrv, outv0, outv1,
          sem0, sem1, semA, semB):
    c = lax.axis_index("c")
    s = lax.axis_index("s")
    wid = s * NC + c
    pltpu.sync_copy(wt_hbm, wv)
    pltpu.sync_copy(wrt_hbm, wrv)
    lane = lax.iota(jnp.int32, L)
    lane_pt = lane * PT

    dummy = out_hbm.at[0, :, pl.ds(0, ISUB), pl.ds(0, BK)]
    pltpu.async_copy(dummy, outv0, sem0)
    pltpu.async_copy(dummy, outv1, sem1)

    t0 = wid * PER
    b0, i00, j00 = _decode(t0)
    pltpu.async_copy(sp_hbm.at[b0, pl.ds(i00, BK), pl.ds(j00, BK)], spA0,
                     semA)
    pltpu.async_copy(sp_hbm.at[b0, pl.ds(j00, BK), pl.ds(i00, BK)], spB,
                     semB)

    def fill(outv, spA, isub):
        @plsc.parallel_loop(0, ISUB * JV, unroll=1)
        def pix_body(p):
            i2 = p // JV
            jv = p % JV
            i = isub * ISUB + i2
            v_idx = spA[i, pl.ds(jv * L, L)]
            vt_idx = spBT[pl.ds(i * PT + jv * L, L)]
            ab_v = abA[i, pl.ds(jv * L, L)]
            for hp in range(H // 2):
                g = plsc.load_gather(wv, [v_idx + hp * S])
                gr = plsc.load_gather(wrv, [vt_idx + hp * S])
                ssum = (plsc.bitcast(g, jnp.bfloat16)
                        + plsc.bitcast(gr, jnp.bfloat16))
                lo, hi = plsc.unpack(ssum, format=plsc.PackFormat.INTERLEAVED,
                                     preferred_element_type=jnp.float32)
                outv[2 * hp, i2, pl.ds(jv * L, L)] = lo + ab_v
                outv[2 * hp + 1, i2, pl.ds(jv * L, L)] = hi + ab_v

    def do_block(t, spA_cur, spA_nxt):
        b, i0, j0 = _decode(t)
        tn = jnp.minimum(t + 1, TOT - 1)
        bn, i0n, j0n = _decode(tn)
        pltpu.make_async_copy(
            sp_hbm.at[0, pl.ds(0, BK), pl.ds(0, BK)], spA_cur, semA).wait()
        pltpu.make_async_copy(
            sp_hbm.at[0, pl.ds(0, BK), pl.ds(0, BK)], spB, semB).wait()
        pltpu.sync_copy(ab_hbm.at[b, pl.ds(i0, BK), pl.ds(j0, BK)], abA)
        pltpu.async_copy(sp_hbm.at[bn, pl.ds(i0n, BK), pl.ds(j0n, BK)],
                         spA_nxt, semA)

        @plsc.parallel_loop(0, BK * JV, unroll=1)
        def tr_body(g):
            j = g // JV
            iv = g % JV
            row = spB[j, pl.ds(iv * L, L)]
            plsc.store_scatter(spBT, [lane_pt + (iv * L * PT + j)], row)

        pltpu.async_copy(sp_hbm.at[bn, pl.ds(j0n, BK), pl.ds(i0n, BK)], spB,
                         semB)

        def isub2_body(k2, _):
            for half, (ov, sem) in enumerate(((outv0, sem0), (outv1, sem1))):
                isub = k2 * 2 + half
                dst = out_hbm.at[b, :, pl.ds(i0 + isub * ISUB, ISUB),
                                 pl.ds(j0, BK)]
                pltpu.make_async_copy(ov, dst, sem).wait()
                fill(ov, spA_cur, isub)
                pltpu.async_copy(ov, dst, sem)
            return _

        lax.fori_loop(0, (BK // ISUB) // 2, isub2_body, 0)

    def pair_body(kk, carry):
        t = wid * PER + 2 * kk
        do_block(t, spA0, spA1)
        do_block(t + 1, spA1, spA0)
        return carry

    lax.fori_loop(0, PER // 2, pair_body, 0)
    pltpu.make_async_copy(outv0, dummy, sem0).wait()
    pltpu.make_async_copy(outv1, dummy, sem1).wait()
    pltpu.make_async_copy(
        sp_hbm.at[0, pl.ds(0, BK), pl.ds(0, BK)], spA0, semA).wait()
    pltpu.make_async_copy(
        sp_hbm.at[0, pl.ds(0, BK), pl.ds(0, BK)], spB, semB).wait()


@jax.jit
def kernel(attn_bias, spatial_pos, W_spatial, W_spatial_rev):
    sp = spatial_pos.astype(jnp.int32)

    def pack_pairs(w):
        u = jax.lax.bitcast_convert_type(
            w.astype(jnp.bfloat16), jnp.uint16).astype(jnp.uint32)
        packed = u[:, 0::2] | (u[:, 1::2] << 16)
        return jax.lax.bitcast_convert_type(
            jnp.transpose(packed), jnp.int32).reshape(-1)

    wt = pack_pairs(W_spatial)
    wrt = pack_pairs(W_spatial_rev)
    run = pl.kernel(
        _body,
        out_type=jax.ShapeDtypeStruct((B, H, N, N), jnp.float32),
        mesh=plsc.VectorSubcoreMesh(core_axis_name="c", subcore_axis_name="s"),
        compiler_params=pltpu.CompilerParams(needs_layout_passes=False,
                                             use_tc_tiling_on_sc=True),
        scratch_types=[
            pltpu.VMEM((BK, BK), jnp.int32),
            pltpu.VMEM((BK, BK), jnp.int32),
            pltpu.VMEM((BK, BK), jnp.int32),
            pltpu.VMEM((BK * PT,), jnp.int32),
            pltpu.VMEM((BK, BK), jnp.float32),
            pltpu.VMEM((H // 2 * S,), jnp.int32),
            pltpu.VMEM((H // 2 * S,), jnp.int32),
            pltpu.VMEM((H, ISUB, BK), jnp.float32),
            pltpu.VMEM((H, ISUB, BK), jnp.float32),
            pltpu.SemaphoreType.DMA,
            pltpu.SemaphoreType.DMA,
            pltpu.SemaphoreType.DMA,
            pltpu.SemaphoreType.DMA,
        ],
    )
    return run(attn_bias, sp, wt, wrt)

# --- scband reference (transcript-rebuilt; emitter-appended) ---
"""Pipeline reference for scband-graph-attn-bias-17789754540084 (READ-ONLY COPY).

The authoritative reference and input builder live on the scoring server;
editing this copy changes nothing except your own understanding.
"""

import jax, jax.numpy as jnp
import numpy as np


def setup_inputs(seed: int = 0) -> dict:
    key = jax.random.key(seed)
    k1, k2, k3, k4 = jax.random.split(key, 4)
    B, N, H, S = 8, 512, 16, 512
    attn_bias = jax.random.normal(k1, (B, N, N), dtype=jnp.float32)
    spatial_pos = jax.random.randint(k2, (B, N, N), 0, S)
    W_spatial = jax.random.normal(k3, (S, H), dtype=jnp.float32) * 0.02
    W_spatial_rev = jax.random.normal(k4, (S, H), dtype=jnp.float32) * 0.02
    return {
        "attn_bias": attn_bias,
        "spatial_pos": spatial_pos,
        "W_spatial": W_spatial,
        "W_spatial_rev": W_spatial_rev,
    }


def reference(attn_bias, spatial_pos, W_spatial, W_spatial_rev):
    # embedding gather: [B, N, N] int ids -> [B, N, N, H]
    spatial_bias = W_spatial[spatial_pos]
    spatial_bias_rev = W_spatial_rev[jnp.transpose(spatial_pos, (0, 2, 1))]
    spatial_bias = spatial_bias + spatial_bias_rev
    # [B, N, N, H] -> [B, H, N, N]
    spatial_bias = jnp.transpose(spatial_bias, (0, 3, 1, 2))
    attn_bias_e = jnp.expand_dims(attn_bias, axis=1)  # [B, 1, N, N]
    return spatial_bias + attn_bias_e

if __name__ == "__main__":
    import jax
    _d = setup_inputs()
    print(jax.jit(kernel)(*tuple(_d.values())))

</pallas_src>

<mosaic_0001>
#map = affine_map<(d0, d1) -> (0, 0, 0)>
#map1 = affine_map<(d0, d1) -> (0)>
#map2 = affine_map<(d0, d1) -> (0, 0, 0, 0)>
module attributes {stable_mosaic.version = 14 : i64} {
  func.func @_body(%arg0: i32, %arg1: i32, %arg2: memref<8x512x512xf32, #tpu.memory_space<hbm>>, %arg3: memref<8x512x512xi32, #tpu.memory_space<hbm>>, %arg4: memref<4096xi32, #tpu.memory_space<hbm>>, %arg5: memref<4096xi32, #tpu.memory_space<hbm>>, %arg6: memref<8x16x512x512xf32, #tpu.memory_space<hbm>>, %arg7: memref<128x128xi32, #tpu.memory_space<vmem>>, %arg8: memref<128x128xi32, #tpu.memory_space<vmem>>, %arg9: memref<128x128xi32, #tpu.memory_space<vmem>>, %arg10: memref<17408xi32, #tpu.memory_space<vmem>>, %arg11: memref<128x128xf32, #tpu.memory_space<vmem>>, %arg12: memref<4096xi32, #tpu.memory_space<vmem>>, %arg13: memref<4096xi32, #tpu.memory_space<vmem>>, %arg14: memref<16x8x128xf32, #tpu.memory_space<vmem>>, %arg15: memref<16x8x128xf32, #tpu.memory_space<vmem>>, %arg16: memref<!tpu.dma_semaphore, #tpu.memory_space<semaphore_mem>>, %arg17: memref<!tpu.dma_semaphore, #tpu.memory_space<semaphore_mem>>, %arg18: memref<!tpu.dma_semaphore, #tpu.memory_space<semaphore_mem>>, %arg19: memref<!tpu.dma_semaphore, #tpu.memory_space<semaphore_mem>>) attributes {dimension_semantics = [#tpu.dimension_semantics<core_parallel>, #tpu.dimension_semantics<subcore_parallel>], iteration_bounds = array<i64: 2, 16>, scalar_prefetch = 0 : i64, scratch_operands = 13 : i64, tpu.core_type = #tpu.core_type<sc_vector_subcore>, window_params = [{transform_indices = #map}, {transform_indices = #map}, {transform_indices = #map1}, {transform_indices = #map1}, {transform_indices = #map2}]} {
    %mul3A = arith.constant 2 : i32
    %mul3A_0 = arith.muli %arg1, %mul3A : i32
    %add3A = arith.addi %mul3A_0, %arg0 : i32
    "tpu.region"() ({
      %run_scoped3A = tpu.sem_alloc : memref<!tpu.dma_semaphore, #tpu.memory_space<semaphore_mem>>
      tpu.enqueue_dma source(%arg4 : memref<4096xi32, #tpu.memory_space<hbm>>) target(%arg12 : memref<4096xi32, #tpu.memory_space<vmem>>) target_semaphore(%run_scoped3A : memref<!tpu.dma_semaphore, #tpu.memory_space<semaphore_mem>>)
      tpu.wait_dma2 semaphore(%run_scoped3A : memref<!tpu.dma_semaphore, #tpu.memory_space<semaphore_mem>>) src(%arg4 : memref<4096xi32, #tpu.memory_space<hbm>>) dst(%arg12 : memref<4096xi32, #tpu.memory_space<vmem>>)
      tpu.yield
    }) : () -> ()
    "tpu.region"() ({
      %run_scoped3A = tpu.sem_alloc : memref<!tpu.dma_semaphore, #tpu.memory_space<semaphore_mem>>
      tpu.enqueue_dma source(%arg5 : memref<4096xi32, #tpu.memory_space<hbm>>) target(%arg13 : memref<4096xi32, #tpu.memory_space<vmem>>) target_semaphore(%run_scoped3A : memref<!tpu.dma_semaphore, #tpu.memory_space<semaphore_mem>>)
      tpu.wait_dma2 semaphore(%run_scoped3A : memref<!tpu.dma_semaphore, #tpu.memory_space<semaphore_mem>>) src(%arg5 : memref<4096xi32, #tpu.memory_space<hbm>>) dst(%arg13 : memref<4096xi32, #tpu.memory_space<vmem>>)
      tpu.yield
    }) : () -> ()
    %iota3A = tpu.iota {dimensions = array<i32: 0>} : vector<16xi32>
    %mul3A_1 = arith.constant 136 : i32
    %mul3A_2 = vector.broadcast %mul3A_1 : i32 to vector<16xi32>
    %mul3A_3 = arith.muli %iota3A, %mul3A_2 : vector<16xi32>
    %dma_start3A = arith.constant 0 : i32
    %dma_start3A_4 = arith.constant 0 : i32
    %dma_start3A_5 = arith.constant 0 : i32
    %dma_start3A_6 = arith.constant 0 : i32
    %dma_start3A_7 = tpu.memref_slice %arg6[%dma_start3A, %dma_start3A_4, %dma_start3A_5, %dma_start3A_6] : memref<8x16x512x512xf32, #tpu.memory_space<hbm>> -> memref<1x16x8x128xf32, #tpu.memory_space<hbm>>
    %dma_start3A_8 = tpu.memref_squeeze %dma_start3A_7 : memref<1x16x8x128xf32, #tpu.memory_space<hbm>> -> memref<16x8x128xf32, #tpu.memory_space<hbm>>
    %dma_start3A_9 = arith.constant 0 : i32
    %dma_start3A_10 = arith.constant 0 : i32
    %dma_start3A_11 = arith.constant 0 : i32
    %dma_start3A_12 = tpu.memref_slice %arg6[%dma_start3A, %dma_start3A_9, %dma_start3A_10, %dma_start3A_11] : memref<8x16x512x512xf32, #tpu.memory_space<hbm>> -> memref<1x16x8x128xf32, #tpu.memory_space<hbm>>
    %dma_start3A_13 = tpu.memref_squeeze %dma_start3A_12 : memref<1x16x8x128xf32, #tpu.memory_space<hbm>> -> memref<16x8x128xf32, #tpu.memory_space<hbm>>
    tpu.enqueue_dma source(%dma_start3A_13 : memref<16x8x128xf32, #tpu.memory_space<hbm>>) target(%arg14 : memref<16x8x128xf32, #tpu.memory_space<vmem>>) target_semaphore(%arg16 : memref<!tpu.dma_semaphore, #tpu.memory_space<semaphore_mem>>)
    %dma_start3A_14 = arith.constant 0 : i32
    %dma_start3A_15 = arith.constant 0 : i32
    %dma_start3A_16 = arith.constant 0 : i32
    %dma_start3A_17 = arith.constant 0 : i32
    %dma_start3A_18 = tpu.memref_slice %arg6[%dma_start3A_14, %dma_start3A_15, %dma_start3A_16, %dma_start3A_17] : memref<8x16x512x512xf32, #tpu.memory_space<hbm>> -> memref<1x16x8x128xf32, #tpu.memory_space<hbm>>
    %dma_start3A_19 = tpu.memref_squeeze %dma_start3A_18 : memref<1x16x8x128xf32, #tpu.memory_space<hbm>> -> memref<16x8x128xf32, #tpu.memory_space<hbm>>
    %dma_start3A_20 = arith.constant 0 : i32
    %dma_start3A_21 = arith.constant 0 : i32
    %dma_start3A_22 = arith.constant 0 : i32
    %dma_start3A_23 = tpu.memref_slice %arg6[%dma_start3A_14, %dma_start3A_20, %dma_start3A_21, %dma_start3A_22] : memref<8x16x512x512xf32, #tpu.memory_space<hbm>> -> memref<1x16x8x128xf32, #tpu.memory_space<hbm>>
    %dma_start3A_24 = tpu.memref_squeeze %dma_start3A_23 : memref<1x16x8x128xf32, #tpu.memory_space<hbm>> -> memref<16x8x128xf32, #tpu.memory_space<hbm>>
    tpu.enqueue_dma source(%dma_start3A_24 : memref<16x8x128xf32, #tpu.memory_space<hbm>>) target(%arg15 : memref<16x8x128xf32, #tpu.memory_space<vmem>>) target_semaphore(%arg17 : memref<!tpu.dma_semaphore, #tpu.memory_space<semaphore_mem>>)
    %mul3A_25 = arith.constant 4 : i32
    %mul3A_26 = arith.muli %add3A, %mul3A_25 : i32
    %jit3A = arith.constant 16 : i32
    %div3A = arith.divsi %mul3A_26, %jit3A : i32
    %sign3A = arith.constant 0 : i32
    %sign3A_27 = arith.cmpi sgt, %mul3A_26, %sign3A : i32
    %sign3A_28 = arith.extui %sign3A_27 : i1 to i32
    %sign3A_29 = arith.constant 0 : i32
    %sign3A_30 = arith.cmpi slt, %mul3A_26, %sign3A_29 : i32
    %sign3A_31 = arith.extui %sign3A_30 : i1 to i32
    %sign3A_32 = arith.subi %sign3A_28, %sign3A_31 : i32
    %sign3A_33 = arith.constant 0 : i32
    %sign3A_34 = arith.cmpi sgt, %jit3A, %sign3A_33 : i32
    %sign3A_35 = arith.extui %sign3A_34 : i1 to i32
    %sign3A_36 = arith.constant 0 : i32
    %sign3A_37 = arith.cmpi slt, %jit3A, %sign3A_36 : i32
    %sign3A_38 = arith.extui %sign3A_37 : i1 to i32
    %sign3A_39 = arith.subi %sign3A_35, %sign3A_38 : i32
    %ne3A = arith.cmpi ne, %sign3A_32, %sign3A_39 : i32
    %rem3A = arith.remsi %mul3A_26, %jit3A : i32
    %ne3A_40 = arith.constant 0 : i32
    %ne3A_41 = arith.cmpi ne, %rem3A, %ne3A_40 : i32
    %and3A = arith.andi %ne3A, %ne3A_41 : i1
    %sub3A = arith.constant 1 : i32
    %sub3A_42 = arith.subi %div3A, %sub3A : i32
    %select_n3A = arith.select %and3A, %sub3A_42, %div3A : i32
    %jit3A_43 = arith.constant 16 : i32
    %eq3A = arith.constant 0 : i32
    %eq3A_44 = arith.cmpi eq, %jit3A_43, %eq3A : i32
    %jit3A_45 = arith.constant 1 : i32
    %select_n3A_46 = arith.select %eq3A_44, %jit3A_45, %jit3A_43 : i32
    %rem3A_47 = arith.remsi %mul3A_26, %select_n3A_46 : i32
    %ne3A_48 = arith.constant 0 : i32
    %ne3A_49 = arith.cmpi ne, %rem3A_47, %ne3A_48 : i32
    %lt3A = arith.constant 0 : i32
    %lt3A_50 = arith.cmpi slt, %rem3A_47, %lt3A : i32
    %lt3A_51 = arith.constant 0 : i32
    %lt3A_52 = arith.cmpi slt, %select_n3A_46, %lt3A_51 : i32
    %ne3A_53 = arith.xori %lt3A_50, %lt3A_52 : i1
    %and3A_54 = arith.andi %ne3A_53, %ne3A_49 : i1
    %add3A_55 = arith.addi %rem3A_47, %select_n3A_46 : i32
    %select_n3A_56 = arith.select %and3A_54, %add3A_55, %rem3A_47 : i32
    %jit3A_57 = arith.constant 4 : i32
    %div3A_58 = arith.divsi %select_n3A_56, %jit3A_57 : i32
    %sign3A_59 = arith.constant 0 : i32
    %sign3A_60 = arith.cmpi sgt, %select_n3A_56, %sign3A_59 : i32
    %sign3A_61 = arith.extui %sign3A_60 : i1 to i32
    %sign3A_62 = arith.constant 0 : i32
    %sign3A_63 = arith.cmpi slt, %select_n3A_56, %sign3A_62 : i32
    %sign3A_64 = arith.extui %sign3A_63 : i1 to i32
    %sign3A_65 = arith.subi %sign3A_61, %sign3A_64 : i32
    %sign3A_66 = arith.constant 0 : i32
    %sign3A_67 = arith.cmpi sgt, %jit3A_57, %sign3A_66 : i32
    %sign3A_68 = arith.extui %sign3A_67 : i1 to i32
    %sign3A_69 = arith.constant 0 : i32
    %sign3A_70 = arith.cmpi slt, %jit3A_57, %sign3A_69 : i32
    %sign3A_71 = arith.extui %sign3A_70 : i1 to i32
    %sign3A_72 = arith.subi %sign3A_68, %sign3A_71 : i32
    %ne3A_73 = arith.cmpi ne, %sign3A_65, %sign3A_72 : i32
    %rem3A_74 = arith.remsi %select_n3A_56, %jit3A_57 : i32
    %ne3A_75 = arith.constant 0 : i32
    %ne3A_76 = arith.cmpi ne, %rem3A_74, %ne3A_75 : i32
    %and3A_77 = arith.andi %ne3A_73, %ne3A_76 : i1
    %sub3A_78 = arith.constant 1 : i32
    %sub3A_79 = arith.subi %div3A_58, %sub3A_78 : i32
    %select_n3A_80 = arith.select %and3A_77, %sub3A_79, %div3A_58 : i32
    %mul3A_81 = arith.constant 128 : i32
    %mul3A_82 = arith.muli %select_n3A_80, %mul3A_81 : i32
    %jit3A_83 = arith.constant 4 : i32
    %eq3A_84 = arith.constant 0 : i32
    %eq3A_85 = arith.cmpi eq, %jit3A_83, %eq3A_84 : i32
    %jit3A_86 = arith.constant 1 : i32
    %select_n3A_87 = arith.select %eq3A_85, %jit3A_86, %jit3A_83 : i32
    %rem3A_88 = arith.remsi %select_n3A_56, %select_n3A_87 : i32
    %ne3A_89 = arith.constant 0 : i32
    %ne3A_90 = arith.cmpi ne, %rem3A_88, %ne3A_89 : i32
    %lt3A_91 = arith.constant 0 : i32
    %lt3A_92 = arith.cmpi slt, %rem3A_88, %lt3A_91 : i32
    %lt3A_93 = arith.constant 0 : i32
    %lt3A_94 = arith.cmpi slt, %select_n3A_87, %lt3A_93 : i32
    %ne3A_95 = arith.xori %lt3A_92, %lt3A_94 : i1
    %and3A_96 = arith.andi %ne3A_95, %ne3A_90 : i1
    %add3A_97 = arith.addi %rem3A_88, %select_n3A_87 : i32
    %select_n3A_98 = arith.select %and3A_96, %add3A_97, %rem3A_88 : i32
    %mul3A_99 = arith.constant 128 : i32
    %mul3A_100 = arith.muli %select_n3A_98, %mul3A_99 : i32
    %dma_start3A_101 = tpu.memref_slice %arg3[%select_n3A, %mul3A_82, %mul3A_100] : memref<8x512x512xi32, #tpu.memory_space<hbm>> -> memref<1x128x128xi32, #tpu.memory_space<hbm>>
    %dma_start3A_102 = tpu.memref_squeeze %dma_start3A_101 : memref<1x128x128xi32, #tpu.memory_space<hbm>> -> memref<128x128xi32, #tpu.memory_space<hbm>>
    %dma_start3A_103 = tpu.memref_slice %arg3[%select_n3A, %mul3A_82, %mul3A_100] : memref<8x512x512xi32, #tpu.memory_space<hbm>> -> memref<1x128x128xi32, #tpu.memory_space<hbm>>
    %dma_start3A_104 = tpu.memref_squeeze %dma_start3A_103 : memref<1x128x128xi32, #tpu.memory_space<hbm>> -> memref<128x128xi32, #tpu.memory_space<hbm>>
    tpu.enqueue_dma source(%dma_start3A_104 : memref<128x128xi32, #tpu.memory_space<hbm>>) target(%arg7 : memref<128x128xi32, #tpu.memory_space<vmem>>) target_semaphore(%arg18 : memref<!tpu.dma_semaphore, #tpu.memory_space<semaphore_mem>>)
    %dma_start3A_105 = tpu.memref_slice %arg3[%select_n3A, %mul3A_100, %mul3A_82] : memref<8x512x512xi32, #tpu.memory_space<hbm>> -> memref<1x128x128xi32, #tpu.memory_space<hbm>>
    %dma_start3A_106 = tpu.memref_squeeze %dma_start3A_105 : memref<1x128x128xi32, #tpu.memory_space<hbm>> -> memref<128x128xi32, #tpu.memory_space<hbm>>
    %dma_start3A_107 = tpu.memref_slice %arg3[%select_n3A, %mul3A_100, %mul3A_82] : memref<8x512x512xi32, #tpu.memory_space<hbm>> -> memref<1x128x128xi32, #tpu.memory_space<hbm>>
    %dma_start3A_108 = tpu.memref_squeeze %dma_start3A_107 : memref<1x128x128xi32, #tpu.memory_space<hbm>> -> memref<128x128xi32, #tpu.memory_space<hbm>>
    tpu.enqueue_dma source(%dma_start3A_108 : memref<128x128xi32, #tpu.memory_space<hbm>>) target(%arg9 : memref<128x128xi32, #tpu.memory_space<vmem>>) target_semaphore(%arg19 : memref<!tpu.dma_semaphore, #tpu.memory_space<semaphore_mem>>)
    %scan3A = arith.constant 0 : i32
    %scan3A_109 = arith.constant 0 : i32
    %scan3A_110 = arith.constant 2 : i32
    %scan3A_111 = arith.addi %scan3A_109, %scan3A_110 : i32
    %scan3A_112 = arith.constant 1 : i32
    scf.for %scan3A_153 = %scan3A_109 to %scan3A_111 step %scan3A_112  : i32 {
      %mul3A_154 = arith.constant 4 : i32
      %mul3A_155 = arith.muli %add3A, %mul3A_154 : i32
      %mul3A_156 = arith.constant 2 : i32
      %mul3A_157 = arith.muli %mul3A_156, %scan3A_153 : i32
      %add3A_158 = arith.addi %mul3A_155, %mul3A_157 : i32
      %jit3A_159 = arith.constant 16 : i32
      %div3A_160 = arith.divsi %add3A_158, %jit3A_159 : i32
      %sign3A_161 = arith.constant 0 : i32
      %sign3A_162 = arith.cmpi sgt, %add3A_158, %sign3A_161 : i32
      %sign3A_163 = arith.extui %sign3A_162 : i1 to i32
      %sign3A_164 = arith.constant 0 : i32
      %sign3A_165 = arith.cmpi slt, %add3A_158, %sign3A_164 : i32
      %sign3A_166 = arith.extui %sign3A_165 : i1 to i32
      %sign3A_167 = arith.subi %sign3A_163, %sign3A_166 : i32
      %sign3A_168 = arith.constant 0 : i32
      %sign3A_169 = arith.cmpi sgt, %jit3A_159, %sign3A_168 : i32
      %sign3A_170 = arith.extui %sign3A_169 : i1 to i32
      %sign3A_171 = arith.constant 0 : i32
      %sign3A_172 = arith.cmpi slt, %jit3A_159, %sign3A_171 : i32
      %sign3A_173 = arith.extui %sign3A_172 : i1 to i32
      %sign3A_174 = arith.subi %sign3A_170, %sign3A_173 : i32
      %ne3A_175 = arith.cmpi ne, %sign3A_167, %sign3A_174 : i32
      %rem3A_176 = arith.remsi %add3A_158, %jit3A_159 : i32
      %ne3A_177 = arith.constant 0 : i32
      %ne3A_178 = arith.cmpi ne, %rem3A_176, %ne3A_177 : i32
      %and3A_179 = arith.andi %ne3A_175, %ne3A_178 : i1
      %sub3A_180 = arith.constant 1 : i32
      %sub3A_181 = arith.subi %div3A_160, %sub3A_180 : i32
      %select_n3A_182 = arith.select %and3A_179, %sub3A_181, %div3A_160 : i32
      %jit3A_183 = arith.constant 16 : i32
      %eq3A_184 = arith.constant 0 : i32
      %eq3A_185 = arith.cmpi eq, %jit3A_183, %eq3A_184 : i32
      %jit3A_186 = arith.constant 1 : i32
      %select_n3A_187 = arith.select %eq3A_185, %jit3A_186, %jit3A_183 : i32
      %rem3A_188 = arith.remsi %add3A_158, %select_n3A_187 : i32
      %ne3A_189 = arith.constant 0 : i32
      %ne3A_190 = arith.cmpi ne, %rem3A_188, %ne3A_189 : i32
      %lt3A_191 = arith.constant 0 : i32
      %lt3A_192 = arith.cmpi slt, %rem3A_188, %lt3A_191 : i32
      %lt3A_193 = arith.constant 0 : i32
      %lt3A_194 = arith.cmpi slt, %select_n3A_187, %lt3A_193 : i32
      %ne3A_195 = arith.xori %lt3A_192, %lt3A_194 : i1
      %and3A_196 = arith.andi %ne3A_195, %ne3A_190 : i1
      %add3A_197 = arith.addi %rem3A_188, %select_n3A_187 : i32
      %select_n3A_198 = arith.select %and3A_196, %add3A_197, %rem3A_188 : i32
      %jit3A_199 = arith.constant 4 : i32
      %div3A_200 = arith.divsi %select_n3A_198, %jit3A_199 : i32
      %sign3A_201 = arith.constant 0 : i32
      %sign3A_202 = arith.cmpi sgt, %select_n3A_198, %sign3A_201 : i32
      %sign3A_203 = arith.extui %sign3A_202 : i1 to i32
      %sign3A_204 = arith.constant 0 : i32
      %sign3A_205 = arith.cmpi slt, %select_n3A_198, %sign3A_204 : i32
      %sign3A_206 = arith.extui %sign3A_205 : i1 to i32
      %sign3A_207 = arith.subi %sign3A_203, %sign3A_206 : i32
      %sign3A_208 = arith.constant 0 : i32
      %sign3A_209 = arith.cmpi sgt, %jit3A_199, %sign3A_208 : i32
      %sign3A_210 = arith.extui %sign3A_209 : i1 to i32
      %sign3A_211 = arith.constant 0 : i32
      %sign3A_212 = arith.cmpi slt, %jit3A_199, %sign3A_211 : i32
      %sign3A_213 = arith.extui %sign3A_212 : i1 to i32
      %sign3A_214 = arith.subi %sign3A_210, %sign3A_213 : i32
      %ne3A_215 = arith.cmpi ne, %sign3A_207, %sign3A_214 : i32
      %rem3A_216 = arith.remsi %select_n3A_198, %jit3A_199 : i32
      %ne3A_217 = arith.constant 0 : i32
      %ne3A_218 = arith.cmpi ne, %rem3A_216, %ne3A_217 : i32
      %and3A_219 = arith.andi %ne3A_215, %ne3A_218 : i1
      %sub3A_220 = arith.constant 1 : i32
      %sub3A_221 = arith.subi %div3A_200, %sub3A_220 : i32
      %select_n3A_222 = arith.select %and3A_219, %sub3A_221, %div3A_200 : i32
      %mul3A_223 = arith.constant 128 : i32
      %mul3A_224 = arith.muli %select_n3A_222, %mul3A_223 : i32
      %jit3A_225 = arith.constant 4 : i32
      %eq3A_226 = arith.constant 0 : i32
      %eq3A_227 = arith.cmpi eq, %jit3A_225, %eq3A_226 : i32
      %jit3A_228 = arith.constant 1 : i32
      %select_n3A_229 = arith.select %eq3A_227, %jit3A_228, %jit3A_225 : i32
      %rem3A_230 = arith.remsi %select_n3A_198, %select_n3A_229 : i32
      %ne3A_231 = arith.constant 0 : i32
      %ne3A_232 = arith.cmpi ne, %rem3A_230, %ne3A_231 : i32
      %lt3A_233 = arith.constant 0 : i32
      %lt3A_234 = arith.cmpi slt, %rem3A_230, %lt3A_233 : i32
      %lt3A_235 = arith.constant 0 : i32
      %lt3A_236 = arith.cmpi slt, %select_n3A_229, %lt3A_235 : i32
      %ne3A_237 = arith.xori %lt3A_234, %lt3A_236 : i1
      %and3A_238 = arith.andi %ne3A_237, %ne3A_232 : i1
      %add3A_239 = arith.addi %rem3A_230, %select_n3A_229 : i32
      %select_n3A_240 = arith.select %and3A_238, %add3A_239, %rem3A_230 : i32
      %mul3A_241 = arith.constant 128 : i32
      %mul3A_242 = arith.muli %select_n3A_240, %mul3A_241 : i32
      %add3A_243 = arith.constant 1 : i32
      %add3A_244 = arith.addi %add3A_158, %add3A_243 : i32
      %min3A = arith.constant 127 : i32
      %min3A_245 = arith.minsi %add3A_244, %min3A : i32
      %jit3A_246 = arith.constant 16 : i32
      %div3A_247 = arith.divsi %min3A_245, %jit3A_246 : i32
      %sign3A_248 = arith.constant 0 : i32
      %sign3A_249 = arith.cmpi sgt, %min3A_245, %sign3A_248 : i32
      %sign3A_250 = arith.extui %sign3A_249 : i1 to i32
      %sign3A_251 = arith.constant 0 : i32
      %sign3A_252 = arith.cmpi slt, %min3A_245, %sign3A_251 : i32
      %sign3A_253 = arith.extui %sign3A_252 : i1 to i32
      %sign3A_254 = arith.subi %sign3A_250, %sign3A_253 : i32
      %sign3A_255 = arith.constant 0 : i32
      %sign3A_256 = arith.cmpi sgt, %jit3A_246, %sign3A_255 : i32
      %sign3A_257 = arith.extui %sign3A_256 : i1 to i32
      %sign3A_258 = arith.constant 0 : i32
      %sign3A_259 = arith.cmpi slt, %jit3A_246, %sign3A_258 : i32
      %sign3A_260 = arith.extui %sign3A_259 : i1 to i32
      %sign3A_261 = arith.subi %sign3A_257, %sign3A_260 : i32
      %ne3A_262 = arith.cmpi ne, %sign3A_254, %sign3A_261 : i32
      %rem3A_263 = arith.remsi %min3A_245, %jit3A_246 : i32
      %ne3A_264 = arith.constant 0 : i32
      %ne3A_265 = arith.cmpi ne, %rem3A_263, %ne3A_264 : i32
      %and3A_266 = arith.andi %ne3A_262, %ne3A_265 : i1
      %sub3A_267 = arith.constant 1 : i32
      %sub3A_268 = arith.subi %div3A_247, %sub3A_267 : i32
      %select_n3A_269 = arith.select %and3A_266, %sub3A_268, %div3A_247 : i32
      %jit3A_270 = arith.constant 16 : i32
      %eq3A_271 = arith.constant 0 : i32
      %eq3A_272 = arith.cmpi eq, %jit3A_270, %eq3A_271 : i32
      %jit3A_273 = arith.constant 1 : i32
      %select_n3A_274 = arith.select %eq3A_272, %jit3A_273, %jit3A_270 : i32
      %rem3A_275 = arith.remsi %min3A_245, %select_n3A_274 : i32
      %ne3A_276 = arith.constant 0 : i32
      %ne3A_277 = arith.cmpi ne, %rem3A_275, %ne3A_276 : i32
      %lt3A_278 = arith.constant 0 : i32
      %lt3A_279 = arith.cmpi slt, %rem3A_275, %lt3A_278 : i32
      %lt3A_280 = arith.constant 0 : i32
      %lt3A_281 = arith.cmpi slt, %select_n3A_274, %lt3A_280 : i32
      %ne3A_282 = arith.xori %lt3A_279, %lt3A_281 : i1
      %and3A_283 = arith.andi %ne3A_282, %ne3A_277 : i1
      %add3A_284 = arith.addi %rem3A_275, %select_n3A_274 : i32
      %select_n3A_285 = arith.select %and3A_283, %add3A_284, %rem3A_275 : i32
      %jit3A_286 = arith.constant 4 : i32
      %div3A_287 = arith.divsi %select_n3A_285, %jit3A_286 : i32
      %sign3A_288 = arith.constant 0 : i32
      %sign3A_289 = arith.cmpi sgt, %select_n3A_285, %sign3A_288 : i32
      %sign3A_290 = arith.extui %sign3A_289 : i1 to i32
      %sign3A_291 = arith.constant 0 : i32
      %sign3A_292 = arith.cmpi slt, %select_n3A_285, %sign3A_291 : i32
      %sign3A_293 = arith.extui %sign3A_292 : i1 to i32
      %sign3A_294 = arith.subi %sign3A_290, %sign3A_293 : i32
      %sign3A_295 = arith.constant 0 : i32
      %sign3A_296 = arith.cmpi sgt, %jit3A_286, %sign3A_295 : i32
      %sign3A_297 = arith.extui %sign3A_296 : i1 to i32
      %sign3A_298 = arith.constant 0 : i32
      %sign3A_299 = arith.cmpi slt, %jit3A_286, %sign3A_298 : i32
      %sign3A_300 = arith.extui %sign3A_299 : i1 to i32
      %sign3A_301 = arith.subi %sign3A_297, %sign3A_300 : i32
      %ne3A_302 = arith.cmpi ne, %sign3A_294, %sign3A_301 : i32
      %rem3A_303 = arith.remsi %select_n3A_285, %jit3A_286 : i32
      %ne3A_304 = arith.constant 0 : i32
      %ne3A_305 = arith.cmpi ne, %rem3A_303, %ne3A_304 : i32
      %and3A_306 = arith.andi %ne3A_302, %ne3A_305 : i1
      %sub3A_307 = arith.constant 1 : i32
      %sub3A_308 = arith.subi %div3A_287, %sub3A_307 : i32
      %select_n3A_309 = arith.select %and3A_306, %sub3A_308, %div3A_287 : i32
      %mul3A_310 = arith.constant 128 : i32
      %mul3A_311 = arith.muli %select_n3A_309, %mul3A_310 : i32
      %jit3A_312 = arith.constant 4 : i32
      %eq3A_313 = arith.constant 0 : i32
      %eq3A_314 = arith.cmpi eq, %jit3A_312, %eq3A_313 : i32
      %jit3A_315 = arith.constant 1 : i32
      %select_n3A_316 = arith.select %eq3A_314, %jit3A_315, %jit3A_312 : i32
      %rem3A_317 = arith.remsi %select_n3A_285, %select_n3A_316 : i32
      %ne3A_318 = arith.constant 0 : i32
      %ne3A_319 = arith.cmpi ne, %rem3A_317, %ne3A_318 : i32
      %lt3A_320 = arith.constant 0 : i32
      %lt3A_321 = arith.cmpi slt, %rem3A_317, %lt3A_320 : i32
      %lt3A_322 = arith.constant 0 : i32
      %lt3A_323 = arith.cmpi slt, %select_n3A_316, %lt3A_322 : i32
      %ne3A_324 = arith.xori %lt3A_321, %lt3A_323 : i1
      %and3A_325 = arith.andi %ne3A_324, %ne3A_319 : i1
      %add3A_326 = arith.addi %rem3A_317, %select_n3A_316 : i32
      %select_n3A_327 = arith.select %and3A_325, %add3A_326, %rem3A_317 : i32
      %mul3A_328 = arith.constant 128 : i32
      %mul3A_329 = arith.muli %select_n3A_327, %mul3A_328 : i32
      %dma_wait3A_330 = arith.constant 0 : i32
      %dma_wait3A_331 = arith.constant 0 : i32
      %dma_wait3A_332 = arith.constant 0 : i32
      %dma_wait3A_333 = tpu.memref_slice %arg3[%dma_wait3A_330, %dma_wait3A_331, %dma_wait3A_332] : memref<8x512x512xi32, #tpu.memory_space<hbm>> -> memref<1x128x128xi32, #tpu.memory_space<hbm>>
      %dma_wait3A_334 = tpu.memref_squeeze %dma_wait3A_333 : memref<1x128x128xi32, #tpu.memory_space<hbm>> -> memref<128x128xi32, #tpu.memory_space<hbm>>
      %dma_wait3A_335 = arith.constant 0 : i32
      %dma_wait3A_336 = arith.constant 0 : i32
      %dma_wait3A_337 = tpu.memref_slice %arg3[%dma_wait3A_330, %dma_wait3A_335, %dma_wait3A_336] : memref<8x512x512xi32, #tpu.memory_space<hbm>> -> memref<1x128x128xi32, #tpu.memory_space<hbm>>
      %dma_wait3A_338 = tpu.memref_squeeze %dma_wait3A_337 : memref<1x128x128xi32, #tpu.memory_space<hbm>> -> memref<128x128xi32, #tpu.memory_space<hbm>>
      tpu.wait_dma2 semaphore(%arg18 : memref<!tpu.dma_semaphore, #tpu.memory_space<semaphore_mem>>) src(%dma_wait3A_338 : memref<128x128xi32, #tpu.memory_space<hbm>>) dst(%arg7 : memref<128x128xi32, #tpu.memory_space<vmem>>)
      %dma_wait3A_339 = arith.constant 0 : i32
      %dma_wait3A_340 = arith.constant 0 : i32
      %dma_wait3A_341 = arith.constant 0 : i32
      %dma_wait3A_342 = tpu.memref_slice %arg3[%dma_wait3A_339, %dma_wait3A_340, %dma_wait3A_341] : memref<8x512x512xi32, #tpu.memory_space<hbm>> -> memref<1x128x128xi32, #tpu.memory_space<hbm>>
      %dma_wait3A_343 = tpu.memref_squeeze %dma_wait3A_342 : memref<1x128x128xi32, #tpu.memory_space<hbm>> -> memref<128x128xi32, #tpu.memory_space<hbm>>
      %dma_wait3A_344 = arith.constant 0 : i32
      %dma_wait3A_345 = arith.constant 0 : i32
      %dma_wait3A_346 = tpu.memref_slice %arg3[%dma_wait3A_339, %dma_wait3A_344, %dma_wait3A_345] : memref<8x512x512xi32, #tpu.memory_space<hbm>> -> memref<1x128x128xi32, #tpu.memory_space<hbm>>
      %dma_wait3A_347 = tpu.memref_squeeze %dma_wait3A_346 : memref<1x128x128xi32, #tpu.memory_space<hbm>> -> memref<128x128xi32, #tpu.memory_space<hbm>>
      tpu.wait_dma2 semaphore(%arg19 : memref<!tpu.dma_semaphore, #tpu.memory_space<semaphore_mem>>) src(%dma_wait3A_347 : memref<128x128xi32, #tpu.memory_space<hbm>>) dst(%arg9 : memref<128x128xi32, #tpu.memory_space<vmem>>)
      "tpu.region"() ({
        %run_scoped3A = tpu.sem_alloc : memref<!tpu.dma_semaphore, #tpu.memory_space<semaphore_mem>>
        %dma_start3A_573 = tpu.memref_slice %arg2[%select_n3A_182, %mul3A_224, %mul3A_242] : memref<8x512x512xf32, #tpu.memory_space<hbm>> -> memref<1x128x128xf32, #tpu.memory_space<hbm>>
        %dma_start3A_574 = tpu.memref_squeeze %dma_start3A_573 : memref<1x128x128xf32, #tpu.memory_space<hbm>> -> memref<128x128xf32, #tpu.memory_space<hbm>>
        %dma_start3A_575 = tpu.memref_slice %arg2[%select_n3A_182, %mul3A_224, %mul3A_242] : memref<8x512x512xf32, #tpu.memory_space<hbm>> -> memref<1x128x128xf32, #tpu.memory_space<hbm>>
        %dma_start3A_576 = tpu.memref_squeeze %dma_start3A_575 : memref<1x128x128xf32, #tpu.memory_space<hbm>> -> memref<128x128xf32, #tpu.memory_space<hbm>>
        tpu.enqueue_dma source(%dma_start3A_576 : memref<128x128xf32, #tpu.memory_space<hbm>>) target(%arg11 : memref<128x128xf32, #tpu.memory_space<vmem>>) target_semaphore(%run_scoped3A : memref<!tpu.dma_semaphore, #tpu.memory_space<semaphore_mem>>)
        %dma_wait3A_577 = tpu.memref_slice %arg2[%select_n3A_182, %mul3A_224, %mul3A_242] : memref<8x512x512xf32, #tpu.memory_space<hbm>> -> memref<1x128x128xf32, #tpu.memory_space<hbm>>
        %dma_wait3A_578 = tpu.memref_squeeze %dma_wait3A_577 : memref<1x128x128xf32, #tpu.memory_space<hbm>> -> memref<128x128xf32, #tpu.memory_space<hbm>>
        %dma_wait3A_579 = tpu.memref_slice %arg2[%select_n3A_182, %mul3A_224, %mul3A_242] : memref<8x512x512xf32, #tpu.memory_space<hbm>> -> memref<1x128x128xf32, #tpu.memory_space<hbm>>
        %dma_wait3A_580 = tpu.memref_squeeze %dma_wait3A_579 : memref<1x128x128xf32, #tpu.memory_space<hbm>> -> memref<128x128xf32, #tpu.memory_space<hbm>>
        tpu.wait_dma2 semaphore(%run_scoped3A : memref<!tpu.dma_semaphore, #tpu.memory_space<semaphore_mem>>) src(%dma_wait3A_580 : memref<128x128xf32, #tpu.memory_space<hbm>>) dst(%arg11 : memref<128x128xf32, #tpu.memory_space<vmem>>)
        tpu.yield
      }) : () -> ()
      %dma_start3A_348 = tpu.memref_slice %arg3[%select_n3A_269, %mul3A_311, %mul3A_329] : memref<8x512x512xi32, #tpu.memory_space<hbm>> -> memref<1x128x128xi32, #tpu.memory_space<hbm>>
      %dma_start3A_349 = tpu.memref_squeeze %dma_start3A_348 : memref<1x128x128xi32, #tpu.memory_space<hbm>> -> memref<128x128xi32, #tpu.memory_space<hbm>>
      %dma_start3A_350 = tpu.memref_slice %arg3[%select_n3A_269, %mul3A_311, %mul3A_329] : memref<8x512x512xi32, #tpu.memory_space<hbm>> -> memref<1x128x128xi32, #tpu.memory_space<hbm>>
      %dma_start3A_351 = tpu.memref_squeeze %dma_start3A_350 : memref<1x128x128xi32, #tpu.memory_space<hbm>> -> memref<128x128xi32, #tpu.memory_space<hbm>>
      tpu.enqueue_dma source(%dma_start3A_351 : memref<128x128xi32, #tpu.memory_space<hbm>>) target(%arg8 : memref<128x128xi32, #tpu.memory_space<vmem>>) target_semaphore(%arg18 : memref<!tpu.dma_semaphore, #tpu.memory_space<semaphore_mem>>)
      %parallel_loop3A = arith.constant 0 : i32
      %parallel_loop3A_352 = arith.constant 1024 : i32
      %parallel_loop3A_353 = arith.constant 1 : i32
      scf.for %parallel_loop3A_573 = %parallel_loop3A to %parallel_loop3A_352 step %parallel_loop3A_353  : i32 {
        %parallel_loop3A_574 = arith.constant 8 : i32
        %parallel_loop3A_575 = arith.divsi %parallel_loop3A_573, %parallel_loop3A_574 : i32
        %parallel_loop3A_576 = arith.constant 0 : i32
        %parallel_loop3A_577 = arith.cmpi sgt, %parallel_loop3A_573, %parallel_loop3A_576 : i32
        %parallel_loop3A_578 = arith.extui %parallel_loop3A_577 : i1 to i32
        %parallel_loop3A_579 = arith.constant 0 : i32
        %parallel_loop3A_580 = arith.cmpi slt, %parallel_loop3A_573, %parallel_loop3A_579 : i32
        %parallel_loop3A_581 = arith.extui %parallel_loop3A_580 : i1 to i32
        %parallel_loop3A_582 = arith.subi %parallel_loop3A_578, %parallel_loop3A_581 : i32
        %parallel_loop3A_583 = arith.constant 0 : i32
        %parallel_loop3A_584 = arith.cmpi sgt, %parallel_loop3A_574, %parallel_loop3A_583 : i32
        %parallel_loop3A_585 = arith.extui %parallel_loop3A_584 : i1 to i32
        %parallel_loop3A_586 = arith.constant 0 : i32
        %parallel_loop3A_587 = arith.cmpi slt, %parallel_loop3A_574, %parallel_loop3A_586 : i32
        %parallel_loop3A_588 = arith.extui %parallel_loop3A_587 : i1 to i32
        %parallel_loop3A_589 = arith.subi %parallel_loop3A_585, %parallel_loop3A_588 : i32
        %parallel_loop3A_590 = arith.cmpi ne, %parallel_loop3A_582, %parallel_loop3A_589 : i32
        %parallel_loop3A_591 = arith.remsi %parallel_loop3A_573, %parallel_loop3A_574 : i32
        %parallel_loop3A_592 = arith.constant 0 : i32
        %parallel_loop3A_593 = arith.cmpi ne, %parallel_loop3A_591, %parallel_loop3A_592 : i32
        %parallel_loop3A_594 = arith.andi %parallel_loop3A_590, %parallel_loop3A_593 : i1
        %parallel_loop3A_595 = arith.constant 1 : i32
        %parallel_loop3A_596 = arith.subi %parallel_loop3A_575, %parallel_loop3A_595 : i32
        %parallel_loop3A_597 = arith.select %parallel_loop3A_594, %parallel_loop3A_596, %parallel_loop3A_575 : i32
        %parallel_loop3A_598 = arith.constant 8 : i32
        %parallel_loop3A_599 = arith.constant 0 : i32
        %parallel_loop3A_600 = arith.cmpi eq, %parallel_loop3A_598, %parallel_loop3A_599 : i32
        %parallel_loop3A_601 = arith.constant 1 : i32
        %parallel_loop3A_602 = arith.select %parallel_loop3A_600, %parallel_loop3A_601, %parallel_loop3A_598 : i32
        %parallel_loop3A_603 = arith.remsi %parallel_loop3A_573, %parallel_loop3A_602 : i32
        %parallel_loop3A_604 = arith.constant 0 : i32
        %parallel_loop3A_605 = arith.cmpi ne, %parallel_loop3A_603, %parallel_loop3A_604 : i32
        %parallel_loop3A_606 = arith.constant 0 : i32
        %parallel_loop3A_607 = arith.cmpi slt, %parallel_loop3A_603, %parallel_loop3A_606 : i32
        %parallel_loop3A_608 = arith.constant 0 : i32
        %parallel_loop3A_609 = arith.cmpi slt, %parallel_loop3A_602, %parallel_loop3A_608 : i32
        %parallel_loop3A_610 = arith.xori %parallel_loop3A_607, %parallel_loop3A_609 : i1
        %parallel_loop3A_611 = arith.andi %parallel_loop3A_610, %parallel_loop3A_605 : i1
        %parallel_loop3A_612 = arith.addi %parallel_loop3A_603, %parallel_loop3A_602 : i32
        %parallel_loop3A_613 = arith.select %parallel_loop3A_611, %parallel_loop3A_612, %parallel_loop3A_603 : i32
        %parallel_loop3A_614 = arith.constant 16 : i32
        %parallel_loop3A_615 = arith.muli %parallel_loop3A_613, %parallel_loop3A_614 : i32
        %parallel_loop3A_616 = arith.index_cast %parallel_loop3A_597 : i32 to index
        %parallel_loop3A_617 = arith.index_cast %parallel_loop3A_615 : i32 to index
        %parallel_loop3A_618 = tpu.vector_load %arg9[%parallel_loop3A_616, %parallel_loop3A_617] {strides = array<i32>} : memref<128x128xi32, #tpu.memory_space<vmem>>, vector<16xi32>,
        %parallel_loop3A_619 = arith.constant 16 : i32
        %parallel_loop3A_620 = arith.muli %parallel_loop3A_613, %parallel_loop3A_619 : i32
        %parallel_loop3A_621 = arith.constant 136 : i32
        %parallel_loop3A_622 = arith.muli %parallel_loop3A_620, %parallel_loop3A_621 : i32
        %parallel_loop3A_623 = arith.addi %parallel_loop3A_622, %parallel_loop3A_597 : i32
        %parallel_loop3A_624 = vector.broadcast %parallel_loop3A_623 : i32 to vector<16xi32>
        %parallel_loop3A_625 = arith.addi %mul3A_3, %parallel_loop3A_624 : vector<16xi32>
        tpu.vector_store_idx %arg10[%parallel_loop3A_625], %parallel_loop3A_618 : memref<17408xi32, #tpu.memory_space<vmem>>[vector<16xi32>], vector<16xi32>,
      } {sc.loop_unroll_factor = 1 : i64, sc.parallel_access}
      %dma_start3A_354 = tpu.memref_slice %arg3[%select_n3A_269, %mul3A_329, %mul3A_311] : memref<8x512x512xi32, #tpu.memory_space<hbm>> -> memref<1x128x128xi32, #tpu.memory_space<hbm>>
      %dma_start3A_355 = tpu.memref_squeeze %dma_start3A_354 : memref<1x128x128xi32, #tpu.memory_space<hbm>> -> memref<128x128xi32, #tpu.memory_space<hbm>>
      %dma_start3A_356 = tpu.memref_slice %arg3[%select_n3A_269, %mul3A_329, %mul3A_311] : memref<8x512x512xi32, #tpu.memory_space<hbm>> -> memref<1x128x128xi32, #tpu.memory_space<hbm>>
      %dma_start3A_357 = tpu.memref_squeeze %dma_start3A_356 : memref<1x128x128xi32, #tpu.memory_space<hbm>> -> memref<128x128xi32, #tpu.memory_space<hbm>>
      tpu.enqueue_dma source(%dma_start3A_357 : memref<128x128xi32, #tpu.memory_space<hbm>>) target(%arg9 : memref<128x128xi32, #tpu.memory_space<vmem>>) target_semaphore(%arg19 : memref<!tpu.dma_semaphore, #tpu.memory_space<semaphore_mem>>)
      %scan3A_358 = arith.constant 0 : i32
      %scan3A_359 = arith.constant 0 : i32
      %scan3A_360 = arith.constant 8 : i32
      %scan3A_361 = arith.addi %scan3A_359, %scan3A_360 : i32
      %scan3A_362 = arith.constant 1 : i32
      scf.for %scan3A_573 = %scan3A_359 to %scan3A_361 step %scan3A_362  : i32 {
        %mul3A_574 = arith.constant 2 : i32
        %mul3A_575 = arith.muli %scan3A_573, %mul3A_574 : i32
        %add3A_576 = arith.constant 0 : i32
        %add3A_577 = arith.addi %mul3A_575, %add3A_576 : i32
        %mul3A_578 = arith.constant 8 : i32
        %mul3A_579 = arith.muli %add3A_577, %mul3A_578 : i32
        %add3A_580 = arith.addi %mul3A_224, %mul3A_579 : i32
        %dma_wait3A_581 = arith.constant 0 : i32
        %dma_wait3A_582 = tpu.memref_slice %arg6[%select_n3A_182, %dma_wait3A_581, %add3A_580, %mul3A_242] : memref<8x16x512x512xf32, #tpu.memory_space<hbm>> -> memref<1x16x8x128xf32, #tpu.memory_space<hbm>>
        %dma_wait3A_583 = tpu.memref_squeeze %dma_wait3A_582 : memref<1x16x8x128xf32, #tpu.memory_space<hbm>> -> memref<16x8x128xf32, #tpu.memory_space<hbm>>
        %dma_wait3A_584 = arith.constant 0 : i32
        %dma_wait3A_585 = tpu.memref_slice %arg6[%select_n3A_182, %dma_wait3A_584, %add3A_580, %mul3A_242] : memref<8x16x512x512xf32, #tpu.memory_space<hbm>> -> memref<1x16x8x128xf32, #tpu.memory_space<hbm>>
        %dma_wait3A_586 = tpu.memref_squeeze %dma_wait3A_585 : memref<1x16x8x128xf32, #tpu.memory_space<hbm>> -> memref<16x8x128xf32, #tpu.memory_space<hbm>>
        tpu.wait_dma2 semaphore(%arg16 : memref<!tpu.dma_semaphore, #tpu.memory_space<semaphore_mem>>) src(%arg14 : memref<16x8x128xf32, #tpu.memory_space<vmem>>) dst(%dma_wait3A_586 : memref<16x8x128xf32, #tpu.memory_space<hbm>>)
        %parallel_loop3A_587 = arith.constant 0 : i32
        %parallel_loop3A_588 = arith.constant 64 : i32
        %parallel_loop3A_589 = arith.constant 1 : i32
        scf.for %parallel_loop3A_618 = %parallel_loop3A_587 to %parallel_loop3A_588 step %parallel_loop3A_589  : i32 {
          %parallel_loop3A_619 = arith.constant 8 : i32
          %parallel_loop3A_620 = arith.divsi %parallel_loop3A_618, %parallel_loop3A_619 : i32
          %parallel_loop3A_621 = arith.constant 0 : i32
          %parallel_loop3A_622 = arith.cmpi sgt, %parallel_loop3A_618, %parallel_loop3A_621 : i32
          %parallel_loop3A_623 = arith.extui %parallel_loop3A_622 : i1 to i32
          %parallel_loop3A_624 = arith.constant 0 : i32
          %parallel_loop3A_625 = arith.cmpi slt, %parallel_loop3A_618, %parallel_loop3A_624 : i32
          %parallel_loop3A_626 = arith.extui %parallel_loop3A_625 : i1 to i32
          %parallel_loop3A_627 = arith.subi %parallel_loop3A_623, %parallel_loop3A_626 : i32
          %parallel_loop3A_628 = arith.constant 0 : i32
          %parallel_loop3A_629 = arith.cmpi sgt, %parallel_loop3A_619, %parallel_loop3A_628 : i32
          %parallel_loop3A_630 = arith.extui %parallel_loop3A_629 : i1 to i32
          %parallel_loop3A_631 = arith.constant 0 : i32
          %parallel_loop3A_632 = arith.cmpi slt, %parallel_loop3A_619, %parallel_loop3A_631 : i32
          %parallel_loop3A_633 = arith.extui %parallel_loop3A_632 : i1 to i32
          %parallel_loop3A_634 = arith.subi %parallel_loop3A_630, %parallel_loop3A_633 : i32
          %parallel_loop3A_635 = arith.cmpi ne, %parallel_loop3A_627, %parallel_loop3A_634 : i32
          %parallel_loop3A_636 = arith.remsi %parallel_loop3A_618, %parallel_loop3A_619 : i32
          %parallel_loop3A_637 = arith.constant 0 : i32
          %parallel_loop3A_638 = arith.cmpi ne, %parallel_loop3A_636, %parallel_loop3A_637 : i32
          %parallel_loop3A_639 = arith.andi %parallel_loop3A_635, %parallel_loop3A_638 : i1
          %parallel_loop3A_640 = arith.constant 1 : i32
          %parallel_loop3A_641 = arith.subi %parallel_loop3A_620, %parallel_loop3A_640 : i32
          %parallel_loop3A_642 = arith.select %parallel_loop3A_639, %parallel_loop3A_641, %parallel_loop3A_620 : i32
          %parallel_loop3A_643 = arith.constant 8 : i32
          %parallel_loop3A_644 = arith.constant 0 : i32
          %parallel_loop3A_645 = arith.cmpi eq, %parallel_loop3A_643, %parallel_loop3A_644 : i32
          %parallel_loop3A_646 = arith.constant 1 : i32
          %parallel_loop3A_647 = arith.select %parallel_loop3A_645, %parallel_loop3A_646, %parallel_loop3A_643 : i32
          %parallel_loop3A_648 = arith.remsi %parallel_loop3A_618, %parallel_loop3A_647 : i32
          %parallel_loop3A_649 = arith.constant 0 : i32
          %parallel_loop3A_650 = arith.cmpi ne, %parallel_loop3A_648, %parallel_loop3A_649 : i32
          %parallel_loop3A_651 = arith.constant 0 : i32
          %parallel_loop3A_652 = arith.cmpi slt, %parallel_loop3A_648, %parallel_loop3A_651 : i32
          %parallel_loop3A_653 = arith.constant 0 : i32
          %parallel_loop3A_654 = arith.cmpi slt, %parallel_loop3A_647, %parallel_loop3A_653 : i32
          %parallel_loop3A_655 = arith.xori %parallel_loop3A_652, %parallel_loop3A_654 : i1
          %parallel_loop3A_656 = arith.andi %parallel_loop3A_655, %parallel_loop3A_650 : i1
          %parallel_loop3A_657 = arith.addi %parallel_loop3A_648, %parallel_loop3A_647 : i32
          %parallel_loop3A_658 = arith.select %parallel_loop3A_656, %parallel_loop3A_657, %parallel_loop3A_648 : i32
          %parallel_loop3A_659 = arith.constant 8 : i32
          %parallel_loop3A_660 = arith.muli %add3A_577, %parallel_loop3A_659 : i32
          %parallel_loop3A_661 = arith.addi %parallel_loop3A_660, %parallel_loop3A_642 : i32
          %parallel_loop3A_662 = arith.constant 16 : i32
          %parallel_loop3A_663 = arith.muli %parallel_loop3A_658, %parallel_loop3A_662 : i32
          %parallel_loop3A_664 = arith.index_cast %parallel_loop3A_661 : i32 to index
          %parallel_loop3A_665 = arith.index_cast %parallel_loop3A_663 : i32 to index
          %parallel_loop3A_666 = tpu.vector_load %arg7[%parallel_loop3A_664, %parallel_loop3A_665] {strides = array<i32>} : memref<128x128xi32, #tpu.memory_space<vmem>>, vector<16xi32>,
          %parallel_loop3A_667 = arith.constant 136 : i32
          %parallel_loop3A_668 = arith.muli %parallel_loop3A_661, %parallel_loop3A_667 : i32
          %parallel_loop3A_669 = arith.constant 16 : i32
          %parallel_loop3A_670 = arith.muli %parallel_loop3A_658, %parallel_loop3A_669 : i32
          %parallel_loop3A_671 = arith.addi %parallel_loop3A_668, %parallel_loop3A_670 : i32
          %parallel_loop3A_672 = arith.index_cast %parallel_loop3A_671 : i32 to index
          %parallel_loop3A_673 = tpu.vector_load %arg10[%parallel_loop3A_672] {strides = array<i32>} : memref<17408xi32, #tpu.memory_space<vmem>>, vector<16xi32>,
          %parallel_loop3A_674 = arith.constant 16 : i32
          %parallel_loop3A_675 = arith.muli %parallel_loop3A_658, %parallel_loop3A_674 : i32
          %parallel_loop3A_676 = arith.index_cast %parallel_loop3A_661 : i32 to index
          %parallel_loop3A_677 = arith.index_cast %parallel_loop3A_675 : i32 to index
          %parallel_loop3A_678 = tpu.vector_load %arg11[%parallel_loop3A_676, %parallel_loop3A_677] {strides = array<i32>} : memref<128x128xf32, #tpu.memory_space<vmem>>, vector<16xf32>,
          %parallel_loop3A_679 = arith.constant 0 : i32
          %parallel_loop3A_680 = vector.broadcast %parallel_loop3A_679 : i32 to vector<16xi32>
          %parallel_loop3A_681 = arith.addi %parallel_loop3A_666, %parallel_loop3A_680 : vector<16xi32>
          %parallel_loop3A_682 = tpu.vector_load_idx %arg12[%parallel_loop3A_681] : memref<4096xi32, #tpu.memory_space<vmem>>[vector<16xi32>], vector<16xi32>,
          %parallel_loop3A_683 = arith.constant 0 : i32
          %parallel_loop3A_684 = vector.broadcast %parallel_loop3A_683 : i32 to vector<16xi32>
          %parallel_loop3A_685 = arith.addi %parallel_loop3A_673, %parallel_loop3A_684 : vector<16xi32>
          %parallel_loop3A_686 = tpu.vector_load_idx %arg13[%parallel_loop3A_685] : memref<4096xi32, #tpu.memory_space<vmem>>[vector<16xi32>], vector<16xi32>,
          %parallel_loop3A_687 = vector.bitcast %parallel_loop3A_682 : vector<16xi32> to vector<32xbf16>
          %parallel_loop3A_688 = vector.bitcast %parallel_loop3A_686 : vector<16xi32> to vector<32xbf16>
          %parallel_loop3A_689 = arith.addf %parallel_loop3A_687, %parallel_loop3A_688 : vector<32xbf16>
          %parallel_loop3A_690 = tpu.unpack_subelements %parallel_loop3A_689, 0 {pack_format = #tpu.pack_format<interleaved>} : vector<32xbf16> -> vector<16xf32>
          %parallel_loop3A_691 = tpu.unpack_subelements %parallel_loop3A_689, 1 {pack_format = #tpu.pack_format<interleaved>} : vector<32xbf16> -> vector<16xf32>
          %parallel_loop3A_692 = arith.addf %parallel_loop3A_690, %parallel_loop3A_678 : vector<16xf32>
          %parallel_loop3A_693 = arith.constant 16 : i32
          %parallel_loop3A_694 = arith.muli %parallel_loop3A_658, %parallel_loop3A_693 : i32
          %parallel_loop3A_695 = arith.constant 0 : i32
          %parallel_loop3A_696 = arith.index_cast %parallel_loop3A_695 : i32 to index
          %parallel_loop3A_697 = arith.index_cast %parallel_loop3A_642 : i32 to index
          %parallel_loop3A_698 = arith.index_cast %parallel_loop3A_694 : i32 to index
          %parallel_loop3A_699 = tpu.vector_load %arg14[%parallel_loop3A_696, %parallel_loop3A_697, %parallel_loop3A_698] {strides = array<i32>} : memref<16x8x128xf32, #tpu.memory_space<vmem>>, vector<16xf32>,
          tpu.vector_store %arg14[%parallel_loop3A_696, %parallel_loop3A_697, %parallel_loop3A_698], %parallel_loop3A_692 {strides = array<i32>} : memref<16x8x128xf32, #tpu.memory_space<vmem>>, vector<16xf32>,
          %parallel_loop3A_700 = arith.addf %parallel_loop3A_691, %parallel_loop3A_678 : vector<16xf32>
          %parallel_loop3A_701 = arith.constant 16 : i32
          %parallel_loop3A_702 = arith.muli %parallel_loop3A_658, %parallel_loop3A_701 : i32
          %parallel_loop3A_703 = arith.constant 1 : i32
          %parallel_loop3A_704 = arith.index_cast %parallel_loop3A_703 : i32 to index
          %parallel_loop3A_705 = arith.index_cast %parallel_loop3A_642 : i32 to index
          %parallel_loop3A_706 = arith.index_cast %parallel_loop3A_702 : i32 to index
          %parallel_loop3A_707 = tpu.vector_load %arg14[%parallel_loop3A_704, %parallel_loop3A_705, %parallel_loop3A_706] {strides = array<i32>} : memref<16x8x128xf32, #tpu.memory_space<vmem>>, vector<16xf32>,
          tpu.vector_store %arg14[%parallel_loop3A_704, %parallel_loop3A_705, %parallel_loop3A_706], %parallel_loop3A_700 {strides = array<i32>} : memref<16x8x128xf32, #tpu.memory_space<vmem>>, vector<16xf32>,
          %parallel_loop3A_708 = arith.constant 512 : i32
          %parallel_loop3A_709 = vector.broadcast %parallel_loop3A_708 : i32 to vector<16xi32>
          %parallel_loop3A_710 = arith.addi %parallel_loop3A_666, %parallel_loop3A_709 : vector<16xi32>
          %parallel_loop3A_711 = tpu.vector_load_idx %arg12[%parallel_loop3A_710] : memref<4096xi32, #tpu.memory_space<vmem>>[vector<16xi32>], vector<16xi32>,
          %parallel_loop3A_712 = arith.constant 512 : i32
          %parallel_loop3A_713 = vector.broadcast %parallel_loop3A_712 : i32 to vector<16xi32>
          %parallel_loop3A_714 = arith.addi %parallel_loop3A_673, %parallel_loop3A_713 : vector<16xi32>
          %parallel_loop3A_715 = tpu.vector_load_idx %arg13[%parallel_loop3A_714] : memref<4096xi32, #tpu.memory_space<vmem>>[vector<16xi32>], vector<16xi32>,
          %parallel_loop3A_716 = vector.bitcast %parallel_loop3A_711 : vector<16xi32> to vector<32xbf16>
          %parallel_loop3A_717 = vector.bitcast %parallel_loop3A_715 : vector<16xi32> to vector<32xbf16>
          %parallel_loop3A_718 = arith.addf %parallel_loop3A_716, %parallel_loop3A_717 : vector<32xbf16>
          %parallel_loop3A_719 = tpu.unpack_subelements %parallel_loop3A_718, 0 {pack_format = #tpu.pack_format<interleaved>} : vector<32xbf16> -> vector<16xf32>
          %parallel_loop3A_720 = tpu.unpack_subelements %parallel_loop3A_718, 1 {pack_format = #tpu.pack_format<interleaved>} : vector<32xbf16> -> vector<16xf32>
          %parallel_loop3A_721 = arith.addf %parallel_loop3A_719, %parallel_loop3A_678 : vector<16xf32>
          %parallel_loop3A_722 = arith.constant 16 : i32
          %parallel_loop3A_723 = arith.muli %parallel_loop3A_658, %parallel_loop3A_722 : i32
          %parallel_loop3A_724 = arith.constant 2 : i32
          %parallel_loop3A_725 = arith.index_cast %parallel_loop3A_724 : i32 to index
          %parallel_loop3A_726 = arith.index_cast %parallel_loop3A_642 : i32 to index
          %parallel_loop3A_727 = arith.index_cast %parallel_loop3A_723 : i32 to index
          %parallel_loop3A_728 = tpu.vector_load %arg14[%parallel_loop3A_725, %parallel_loop3A_726, %parallel_loop3A_727] {strides = array<i32>} : memref<16x8x128xf32, #tpu.memory_space<vmem>>, vector<16xf32>,
          tpu.vector_store %arg14[%parallel_loop3A_725, %parallel_loop3A_726, %parallel_loop3A_727], %parallel_loop3A_721 {strides = array<i32>} : memref<16x8x128xf32, #tpu.memory_space<vmem>>, vector<16xf32>,
          %parallel_loop3A_729 = arith.addf %parallel_loop3A_720, %parallel_loop3A_678 : vector<16xf32>
          %parallel_loop3A_730 = arith.constant 16 : i32
          %parallel_loop3A_731 = arith.muli %parallel_loop3A_658, %parallel_loop3A_730 : i32
          %parallel_loop3A_732 = arith.constant 3 : i32
          %parallel_loop3A_733 = arith.index_cast %parallel_loop3A_732 : i32 to index
          %parallel_loop3A_734 = arith.index_cast %parallel_loop3A_642 : i32 to index
          %parallel_loop3A_735 = arith.index_cast %parallel_loop3A_731 : i32 to index
          %parallel_loop3A_736 = tpu.vector_load %arg14[%parallel_loop3A_733, %parallel_loop3A_734, %parallel_loop3A_735] {strides = array<i32>} : memref<16x8x128xf32, #tpu.memory_space<vmem>>, vector<16xf32>,
          tpu.vector_store %arg14[%parallel_loop3A_733, %parallel_loop3A_734, %parallel_loop3A_735], %parallel_loop3A_729 {strides = array<i32>} : memref<16x8x128xf32, #tpu.memory_space<vmem>>, vector<16xf32>,
          %parallel_loop3A_737 = arith.constant 1024 : i32
          %parallel_loop3A_738 = vector.broadcast %parallel_loop3A_737 : i32 to vector<16xi32>
          %parallel_loop3A_739 = arith.addi %parallel_loop3A_666, %parallel_loop3A_738 : vector<16xi32>
          %parallel_loop3A_740 = tpu.vector_load_idx %arg12[%parallel_loop3A_739] : memref<4096xi32, #tpu.memory_space<vmem>>[vector<16xi32>], vector<16xi32>,
          %parallel_loop3A_741 = arith.constant 1024 : i32
          %parallel_loop3A_742 = vector.broadcast %parallel_loop3A_741 : i32 to vector<16xi32>
          %parallel_loop3A_743 = arith.addi %parallel_loop3A_673, %parallel_loop3A_742 : vector<16xi32>
          %parallel_loop3A_744 = tpu.vector_load_idx %arg13[%parallel_loop3A_743] : memref<4096xi32, #tpu.memory_space<vmem>>[vector<16xi32>], vector<16xi32>,
          %parallel_loop3A_745 = vector.bitcast %parallel_loop3A_740 : vector<16xi32> to vector<32xbf16>
          %parallel_loop3A_746 = vector.bitcast %parallel_loop3A_744 : vector<16xi32> to vector<32xbf16>
          %parallel_loop3A_747 = arith.addf %parallel_loop3A_745, %parallel_loop3A_746 : vector<32xbf16>
          %parallel_loop3A_748 = tpu.unpack_subelements %parallel_loop3A_747, 0 {pack_format = #tpu.pack_format<interleaved>} : vector<32xbf16> -> vector<16xf32>
          %parallel_loop3A_749 = tpu.unpack_subelements %parallel_loop3A_747, 1 {pack_format = #tpu.pack_format<interleaved>} : vector<32xbf16> -> vector<16xf32>
          %parallel_loop3A_750 = arith.addf %parallel_loop3A_748, %parallel_loop3A_678 : vector<16xf32>
          %parallel_loop3A_751 = arith.constant 16 : i32
          %parallel_loop3A_752 = arith.muli %parallel_loop3A_658, %parallel_loop3A_751 : i32
          %parallel_loop3A_753 = arith.constant 4 : i32
          %parallel_loop3A_754 = arith.index_cast %parallel_loop3A_753 : i32 to index
          %parallel_loop3A_755 = arith.index_cast %parallel_loop3A_642 : i32 to index
          %parallel_loop3A_756 = arith.index_cast %parallel_loop3A_752 : i32 to index
          %parallel_loop3A_757 = tpu.vector_load %arg14[%parallel_loop3A_754, %parallel_loop3A_755, %parallel_loop3A_756] {strides = array<i32>} : memref<16x8x128xf32, #tpu.memory_space<vmem>>, vector<16xf32>,
          tpu.vector_store %arg14[%parallel_loop3A_754, %parallel_loop3A_755, %parallel_loop3A_756], %parallel_loop3A_750 {strides = array<i32>} : memref<16x8x128xf32, #tpu.memory_space<vmem>>, vector<16xf32>,
          %parallel_loop3A_758 = arith.addf %parallel_loop3A_749, %parallel_loop3A_678 : vector<16xf32>
          %parallel_loop3A_759 = arith.constant 16 : i32
          %parallel_loop3A_760 = arith.muli %parallel_loop3A_658, %parallel_loop3A_759 : i32
          %parallel_loop3A_761 = arith.constant 5 : i32
          %parallel_loop3A_762 = arith.index_cast %parallel_loop3A_761 : i32 to index
          %parallel_loop3A_763 = arith.index_cast %parallel_loop3A_642 : i32 to index
          %parallel_loop3A_764 = arith.index_cast %parallel_loop3A_760 : i32 to index
          %parallel_loop3A_765 = tpu.vector_load %arg14[%parallel_loop3A_762, %parallel_loop3A_763, %parallel_loop3A_764] {strides = array<i32>} : memref<16x8x128xf32, #tpu.memory_space<vmem>>, vector<16xf32>,
          tpu.vector_store %arg14[%parallel_loop3A_762, %parallel_loop3A_763, %parallel_loop3A_764], %parallel_loop3A_758 {strides = array<i32>} : memref<16x8x128xf32, #tpu.memory_space<vmem>>, vector<16xf32>,
          %parallel_loop3A_766 = arith.constant 1536 : i32
          %parallel_loop3A_767 = vector.broadcast %parallel_loop3A_766 : i32 to vector<16xi32>
          %parallel_loop3A_768 = arith.addi %parallel_loop3A_666, %parallel_loop3A_767 : vector<16xi32>
          %parallel_loop3A_769 = tpu.vector_load_idx %arg12[%parallel_loop3A_768] : memref<4096xi32, #tpu.memory_space<vmem>>[vector<16xi32>], vector<16xi32>,
          %parallel_loop3A_770 = arith.constant 1536 : i32
          %parallel_loop3A_771 = vector.broadcast %parallel_loop3A_770 : i32 to vector<16xi32>
          %parallel_loop3A_772 = arith.addi %parallel_loop3A_673, %parallel_loop3A_771 : vector<16xi32>
          %parallel_loop3A_773 = tpu.vector_load_idx %arg13[%parallel_loop3A_772] : memref<4096xi32, #tpu.memory_space<vmem>>[vector<16xi32>], vector<16xi32>,
          %parallel_loop3A_774 = vector.bitcast %parallel_loop3A_769 : vector<16xi32> to vector<32xbf16>
          %parallel_loop3A_775 = vector.bitcast %parallel_loop3A_773 : vector<16xi32> to vector<32xbf16>
          %parallel_loop3A_776 = arith.addf %parallel_loop3A_774, %parallel_loop3A_775 : vector<32xbf16>
          %parallel_loop3A_777 = tpu.unpack_subelements %parallel_loop3A_776, 0 {pack_format = #tpu.pack_format<interleaved>} : vector<32xbf16> -> vector<16xf32>
          %parallel_loop3A_778 = tpu.unpack_subelements %parallel_loop3A_776, 1 {pack_format = #tpu.pack_format<interleaved>} : vector<32xbf16> -> vector<16xf32>
          %parallel_loop3A_779 = arith.addf %parallel_loop3A_777, %parallel_loop3A_678 : vector<16xf32>
          %parallel_loop3A_780 = arith.constant 16 : i32
          %parallel_loop3A_781 = arith.muli %parallel_loop3A_658, %parallel_loop3A_780 : i32
          %parallel_loop3A_782 = arith.constant 6 : i32
          %parallel_loop3A_783 = arith.index_cast %parallel_loop3A_782 : i32 to index
          %parallel_loop3A_784 = arith.index_cast %parallel_loop3A_642 : i32 to index
          %parallel_loop3A_785 = arith.index_cast %parallel_loop3A_781 : i32 to index
          %parallel_loop3A_786 = tpu.vector_load %arg14[%parallel_loop3A_783, %parallel_loop3A_784, %parallel_loop3A_785] {strides = array<i32>} : memref<16x8x128xf32, #tpu.memory_space<vmem>>, vector<16xf32>,
          tpu.vector_store %arg14[%parallel_loop3A_783, %parallel_loop3A_784, %parallel_loop3A_785], %parallel_loop3A_779 {strides = array<i32>} : memref<16x8x128xf32, #tpu.memory_space<vmem>>, vector<16xf32>,
          %parallel_loop3A_787 = arith.addf %parallel_loop3A_778, %parallel_loop3A_678 : vector<16xf32>
          %parallel_loop3A_788 = arith.constant 16 : i32
          %parallel_loop3A_789 = arith.muli %parallel_loop3A_658, %parallel_loop3A_788 : i32
          %parallel_loop3A_790 = arith.constant 7 : i32
          %parallel_loop3A_791 = arith.index_cast %parallel_loop3A_790 : i32 to index
          %parallel_loop3A_792 = arith.index_cast %parallel_loop3A_642 : i32 to index
          %parallel_loop3A_793 = arith.index_cast %parallel_loop3A_789 : i32 to index
          %parallel_loop3A_794 = tpu.vector_load %arg14[%parallel_loop3A_791, %parallel_loop3A_792, %parallel_loop3A_793] {strides = array<i32>} : memref<16x8x128xf32, #tpu.memory_space<vmem>>, vector<16xf32>,
          tpu.vector_store %arg14[%parallel_loop3A_791, %parallel_loop3A_792, %parallel_loop3A_793], %parallel_loop3A_787 {strides = array<i32>} : memref<16x8x128xf32, #tpu.memory_space<vmem>>, vector<16xf32>,
          %parallel_loop3A_795 = arith.constant 2048 : i32
          %parallel_loop3A_796 = vector.broadcast %parallel_loop3A_795 : i32 to vector<16xi32>
          %parallel_loop3A_797 = arith.addi %parallel_loop3A_666, %parallel_loop3A_796 : vector<16xi32>
          %parallel_loop3A_798 = tpu.vector_load_idx %arg12[%parallel_loop3A_797] : memref<4096xi32, #tpu.memory_space<vmem>>[vector<16xi32>], vector<16xi32>,
          %parallel_loop3A_799 = arith.constant 2048 : i32
          %parallel_loop3A_800 = vector.broadcast %parallel_loop3A_799 : i32 to vector<16xi32>
          %parallel_loop3A_801 = arith.addi %parallel_loop3A_673, %parallel_loop3A_800 : vector<16xi32>
          %parallel_loop3A_802 = tpu.vector_load_idx %arg13[%parallel_loop3A_801] : memref<4096xi32, #tpu.memory_space<vmem>>[vector<16xi32>], vector<16xi32>,
          %parallel_loop3A_803 = vector.bitcast %parallel_loop3A_798 : vector<16xi32> to vector<32xbf16>
          %parallel_loop3A_804 = vector.bitcast %parallel_loop3A_802 : vector<16xi32> to vector<32xbf16>
          %parallel_loop3A_805 = arith.addf %parallel_loop3A_803, %parallel_loop3A_804 : vector<32xbf16>
          %parallel_loop3A_806 = tpu.unpack_subelements %parallel_loop3A_805, 0 {pack_format = #tpu.pack_format<interleaved>} : vector<32xbf16> -> vector<16xf32>
          %parallel_loop3A_807 = tpu.unpack_subelements %parallel_loop3A_805, 1 {pack_format = #tpu.pack_format<interleaved>} : vector<32xbf16> -> vector<16xf32>
          %parallel_loop3A_808 = arith.addf %parallel_loop3A_806, %parallel_loop3A_678 : vector<16xf32>
          %parallel_loop3A_809 = arith.constant 16 : i32
          %parallel_loop3A_810 = arith.muli %parallel_loop3A_658, %parallel_loop3A_809 : i32
          %parallel_loop3A_811 = arith.constant 8 : i32
          %parallel_loop3A_812 = arith.index_cast %parallel_loop3A_811 : i32 to index
          %parallel_loop3A_813 = arith.index_cast %parallel_loop3A_642 : i32 to index
          %parallel_loop3A_814 = arith.index_cast %parallel_loop3A_810 : i32 to index
          %parallel_loop3A_815 = tpu.vector_load %arg14[%parallel_loop3A_812, %parallel_loop3A_813, %parallel_loop3A_814] {strides = array<i32>} : memref<16x8x128xf32, #tpu.memory_space<vmem>>, vector<16xf32>,
          tpu.vector_store %arg14[%parallel_loop3A_812, %parallel_loop3A_813, %parallel_loop3A_814], %parallel_loop3A_808 {strides = array<i32>} : memref<16x8x128xf32, #tpu.memory_space<vmem>>, vector<16xf32>,
          %parallel_loop3A_816 = arith.addf %parallel_loop3A_807, %parallel_loop3A_678 : vector<16xf32>
          %parallel_loop3A_817 = arith.constant 16 : i32
          %parallel_loop3A_818 = arith.muli %parallel_loop3A_658, %parallel_loop3A_817 : i32
          %parallel_loop3A_819 = arith.constant 9 : i32
          %parallel_loop3A_820 = arith.index_cast %parallel_loop3A_819 : i32 to index
          %parallel_loop3A_821 = arith.index_cast %parallel_loop3A_642 : i32 to index
          %parallel_loop3A_822 = arith.index_cast %parallel_loop3A_818 : i32 to index
          %parallel_loop3A_823 = tpu.vector_load %arg14[%parallel_loop3A_820, %parallel_loop3A_821, %parallel_loop3A_822] {strides = array<i32>} : memref<16x8x128xf32, #tpu.memory_space<vmem>>, vector<16xf32>,
          tpu.vector_store %arg14[%parallel_loop3A_820, %parallel_loop3A_821, %parallel_loop3A_822], %parallel_loop3A_816 {strides = array<i32>} : memref<16x8x128xf32, #tpu.memory_space<vmem>>, vector<16xf32>,
          %parallel_loop3A_824 = arith.constant 2560 : i32
          %parallel_loop3A_825 = vector.broadcast %parallel_loop3A_824 : i32 to vector<16xi32>
          %parallel_loop3A_826 = arith.addi %parallel_loop3A_666, %parallel_loop3A_825 : vector<16xi32>
          %parallel_loop3A_827 = tpu.vector_load_idx %arg12[%parallel_loop3A_826] : memref<4096xi32, #tpu.memory_space<vmem>>[vector<16xi32>], vector<16xi32>,
          %parallel_loop3A_828 = arith.constant 2560 : i32
          %parallel_loop3A_829 = vector.broadcast %parallel_loop3A_828 : i32 to vector<16xi32>
          %parallel_loop3A_830 = arith.addi %parallel_loop3A_673, %parallel_loop3A_829 : vector<16xi32>
          %parallel_loop3A_831 = tpu.vector_load_idx %arg13[%parallel_loop3A_830] : memref<4096xi32, #tpu.memory_space<vmem>>[vector<16xi32>], vector<16xi32>,
          %parallel_loop3A_832 = vector.bitcast %parallel_loop3A_827 : vector<16xi32> to vector<32xbf16>
          %parallel_loop3A_833 = vector.bitcast %parallel_loop3A_831 : vector<16xi32> to vector<32xbf16>
          %parallel_loop3A_834 = arith.addf %parallel_loop3A_832, %parallel_loop3A_833 : vector<32xbf16>
          %parallel_loop3A_835 = tpu.unpack_subelements %parallel_loop3A_834, 0 {pack_format = #tpu.pack_format<interleaved>} : vector<32xbf16> -> vector<16xf32>
          %parallel_loop3A_836 = tpu.unpack_subelements %parallel_loop3A_834, 1 {pack_format = #tpu.pack_format<interleaved>} : vector<32xbf16> -> vector<16xf32>
          %parallel_loop3A_837 = arith.addf %parallel_loop3A_835, %parallel_loop3A_678 : vector<16xf32>
          %parallel_loop3A_838 = arith.constant 16 : i32
          %parallel_loop3A_839 = arith.muli %parallel_loop3A_658, %parallel_loop3A_838 : i32
          %parallel_loop3A_840 = arith.constant 10 : i32
          %parallel_loop3A_841 = arith.index_cast %parallel_loop3A_840 : i32 to index
          %parallel_loop3A_842 = arith.index_cast %parallel_loop3A_642 : i32 to index
          %parallel_loop3A_843 = arith.index_cast %parallel_loop3A_839 : i32 to index
          %parallel_loop3A_844 = tpu.vector_load %arg14[%parallel_loop3A_841, %parallel_loop3A_842, %parallel_loop3A_843] {strides = array<i32>} : memref<16x8x128xf32, #tpu.memory_space<vmem>>, vector<16xf32>,
          tpu.vector_store %arg14[%parallel_loop3A_841, %parallel_loop3A_842, %parallel_loop3A_843], %parallel_loop3A_837 {strides = array<i32>} : memref<16x8x128xf32, #tpu.memory_space<vmem>>, vector<16xf32>,
          %parallel_loop3A_845 = arith.addf %parallel_loop3A_836, %parallel_loop3A_678 : vector<16xf32>
          %parallel_loop3A_846 = arith.constant 16 : i32
          %parallel_loop3A_847 = arith.muli %parallel_loop3A_658, %parallel_loop3A_846 : i32
          %parallel_loop3A_848 = arith.constant 11 : i32
          %parallel_loop3A_849 = arith.index_cast %parallel_loop3A_848 : i32 to index
          %parallel_loop3A_850 = arith.index_cast %parallel_loop3A_642 : i32 to index
          %parallel_loop3A_851 = arith.index_cast %parallel_loop3A_847 : i32 to index
          %parallel_loop3A_852 = tpu.vector_load %arg14[%parallel_loop3A_849, %parallel_loop3A_850, %parallel_loop3A_851] {strides = array<i32>} : memref<16x8x128xf32, #tpu.memory_space<vmem>>, vector<16xf32>,
          tpu.vector_store %arg14[%parallel_loop3A_849, %parallel_loop3A_850, %parallel_loop3A_851], %parallel_loop3A_845 {strides = array<i32>} : memref<16x8x128xf32, #tpu.memory_space<vmem>>, vector<16xf32>,
          %parallel_loop3A_853 = arith.constant 3072 : i32
          %parallel_loop3A_854 = vector.broadcast %parallel_loop3A_853 : i32 to vector<16xi32>
          %parallel_loop3A_855 = arith.addi %parallel_loop3A_666, %parallel_loop3A_854 : vector<16xi32>
          %parallel_loop3A_856 = tpu.vector_load_idx %arg12[%parallel_loop3A_855] : memref<4096xi32, #tpu.memory_space<vmem>>[vector<16xi32>], vector<16xi32>,
          %parallel_loop3A_857 = arith.constant 3072 : i32
          %parallel_loop3A_858 = vector.broadcast %parallel_loop3A_857 : i32 to vector<16xi32>
          %parallel_loop3A_859 = arith.addi %parallel_loop3A_673, %parallel_loop3A_858 : vector<16xi32>
          %parallel_loop3A_860 = tpu.vector_load_idx %arg13[%parallel_loop3A_859] : memref<4096xi32, #tpu.memory_space<vmem>>[vector<16xi32>], vector<16xi32>,
          %parallel_loop3A_861 = vector.bitcast %parallel_loop3A_856 : vector<16xi32> to vector<32xbf16>
          %parallel_loop3A_862 = vector.bitcast %parallel_loop3A_860 : vector<16xi32> to vector<32xbf16>
          %parallel_loop3A_863 = arith.addf %parallel_loop3A_861, %parallel_loop3A_862 : vector<32xbf16>
          %parallel_loop3A_864 = tpu.unpack_subelements %parallel_loop3A_863, 0 {pack_format = #tpu.pack_format<interleaved>} : vector<32xbf16> -> vector<16xf32>
          %parallel_loop3A_865 = tpu.unpack_subelements %parallel_loop3A_863, 1 {pack_format = #tpu.pack_format<interleaved>} : vector<32xbf16> -> vector<16xf32>
          %parallel_loop3A_866 = arith.addf %parallel_loop3A_864, %parallel_loop3A_678 : vector<16xf32>
          %parallel_loop3A_867 = arith.constant 16 : i32
          %parallel_loop3A_868 = arith.muli %parallel_loop3A_658, %parallel_loop3A_867 : i32
          %parallel_loop3A_869 = arith.constant 12 : i32
          %parallel_loop3A_870 = arith.index_cast %parallel_loop3A_869 : i32 to index
          %parallel_loop3A_871 = arith.index_cast %parallel_loop3A_642 : i32 to index
          %parallel_loop3A_872 = arith.index_cast %parallel_loop3A_868 : i32 to index
          %parallel_loop3A_873 = tpu.vector_load %arg14[%parallel_loop3A_870, %parallel_loop3A_871, %parallel_loop3A_872] {strides = array<i32>} : memref<16x8x128xf32, #tpu.memory_space<vmem>>, vector<16xf32>,
          tpu.vector_store %arg14[%parallel_loop3A_870, %parallel_loop3A_871, %parallel_loop3A_872], %parallel_loop3A_866 {strides = array<i32>} : memref<16x8x128xf32, #tpu.memory_space<vmem>>, vector<16xf32>,
          %parallel_loop3A_874 = arith.addf %parallel_loop3A_865, %parallel_loop3A_678 : vector<16xf32>
          %parallel_loop3A_875 = arith.constant 16 : i32
          %parallel_loop3A_876 = arith.muli %parallel_loop3A_658, %parallel_loop3A_875 : i32
          %parallel_loop3A_877 = arith.constant 13 : i32
          %parallel_loop3A_878 = arith.index_cast %parallel_loop3A_877 : i32 to index
          %parallel_loop3A_879 = arith.index_cast %parallel_loop3A_642 : i32 to index
          %parallel_loop3A_880 = arith.index_cast %parallel_loop3A_876 : i32 to index
          %parallel_loop3A_881 = tpu.vector_load %arg14[%parallel_loop3A_878, %parallel_loop3A_879, %parallel_loop3A_880] {strides = array<i32>} : memref<16x8x128xf32, #tpu.memory_space<vmem>>, vector<16xf32>,
          tpu.vector_store %arg14[%parallel_loop3A_878, %parallel_loop3A_879, %parallel_loop3A_880], %parallel_loop3A_874 {strides = array<i32>} : memref<16x8x128xf32, #tpu.memory_space<vmem>>, vector<16xf32>,
          %parallel_loop3A_882 = arith.constant 3584 : i32
          %parallel_loop3A_883 = vector.broadcast %parallel_loop3A_882 : i32 to vector<16xi32>
          %parallel_loop3A_884 = arith.addi %parallel_loop3A_666, %parallel_loop3A_883 : vector<16xi32>
          %parallel_loop3A_885 = tpu.vector_load_idx %arg12[%parallel_loop3A_884] : memref<4096xi32, #tpu.memory_space<vmem>>[vector<16xi32>], vector<16xi32>,
          %parallel_loop3A_886 = arith.constant 3584 : i32
          %parallel_loop3A_887 = vector.broadcast %parallel_loop3A_886 : i32 to vector<16xi32>
          %parallel_loop3A_888 = arith.addi %parallel_loop3A_673, %parallel_loop3A_887 : vector<16xi32>
          %parallel_loop3A_889 = tpu.vector_load_idx %arg13[%parallel_loop3A_888] : memref<4096xi32, #tpu.memory_space<vmem>>[vector<16xi32>], vector<16xi32>,
          %parallel_loop3A_890 = vector.bitcast %parallel_loop3A_885 : vector<16xi32> to vector<32xbf16>
          %parallel_loop3A_891 = vector.bitcast %parallel_loop3A_889 : vector<16xi32> to vector<32xbf16>
          %parallel_loop3A_892 = arith.addf %parallel_loop3A_890, %parallel_loop3A_891 : vector<32xbf16>
          %parallel_loop3A_893 = tpu.unpack_subelements %parallel_loop3A_892, 0 {pack_format = #tpu.pack_format<interleaved>} : vector<32xbf16> -> vector<16xf32>
          %parallel_loop3A_894 = tpu.unpack_subelements %parallel_loop3A_892, 1 {pack_format = #tpu.pack_format<interleaved>} : vector<32xbf16> -> vector<16xf32>
          %parallel_loop3A_895 = arith.addf %parallel_loop3A_893, %parallel_loop3A_678 : vector<16xf32>
          %parallel_loop3A_896 = arith.constant 16 : i32
          %parallel_loop3A_897 = arith.muli %parallel_loop3A_658, %parallel_loop3A_896 : i32
          %parallel_loop3A_898 = arith.constant 14 : i32
          %parallel_loop3A_899 = arith.index_cast %parallel_loop3A_898 : i32 to index
          %parallel_loop3A_900 = arith.index_cast %parallel_loop3A_642 : i32 to index
          %parallel_loop3A_901 = arith.index_cast %parallel_loop3A_897 : i32 to index
          %parallel_loop3A_902 = tpu.vector_load %arg14[%parallel_loop3A_899, %parallel_loop3A_900, %parallel_loop3A_901] {strides = array<i32>} : memref<16x8x128xf32, #tpu.memory_space<vmem>>, vector<16xf32>,
          tpu.vector_store %arg14[%parallel_loop3A_899, %parallel_loop3A_900, %parallel_loop3A_901], %parallel_loop3A_895 {strides = array<i32>} : memref<16x8x128xf32, #tpu.memory_space<vmem>>, vector<16xf32>,
          %parallel_loop3A_903 = arith.addf %parallel_loop3A_894, %parallel_loop3A_678 : vector<16xf32>
          %parallel_loop3A_904 = arith.constant 16 : i32
          %parallel_loop3A_905 = arith.muli %parallel_loop3A_658, %parallel_loop3A_904 : i32
          %parallel_loop3A_906 = arith.constant 15 : i32
          %parallel_loop3A_907 = arith.index_cast %parallel_loop3A_906 : i32 to index
          %parallel_loop3A_908 = arith.index_cast %parallel_loop3A_642 : i32 to index
          %parallel_loop3A_909 = arith.index_cast %parallel_loop3A_905 : i32 to index
          %parallel_loop3A_910 = tpu.vector_load %arg14[%parallel_loop3A_907, %parallel_loop3A_908, %parallel_loop3A_909] {strides = array<i32>} : memref<16x8x128xf32, #tpu.memory_space<vmem>>, vector<16xf32>,
          tpu.vector_store %arg14[%parallel_loop3A_907, %parallel_loop3A_908, %parallel_loop3A_909], %parallel_loop3A_903 {strides = array<i32>} : memref<16x8x128xf32, #tpu.memory_space<vmem>>, vector<16xf32>,
        } {sc.loop_unroll_factor = 1 : i64, sc.parallel_access}
        %dma_start3A_590 = arith.constant 0 : i32
        %dma_start3A_591 = tpu.memref_slice %arg6[%select_n3A_182, %dma_start3A_590, %add3A_580, %mul3A_242] : memref<8x16x512x512xf32, #tpu.memory_space<hbm>> -> memref<1x16x8x128xf32, #tpu.memory_space<hbm>>
        %dma_start3A_592 = tpu.memref_squeeze %dma_start3A_591 : memref<1x16x8x128xf32, #tpu.memory_space<hbm>> -> memref<16x8x128xf32, #tpu.memory_space<hbm>>
        %dma_start3A_593 = arith.constant 0 : i32
        %dma_start3A_594 = tpu.memref_slice %arg6[%select_n3A_182, %dma_start3A_593, %add3A_580, %mul3A_242] : memref<8x16x512x512xf32, #tpu.memory_space<hbm>> -> memref<1x16x8x128xf32, #tpu.memory_space<hbm>>
        %dma_start3A_595 = tpu.memref_squeeze %dma_start3A_594 : memref<1x16x8x128xf32, #tpu.memory_space<hbm>> -> memref<16x8x128xf32, #tpu.memory_space<hbm>>
        tpu.enqueue_dma source(%arg14 : memref<16x8x128xf32, #tpu.memory_space<vmem>>) target(%dma_start3A_595 : memref<16x8x128xf32, #tpu.memory_space<hbm>>) target_semaphore(%arg16 : memref<!tpu.dma_semaphore, #tpu.memory_space<semaphore_mem>>)
        %mul3A_596 = arith.constant 2 : i32
        %mul3A_597 = arith.muli %scan3A_573, %mul3A_596 : i32
        %add3A_598 = arith.constant 1 : i32
        %add3A_599 = arith.addi %mul3A_597, %add3A_598 : i32
        %mul3A_600 = arith.constant 8 : i32
        %mul3A_601 = arith.muli %add3A_599, %mul3A_600 : i32
        %add3A_602 = arith.addi %mul3A_224, %mul3A_601 : i32
        %dma_wait3A_603 = arith.constant 0 : i32
        %dma_wait3A_604 = tpu.memref_slice %arg6[%select_n3A_182, %dma_wait3A_603, %add3A_602, %mul3A_242] : memref<8x16x512x512xf32, #tpu.memory_space<hbm>> -> memref<1x16x8x128xf32, #tpu.memory_space<hbm>>
        %dma_wait3A_605 = tpu.memref_squeeze %dma_wait3A_604 : memref<1x16x8x128xf32, #tpu.memory_space<hbm>> -> memref<16x8x128xf32, #tpu.memory_space<hbm>>
        %dma_wait3A_606 = arith.constant 0 : i32
        %dma_wait3A_607 = tpu.memref_slice %arg6[%select_n3A_182, %dma_wait3A_606, %add3A_602, %mul3A_242] : memref<8x16x512x512xf32, #tpu.memory_space<hbm>> -> memref<1x16x8x128xf32, #tpu.memory_space<hbm>>
        %dma_wait3A_608 = tpu.memref_squeeze %dma_wait3A_607 : memref<1x16x8x128xf32, #tpu.memory_space<hbm>> -> memref<16x8x128xf32, #tpu.memory_space<hbm>>
        tpu.wait_dma2 semaphore(%arg17 : memref<!tpu.dma_semaphore, #tpu.memory_space<semaphore_mem>>) src(%arg15 : memref<16x8x128xf32, #tpu.memory_space<vmem>>) dst(%dma_wait3A_608 : memref<16x8x128xf32, #tpu.memory_space<hbm>>)
        %parallel_loop3A_609 = arith.constant 0 : i32
        %parallel_loop3A_610 = arith.constant 64 : i32
        %parallel_loop3A_611 = arith.constant 1 : i32
        scf.for %parallel_loop3A_618 = %parallel_loop3A_609 to %parallel_loop3A_610 step %parallel_loop3A_611  : i32 {
          %parallel_loop3A_619 = arith.constant 8 : i32
          %parallel_loop3A_620 = arith.divsi %parallel_loop3A_618, %parallel_loop3A_619 : i32
          %parallel_loop3A_621 = arith.constant 0 : i32
          %parallel_loop3A_622 = arith.cmpi sgt, %parallel_loop3A_618, %parallel_loop3A_621 : i32
          %parallel_loop3A_623 = arith.extui %parallel_loop3A_622 : i1 to i32
          %parallel_loop3A_624 = arith.constant 0 : i32
          %parallel_loop3A_625 = arith.cmpi slt, %parallel_loop3A_618, %parallel_loop3A_624 : i32
          %parallel_loop3A_626 = arith.extui %parallel_loop3A_625 : i1 to i32
          %parallel_loop3A_627 = arith.subi %parallel_loop3A_623, %parallel_loop3A_626 : i32
          %parallel_loop3A_628 = arith.constant 0 : i32
          %parallel_loop3A_629 = arith.cmpi sgt, %parallel_loop3A_619, %parallel_loop3A_628 : i32
          %parallel_loop3A_630 = arith.extui %parallel_loop3A_629 : i1 to i32
          %parallel_loop3A_631 = arith.constant 0 : i32
          %parallel_loop3A_632 = arith.cmpi slt, %parallel_loop3A_619, %parallel_loop3A_631 : i32
          %parallel_loop3A_633 = arith.extui %parallel_loop3A_632 : i1 to i32
          %parallel_loop3A_634 = arith.subi %parallel_loop3A_630, %parallel_loop3A_633 : i32
          %parallel_loop3A_635 = arith.cmpi ne, %parallel_loop3A_627, %parallel_loop3A_634 : i32
          %parallel_loop3A_636 = arith.remsi %parallel_loop3A_618, %parallel_loop3A_619 : i32
          %parallel_loop3A_637 = arith.constant 0 : i32
          %parallel_loop3A_638 = arith.cmpi ne, %parallel_loop3A_636, %parallel_loop3A_637 : i32
          %parallel_loop3A_639 = arith.andi %parallel_loop3A_635, %parallel_loop3A_638 : i1
          %parallel_loop3A_640 = arith.constant 1 : i32
          %parallel_loop3A_641 = arith.subi %parallel_loop3A_620, %parallel_loop3A_640 : i32
          %parallel_loop3A_642 = arith.select %parallel_loop3A_639, %parallel_loop3A_641, %parallel_loop3A_620 : i32
          %parallel_loop3A_643 = arith.constant 8 : i32
          %parallel_loop3A_644 = arith.constant 0 : i32
          %parallel_loop3A_645 = arith.cmpi eq, %parallel_loop3A_643, %parallel_loop3A_644 : i32
          %parallel_loop3A_646 = arith.constant 1 : i32
          %parallel_loop3A_647 = arith.select %parallel_loop3A_645, %parallel_loop3A_646, %parallel_loop3A_643 : i32
          %parallel_loop3A_648 = arith.remsi %parallel_loop3A_618, %parallel_loop3A_647 : i32
          %parallel_loop3A_649 = arith.constant 0 : i32
          %parallel_loop3A_650 = arith.cmpi ne, %parallel_loop3A_648, %parallel_loop3A_649 : i32
          %parallel_loop3A_651 = arith.constant 0 : i32
          %parallel_loop3A_652 = arith.cmpi slt, %parallel_loop3A_648, %parallel_loop3A_651 : i32
          %parallel_loop3A_653 = arith.constant 0 : i32
          %parallel_loop3A_654 = arith.cmpi slt, %parallel_loop3A_647, %parallel_loop3A_653 : i32
          %parallel_loop3A_655 = arith.xori %parallel_loop3A_652, %parallel_loop3A_654 : i1
          %parallel_loop3A_656 = arith.andi %parallel_loop3A_655, %parallel_loop3A_650 : i1
          %parallel_loop3A_657 = arith.addi %parallel_loop3A_648, %parallel_loop3A_647 : i32
          %parallel_loop3A_658 = arith.select %parallel_loop3A_656, %parallel_loop3A_657, %parallel_loop3A_648 : i32
          %parallel_loop3A_659 = arith.constant 8 : i32
          %parallel_loop3A_660 = arith.muli %add3A_599, %parallel_loop3A_659 : i32
          %parallel_loop3A_661 = arith.addi %parallel_loop3A_660, %parallel_loop3A_642 : i32
          %parallel_loop3A_662 = arith.constant 16 : i32
          %parallel_loop3A_663 = arith.muli %parallel_loop3A_658, %parallel_loop3A_662 : i32
          %parallel_loop3A_664 = arith.index_cast %parallel_loop3A_661 : i32 to index
          %parallel_loop3A_665 = arith.index_cast %parallel_loop3A_663 : i32 to index
          %parallel_loop3A_666 = tpu.vector_load %arg7[%parallel_loop3A_664, %parallel_loop3A_665] {strides = array<i32>} : memref<128x128xi32, #tpu.memory_space<vmem>>, vector<16xi32>,
          %parallel_loop3A_667 = arith.constant 136 : i32
          %parallel_loop3A_668 = arith.muli %parallel_loop3A_661, %parallel_loop3A_667 : i32
          %parallel_loop3A_669 = arith.constant 16 : i32
          %parallel_loop3A_670 = arith.muli %parallel_loop3A_658, %parallel_loop3A_669 : i32
          %parallel_loop3A_671 = arith.addi %parallel_loop3A_668, %parallel_loop3A_670 : i32
          %parallel_loop3A_672 = arith.index_cast %parallel_loop3A_671 : i32 to index
          %parallel_loop3A_673 = tpu.vector_load %arg10[%parallel_loop3A_672] {strides = array<i32>} : memref<17408xi32, #tpu.memory_space<vmem>>, vector<16xi32>,
          %parallel_loop3A_674 = arith.constant 16 : i32
          %parallel_loop3A_675 = arith.muli %parallel_loop3A_658, %parallel_loop3A_674 : i32
          %parallel_loop3A_676 = arith.index_cast %parallel_loop3A_661 : i32 to index
          %parallel_loop3A_677 = arith.index_cast %parallel_loop3A_675 : i32 to index
          %parallel_loop3A_678 = tpu.vector_load %arg11[%parallel_loop3A_676, %parallel_loop3A_677] {strides = array<i32>} : memref<128x128xf32, #tpu.memory_space<vmem>>, vector<16xf32>,
          %parallel_loop3A_679 = arith.constant 0 : i32
          %parallel_loop3A_680 = vector.broadcast %parallel_loop3A_679 : i32 to vector<16xi32>
          %parallel_loop3A_681 = arith.addi %parallel_loop3A_666, %parallel_loop3A_680 : vector<16xi32>
          %parallel_loop3A_682 = tpu.vector_load_idx %arg12[%parallel_loop3A_681] : memref<4096xi32, #tpu.memory_space<vmem>>[vector<16xi32>], vector<16xi32>,
          %parallel_loop3A_683 = arith.constant 0 : i32
          %parallel_loop3A_684 = vector.broadcast %parallel_loop3A_683 : i32 to vector<16xi32>
          %parallel_loop3A_685 = arith.addi %parallel_loop3A_673, %parallel_loop3A_684 : vector<16xi32>
          %parallel_loop3A_686 = tpu.vector_load_idx %arg13[%parallel_loop3A_685] : memref<4096xi32, #tpu.memory_space<vmem>>[vector<16xi32>], vector<16xi32>,
          %parallel_loop3A_687 = vector.bitcast %parallel_loop3A_682 : vector<16xi32> to vector<32xbf16>
          %parallel_loop3A_688 = vector.bitcast %parallel_loop3A_686 : vector<16xi32> to vector<32xbf16>
          %parallel_loop3A_689 = arith.addf %parallel_loop3A_687, %parallel_loop3A_688 : vector<32xbf16>
          %parallel_loop3A_690 = tpu.unpack_subelements %parallel_loop3A_689, 0 {pack_format = #tpu.pack_format<interleaved>} : vector<32xbf16> -> vector<16xf32>
          %parallel_loop3A_691 = tpu.unpack_subelements %parallel_loop3A_689, 1 {pack_format = #tpu.pack_format<interleaved>} : vector<32xbf16> -> vector<16xf32>
          %parallel_loop3A_692 = arith.addf %parallel_loop3A_690, %parallel_loop3A_678 : vector<16xf32>
          %parallel_loop3A_693 = arith.constant 16 : i32
          %parallel_loop3A_694 = arith.muli %parallel_loop3A_658, %parallel_loop3A_693 : i32
          %parallel_loop3A_695 = arith.constant 0 : i32
          %parallel_loop3A_696 = arith.index_cast %parallel_loop3A_695 : i32 to index
          %parallel_loop3A_697 = arith.index_cast %parallel_loop3A_642 : i32 to index
          %parallel_loop3A_698 = arith.index_cast %parallel_loop3A_694 : i32 to index
          %parallel_loop3A_699 = tpu.vector_load %arg15[%parallel_loop3A_696, %parallel_loop3A_697, %parallel_loop3A_698] {strides = array<i32>} : memref<16x8x128xf32, #tpu.memory_space<vmem>>, vector<16xf32>,
          tpu.vector_store %arg15[%parallel_loop3A_696, %parallel_loop3A_697, %parallel_loop3A_698], %parallel_loop3A_692 {strides = array<i32>} : memref<16x8x128xf32, #tpu.memory_space<vmem>>, vector<16xf32>,
          %parallel_loop3A_700 = arith.addf %parallel_loop3A_691, %parallel_loop3A_678 : vector<16xf32>
          %parallel_loop3A_701 = arith.constant 16 : i32
          %parallel_loop3A_702 = arith.muli %parallel_loop3A_658, %parallel_loop3A_701 : i32
          %parallel_loop3A_703 = arith.constant 1 : i32
          %parallel_loop3A_704 = arith.index_cast %parallel_loop3A_703 : i32 to index
          %parallel_loop3A_705 = arith.index_cast %parallel_loop3A_642 : i32 to index
          %parallel_loop3A_706 = arith.index_cast %parallel_loop3A_702 : i32 to index
          %parallel_loop3A_707 = tpu.vector_load %arg15[%parallel_loop3A_704, %parallel_loop3A_705, %parallel_loop3A_706] {strides = array<i32>} : memref<16x8x128xf32, #tpu.memory_space<vmem>>, vector<16xf32>,
          tpu.vector_store %arg15[%parallel_loop3A_704, %parallel_loop3A_705, %parallel_loop3A_706], %parallel_loop3A_700 {strides = array<i32>} : memref<16x8x128xf32, #tpu.memory_space<vmem>>, vector<16xf32>,
          %parallel_loop3A_708 = arith.constant 512 : i32
          %parallel_loop3A_709 = vector.broadcast %parallel_loop3A_708 : i32 to vector<16xi32>
          %parallel_loop3A_710 = arith.addi %parallel_loop3A_666, %parallel_loop3A_709 : vector<16xi32>
          %parallel_loop3A_711 = tpu.vector_load_idx %arg12[%parallel_loop3A_710] : memref<4096xi32, #tpu.memory_space<vmem>>[vector<16xi32>], vector<16xi32>,
          %parallel_loop3A_712 = arith.constant 512 : i32
          %parallel_loop3A_713 = vector.broadcast %parallel_loop3A_712 : i32 to vector<16xi32>
          %parallel_loop3A_714 = arith.addi %parallel_loop3A_673, %parallel_loop3A_713 : vector<16xi32>
          %parallel_loop3A_715 = tpu.vector_load_idx %arg13[%parallel_loop3A_714] : memref<4096xi32, #tpu.memory_space<vmem>>[vector<16xi32>], vector<16xi32>,
          %parallel_loop3A_716 = vector.bitcast %parallel_loop3A_711 : vector<16xi32> to vector<32xbf16>
          %parallel_loop3A_717 = vector.bitcast %parallel_loop3A_715 : vector<16xi32> to vector<32xbf16>
          %parallel_loop3A_718 = arith.addf %parallel_loop3A_716, %parallel_loop3A_717 : vector<32xbf16>
          %parallel_loop3A_719 = tpu.unpack_subelements %parallel_loop3A_718, 0 {pack_format = #tpu.pack_format<interleaved>} : vector<32xbf16> -> vector<16xf32>
          %parallel_loop3A_720 = tpu.unpack_subelements %parallel_loop3A_718, 1 {pack_format = #tpu.pack_format<interleaved>} : vector<32xbf16> -> vector<16xf32>
          %parallel_loop3A_721 = arith.addf %parallel_loop3A_719, %parallel_loop3A_678 : vector<16xf32>
          %parallel_loop3A_722 = arith.constant 16 : i32
          %parallel_loop3A_723 = arith.muli %parallel_loop3A_658, %parallel_loop3A_722 : i32
          %parallel_loop3A_724 = arith.constant 2 : i32
          %parallel_loop3A_725 = arith.index_cast %parallel_loop3A_724 : i32 to index
          %parallel_loop3A_726 = arith.index_cast %parallel_loop3A_642 : i32 to index
          %parallel_loop3A_727 = arith.index_cast %parallel_loop3A_723 : i32 to index
          %parallel_loop3A_728 = tpu.vector_load %arg15[%parallel_loop3A_725, %parallel_loop3A_726, %parallel_loop3A_727] {strides = array<i32>} : memref<16x8x128xf32, #tpu.memory_space<vmem>>, vector<16xf32>,
          tpu.vector_store %arg15[%parallel_loop3A_725, %parallel_loop3A_726, %parallel_loop3A_727], %parallel_loop3A_721 {strides = array<i32>} : memref<16x8x128xf32, #tpu.memory_space<vmem>>, vector<16xf32>,
          %parallel_loop3A_729 = arith.addf %parallel_loop3A_720, %parallel_loop3A_678 : vector<16xf32>
          %parallel_loop3A_730 = arith.constant 16 : i32
          %parallel_loop3A_731 = arith.muli %parallel_loop3A_658, %parallel_loop3A_730 : i32
          %parallel_loop3A_732 = arith.constant 3 : i32
          %parallel_loop3A_733 = arith.index_cast %parallel_loop3A_732 : i32 to index
          %parallel_loop3A_734 = arith.index_cast %parallel_loop3A_642 : i32 to index
          %parallel_loop3A_735 = arith.index_cast %parallel_loop3A_731 : i32 to index
          %parallel_loop3A_736 = tpu.vector_load %arg15[%parallel_loop3A_733, %parallel_loop3A_734, %parallel_loop3A_735] {strides = array<i32>} : memref<16x8x128xf32, #tpu.memory_space<vmem>>, vector<16xf32>,
          tpu.vector_store %arg15[%parallel_loop3A_733, %parallel_loop3A_734, %parallel_loop3A_735], %parallel_loop3A_729 {strides = array<i32>} : memref<16x8x128xf32, #tpu.memory_space<vmem>>, vector<16xf32>,
          %parallel_loop3A_737 = arith.constant 1024 : i32
          %parallel_loop3A_738 = vector.broadcast %parallel_loop3A_737 : i32 to vector<16xi32>
          %parallel_loop3A_739 = arith.addi %parallel_loop3A_666, %parallel_loop3A_738 : vector<16xi32>
          %parallel_loop3A_740 = tpu.vector_load_idx %arg12[%parallel_loop3A_739] : memref<4096xi32, #tpu.memory_space<vmem>>[vector<16xi32>], vector<16xi32>,
          %parallel_loop3A_741 = arith.constant 1024 : i32
          %parallel_loop3A_742 = vector.broadcast %parallel_loop3A_741 : i32 to vector<16xi32>
          %parallel_loop3A_743 = arith.addi %parallel_loop3A_673, %parallel_loop3A_742 : vector<16xi32>
          %parallel_loop3A_744 = tpu.vector_load_idx %arg13[%parallel_loop3A_743] : memref<4096xi32, #tpu.memory_space<vmem>>[vector<16xi32>], vector<16xi32>,
          %parallel_loop3A_745 = vector.bitcast %parallel_loop3A_740 : vector<16xi32> to vector<32xbf16>
          %parallel_loop3A_746 = vector.bitcast %parallel_loop3A_744 : vector<16xi32> to vector<32xbf16>
          %parallel_loop3A_747 = arith.addf %parallel_loop3A_745, %parallel_loop3A_746 : vector<32xbf16>
          %parallel_loop3A_748 = tpu.unpack_subelements %parallel_loop3A_747, 0 {pack_format = #tpu.pack_format<interleaved>} : vector<32xbf16> -> vector<16xf32>
          %parallel_loop3A_749 = tpu.unpack_subelements %parallel_loop3A_747, 1 {pack_format = #tpu.pack_format<interleaved>} : vector<32xbf16> -> vector<16xf32>
          %parallel_loop3A_750 = arith.addf %parallel_loop3A_748, %parallel_loop3A_678 : vector<16xf32>
          %parallel_loop3A_751 = arith.constant 16 : i32
          %parallel_loop3A_752 = arith.muli %parallel_loop3A_658, %parallel_loop3A_751 : i32
          %parallel_loop3A_753 = arith.constant 4 : i32
          %parallel_loop3A_754 = arith.index_cast %parallel_loop3A_753 : i32 to index
          %parallel_loop3A_755 = arith.index_cast %parallel_loop3A_642 : i32 to index
          %parallel_loop3A_756 = arith.index_cast %parallel_loop3A_752 : i32 to index
          %parallel_loop3A_757 = tpu.vector_load %arg15[%parallel_loop3A_754, %parallel_loop3A_755, %parallel_loop3A_756] {strides = array<i32>} : memref<16x8x128xf32, #tpu.memory_space<vmem>>, vector<16xf32>,
          tpu.vector_store %arg15[%parallel_loop3A_754, %parallel_loop3A_755, %parallel_loop3A_756], %parallel_loop3A_750 {strides = array<i32>} : memref<16x8x128xf32, #tpu.memory_space<vmem>>, vector<16xf32>,
          %parallel_loop3A_758 = arith.addf %parallel_loop3A_749, %parallel_loop3A_678 : vector<16xf32>
          %parallel_loop3A_759 = arith.constant 16 : i32
          %parallel_loop3A_760 = arith.muli %parallel_loop3A_658, %parallel_loop3A_759 : i32
          %parallel_loop3A_761 = arith.constant 5 : i32
          %parallel_loop3A_762 = arith.index_cast %parallel_loop3A_761 : i32 to index
          %parallel_loop3A_763 = arith.index_cast %parallel_loop3A_642 : i32 to index
          %parallel_loop3A_764 = arith.index_cast %parallel_loop3A_760 : i32 to index
          %parallel_loop3A_765 = tpu.vector_load %arg15[%parallel_loop3A_762, %parallel_loop3A_763, %parallel_loop3A_764] {strides = array<i32>} : memref<16x8x128xf32, #tpu.memory_space<vmem>>, vector<16xf32>,
          tpu.vector_store %arg15[%parallel_loop3A_762, %parallel_loop3A_763, %parallel_loop3A_764], %parallel_loop3A_758 {strides = array<i32>} : memref<16x8x128xf32, #tpu.memory_space<vmem>>, vector<16xf32>,
          %parallel_loop3A_766 = arith.constant 1536 : i32
          %parallel_loop3A_767 = vector.broadcast %parallel_loop3A_766 : i32 to vector<16xi32>
          %parallel_loop3A_768 = arith.addi %parallel_loop3A_666, %parallel_loop3A_767 : vector<16xi32>
          %parallel_loop3A_769 = tpu.vector_load_idx %arg12[%parallel_loop3A_768] : memref<4096xi32, #tpu.memory_space<vmem>>[vector<16xi32>], vector<16xi32>,
          %parallel_loop3A_770 = arith.constant 1536 : i32
          %parallel_loop3A_771 = vector.broadcast %parallel_loop3A_770 : i32 to vector<16xi32>
          %parallel_loop3A_772 = arith.addi %parallel_loop3A_673, %parallel_loop3A_771 : vector<16xi32>
          %parallel_loop3A_773 = tpu.vector_load_idx %arg13[%parallel_loop3A_772] : memref<4096xi32, #tpu.memory_space<vmem>>[vector<16xi32>], vector<16xi32>,
          %parallel_loop3A_774 = vector.bitcast %parallel_loop3A_769 : vector<16xi32> to vector<32xbf16>
          %parallel_loop3A_775 = vector.bitcast %parallel_loop3A_773 : vector<16xi32> to vector<32xbf16>
          %parallel_loop3A_776 = arith.addf %parallel_loop3A_774, %parallel_loop3A_775 : vector<32xbf16>
          %parallel_loop3A_777 = tpu.unpack_subelements %parallel_loop3A_776, 0 {pack_format = #tpu.pack_format<interleaved>} : vector<32xbf16> -> vector<16xf32>
          %parallel_loop3A_778 = tpu.unpack_subelements %parallel_loop3A_776, 1 {pack_format = #tpu.pack_format<interleaved>} : vector<32xbf16> -> vector<16xf32>
          %parallel_loop3A_779 = arith.addf %parallel_loop3A_777, %parallel_loop3A_678 : vector<16xf32>
          %parallel_loop3A_780 = arith.constant 16 : i32
          %parallel_loop3A_781 = arith.muli %parallel_loop3A_658, %parallel_loop3A_780 : i32
          %parallel_loop3A_782 = arith.constant 6 : i32
          %parallel_loop3A_783 = arith.index_cast %parallel_loop3A_782 : i32 to index
          %parallel_loop3A_784 = arith.index_cast %parallel_loop3A_642 : i32 to index
          %parallel_loop3A_785 = arith.index_cast %parallel_loop3A_781 : i32 to index
          %parallel_loop3A_786 = tpu.vector_load %arg15[%parallel_loop3A_783, %parallel_loop3A_784, %parallel_loop3A_785] {strides = array<i32>} : memref<16x8x128xf32, #tpu.memory_space<vmem>>, vector<16xf32>,
          tpu.vector_store %arg15[%parallel_loop3A_783, %parallel_loop3A_784, %parallel_loop3A_785], %parallel_loop3A_779 {strides = array<i32>} : memref<16x8x128xf32, #tpu.memory_space<vmem>>, vector<16xf32>,
          %parallel_loop3A_787 = arith.addf %parallel_loop3A_778, %parallel_loop3A_678 : vector<16xf32>
          %parallel_loop3A_788 = arith.constant 16 : i32
          %parallel_loop3A_789 = arith.muli %parallel_loop3A_658, %parallel_loop3A_788 : i32
          %parallel_loop3A_790 = arith.constant 7 : i32
          %parallel_loop3A_791 = arith.index_cast %parallel_loop3A_790 : i32 to index
          %parallel_loop3A_792 = arith.index_cast %parallel_loop3A_642 : i32 to index
          %parallel_loop3A_793 = arith.index_cast %parallel_loop3A_789 : i32 to index
          %parallel_loop3A_794 = tpu.vector_load %arg15[%parallel_loop3A_791, %parallel_loop3A_792, %parallel_loop3A_793] {strides = array<i32>} : memref<16x8x128xf32, #tpu.memory_space<vmem>>, vector<16xf32>,
          tpu.vector_store %arg15[%parallel_loop3A_791, %parallel_loop3A_792, %parallel_loop3A_793], %parallel_loop3A_787 {strides = array<i32>} : memref<16x8x128xf32, #tpu.memory_space<vmem>>, vector<16xf32>,
          %parallel_loop3A_795 = arith.constant 2048 : i32
          %parallel_loop3A_796 = vector.broadcast %parallel_loop3A_795 : i32 to vector<16xi32>
          %parallel_loop3A_797 = arith.addi %parallel_loop3A_666, %parallel_loop3A_796 : vector<16xi32>
          %parallel_loop3A_798 = tpu.vector_load_idx %arg12[%parallel_loop3A_797] : memref<4096xi32, #tpu.memory_space<vmem>>[vector<16xi32>], vector<16xi32>,
          %parallel_loop3A_799 = arith.constant 2048 : i32
          %parallel_loop3A_800 = vector.broadcast %parallel_loop3A_799 : i32 to vector<16xi32>
          %parallel_loop3A_801 = arith.addi %parallel_loop3A_673, %parallel_loop3A_800 : vector<16xi32>
          %parallel_loop3A_802 = tpu.vector_load_idx %arg13[%parallel_loop3A_801] : memref<4096xi32, #tpu.memory_space<vmem>>[vector<16xi32>], vector<16xi32>,
          %parallel_loop3A_803 = vector.bitcast %parallel_loop3A_798 : vector<16xi32> to vector<32xbf16>
          %parallel_loop3A_804 = vector.bitcast %parallel_loop3A_802 : vector<16xi32> to vector<32xbf16>
          %parallel_loop3A_805 = arith.addf %parallel_loop3A_803, %parallel_loop3A_804 : vector<32xbf16>
          %parallel_loop3A_806 = tpu.unpack_subelements %parallel_loop3A_805, 0 {pack_format = #tpu.pack_format<interleaved>} : vector<32xbf16> -> vector<16xf32>
          %parallel_loop3A_807 = tpu.unpack_subelements %parallel_loop3A_805, 1 {pack_format = #tpu.pack_format<interleaved>} : vector<32xbf16> -> vector<16xf32>
          %parallel_loop3A_808 = arith.addf %parallel_loop3A_806, %parallel_loop3A_678 : vector<16xf32>
          %parallel_loop3A_809 = arith.constant 16 : i32
          %parallel_loop3A_810 = arith.muli %parallel_loop3A_658, %parallel_loop3A_809 : i32
          %parallel_loop3A_811 = arith.constant 8 : i32
          %parallel_loop3A_812 = arith.index_cast %parallel_loop3A_811 : i32 to index
          %parallel_loop3A_813 = arith.index_cast %parallel_loop3A_642 : i32 to index
          %parallel_loop3A_814 = arith.index_cast %parallel_loop3A_810 : i32 to index
          %parallel_loop3A_815 = tpu.vector_load %arg15[%parallel_loop3A_812, %parallel_loop3A_813, %parallel_loop3A_814] {strides = array<i32>} : memref<16x8x128xf32, #tpu.memory_space<vmem>>, vector<16xf32>,
          tpu.vector_store %arg15[%parallel_loop3A_812, %parallel_loop3A_813, %parallel_loop3A_814], %parallel_loop3A_808 {strides = array<i32>} : memref<16x8x128xf32, #tpu.memory_space<vmem>>, vector<16xf32>,
          %parallel_loop3A_816 = arith.addf %parallel_loop3A_807, %parallel_loop3A_678 : vector<16xf32>
          %parallel_loop3A_817 = arith.constant 16 : i32
          %parallel_loop3A_818 = arith.muli %parallel_loop3A_658, %parallel_loop3A_817 : i32
          %parallel_loop3A_819 = arith.constant 9 : i32
          %parallel_loop3A_820 = arith.index_cast %parallel_loop3A_819 : i32 to index
          %parallel_loop3A_821 = arith.index_cast %parallel_loop3A_642 : i32 to index
          %parallel_loop3A_822 = arith.index_cast %parallel_loop3A_818 : i32 to index
          %parallel_loop3A_823 = tpu.vector_load %arg15[%parallel_loop3A_820, %parallel_loop3A_821, %parallel_loop3A_822] {strides = array<i32>} : memref<16x8x128xf32, #tpu.memory_space<vmem>>, vector<16xf32>,
          tpu.vector_store %arg15[%parallel_loop3A_820, %parallel_loop3A_821, %parallel_loop3A_822], %parallel_loop3A_816 {strides = array<i32>} : memref<16x8x128xf32, #tpu.memory_space<vmem>>, vector<16xf32>,
          %parallel_loop3A_824 = arith.constant 2560 : i32
          %parallel_loop3A_825 = vector.broadcast %parallel_loop3A_824 : i32 to vector<16xi32>
          %parallel_loop3A_826 = arith.addi %parallel_loop3A_666, %parallel_loop3A_825 : vector<16xi32>
          %parallel_loop3A_827 = tpu.vector_load_idx %arg12[%parallel_loop3A_826] : memref<4096xi32, #tpu.memory_space<vmem>>[vector<16xi32>], vector<16xi32>,
          %parallel_loop3A_828 = arith.constant 2560 : i32
          %parallel_loop3A_829 = vector.broadcast %parallel_loop3A_828 : i32 to vector<16xi32>
          %parallel_loop3A_830 = arith.addi %parallel_loop3A_673, %parallel_loop3A_829 : vector<16xi32>
          %parallel_loop3A_831 = tpu.vector_load_idx %arg13[%parallel_loop3A_830] : memref<4096xi32, #tpu.memory_space<vmem>>[vector<16xi32>], vector<16xi32>,
          %parallel_loop3A_832 = vector.bitcast %parallel_loop3A_827 : vector<16xi32> to vector<32xbf16>
          %parallel_loop3A_833 = vector.bitcast %parallel_loop3A_831 : vector<16xi32> to vector<32xbf16>
          %parallel_loop3A_834 = arith.addf %parallel_loop3A_832, %parallel_loop3A_833 : vector<32xbf16>
          %parallel_loop3A_835 = tpu.unpack_subelements %parallel_loop3A_834, 0 {pack_format = #tpu.pack_format<interleaved>} : vector<32xbf16> -> vector<16xf32>
          %parallel_loop3A_836 = tpu.unpack_subelements %parallel_loop3A_834, 1 {pack_format = #tpu.pack_format<interleaved>} : vector<32xbf16> -> vector<16xf32>
          %parallel_loop3A_837 = arith.addf %parallel_loop3A_835, %parallel_loop3A_678 : vector<16xf32>
          %parallel_loop3A_838 = arith.constant 16 : i32
          %parallel_loop3A_839 = arith.muli %parallel_loop3A_658, %parallel_loop3A_838 : i32
          %parallel_loop3A_840 = arith.constant 10 : i32
          %parallel_loop3A_841 = arith.index_cast %parallel_loop3A_840 : i32 to index
          %parallel_loop3A_842 = arith.index_cast %parallel_loop3A_642 : i32 to index
          %parallel_loop3A_843 = arith.index_cast %parallel_loop3A_839 : i32 to index
          %parallel_loop3A_844 = tpu.vector_load %arg15[%parallel_loop3A_841, %parallel_loop3A_842, %parallel_loop3A_843] {strides = array<i32>} : memref<16x8x128xf32, #tpu.memory_space<vmem>>, vector<16xf32>,
          tpu.vector_store %arg15[%parallel_loop3A_841, %parallel_loop3A_842, %parallel_loop3A_843], %parallel_loop3A_837 {strides = array<i32>} : memref<16x8x128xf32, #tpu.memory_space<vmem>>, vector<16xf32>,
          %parallel_loop3A_845 = arith.addf %parallel_loop3A_836, %parallel_loop3A_678 : vector<16xf32>
          %parallel_loop3A_846 = arith.constant 16 : i32
          %parallel_loop3A_847 = arith.muli %parallel_loop3A_658, %parallel_loop3A_846 : i32
          %parallel_loop3A_848 = arith.constant 11 : i32
          %parallel_loop3A_849 = arith.index_cast %parallel_loop3A_848 : i32 to index
          %parallel_loop3A_850 = arith.index_cast %parallel_loop3A_642 : i32 to index
          %parallel_loop3A_851 = arith.index_cast %parallel_loop3A_847 : i32 to index
          %parallel_loop3A_852 = tpu.vector_load %arg15[%parallel_loop3A_849, %parallel_loop3A_850, %parallel_loop3A_851] {strides = array<i32>} : memref<16x8x128xf32, #tpu.memory_space<vmem>>, vector<16xf32>,
          tpu.vector_store %arg15[%parallel_loop3A_849, %parallel_loop3A_850, %parallel_loop3A_851], %parallel_loop3A_845 {strides = array<i32>} : memref<16x8x128xf32, #tpu.memory_space<vmem>>, vector<16xf32>,
          %parallel_loop3A_853 = arith.constant 3072 : i32
          %parallel_loop3A_854 = vector.broadcast %parallel_loop3A_853 : i32 to vector<16xi32>
          %parallel_loop3A_855 = arith.addi %parallel_loop3A_666, %parallel_loop3A_854 : vector<16xi32>
          %parallel_loop3A_856 = tpu.vector_load_idx %arg12[%parallel_loop3A_855] : memref<4096xi32, #tpu.memory_space<vmem>>[vector<16xi32>], vector<16xi32>,
          %parallel_loop3A_857 = arith.constant 3072 : i32
          %parallel_loop3A_858 = vector.broadcast %parallel_loop3A_857 : i32 to vector<16xi32>
          %parallel_loop3A_859 = arith.addi %parallel_loop3A_673, %parallel_loop3A_858 : vector<16xi32>
          %parallel_loop3A_860 = tpu.vector_load_idx %arg13[%parallel_loop3A_859] : memref<4096xi32, #tpu.memory_space<vmem>>[vector<16xi32>], vector<16xi32>,
          %parallel_loop3A_861 = vector.bitcast %parallel_loop3A_856 : vector<16xi32> to vector<32xbf16>
          %parallel_loop3A_862 = vector.bitcast %parallel_loop3A_860 : vector<16xi32> to vector<32xbf16>
          %parallel_loop3A_863 = arith.addf %parallel_loop3A_861, %parallel_loop3A_862 : vector<32xbf16>
          %parallel_loop3A_864 = tpu.unpack_subelements %parallel_loop3A_863, 0 {pack_format = #tpu.pack_format<interleaved>} : vector<32xbf16> -> vector<16xf32>
          %parallel_loop3A_865 = tpu.unpack_subelements %parallel_loop3A_863, 1 {pack_format = #tpu.pack_format<interleaved>} : vector<32xbf16> -> vector<16xf32>
          %parallel_loop3A_866 = arith.addf %parallel_loop3A_864, %parallel_loop3A_678 : vector<16xf32>
          %parallel_loop3A_867 = arith.constant 16 : i32
          %parallel_loop3A_868 = arith.muli %parallel_loop3A_658, %parallel_loop3A_867 : i32
          %parallel_loop3A_869 = arith.constant 12 : i32
          %parallel_loop3A_870 = arith.index_cast %parallel_loop3A_869 : i32 to index
          %parallel_loop3A_871 = arith.index_cast %parallel_loop3A_642 : i32 to index
          %parallel_loop3A_872 = arith.index_cast %parallel_loop3A_868 : i32 to index
          %parallel_loop3A_873 = tpu.vector_load %arg15[%parallel_loop3A_870, %parallel_loop3A_871, %parallel_loop3A_872] {strides = array<i32>} : memref<16x8x128xf32, #tpu.memory_space<vmem>>, vector<16xf32>,
          tpu.vector_store %arg15[%parallel_loop3A_870, %parallel_loop3A_871, %parallel_loop3A_872], %parallel_loop3A_866 {strides = array<i32>} : memref<16x8x128xf32, #tpu.memory_space<vmem>>, vector<16xf32>,
          %parallel_loop3A_874 = arith.addf %parallel_loop3A_865, %parallel_loop3A_678 : vector<16xf32>
          %parallel_loop3A_875 = arith.constant 16 : i32
          %parallel_loop3A_876 = arith.muli %parallel_loop3A_658, %parallel_loop3A_875 : i32
          %parallel_loop3A_877 = arith.constant 13 : i32
          %parallel_loop3A_878 = arith.index_cast %parallel_loop3A_877 : i32 to index
          %parallel_loop3A_879 = arith.index_cast %parallel_loop3A_642 : i32 to index
          %parallel_loop3A_880 = arith.index_cast %parallel_loop3A_876 : i32 to index
          %parallel_loop3A_881 = tpu.vector_load %arg15[%parallel_loop3A_878, %parallel_loop3A_879, %parallel_loop3A_880] {strides = array<i32>} : memref<16x8x128xf32, #tpu.memory_space<vmem>>, vector<16xf32>,
          tpu.vector_store %arg15[%parallel_loop3A_878, %parallel_loop3A_879, %parallel_loop3A_880], %parallel_loop3A_874 {strides = array<i32>} : memref<16x8x128xf32, #tpu.memory_space<vmem>>, vector<16xf32>,
          %parallel_loop3A_882 = arith.constant 3584 : i32
          %parallel_loop3A_883 = vector.broadcast %parallel_loop3A_882 : i32 to vector<16xi32>
          %parallel_loop3A_884 = arith.addi %parallel_loop3A_666, %parallel_loop3A_883 : vector<16xi32>
          %parallel_loop3A_885 = tpu.vector_load_idx %arg12[%parallel_loop3A_884] : memref<4096xi32, #tpu.memory_space<vmem>>[vector<16xi32>], vector<16xi32>,
          %parallel_loop3A_886 = arith.constant 3584 : i32
          %parallel_loop3A_887 = vector.broadcast %parallel_loop3A_886 : i32 to vector<16xi32>
          %parallel_loop3A_888 = arith.addi %parallel_loop3A_673, %parallel_loop3A_887 : vector<16xi32>
          %parallel_loop3A_889 = tpu.vector_load_idx %arg13[%parallel_loop3A_888] : memref<4096xi32, #tpu.memory_space<vmem>>[vector<16xi32>], vector<16xi32>,
          %parallel_loop3A_890 = vector.bitcast %parallel_loop3A_885 : vector<16xi32> to vector<32xbf16>
          %parallel_loop3A_891 = vector.bitcast %parallel_loop3A_889 : vector<16xi32> to vector<32xbf16>
          %parallel_loop3A_892 = arith.addf %parallel_loop3A_890, %parallel_loop3A_891 : vector<32xbf16>
          %parallel_loop3A_893 = tpu.unpack_subelements %parallel_loop3A_892, 0 {pack_format = #tpu.pack_format<interleaved>} : vector<32xbf16> -> vector<16xf32>
          %parallel_loop3A_894 = tpu.unpack_subelements %parallel_loop3A_892, 1 {pack_format = #tpu.pack_format<interleaved>} : vector<32xbf16> -> vector<16xf32>
          %parallel_loop3A_895 = arith.addf %parallel_loop3A_893, %parallel_loop3A_678 : vector<16xf32>
          %parallel_loop3A_896 = arith.constant 16 : i32
          %parallel_loop3A_897 = arith.muli %parallel_loop3A_658, %parallel_loop3A_896 : i32
          %parallel_loop3A_898 = arith.constant 14 : i32
          %parallel_loop3A_899 = arith.index_cast %parallel_loop3A_898 : i32 to index
          %parallel_loop3A_900 = arith.index_cast %parallel_loop3A_642 : i32 to index
          %parallel_loop3A_901 = arith.index_cast %parallel_loop3A_897 : i32 to index
          %parallel_loop3A_902 = tpu.vector_load %arg15[%parallel_loop3A_899, %parallel_loop3A_900, %parallel_loop3A_901] {strides = array<i32>} : memref<16x8x128xf32, #tpu.memory_space<vmem>>, vector<16xf32>,
          tpu.vector_store %arg15[%parallel_loop3A_899, %parallel_loop3A_900, %parallel_loop3A_901], %parallel_loop3A_895 {strides = array<i32>} : memref<16x8x128xf32, #tpu.memory_space<vmem>>, vector<16xf32>,
          %parallel_loop3A_903 = arith.addf %parallel_loop3A_894, %parallel_loop3A_678 : vector<16xf32>
          %parallel_loop3A_904 = arith.constant 16 : i32
          %parallel_loop3A_905 = arith.muli %parallel_loop3A_658, %parallel_loop3A_904 : i32
          %parallel_loop3A_906 = arith.constant 15 : i32
          %parallel_loop3A_907 = arith.index_cast %parallel_loop3A_906 : i32 to index
          %parallel_loop3A_908 = arith.index_cast %parallel_loop3A_642 : i32 to index
          %parallel_loop3A_909 = arith.index_cast %parallel_loop3A_905 : i32 to index
          %parallel_loop3A_910 = tpu.vector_load %arg15[%parallel_loop3A_907, %parallel_loop3A_908, %parallel_loop3A_909] {strides = array<i32>} : memref<16x8x128xf32, #tpu.memory_space<vmem>>, vector<16xf32>,
          tpu.vector_store %arg15[%parallel_loop3A_907, %parallel_loop3A_908, %parallel_loop3A_909], %parallel_loop3A_903 {strides = array<i32>} : memref<16x8x128xf32, #tpu.memory_space<vmem>>, vector<16xf32>,
        } {sc.loop_unroll_factor = 1 : i64, sc.parallel_access}
        %dma_start3A_612 = arith.constant 0 : i32
        %dma_start3A_613 = tpu.memref_slice %arg6[%select_n3A_182, %dma_start3A_612, %add3A_602, %mul3A_242] : memref<8x16x512x512xf32, #tpu.memory_space<hbm>> -> memref<1x16x8x128xf32, #tpu.memory_space<hbm>>
        %dma_start3A_614 = tpu.memref_squeeze %dma_start3A_613 : memref<1x16x8x128xf32, #tpu.memory_space<hbm>> -> memref<16x8x128xf32, #tpu.memory_space<hbm>>
        %dma_start3A_615 = arith.constant 0 : i32
        %dma_start3A_616 = tpu.memref_slice %arg6[%select_n3A_182, %dma_start3A_615, %add3A_602, %mul3A_242] : memref<8x16x512x512xf32, #tpu.memory_space<hbm>> -> memref<1x16x8x128xf32, #tpu.memory_space<hbm>>
        %dma_start3A_617 = tpu.memref_squeeze %dma_start3A_616 : memref<1x16x8x128xf32, #tpu.memory_space<hbm>> -> memref<16x8x128xf32, #tpu.memory_space<hbm>>
        tpu.enqueue_dma source(%arg15 : memref<16x8x128xf32, #tpu.memory_space<vmem>>) target(%dma_start3A_617 : memref<16x8x128xf32, #tpu.memory_space<hbm>>) target_semaphore(%arg17 : memref<!tpu.dma_semaphore, #tpu.memory_space<semaphore_mem>>)
      }
      %scan3A_363 = arith.constant 8 : i32
      %add3A_364 = arith.constant 1 : i32
      %add3A_365 = arith.addi %add3A_158, %add3A_364 : i32
      %jit3A_366 = arith.constant 16 : i32
      %div3A_367 = arith.divsi %add3A_365, %jit3A_366 : i32
      %sign3A_368 = arith.constant 0 : i32
      %sign3A_369 = arith.cmpi sgt, %add3A_365, %sign3A_368 : i32
      %sign3A_370 = arith.extui %sign3A_369 : i1 to i32
      %sign3A_371 = arith.constant 0 : i32
      %sign3A_372 = arith.cmpi slt, %add3A_365, %sign3A_371 : i32
      %sign3A_373 = arith.extui %sign3A_372 : i1 to i32
      %sign3A_374 = arith.subi %sign3A_370, %sign3A_373 : i32
      %sign3A_375 = arith.constant 0 : i32
      %sign3A_376 = arith.cmpi sgt, %jit3A_366, %sign3A_375 : i32
      %sign3A_377 = arith.extui %sign3A_376 : i1 to i32
      %sign3A_378 = arith.constant 0 : i32
      %sign3A_379 = arith.cmpi slt, %jit3A_366, %sign3A_378 : i32
      %sign3A_380 = arith.extui %sign3A_379 : i1 to i32
      %sign3A_381 = arith.subi %sign3A_377, %sign3A_380 : i32
      %ne3A_382 = arith.cmpi ne, %sign3A_374, %sign3A_381 : i32
      %rem3A_383 = arith.remsi %add3A_365, %jit3A_366 : i32
      %ne3A_384 = arith.constant 0 : i32
      %ne3A_385 = arith.cmpi ne, %rem3A_383, %ne3A_384 : i32
      %and3A_386 = arith.andi %ne3A_382, %ne3A_385 : i1
      %sub3A_387 = arith.constant 1 : i32
      %sub3A_388 = arith.subi %div3A_367, %sub3A_387 : i32
      %select_n3A_389 = arith.select %and3A_386, %sub3A_388, %div3A_367 : i32
      %jit3A_390 = arith.constant 16 : i32
      %eq3A_391 = arith.constant 0 : i32
      %eq3A_392 = arith.cmpi eq, %jit3A_390, %eq3A_391 : i32
      %jit3A_393 = arith.constant 1 : i32
      %select_n3A_394 = arith.select %eq3A_392, %jit3A_393, %jit3A_390 : i32
      %rem3A_395 = arith.remsi %add3A_365, %select_n3A_394 : i32
      %ne3A_396 = arith.constant 0 : i32
      %ne3A_397 = arith.cmpi ne, %rem3A_395, %ne3A_396 : i32
      %lt3A_398 = arith.constant 0 : i32
      %lt3A_399 = arith.cmpi slt, %rem3A_395, %lt3A_398 : i32
      %lt3A_400 = arith.constant 0 : i32
      %lt3A_401 = arith.cmpi slt, %select_n3A_394, %lt3A_400 : i32
      %ne3A_402 = arith.xori %lt3A_399, %lt3A_401 : i1
      %and3A_403 = arith.andi %ne3A_402, %ne3A_397 : i1
      %add3A_404 = arith.addi %rem3A_395, %select_n3A_394 : i32
      %select_n3A_405 = arith.select %and3A_403, %add3A_404, %rem3A_395 : i32
      %jit3A_406 = arith.constant 4 : i32
      %div3A_407 = arith.divsi %select_n3A_405, %jit3A_406 : i32
      %sign3A_408 = arith.constant 0 : i32
      %sign3A_409 = arith.cmpi sgt, %select_n3A_405, %sign3A_408 : i32
      %sign3A_410 = arith.extui %sign3A_409 : i1 to i32
      %sign3A_411 = arith.constant 0 : i32
      %sign3A_412 = arith.cmpi slt, %select_n3A_405, %sign3A_411 : i32
      %sign3A_413 = arith.extui %sign3A_412 : i1 to i32
      %sign3A_414 = arith.subi %sign3A_410, %sign3A_413 : i32
      %sign3A_415 = arith.constant 0 : i32
      %sign3A_416 = arith.cmpi sgt, %jit3A_406, %sign3A_415 : i32
      %sign3A_417 = arith.extui %sign3A_416 : i1 to i32
      %sign3A_418 = arith.constant 0 : i32
      %sign3A_419 = arith.cmpi slt, %jit3A_406, %sign3A_418 : i32
      %sign3A_420 = arith.extui %sign3A_419 : i1 to i32
      %sign3A_421 = arith.subi %sign3A_417, %sign3A_420 : i32
      %ne3A_422 = arith.cmpi ne, %sign3A_414, %sign3A_421 : i32
      %rem3A_423 = arith.remsi %select_n3A_405, %jit3A_406 : i32
      %ne3A_424 = arith.constant 0 : i32
      %ne3A_425 = arith.cmpi ne, %rem3A_423, %ne3A_424 : i32
      %and3A_426 = arith.andi %ne3A_422, %ne3A_425 : i1
      %sub3A_427 = arith.constant 1 : i32
      %sub3A_428 = arith.subi %div3A_407, %sub3A_427 : i32
      %select_n3A_429 = arith.select %and3A_426, %sub3A_428, %div3A_407 : i32
      %mul3A_430 = arith.constant 128 : i32
      %mul3A_431 = arith.muli %select_n3A_429, %mul3A_430 : i32
      %jit3A_432 = arith.constant 4 : i32
      %eq3A_433 = arith.constant 0 : i32
      %eq3A_434 = arith.cmpi eq, %jit3A_432, %eq3A_433 : i32
      %jit3A_435 = arith.constant 1 : i32
      %select_n3A_436 = arith.select %eq3A_434, %jit3A_435, %jit3A_432 : i32
      %rem3A_437 = arith.remsi %select_n3A_405, %select_n3A_436 : i32
      %ne3A_438 = arith.constant 0 : i32
      %ne3A_439 = arith.cmpi ne, %rem3A_437, %ne3A_438 : i32
      %lt3A_440 = arith.constant 0 : i32
      %lt3A_441 = arith.cmpi slt, %rem3A_437, %lt3A_440 : i32
      %lt3A_442 = arith.constant 0 : i32
      %lt3A_443 = arith.cmpi slt, %select_n3A_436, %lt3A_442 : i32
      %ne3A_444 = arith.xori %lt3A_441, %lt3A_443 : i1
      %and3A_445 = arith.andi %ne3A_444, %ne3A_439 : i1
      %add3A_446 = arith.addi %rem3A_437, %select_n3A_436 : i32
      %select_n3A_447 = arith.select %and3A_445, %add3A_446, %rem3A_437 : i32
      %mul3A_448 = arith.constant 128 : i32
      %mul3A_449 = arith.muli %select_n3A_447, %mul3A_448 : i32
      %add3A_450 = arith.constant 1 : i32
      %add3A_451 = arith.addi %add3A_365, %add3A_450 : i32
      %min3A_452 = arith.constant 127 : i32
      %min3A_453 = arith.minsi %add3A_451, %min3A_452 : i32
      %jit3A_454 = arith.constant 16 : i32
      %div3A_455 = arith.divsi %min3A_453, %jit3A_454 : i32
      %sign3A_456 = arith.constant 0 : i32
      %sign3A_457 = arith.cmpi sgt, %min3A_453, %sign3A_456 : i32
      %sign3A_458 = arith.extui %sign3A_457 : i1 to i32
      %sign3A_459 = arith.constant 0 : i32
      %sign3A_460 = arith.cmpi slt, %min3A_453, %sign3A_459 : i32
      %sign3A_461 = arith.extui %sign3A_460 : i1 to i32
      %sign3A_462 = arith.subi %sign3A_458, %sign3A_461 : i32
      %sign3A_463 = arith.constant 0 : i32
      %sign3A_464 = arith.cmpi sgt, %jit3A_454, %sign3A_463 : i32
      %sign3A_465 = arith.extui %sign3A_464 : i1 to i32
      %sign3A_466 = arith.constant 0 : i32
      %sign3A_467 = arith.cmpi slt, %jit3A_454, %sign3A_466 : i32
      %sign3A_468 = arith.extui %sign3A_467 : i1 to i32
      %sign3A_469 = arith.subi %sign3A_465, %sign3A_468 : i32
      %ne3A_470 = arith.cmpi ne, %sign3A_462, %sign3A_469 : i32
      %rem3A_471 = arith.remsi %min3A_453, %jit3A_454 : i32
      %ne3A_472 = arith.constant 0 : i32
      %ne3A_473 = arith.cmpi ne, %rem3A_471, %ne3A_472 : i32
      %and3A_474 = arith.andi %ne3A_470, %ne3A_473 : i1
      %sub3A_475 = arith.constant 1 : i32
      %sub3A_476 = arith.subi %div3A_455, %sub3A_475 : i32
      %select_n3A_477 = arith.select %and3A_474, %sub3A_476, %div3A_455 : i32
      %jit3A_478 = arith.constant 16 : i32
      %eq3A_479 = arith.constant 0 : i32
      %eq3A_480 = arith.cmpi eq, %jit3A_478, %eq3A_479 : i32
      %jit3A_481 = arith.constant 1 : i32
      %select_n3A_482 = arith.select %eq3A_480, %jit3A_481, %jit3A_478 : i32
      %rem3A_483 = arith.remsi %min3A_453, %select_n3A_482 : i32
      %ne3A_484 = arith.constant 0 : i32
      %ne3A_485 = arith.cmpi ne, %rem3A_483, %ne3A_484 : i32
      %lt3A_486 = arith.constant 0 : i32
      %lt3A_487 = arith.cmpi slt, %rem3A_483, %lt3A_486 : i32
      %lt3A_488 = arith.constant 0 : i32
      %lt3A_489 = arith.cmpi slt, %select_n3A_482, %lt3A_488 : i32
      %ne3A_490 = arith.xori %lt3A_487, %lt3A_489 : i1
      %and3A_491 = arith.andi %ne3A_490, %ne3A_485 : i1
      %add3A_492 = arith.addi %rem3A_483, %select_n3A_482 : i32
      %select_n3A_493 = arith.select %and3A_491, %add3A_492, %rem3A_483 : i32
      %jit3A_494 = arith.constant 4 : i32
      %div3A_495 = arith.divsi %select_n3A_493, %jit3A_494 : i32
      %sign3A_496 = arith.constant 0 : i32
      %sign3A_497 = arith.cmpi sgt, %select_n3A_493, %sign3A_496 : i32
      %sign3A_498 = arith.extui %sign3A_497 : i1 to i32
      %sign3A_499 = arith.constant 0 : i32
      %sign3A_500 = arith.cmpi slt, %select_n3A_493, %sign3A_499 : i32
      %sign3A_501 = arith.extui %sign3A_500 : i1 to i32
      %sign3A_502 = arith.subi %sign3A_498, %sign3A_501 : i32
      %sign3A_503 = arith.constant 0 : i32
      %sign3A_504 = arith.cmpi sgt, %jit3A_494, %sign3A_503 : i32
      %sign3A_505 = arith.extui %sign3A_504 : i1 to i32
      %sign3A_506 = arith.constant 0 : i32
      %sign3A_507 = arith.cmpi slt, %jit3A_494, %sign3A_506 : i32
      %sign3A_508 = arith.extui %sign3A_507 : i1 to i32
      %sign3A_509 = arith.subi %sign3A_505, %sign3A_508 : i32
      %ne3A_510 = arith.cmpi ne, %sign3A_502, %sign3A_509 : i32
      %rem3A_511 = arith.remsi %select_n3A_493, %jit3A_494 : i32
      %ne3A_512 = arith.constant 0 : i32
      %ne3A_513 = arith.cmpi ne, %rem3A_511, %ne3A_512 : i32
      %and3A_514 = arith.andi %ne3A_510, %ne3A_513 : i1
      %sub3A_515 = arith.constant 1 : i32
      %sub3A_516 = arith.subi %div3A_495, %sub3A_515 : i32
      %select_n3A_517 = arith.select %and3A_514, %sub3A_516, %div3A_495 : i32
      %mul3A_518 = arith.constant 128 : i32
      %mul3A_519 = arith.muli %select_n3A_517, %mul3A_518 : i32
      %jit3A_520 = arith.constant 4 : i32
      %eq3A_521 = arith.constant 0 : i32
      %eq3A_522 = arith.cmpi eq, %jit3A_520, %eq3A_521 : i32
      %jit3A_523 = arith.constant 1 : i32
      %select_n3A_524 = arith.select %eq3A_522, %jit3A_523, %jit3A_520 : i32
      %rem3A_525 = arith.remsi %select_n3A_493, %select_n3A_524 : i32
      %ne3A_526 = arith.constant 0 : i32
      %ne3A_527 = arith.cmpi ne, %rem3A_525, %ne3A_526 : i32
      %lt3A_528 = arith.constant 0 : i32
      %lt3A_529 = arith.cmpi slt, %rem3A_525, %lt3A_528 : i32
      %lt3A_530 = arith.constant 0 : i32
      %lt3A_531 = arith.cmpi slt, %select_n3A_524, %lt3A_530 : i32
      %ne3A_532 = arith.xori %lt3A_529, %lt3A_531 : i1
      %and3A_533 = arith.andi %ne3A_532, %ne3A_527 : i1
      %add3A_534 = arith.addi %rem3A_525, %select_n3A_524 : i32
      %select_n3A_535 = arith.select %and3A_533, %add3A_534, %rem3A_525 : i32
      %mul3A_536 = arith.constant 128 : i32
      %mul3A_537 = arith.muli %select_n3A_535, %mul3A_536 : i32
      %dma_wait3A_538 = arith.constant 0 : i32
      %dma_wait3A_539 = arith.constant 0 : i32
      %dma_wait3A_540 = arith.constant 0 : i32
      %dma_wait3A_541 = tpu.memref_slice %arg3[%dma_wait3A_538, %dma_wait3A_539, %dma_wait3A_540] : memref<8x512x512xi32, #tpu.memory_space<hbm>> -> memref<1x128x128xi32, #tpu.memory_space<hbm>>
      %dma_wait3A_542 = tpu.memref_squeeze %dma_wait3A_541 : memref<1x128x128xi32, #tpu.memory_space<hbm>> -> memref<128x128xi32, #tpu.memory_space<hbm>>
      %dma_wait3A_543 = arith.constant 0 : i32
      %dma_wait3A_544 = arith.constant 0 : i32
      %dma_wait3A_545 = tpu.memref_slice %arg3[%dma_wait3A_538, %dma_wait3A_543, %dma_wait3A_544] : memref<8x512x512xi32, #tpu.memory_space<hbm>> -> memref<1x128x128xi32, #tpu.memory_space<hbm>>
      %dma_wait3A_546 = tpu.memref_squeeze %dma_wait3A_545 : memref<1x128x128xi32, #tpu.memory_space<hbm>> -> memref<128x128xi32, #tpu.memory_space<hbm>>
      tpu.wait_dma2 semaphore(%arg18 : memref<!tpu.dma_semaphore, #tpu.memory_space<semaphore_mem>>) src(%dma_wait3A_546 : memref<128x128xi32, #tpu.memory_space<hbm>>) dst(%arg8 : memref<128x128xi32, #tpu.memory_space<vmem>>)
      %dma_wait3A_547 = arith.constant 0 : i32
      %dma_wait3A_548 = arith.constant 0 : i32
      %dma_wait3A_549 = arith.constant 0 : i32
      %dma_wait3A_550 = tpu.memref_slice %arg3[%dma_wait3A_547, %dma_wait3A_548, %dma_wait3A_549] : memref<8x512x512xi32, #tpu.memory_space<hbm>> -> memref<1x128x128xi32, #tpu.memory_space<hbm>>
      %dma_wait3A_551 = tpu.memref_squeeze %dma_wait3A_550 : memref<1x128x128xi32, #tpu.memory_space<hbm>> -> memref<128x128xi32, #tpu.memory_space<hbm>>
      %dma_wait3A_552 = arith.constant 0 : i32
      %dma_wait3A_553 = arith.constant 0 : i32
      %dma_wait3A_554 = tpu.memref_slice %arg3[%dma_wait3A_547, %dma_wait3A_552, %dma_wait3A_553] : memref<8x512x512xi32, #tpu.memory_space<hbm>> -> memref<1x128x128xi32, #tpu.memory_space<hbm>>
      %dma_wait3A_555 = tpu.memref_squeeze %dma_wait3A_554 : memref<1x128x128xi32, #tpu.memory_space<hbm>> -> memref<128x128xi32, #tpu.memory_space<hbm>>
      tpu.wait_dma2 semaphore(%arg19 : memref<!tpu.dma_semaphore, #tpu.memory_space<semaphore_mem>>) src(%dma_wait3A_555 : memref<128x128xi32, #tpu.memory_space<hbm>>) dst(%arg9 : memref<128x128xi32, #tpu.memory_space<vmem>>)
      "tpu.region"() ({
        %run_scoped3A = tpu.sem_alloc : memref<!tpu.dma_semaphore, #tpu.memory_space<semaphore_mem>>
        %dma_start3A_573 = tpu.memref_slice %arg2[%select_n3A_389, %mul3A_431, %mul3A_449] : memref<8x512x512xf32, #tpu.memory_space<hbm>> -> memref<1x128x128xf32, #tpu.memory_space<hbm>>
        %dma_start3A_574 = tpu.memref_squeeze %dma_start3A_573 : memref<1x128x128xf32, #tpu.memory_space<hbm>> -> memref<128x128xf32, #tpu.memory_space<hbm>>
        %dma_start3A_575 = tpu.memref_slice %arg2[%select_n3A_389, %mul3A_431, %mul3A_449] : memref<8x512x512xf32, #tpu.memory_space<hbm>> -> memref<1x128x128xf32, #tpu.memory_space<hbm>>
        %dma_start3A_576 = tpu.memref_squeeze %dma_start3A_575 : memref<1x128x128xf32, #tpu.memory_space<hbm>> -> memref<128x128xf32, #tpu.memory_space<hbm>>
        tpu.enqueue_dma source(%dma_start3A_576 : memref<128x128xf32, #tpu.memory_space<hbm>>) target(%arg11 : memref<128x128xf32, #tpu.memory_space<vmem>>) target_semaphore(%run_scoped3A : memref<!tpu.dma_semaphore, #tpu.memory_space<semaphore_mem>>)
        %dma_wait3A_577 = tpu.memref_slice %arg2[%select_n3A_389, %mul3A_431, %mul3A_449] : memref<8x512x512xf32, #tpu.memory_space<hbm>> -> memref<1x128x128xf32, #tpu.memory_space<hbm>>
        %dma_wait3A_578 = tpu.memref_squeeze %dma_wait3A_577 : memref<1x128x128xf32, #tpu.memory_space<hbm>> -> memref<128x128xf32, #tpu.memory_space<hbm>>
        %dma_wait3A_579 = tpu.memref_slice %arg2[%select_n3A_389, %mul3A_431, %mul3A_449] : memref<8x512x512xf32, #tpu.memory_space<hbm>> -> memref<1x128x128xf32, #tpu.memory_space<hbm>>
        %dma_wait3A_580 = tpu.memref_squeeze %dma_wait3A_579 : memref<1x128x128xf32, #tpu.memory_space<hbm>> -> memref<128x128xf32, #tpu.memory_space<hbm>>
        tpu.wait_dma2 semaphore(%run_scoped3A : memref<!tpu.dma_semaphore, #tpu.memory_space<semaphore_mem>>) src(%dma_wait3A_580 : memref<128x128xf32, #tpu.memory_space<hbm>>) dst(%arg11 : memref<128x128xf32, #tpu.memory_space<vmem>>)
        tpu.yield
      }) : () -> ()
      %dma_start3A_556 = tpu.memref_slice %arg3[%select_n3A_477, %mul3A_519, %mul3A_537] : memref<8x512x512xi32, #tpu.memory_space<hbm>> -> memref<1x128x128xi32, #tpu.memory_space<hbm>>
      %dma_start3A_557 = tpu.memref_squeeze %dma_start3A_556 : memref<1x128x128xi32, #tpu.memory_space<hbm>> -> memref<128x128xi32, #tpu.memory_space<hbm>>
      %dma_start3A_558 = tpu.memref_slice %arg3[%select_n3A_477, %mul3A_519, %mul3A_537] : memref<8x512x512xi32, #tpu.memory_space<hbm>> -> memref<1x128x128xi32, #tpu.memory_space<hbm>>
      %dma_start3A_559 = tpu.memref_squeeze %dma_start3A_558 : memref<1x128x128xi32, #tpu.memory_space<hbm>> -> memref<128x128xi32, #tpu.memory_space<hbm>>
      tpu.enqueue_dma source(%dma_start3A_559 : memref<128x128xi32, #tpu.memory_space<hbm>>) target(%arg7 : memref<128x128xi32, #tpu.memory_space<vmem>>) target_semaphore(%arg18 : memref<!tpu.dma_semaphore, #tpu.memory_space<semaphore_mem>>)
      %parallel_loop3A_560 = arith.constant 0 : i32
      %parallel_loop3A_561 = arith.constant 1024 : i32
      %parallel_loop3A_562 = arith.constant 1 : i32
      scf.for %parallel_loop3A_573 = %parallel_loop3A_560 to %parallel_loop3A_561 step %parallel_loop3A_562  : i32 {
        %parallel_loop3A_574 = arith.constant 8 : i32
        %parallel_loop3A_575 = arith.divsi %parallel_loop3A_573, %parallel_loop3A_574 : i32
        %parallel_loop3A_576 = arith.constant 0 : i32
        %parallel_loop3A_577 = arith.cmpi sgt, %parallel_loop3A_573, %parallel_loop3A_576 : i32
        %parallel_loop3A_578 = arith.extui %parallel_loop3A_577 : i1 to i32
        %parallel_loop3A_579 = arith.constant 0 : i32
        %parallel_loop3A_580 = arith.cmpi slt, %parallel_loop3A_573, %parallel_loop3A_579 : i32
        %parallel_loop3A_581 = arith.extui %parallel_loop3A_580 : i1 to i32
        %parallel_loop3A_582 = arith.subi %parallel_loop3A_578, %parallel_loop3A_581 : i32
        %parallel_loop3A_583 = arith.constant 0 : i32
        %parallel_loop3A_584 = arith.cmpi sgt, %parallel_loop3A_574, %parallel_loop3A_583 : i32
        %parallel_loop3A_585 = arith.extui %parallel_loop3A_584 : i1 to i32
        %parallel_loop3A_586 = arith.constant 0 : i32
        %parallel_loop3A_587 = arith.cmpi slt, %parallel_loop3A_574, %parallel_loop3A_586 : i32
        %parallel_loop3A_588 = arith.extui %parallel_loop3A_587 : i1 to i32
        %parallel_loop3A_589 = arith.subi %parallel_loop3A_585, %parallel_loop3A_588 : i32
        %parallel_loop3A_590 = arith.cmpi ne, %parallel_loop3A_582, %parallel_loop3A_589 : i32
        %parallel_loop3A_591 = arith.remsi %parallel_loop3A_573, %parallel_loop3A_574 : i32
        %parallel_loop3A_592 = arith.constant 0 : i32
        %parallel_loop3A_593 = arith.cmpi ne, %parallel_loop3A_591, %parallel_loop3A_592 : i32
        %parallel_loop3A_594 = arith.andi %parallel_loop3A_590, %parallel_loop3A_593 : i1
        %parallel_loop3A_595 = arith.constant 1 : i32
        %parallel_loop3A_596 = arith.subi %parallel_loop3A_575, %parallel_loop3A_595 : i32
        %parallel_loop3A_597 = arith.select %parallel_loop3A_594, %parallel_loop3A_596, %parallel_loop3A_575 : i32
        %parallel_loop3A_598 = arith.constant 8 : i32
        %parallel_loop3A_599 = arith.constant 0 : i32
        %parallel_loop3A_600 = arith.cmpi eq, %parallel_loop3A_598, %parallel_loop3A_599 : i32
        %parallel_loop3A_601 = arith.constant 1 : i32
        %parallel_loop3A_602 = arith.select %parallel_loop3A_600, %parallel_loop3A_601, %parallel_loop3A_598 : i32
        %parallel_loop3A_603 = arith.remsi %parallel_loop3A_573, %parallel_loop3A_602 : i32
        %parallel_loop3A_604 = arith.constant 0 : i32
        %parallel_loop3A_605 = arith.cmpi ne, %parallel_loop3A_603, %parallel_loop3A_604 : i32
        %parallel_loop3A_606 = arith.constant 0 : i32
        %parallel_loop3A_607 = arith.cmpi slt, %parallel_loop3A_603, %parallel_loop3A_606 : i32
        %parallel_loop3A_608 = arith.constant 0 : i32
        %parallel_loop3A_609 = arith.cmpi slt, %parallel_loop3A_602, %parallel_loop3A_608 : i32
        %parallel_loop3A_610 = arith.xori %parallel_loop3A_607, %parallel_loop3A_609 : i1
        %parallel_loop3A_611 = arith.andi %parallel_loop3A_610, %parallel_loop3A_605 : i1
        %parallel_loop3A_612 = arith.addi %parallel_loop3A_603, %parallel_loop3A_602 : i32
        %parallel_loop3A_613 = arith.select %parallel_loop3A_611, %parallel_loop3A_612, %parallel_loop3A_603 : i32
        %parallel_loop3A_614 = arith.constant 16 : i32
        %parallel_loop3A_615 = arith.muli %parallel_loop3A_613, %parallel_loop3A_614 : i32
        %parallel_loop3A_616 = arith.index_cast %parallel_loop3A_597 : i32 to index
        %parallel_loop3A_617 = arith.index_cast %parallel_loop3A_615 : i32 to index
        %parallel_loop3A_618 = tpu.vector_load %arg9[%parallel_loop3A_616, %parallel_loop3A_617] {strides = array<i32>} : memref<128x128xi32, #tpu.memory_space<vmem>>, vector<16xi32>,
        %parallel_loop3A_619 = arith.constant 16 : i32
        %parallel_loop3A_620 = arith.muli %parallel_loop3A_613, %parallel_loop3A_619 : i32
        %parallel_loop3A_621 = arith.constant 136 : i32
        %parallel_loop3A_622 = arith.muli %parallel_loop3A_620, %parallel_loop3A_621 : i32
        %parallel_loop3A_623 = arith.addi %parallel_loop3A_622, %parallel_loop3A_597 : i32
        %parallel_loop3A_624 = vector.broadcast %parallel_loop3A_623 : i32 to vector<16xi32>
        %parallel_loop3A_625 = arith.addi %mul3A_3, %parallel_loop3A_624 : vector<16xi32>
        tpu.vector_store_idx %arg10[%parallel_loop3A_625], %parallel_loop3A_618 : memref<17408xi32, #tpu.memory_space<vmem>>[vector<16xi32>], vector<16xi32>,
      } {sc.loop_unroll_factor = 1 : i64, sc.parallel_access}
      %dma_start3A_563 = tpu.memref_slice %arg3[%select_n3A_477, %mul3A_537, %mul3A_519] : memref<8x512x512xi32, #tpu.memory_space<hbm>> -> memref<1x128x128xi32, #tpu.memory_space<hbm>>
      %dma_start3A_564 = tpu.memref_squeeze %dma_start3A_563 : memref<1x128x128xi32, #tpu.memory_space<hbm>> -> memref<128x128xi32, #tpu.memory_space<hbm>>
      %dma_start3A_565 = tpu.memref_slice %arg3[%select_n3A_477, %mul3A_537, %mul3A_519] : memref<8x512x512xi32, #tpu.memory_space<hbm>> -> memref<1x128x128xi32, #tpu.memory_space<hbm>>
      %dma_start3A_566 = tpu.memref_squeeze %dma_start3A_565 : memref<1x128x128xi32, #tpu.memory_space<hbm>> -> memref<128x128xi32, #tpu.memory_space<hbm>>
      tpu.enqueue_dma source(%dma_start3A_566 : memref<128x128xi32, #tpu.memory_space<hbm>>) target(%arg9 : memref<128x128xi32, #tpu.memory_space<vmem>>) target_semaphore(%arg19 : memref<!tpu.dma_semaphore, #tpu.memory_space<semaphore_mem>>)
      %scan3A_567 = arith.constant 0 : i32
      %scan3A_568 = arith.constant 0 : i32
      %scan3A_569 = arith.constant 8 : i32
      %scan3A_570 = arith.addi %scan3A_568, %scan3A_569 : i32
      %scan3A_571 = arith.constant 1 : i32
      scf.for %scan3A_573 = %scan3A_568 to %scan3A_570 step %scan3A_571  : i32 {
        %mul3A_574 = arith.constant 2 : i32
        %mul3A_575 = arith.muli %scan3A_573, %mul3A_574 : i32
        %add3A_576 = arith.constant 0 : i32
        %add3A_577 = arith.addi %mul3A_575, %add3A_576 : i32
        %mul3A_578 = arith.constant 8 : i32
        %mul3A_579 = arith.muli %add3A_577, %mul3A_578 : i32
        %add3A_580 = arith.addi %mul3A_431, %mul3A_579 : i32
        %dma_wait3A_581 = arith.constant 0 : i32
        %dma_wait3A_582 = tpu.memref_slice %arg6[%select_n3A_389, %dma_wait3A_581, %add3A_580, %mul3A_449] : memref<8x16x512x512xf32, #tpu.memory_space<hbm>> -> memref<1x16x8x128xf32, #tpu.memory_space<hbm>>
        %dma_wait3A_583 = tpu.memref_squeeze %dma_wait3A_582 : memref<1x16x8x128xf32, #tpu.memory_space<hbm>> -> memref<16x8x128xf32, #tpu.memory_space<hbm>>
        %dma_wait3A_584 = arith.constant 0 : i32
        %dma_wait3A_585 = tpu.memref_slice %arg6[%select_n3A_389, %dma_wait3A_584, %add3A_580, %mul3A_449] : memref<8x16x512x512xf32, #tpu.memory_space<hbm>> -> memref<1x16x8x128xf32, #tpu.memory_space<hbm>>
        %dma_wait3A_586 = tpu.memref_squeeze %dma_wait3A_585 : memref<1x16x8x128xf32, #tpu.memory_space<hbm>> -> memref<16x8x128xf32, #tpu.memory_space<hbm>>
        tpu.wait_dma2 semaphore(%arg16 : memref<!tpu.dma_semaphore, #tpu.memory_space<semaphore_mem>>) src(%arg14 : memref<16x8x128xf32, #tpu.memory_space<vmem>>) dst(%dma_wait3A_586 : memref<16x8x128xf32, #tpu.memory_space<hbm>>)
        %parallel_loop3A_587 = arith.constant 0 : i32
        %parallel_loop3A_588 = arith.constant 64 : i32
        %parallel_loop3A_589 = arith.constant 1 : i32
        scf.for %parallel_loop3A_618 = %parallel_loop3A_587 to %parallel_loop3A_588 step %parallel_loop3A_589  : i32 {
          %parallel_loop3A_619 = arith.constant 8 : i32
          %parallel_loop3A_620 = arith.divsi %parallel_loop3A_618, %parallel_loop3A_619 : i32
          %parallel_loop3A_621 = arith.constant 0 : i32
          %parallel_loop3A_622 = arith.cmpi sgt, %parallel_loop3A_618, %parallel_loop3A_621 : i32
          %parallel_loop3A_623 = arith.extui %parallel_loop3A_622 : i1 to i32
          %parallel_loop3A_624 = arith.constant 0 : i32
          %parallel_loop3A_625 = arith.cmpi slt, %parallel_loop3A_618, %parallel_loop3A_624 : i32
          %parallel_loop3A_626 = arith.extui %parallel_loop3A_625 : i1 to i32
          %parallel_loop3A_627 = arith.subi %parallel_loop3A_623, %parallel_loop3A_626 : i32
          %parallel_loop3A_628 = arith.constant 0 : i32
          %parallel_loop3A_629 = arith.cmpi sgt, %parallel_loop3A_619, %parallel_loop3A_628 : i32
          %parallel_loop3A_630 = arith.extui %parallel_loop3A_629 : i1 to i32
          %parallel_loop3A_631 = arith.constant 0 : i32
          %parallel_loop3A_632 = arith.cmpi slt, %parallel_loop3A_619, %parallel_loop3A_631 : i32
          %parallel_loop3A_633 = arith.extui %parallel_loop3A_632 : i1 to i32
          %parallel_loop3A_634 = arith.subi %parallel_loop3A_630, %parallel_loop3A_633 : i32
          %parallel_loop3A_635 = arith.cmpi ne, %parallel_loop3A_627, %parallel_loop3A_634 : i32
          %parallel_loop3A_636 = arith.remsi %parallel_loop3A_618, %parallel_loop3A_619 : i32
          %parallel_loop3A_637 = arith.constant 0 : i32
          %parallel_loop3A_638 = arith.cmpi ne, %parallel_loop3A_636, %parallel_loop3A_637 : i32
          %parallel_loop3A_639 = arith.andi %parallel_loop3A_635, %parallel_loop3A_638 : i1
          %parallel_loop3A_640 = arith.constant 1 : i32
          %parallel_loop3A_641 = arith.subi %parallel_loop3A_620, %parallel_loop3A_640 : i32
          %parallel_loop3A_642 = arith.select %parallel_loop3A_639, %parallel_loop3A_641, %parallel_loop3A_620 : i32
          %parallel_loop3A_643 = arith.constant 8 : i32
          %parallel_loop3A_644 = arith.constant 0 : i32
          %parallel_loop3A_645 = arith.cmpi eq, %parallel_loop3A_643, %parallel_loop3A_644 : i32
          %parallel_loop3A_646 = arith.constant 1 : i32
          %parallel_loop3A_647 = arith.select %parallel_loop3A_645, %parallel_loop3A_646, %parallel_loop3A_643 : i32
          %parallel_loop3A_648 = arith.remsi %parallel_loop3A_618, %parallel_loop3A_647 : i32
          %parallel_loop3A_649 = arith.constant 0 : i32
          %parallel_loop3A_650 = arith.cmpi ne, %parallel_loop3A_648, %parallel_loop3A_649 : i32
          %parallel_loop3A_651 = arith.constant 0 : i32
          %parallel_loop3A_652 = arith.cmpi slt, %parallel_loop3A_648, %parallel_loop3A_651 : i32
          %parallel_loop3A_653 = arith.constant 0 : i32
          %parallel_loop3A_654 = arith.cmpi slt, %parallel_loop3A_647, %parallel_loop3A_653 : i32
          %parallel_loop3A_655 = arith.xori %parallel_loop3A_652, %parallel_loop3A_654 : i1
          %parallel_loop3A_656 = arith.andi %parallel_loop3A_655, %parallel_loop3A_650 : i1
          %parallel_loop3A_657 = arith.addi %parallel_loop3A_648, %parallel_loop3A_647 : i32
          %parallel_loop3A_658 = arith.select %parallel_loop3A_656, %parallel_loop3A_657, %parallel_loop3A_648 : i32
          %parallel_loop3A_659 = arith.constant 8 : i32
          %parallel_loop3A_660 = arith.muli %add3A_577, %parallel_loop3A_659 : i32
          %parallel_loop3A_661 = arith.addi %parallel_loop3A_660, %parallel_loop3A_642 : i32
          %parallel_loop3A_662 = arith.constant 16 : i32
          %parallel_loop3A_663 = arith.muli %parallel_loop3A_658, %parallel_loop3A_662 : i32
          %parallel_loop3A_664 = arith.index_cast %parallel_loop3A_661 : i32 to index
          %parallel_loop3A_665 = arith.index_cast %parallel_loop3A_663 : i32 to index
          %parallel_loop3A_666 = tpu.vector_load %arg8[%parallel_loop3A_664, %parallel_loop3A_665] {strides = array<i32>} : memref<128x128xi32, #tpu.memory_space<vmem>>, vector<16xi32>,
          %parallel_loop3A_667 = arith.constant 136 : i32
          %parallel_loop3A_668 = arith.muli %parallel_loop3A_661, %parallel_loop3A_667 : i32
          %parallel_loop3A_669 = arith.constant 16 : i32
          %parallel_loop3A_670 = arith.muli %parallel_loop3A_658, %parallel_loop3A_669 : i32
          %parallel_loop3A_671 = arith.addi %parallel_loop3A_668, %parallel_loop3A_670 : i32
          %parallel_loop3A_672 = arith.index_cast %parallel_loop3A_671 : i32 to index
          %parallel_loop3A_673 = tpu.vector_load %arg10[%parallel_loop3A_672] {strides = array<i32>} : memref<17408xi32, #tpu.memory_space<vmem>>, vector<16xi32>,
          %parallel_loop3A_674 = arith.constant 16 : i32
          %parallel_loop3A_675 = arith.muli %parallel_loop3A_658, %parallel_loop3A_674 : i32
          %parallel_loop3A_676 = arith.index_cast %parallel_loop3A_661 : i32 to index
          %parallel_loop3A_677 = arith.index_cast %parallel_loop3A_675 : i32 to index
          %parallel_loop3A_678 = tpu.vector_load %arg11[%parallel_loop3A_676, %parallel_loop3A_677] {strides = array<i32>} : memref<128x128xf32, #tpu.memory_space<vmem>>, vector<16xf32>,
          %parallel_loop3A_679 = arith.constant 0 : i32
          %parallel_loop3A_680 = vector.broadcast %parallel_loop3A_679 : i32 to vector<16xi32>
          %parallel_loop3A_681 = arith.addi %parallel_loop3A_666, %parallel_loop3A_680 : vector<16xi32>
          %parallel_loop3A_682 = tpu.vector_load_idx %arg12[%parallel_loop3A_681] : memref<4096xi32, #tpu.memory_space<vmem>>[vector<16xi32>], vector<16xi32>,
          %parallel_loop3A_683 = arith.constant 0 : i32
          %parallel_loop3A_684 = vector.broadcast %parallel_loop3A_683 : i32 to vector<16xi32>
          %parallel_loop3A_685 = arith.addi %parallel_loop3A_673, %parallel_loop3A_684 : vector<16xi32>
          %parallel_loop3A_686 = tpu.vector_load_idx %arg13[%parallel_loop3A_685] : memref<4096xi32, #tpu.memory_space<vmem>>[vector<16xi32>], vector<16xi32>,
          %parallel_loop3A_687 = vector.bitcast %parallel_loop3A_682 : vector<16xi32> to vector<32xbf16>
          %parallel_loop3A_688 = vector.bitcast %parallel_loop3A_686 : vector<16xi32> to vector<32xbf16>
          %parallel_loop3A_689 = arith.addf %parallel_loop3A_687, %parallel_loop3A_688 : vector<32xbf16>
          %parallel_loop3A_690 = tpu.unpack_subelements %parallel_loop3A_689, 0 {pack_format = #tpu.pack_format<interleaved>} : vector<32xbf16> -> vector<16xf32>
          %parallel_loop3A_691 = tpu.unpack_subelements %parallel_loop3A_689, 1 {pack_format = #tpu.pack_format<interleaved>} : vector<32xbf16> -> vector<16xf32>
          %parallel_loop3A_692 = arith.addf %parallel_loop3A_690, %parallel_loop3A_678 : vector<16xf32>
          %parallel_loop3A_693 = arith.constant 16 : i32
          %parallel_loop3A_694 = arith.muli %parallel_loop3A_658, %parallel_loop3A_693 : i32
          %parallel_loop3A_695 = arith.constant 0 : i32
          %parallel_loop3A_696 = arith.index_cast %parallel_loop3A_695 : i32 to index
          %parallel_loop3A_697 = arith.index_cast %parallel_loop3A_642 : i32 to index
          %parallel_loop3A_698 = arith.index_cast %parallel_loop3A_694 : i32 to index
          %parallel_loop3A_699 = tpu.vector_load %arg14[%parallel_loop3A_696, %parallel_loop3A_697, %parallel_loop3A_698] {strides = array<i32>} : memref<16x8x128xf32, #tpu.memory_space<vmem>>, vector<16xf32>,
          tpu.vector_store %arg14[%parallel_loop3A_696, %parallel_loop3A_697, %parallel_loop3A_698], %parallel_loop3A_692 {strides = array<i32>} : memref<16x8x128xf32, #tpu.memory_space<vmem>>, vector<16xf32>,
          %parallel_loop3A_700 = arith.addf %parallel_loop3A_691, %parallel_loop3A_678 : vector<16xf32>
          %parallel_loop3A_701 = arith.constant 16 : i32
          %parallel_loop3A_702 = arith.muli %parallel_loop3A_658, %parallel_loop3A_701 : i32
          %parallel_loop3A_703 = arith.constant 1 : i32
          %parallel_loop3A_704 = arith.index_cast %parallel_loop3A_703 : i32 to index
          %parallel_loop3A_705 = arith.index_cast %parallel_loop3A_642 : i32 to index
          %parallel_loop3A_706 = arith.index_cast %parallel_loop3A_702 : i32 to index
          %parallel_loop3A_707 = tpu.vector_load %arg14[%parallel_loop3A_704, %parallel_loop3A_705, %parallel_loop3A_706] {strides = array<i32>} : memref<16x8x128xf32, #tpu.memory_space<vmem>>, vector<16xf32>,
          tpu.vector_store %arg14[%parallel_loop3A_704, %parallel_loop3A_705, %parallel_loop3A_706], %parallel_loop3A_700 {strides = array<i32>} : memref<16x8x128xf32, #tpu.memory_space<vmem>>, vector<16xf32>,
          %parallel_loop3A_708 = arith.constant 512 : i32
          %parallel_loop3A_709 = vector.broadcast %parallel_loop3A_708 : i32 to vector<16xi32>
          %parallel_loop3A_710 = arith.addi %parallel_loop3A_666, %parallel_loop3A_709 : vector<16xi32>
          %parallel_loop3A_711 = tpu.vector_load_idx %arg12[%parallel_loop3A_710] : memref<4096xi32, #tpu.memory_space<vmem>>[vector<16xi32>], vector<16xi32>,
          %parallel_loop3A_712 = arith.constant 512 : i32
          %parallel_loop3A_713 = vector.broadcast %parallel_loop3A_712 : i32 to vector<16xi32>
          %parallel_loop3A_714 = arith.addi %parallel_loop3A_673, %parallel_loop3A_713 : vector<16xi32>
          %parallel_loop3A_715 = tpu.vector_load_idx %arg13[%parallel_loop3A_714] : memref<4096xi32, #tpu.memory_space<vmem>>[vector<16xi32>], vector<16xi32>,
          %parallel_loop3A_716 = vector.bitcast %parallel_loop3A_711 : vector<16xi32> to vector<32xbf16>
          %parallel_loop3A_717 = vector.bitcast %parallel_loop3A_715 : vector<16xi32> to vector<32xbf16>
          %parallel_loop3A_718 = arith.addf %parallel_loop3A_716, %parallel_loop3A_717 : vector<32xbf16>
          %parallel_loop3A_719 = tpu.unpack_subelements %parallel_loop3A_718, 0 {pack_format = #tpu.pack_format<interleaved>} : vector<32xbf16> -> vector<16xf32>
          %parallel_loop3A_720 = tpu.unpack_subelements %parallel_loop3A_718, 1 {pack_format = #tpu.pack_format<interleaved>} : vector<32xbf16> -> vector<16xf32>
          %parallel_loop3A_721 = arith.addf %parallel_loop3A_719, %parallel_loop3A_678 : vector<16xf32>
          %parallel_loop3A_722 = arith.constant 16 : i32
          %parallel_loop3A_723 = arith.muli %parallel_loop3A_658, %parallel_loop3A_722 : i32
          %parallel_loop3A_724 = arith.constant 2 : i32
          %parallel_loop3A_725 = arith.index_cast %parallel_loop3A_724 : i32 to index
          %parallel_loop3A_726 = arith.index_cast %parallel_loop3A_642 : i32 to index
          %parallel_loop3A_727 = arith.index_cast %parallel_loop3A_723 : i32 to index
          %parallel_loop3A_728 = tpu.vector_load %arg14[%parallel_loop3A_725, %parallel_loop3A_726, %parallel_loop3A_727] {strides = array<i32>} : memref<16x8x128xf32, #tpu.memory_space<vmem>>, vector<16xf32>,
          tpu.vector_store %arg14[%parallel_loop3A_725, %parallel_loop3A_726, %parallel_loop3A_727], %parallel_loop3A_721 {strides = array<i32>} : memref<16x8x128xf32, #tpu.memory_space<vmem>>, vector<16xf32>,
          %parallel_loop3A_729 = arith.addf %parallel_loop3A_720, %parallel_loop3A_678 : vector<16xf32>
          %parallel_loop3A_730 = arith.constant 16 : i32
          %parallel_loop3A_731 = arith.muli %parallel_loop3A_658, %parallel_loop3A_730 : i32
          %parallel_loop3A_732 = arith.constant 3 : i32
          %parallel_loop3A_733 = arith.index_cast %parallel_loop3A_732 : i32 to index
          %parallel_loop3A_734 = arith.index_cast %parallel_loop3A_642 : i32 to index
          %parallel_loop3A_735 = arith.index_cast %parallel_loop3A_731 : i32 to index
          %parallel_loop3A_736 = tpu.vector_load %arg14[%parallel_loop3A_733, %parallel_loop3A_734, %parallel_loop3A_735] {strides = array<i32>} : memref<16x8x128xf32, #tpu.memory_space<vmem>>, vector<16xf32>,
          tpu.vector_store %arg14[%parallel_loop3A_733, %parallel_loop3A_734, %parallel_loop3A_735], %parallel_loop3A_729 {strides = array<i32>} : memref<16x8x128xf32, #tpu.memory_space<vmem>>, vector<16xf32>,
          %parallel_loop3A_737 = arith.constant 1024 : i32
          %parallel_loop3A_738 = vector.broadcast %parallel_loop3A_737 : i32 to vector<16xi32>
          %parallel_loop3A_739 = arith.addi %parallel_loop3A_666, %parallel_loop3A_738 : vector<16xi32>
          %parallel_loop3A_740 = tpu.vector_load_idx %arg12[%parallel_loop3A_739] : memref<4096xi32, #tpu.memory_space<vmem>>[vector<16xi32>], vector<16xi32>,
          %parallel_loop3A_741 = arith.constant 1024 : i32
          %parallel_loop3A_742 = vector.broadcast %parallel_loop3A_741 : i32 to vector<16xi32>
          %parallel_loop3A_743 = arith.addi %parallel_loop3A_673, %parallel_loop3A_742 : vector<16xi32>
          %parallel_loop3A_744 = tpu.vector_load_idx %arg13[%parallel_loop3A_743] : memref<4096xi32, #tpu.memory_space<vmem>>[vector<16xi32>], vector<16xi32>,
          %parallel_loop3A_745 = vector.bitcast %parallel_loop3A_740 : vector<16xi32> to vector<32xbf16>
          %parallel_loop3A_746 = vector.bitcast %parallel_loop3A_744 : vector<16xi32> to vector<32xbf16>
          %parallel_loop3A_747 = arith.addf %parallel_loop3A_745, %parallel_loop3A_746 : vector<32xbf16>
          %parallel_loop3A_748 = tpu.unpack_subelements %parallel_loop3A_747, 0 {pack_format = #tpu.pack_format<interleaved>} : vector<32xbf16> -> vector<16xf32>
          %parallel_loop3A_749 = tpu.unpack_subelements %parallel_loop3A_747, 1 {pack_format = #tpu.pack_format<interleaved>} : vector<32xbf16> -> vector<16xf32>
          %parallel_loop3A_750 = arith.addf %parallel_loop3A_748, %parallel_loop3A_678 : vector<16xf32>
          %parallel_loop3A_751 = arith.constant 16 : i32
          %parallel_loop3A_752 = arith.muli %parallel_loop3A_658, %parallel_loop3A_751 : i32
          %parallel_loop3A_753 = arith.constant 4 : i32
          %parallel_loop3A_754 = arith.index_cast %parallel_loop3A_753 : i32 to index
          %parallel_loop3A_755 = arith.index_cast %parallel_loop3A_642 : i32 to index
          %parallel_loop3A_756 = arith.index_cast %parallel_loop3A_752 : i32 to index
          %parallel_loop3A_757 = tpu.vector_load %arg14[%parallel_loop3A_754, %parallel_loop3A_755, %parallel_loop3A_756] {strides = array<i32>} : memref<16x8x128xf32, #tpu.memory_space<vmem>>, vector<16xf32>,
          tpu.vector_store %arg14[%parallel_loop3A_754, %parallel_loop3A_755, %parallel_loop3A_756], %parallel_loop3A_750 {strides = array<i32>} : memref<16x8x128xf32, #tpu.memory_space<vmem>>, vector<16xf32>,
          %parallel_loop3A_758 = arith.addf %parallel_loop3A_749, %parallel_loop3A_678 : vector<16xf32>
          %parallel_loop3A_759 = arith.constant 16 : i32
          %parallel_loop3A_760 = arith.muli %parallel_loop3A_658, %parallel_loop3A_759 : i32
          %parallel_loop3A_761 = arith.constant 5 : i32
          %parallel_loop3A_762 = arith.index_cast %parallel_loop3A_761 : i32 to index
          %parallel_loop3A_763 = arith.index_cast %parallel_loop3A_642 : i32 to index
          %parallel_loop3A_764 = arith.index_cast %parallel_loop3A_760 : i32 to index
          %parallel_loop3A_765 = tpu.vector_load %arg14[%parallel_loop3A_762, %parallel_loop3A_763, %parallel_loop3A_764] {strides = array<i32>} : memref<16x8x128xf32, #tpu.memory_space<vmem>>, vector<16xf32>,
          tpu.vector_store %arg14[%parallel_loop3A_762, %parallel_loop3A_763, %parallel_loop3A_764], %parallel_loop3A_758 {strides = array<i32>} : memref<16x8x128xf32, #tpu.memory_space<vmem>>, vector<16xf32>,
          %parallel_loop3A_766 = arith.constant 1536 : i32
          %parallel_loop3A_767 = vector.broadcast %parallel_loop3A_766 : i32 to vector<16xi32>
          %parallel_loop3A_768 = arith.addi %parallel_loop3A_666, %parallel_loop3A_767 : vector<16xi32>
          %parallel_loop3A_769 = tpu.vector_load_idx %arg12[%parallel_loop3A_768] : memref<4096xi32, #tpu.memory_space<vmem>>[vector<16xi32>], vector<16xi32>,
          %parallel_loop3A_770 = arith.constant 1536 : i32
          %parallel_loop3A_771 = vector.broadcast %parallel_loop3A_770 : i32 to vector<16xi32>
          %parallel_loop3A_772 = arith.addi %parallel_loop3A_673, %parallel_loop3A_771 : vector<16xi32>
          %parallel_loop3A_773 = tpu.vector_load_idx %arg13[%parallel_loop3A_772] : memref<4096xi32, #tpu.memory_space<vmem>>[vector<16xi32>], vector<16xi32>,
          %parallel_loop3A_774 = vector.bitcast %parallel_loop3A_769 : vector<16xi32> to vector<32xbf16>
          %parallel_loop3A_775 = vector.bitcast %parallel_loop3A_773 : vector<16xi32> to vector<32xbf16>
          %parallel_loop3A_776 = arith.addf %parallel_loop3A_774, %parallel_loop3A_775 : vector<32xbf16>
          %parallel_loop3A_777 = tpu.unpack_subelements %parallel_loop3A_776, 0 {pack_format = #tpu.pack_format<interleaved>} : vector<32xbf16> -> vector<16xf32>
          %parallel_loop3A_778 = tpu.unpack_subelements %parallel_loop3A_776, 1 {pack_format = #tpu.pack_format<interleaved>} : vector<32xbf16> -> vector<16xf32>
          %parallel_loop3A_779 = arith.addf %parallel_loop3A_777, %parallel_loop3A_678 : vector<16xf32>
          %parallel_loop3A_780 = arith.constant 16 : i32
          %parallel_loop3A_781 = arith.muli %parallel_loop3A_658, %parallel_loop3A_780 : i32
          %parallel_loop3A_782 = arith.constant 6 : i32
          %parallel_loop3A_783 = arith.index_cast %parallel_loop3A_782 : i32 to index
          %parallel_loop3A_784 = arith.index_cast %parallel_loop3A_642 : i32 to index
          %parallel_loop3A_785 = arith.index_cast %parallel_loop3A_781 : i32 to index
          %parallel_loop3A_786 = tpu.vector_load %arg14[%parallel_loop3A_783, %parallel_loop3A_784, %parallel_loop3A_785] {strides = array<i32>} : memref<16x8x128xf32, #tpu.memory_space<vmem>>, vector<16xf32>,
          tpu.vector_store %arg14[%parallel_loop3A_783, %parallel_loop3A_784, %parallel_loop3A_785], %parallel_loop3A_779 {strides = array<i32>} : memref<16x8x128xf32, #tpu.memory_space<vmem>>, vector<16xf32>,
          %parallel_loop3A_787 = arith.addf %parallel_loop3A_778, %parallel_loop3A_678 : vector<16xf32>
          %parallel_loop3A_788 = arith.constant 16 : i32
          %parallel_loop3A_789 = arith.muli %parallel_loop3A_658, %parallel_loop3A_788 : i32
          %parallel_loop3A_790 = arith.constant 7 : i32
          %parallel_loop3A_791 = arith.index_cast %parallel_loop3A_790 : i32 to index
          %parallel_loop3A_792 = arith.index_cast %parallel_loop3A_642 : i32 to index
          %parallel_loop3A_793 = arith.index_cast %parallel_loop3A_789 : i32 to index
          %parallel_loop3A_794 = tpu.vector_load %arg14[%parallel_loop3A_791, %parallel_loop3A_792, %parallel_loop3A_793] {strides = array<i32>} : memref<16x8x128xf32, #tpu.memory_space<vmem>>, vector<16xf32>,
          tpu.vector_store %arg14[%parallel_loop3A_791, %parallel_loop3A_792, %parallel_loop3A_793], %parallel_loop3A_787 {strides = array<i32>} : memref<16x8x128xf32, #tpu.memory_space<vmem>>, vector<16xf32>,
          %parallel_loop3A_795 = arith.constant 2048 : i32
          %parallel_loop3A_796 = vector.broadcast %parallel_loop3A_795 : i32 to vector<16xi32>
          %parallel_loop3A_797 = arith.addi %parallel_loop3A_666, %parallel_loop3A_796 : vector<16xi32>
          %parallel_loop3A_798 = tpu.vector_load_idx %arg12[%parallel_loop3A_797] : memref<4096xi32, #tpu.memory_space<vmem>>[vector<16xi32>], vector<16xi32>,
          %parallel_loop3A_799 = arith.constant 2048 : i32
          %parallel_loop3A_800 = vector.broadcast %parallel_loop3A_799 : i32 to vector<16xi32>
          %parallel_loop3A_801 = arith.addi %parallel_loop3A_673, %parallel_loop3A_800 : vector<16xi32>
          %parallel_loop3A_802 = tpu.vector_load_idx %arg13[%parallel_loop3A_801] : memref<4096xi32, #tpu.memory_space<vmem>>[vector<16xi32>], vector<16xi32>,
          %parallel_loop3A_803 = vector.bitcast %parallel_loop3A_798 : vector<16xi32> to vector<32xbf16>
          %parallel_loop3A_804 = vector.bitcast %parallel_loop3A_802 : vector<16xi32> to vector<32xbf16>
          %parallel_loop3A_805 = arith.addf %parallel_loop3A_803, %parallel_loop3A_804 : vector<32xbf16>
          %parallel_loop3A_806 = tpu.unpack_subelements %parallel_loop3A_805, 0 {pack_format = #tpu.pack_format<interleaved>} : vector<32xbf16> -> vector<16xf32>
          %parallel_loop3A_807 = tpu.unpack_subelements %parallel_loop3A_805, 1 {pack_format = #tpu.pack_format<interleaved>} : vector<32xbf16> -> vector<16xf32>
          %parallel_loop3A_808 = arith.addf %parallel_loop3A_806, %parallel_loop3A_678 : vector<16xf32>
          %parallel_loop3A_809 = arith.constant 16 : i32
          %parallel_loop3A_810 = arith.muli %parallel_loop3A_658, %parallel_loop3A_809 : i32
          %parallel_loop3A_811 = arith.constant 8 : i32
          %parallel_loop3A_812 = arith.index_cast %parallel_loop3A_811 : i32 to index
          %parallel_loop3A_813 = arith.index_cast %parallel_loop3A_642 : i32 to index
          %parallel_loop3A_814 = arith.index_cast %parallel_loop3A_810 : i32 to index
          %parallel_loop3A_815 = tpu.vector_load %arg14[%parallel_loop3A_812, %parallel_loop3A_813, %parallel_loop3A_814] {strides = array<i32>} : memref<16x8x128xf32, #tpu.memory_space<vmem>>, vector<16xf32>,
          tpu.vector_store %arg14[%parallel_loop3A_812, %parallel_loop3A_813, %parallel_loop3A_814], %parallel_loop3A_808 {strides = array<i32>} : memref<16x8x128xf32, #tpu.memory_space<vmem>>, vector<16xf32>,
          %parallel_loop3A_816 = arith.addf %parallel_loop3A_807, %parallel_loop3A_678 : vector<16xf32>
          %parallel_loop3A_817 = arith.constant 16 : i32
          %parallel_loop3A_818 = arith.muli %parallel_loop3A_658, %parallel_loop3A_817 : i32
          %parallel_loop3A_819 = arith.constant 9 : i32
          %parallel_loop3A_820 = arith.index_cast %parallel_loop3A_819 : i32 to index
          %parallel_loop3A_821 = arith.index_cast %parallel_loop3A_642 : i32 to index
          %parallel_loop3A_822 = arith.index_cast %parallel_loop3A_818 : i32 to index
          %parallel_loop3A_823 = tpu.vector_load %arg14[%parallel_loop3A_820, %parallel_loop3A_821, %parallel_loop3A_822] {strides = array<i32>} : memref<16x8x128xf32, #tpu.memory_space<vmem>>, vector<16xf32>,
          tpu.vector_store %arg14[%parallel_loop3A_820, %parallel_loop3A_821, %parallel_loop3A_822], %parallel_loop3A_816 {strides = array<i32>} : memref<16x8x128xf32, #tpu.memory_space<vmem>>, vector<16xf32>,
          %parallel_loop3A_824 = arith.constant 2560 : i32
          %parallel_loop3A_825 = vector.broadcast %parallel_loop3A_824 : i32 to vector<16xi32>
          %parallel_loop3A_826 = arith.addi %parallel_loop3A_666, %parallel_loop3A_825 : vector<16xi32>
          %parallel_loop3A_827 = tpu.vector_load_idx %arg12[%parallel_loop3A_826] : memref<4096xi32, #tpu.memory_space<vmem>>[vector<16xi32>], vector<16xi32>,
          %parallel_loop3A_828 = arith.constant 2560 : i32
          %parallel_loop3A_829 = vector.broadcast %parallel_loop3A_828 : i32 to vector<16xi32>
          %parallel_loop3A_830 = arith.addi %parallel_loop3A_673, %parallel_loop3A_829 : vector<16xi32>
          %parallel_loop3A_831 = tpu.vector_load_idx %arg13[%parallel_loop3A_830] : memref<4096xi32, #tpu.memory_space<vmem>>[vector<16xi32>], vector<16xi32>,
          %parallel_loop3A_832 = vector.bitcast %parallel_loop3A_827 : vector<16xi32> to vector<32xbf16>
          %parallel_loop3A_833 = vector.bitcast %parallel_loop3A_831 : vector<16xi32> to vector<32xbf16>
          %parallel_loop3A_834 = arith.addf %parallel_loop3A_832, %parallel_loop3A_833 : vector<32xbf16>
          %parallel_loop3A_835 = tpu.unpack_subelements %parallel_loop3A_834, 0 {pack_format = #tpu.pack_format<interleaved>} : vector<32xbf16> -> vector<16xf32>
          %parallel_loop3A_836 = tpu.unpack_subelements %parallel_loop3A_834, 1 {pack_format = #tpu.pack_format<interleaved>} : vector<32xbf16> -> vector<16xf32>
          %parallel_loop3A_837 = arith.addf %parallel_loop3A_835, %parallel_loop3A_678 : vector<16xf32>
          %parallel_loop3A_838 = arith.constant 16 : i32
          %parallel_loop3A_839 = arith.muli %parallel_loop3A_658, %parallel_loop3A_838 : i32
          %parallel_loop3A_840 = arith.constant 10 : i32
          %parallel_loop3A_841 = arith.index_cast %parallel_loop3A_840 : i32 to index
          %parallel_loop3A_842 = arith.index_cast %parallel_loop3A_642 : i32 to index
          %parallel_loop3A_843 = arith.index_cast %parallel_loop3A_839 : i32 to index
          %parallel_loop3A_844 = tpu.vector_load %arg14[%parallel_loop3A_841, %parallel_loop3A_842, %parallel_loop3A_843] {strides = array<i32>} : memref<16x8x128xf32, #tpu.memory_space<vmem>>, vector<16xf32>,
          tpu.vector_store %arg14[%parallel_loop3A_841, %parallel_loop3A_842, %parallel_loop3A_843], %parallel_loop3A_837 {strides = array<i32>} : memref<16x8x128xf32, #tpu.memory_space<vmem>>, vector<16xf32>,
          %parallel_loop3A_845 = arith.addf %parallel_loop3A_836, %parallel_loop3A_678 : vector<16xf32>
          %parallel_loop3A_846 = arith.constant 16 : i32
          %parallel_loop3A_847 = arith.muli %parallel_loop3A_658, %parallel_loop3A_846 : i32
          %parallel_loop3A_848 = arith.constant 11 : i32
          %parallel_loop3A_849 = arith.index_cast %parallel_loop3A_848 : i32 to index
          %parallel_loop3A_850 = arith.index_cast %parallel_loop3A_642 : i32 to index
          %parallel_loop3A_851 = arith.index_cast %parallel_loop3A_847 : i32 to index
          %parallel_loop3A_852 = tpu.vector_load %arg14[%parallel_loop3A_849, %parallel_loop3A_850, %parallel_loop3A_851] {strides = array<i32>} : memref<16x8x128xf32, #tpu.memory_space<vmem>>, vector<16xf32>,
          tpu.vector_store %arg14[%parallel_loop3A_849, %parallel_loop3A_850, %parallel_loop3A_851], %parallel_loop3A_845 {strides = array<i32>} : memref<16x8x128xf32, #tpu.memory_space<vmem>>, vector<16xf32>,
          %parallel_loop3A_853 = arith.constant 3072 : i32
          %parallel_loop3A_854 = vector.broadcast %parallel_loop3A_853 : i32 to vector<16xi32>
          %parallel_loop3A_855 = arith.addi %parallel_loop3A_666, %parallel_loop3A_854 : vector<16xi32>
          %parallel_loop3A_856 = tpu.vector_load_idx %arg12[%parallel_loop3A_855] : memref<4096xi32, #tpu.memory_space<vmem>>[vector<16xi32>], vector<16xi32>,
          %parallel_loop3A_857 = arith.constant 3072 : i32
          %parallel_loop3A_858 = vector.broadcast %parallel_loop3A_857 : i32 to vector<16xi32>
          %parallel_loop3A_859 = arith.addi %parallel_loop3A_673, %parallel_loop3A_858 : vector<16xi32>
          %parallel_loop3A_860 = tpu.vector_load_idx %arg13[%parallel_loop3A_859] : memref<4096xi32, #tpu.memory_space<vmem>>[vector<16xi32>], vector<16xi32>,
          %parallel_loop3A_861 = vector.bitcast %parallel_loop3A_856 : vector<16xi32> to vector<32xbf16>
          %parallel_loop3A_862 = vector.bitcast %parallel_loop3A_860 : vector<16xi32> to vector<32xbf16>
          %parallel_loop3A_863 = arith.addf %parallel_loop3A_861, %parallel_loop3A_862 : vector<32xbf16>
          %parallel_loop3A_864 = tpu.unpack_subelements %parallel_loop3A_863, 0 {pack_format = #tpu.pack_format<interleaved>} : vector<32xbf16> -> vector<16xf32>
          %parallel_loop3A_865 = tpu.unpack_subelements %parallel_loop3A_863, 1 {pack_format = #tpu.pack_format<interleaved>} : vector<32xbf16> -> vector<16xf32>
          %parallel_loop3A_866 = arith.addf %parallel_loop3A_864, %parallel_loop3A_678 : vector<16xf32>
          %parallel_loop3A_867 = arith.constant 16 : i32
          %parallel_loop3A_868 = arith.muli %parallel_loop3A_658, %parallel_loop3A_867 : i32
          %parallel_loop3A_869 = arith.constant 12 : i32
          %parallel_loop3A_870 = arith.index_cast %parallel_loop3A_869 : i32 to index
          %parallel_loop3A_871 = arith.index_cast %parallel_loop3A_642 : i32 to index
          %parallel_loop3A_872 = arith.index_cast %parallel_loop3A_868 : i32 to index
          %parallel_loop3A_873 = tpu.vector_load %arg14[%parallel_loop3A_870, %parallel_loop3A_871, %parallel_loop3A_872] {strides = array<i32>} : memref<16x8x128xf32, #tpu.memory_space<vmem>>, vector<16xf32>,
          tpu.vector_store %arg14[%parallel_loop3A_870, %parallel_loop3A_871, %parallel_loop3A_872], %parallel_loop3A_866 {strides = array<i32>} : memref<16x8x128xf32, #tpu.memory_space<vmem>>, vector<16xf32>,
          %parallel_loop3A_874 = arith.addf %parallel_loop3A_865, %parallel_loop3A_678 : vector<16xf32>
          %parallel_loop3A_875 = arith.constant 16 : i32
          %parallel_loop3A_876 = arith.muli %parallel_loop3A_658, %parallel_loop3A_875 : i32
          %parallel_loop3A_877 = arith.constant 13 : i32
          %parallel_loop3A_878 = arith.index_cast %parallel_loop3A_877 : i32 to index
          %parallel_loop3A_879 = arith.index_cast %parallel_loop3A_642 : i32 to index
          %parallel_loop3A_880 = arith.index_cast %parallel_loop3A_876 : i32 to index
          %parallel_loop3A_881 = tpu.vector_load %arg14[%parallel_loop3A_878, %parallel_loop3A_879, %parallel_loop3A_880] {strides = array<i32>} : memref<16x8x128xf32, #tpu.memory_space<vmem>>, vector<16xf32>,
          tpu.vector_store %arg14[%parallel_loop3A_878, %parallel_loop3A_879, %parallel_loop3A_880], %parallel_loop3A_874 {strides = array<i32>} : memref<16x8x128xf32, #tpu.memory_space<vmem>>, vector<16xf32>,
          %parallel_loop3A_882 = arith.constant 3584 : i32
          %parallel_loop3A_883 = vector.broadcast %parallel_loop3A_882 : i32 to vector<16xi32>
          %parallel_loop3A_884 = arith.addi %parallel_loop3A_666, %parallel_loop3A_883 : vector<16xi32>
          %parallel_loop3A_885 = tpu.vector_load_idx %arg12[%parallel_loop3A_884] : memref<4096xi32, #tpu.memory_space<vmem>>[vector<16xi32>], vector<16xi32>,
          %parallel_loop3A_886 = arith.constant 3584 : i32
          %parallel_loop3A_887 = vector.broadcast %parallel_loop3A_886 : i32 to vector<16xi32>
          %parallel_loop3A_888 = arith.addi %parallel_loop3A_673, %parallel_loop3A_887 : vector<16xi32>
          %parallel_loop3A_889 = tpu.vector_load_idx %arg13[%parallel_loop3A_888] : memref<4096xi32, #tpu.memory_space<vmem>>[vector<16xi32>], vector<16xi32>,
          %parallel_loop3A_890 = vector.bitcast %parallel_loop3A_885 : vector<16xi32> to vector<32xbf16>
          %parallel_loop3A_891 = vector.bitcast %parallel_loop3A_889 : vector<16xi32> to vector<32xbf16>
          %parallel_loop3A_892 = arith.addf %parallel_loop3A_890, %parallel_loop3A_891 : vector<32xbf16>
          %parallel_loop3A_893 = tpu.unpack_subelements %parallel_loop3A_892, 0 {pack_format = #tpu.pack_format<interleaved>} : vector<32xbf16> -> vector<16xf32>
          %parallel_loop3A_894 = tpu.unpack_subelements %parallel_loop3A_892, 1 {pack_format = #tpu.pack_format<interleaved>} : vector<32xbf16> -> vector<16xf32>
          %parallel_loop3A_895 = arith.addf %parallel_loop3A_893, %parallel_loop3A_678 : vector<16xf32>
          %parallel_loop3A_896 = arith.constant 16 : i32
          %parallel_loop3A_897 = arith.muli %parallel_loop3A_658, %parallel_loop3A_896 : i32
          %parallel_loop3A_898 = arith.constant 14 : i32
          %parallel_loop3A_899 = arith.index_cast %parallel_loop3A_898 : i32 to index
          %parallel_loop3A_900 = arith.index_cast %parallel_loop3A_642 : i32 to index
          %parallel_loop3A_901 = arith.index_cast %parallel_loop3A_897 : i32 to index
          %parallel_loop3A_902 = tpu.vector_load %arg14[%parallel_loop3A_899, %parallel_loop3A_900, %parallel_loop3A_901] {strides = array<i32>} : memref<16x8x128xf32, #tpu.memory_space<vmem>>, vector<16xf32>,
          tpu.vector_store %arg14[%parallel_loop3A_899, %parallel_loop3A_900, %parallel_loop3A_901], %parallel_loop3A_895 {strides = array<i32>} : memref<16x8x128xf32, #tpu.memory_space<vmem>>, vector<16xf32>,
          %parallel_loop3A_903 = arith.addf %parallel_loop3A_894, %parallel_loop3A_678 : vector<16xf32>
          %parallel_loop3A_904 = arith.constant 16 : i32
          %parallel_loop3A_905 = arith.muli %parallel_loop3A_658, %parallel_loop3A_904 : i32
          %parallel_loop3A_906 = arith.constant 15 : i32
          %parallel_loop3A_907 = arith.index_cast %parallel_loop3A_906 : i32 to index
          %parallel_loop3A_908 = arith.index_cast %parallel_loop3A_642 : i32 to index
          %parallel_loop3A_909 = arith.index_cast %parallel_loop3A_905 : i32 to index
          %parallel_loop3A_910 = tpu.vector_load %arg14[%parallel_loop3A_907, %parallel_loop3A_908, %parallel_loop3A_909] {strides = array<i32>} : memref<16x8x128xf32, #tpu.memory_space<vmem>>, vector<16xf32>,
          tpu.vector_store %arg14[%parallel_loop3A_907, %parallel_loop3A_908, %parallel_loop3A_909], %parallel_loop3A_903 {strides = array<i32>} : memref<16x8x128xf32, #tpu.memory_space<vmem>>, vector<16xf32>,
        } {sc.loop_unroll_factor = 1 : i64, sc.parallel_access}
        %dma_start3A_590 = arith.constant 0 : i32
        %dma_start3A_591 = tpu.memref_slice %arg6[%select_n3A_389, %dma_start3A_590, %add3A_580, %mul3A_449] : memref<8x16x512x512xf32, #tpu.memory_space<hbm>> -> memref<1x16x8x128xf32, #tpu.memory_space<hbm>>
        %dma_start3A_592 = tpu.memref_squeeze %dma_start3A_591 : memref<1x16x8x128xf32, #tpu.memory_space<hbm>> -> memref<16x8x128xf32, #tpu.memory_space<hbm>>
        %dma_start3A_593 = arith.constant 0 : i32
        %dma_start3A_594 = tpu.memref_slice %arg6[%select_n3A_389, %dma_start3A_593, %add3A_580, %mul3A_449] : memref<8x16x512x512xf32, #tpu.memory_space<hbm>> -> memref<1x16x8x128xf32, #tpu.memory_space<hbm>>
        %dma_start3A_595 = tpu.memref_squeeze %dma_start3A_594 : memref<1x16x8x128xf32, #tpu.memory_space<hbm>> -> memref<16x8x128xf32, #tpu.memory_space<hbm>>
        tpu.enqueue_dma source(%arg14 : memref<16x8x128xf32, #tpu.memory_space<vmem>>) target(%dma_start3A_595 : memref<16x8x128xf32, #tpu.memory_space<hbm>>) target_semaphore(%arg16 : memref<!tpu.dma_semaphore, #tpu.memory_space<semaphore_mem>>)
        %mul3A_596 = arith.constant 2 : i32
        %mul3A_597 = arith.muli %scan3A_573, %mul3A_596 : i32
        %add3A_598 = arith.constant 1 : i32
        %add3A_599 = arith.addi %mul3A_597, %add3A_598 : i32
        %mul3A_600 = arith.constant 8 : i32
        %mul3A_601 = arith.muli %add3A_599, %mul3A_600 : i32
        %add3A_602 = arith.addi %mul3A_431, %mul3A_601 : i32
        %dma_wait3A_603 = arith.constant 0 : i32
        %dma_wait3A_604 = tpu.memref_slice %arg6[%select_n3A_389, %dma_wait3A_603, %add3A_602, %mul3A_449] : memref<8x16x512x512xf32, #tpu.memory_space<hbm>> -> memref<1x16x8x128xf32, #tpu.memory_space<hbm>>
        %dma_wait3A_605 = tpu.memref_squeeze %dma_wait3A_604 : memref<1x16x8x128xf32, #tpu.memory_space<hbm>> -> memref<16x8x128xf32, #tpu.memory_space<hbm>>
        %dma_wait3A_606 = arith.constant 0 : i32
        %dma_wait3A_607 = tpu.memref_slice %arg6[%select_n3A_389, %dma_wait3A_606, %add3A_602, %mul3A_449] : memref<8x16x512x512xf32, #tpu.memory_space<hbm>> -> memref<1x16x8x128xf32, #tpu.memory_space<hbm>>
        %dma_wait3A_608 = tpu.memref_squeeze %dma_wait3A_607 : memref<1x16x8x128xf32, #tpu.memory_space<hbm>> -> memref<16x8x128xf32, #tpu.memory_space<hbm>>
        tpu.wait_dma2 semaphore(%arg17 : memref<!tpu.dma_semaphore, #tpu.memory_space<semaphore_mem>>) src(%arg15 : memref<16x8x128xf32, #tpu.memory_space<vmem>>) dst(%dma_wait3A_608 : memref<16x8x128xf32, #tpu.memory_space<hbm>>)
        %parallel_loop3A_609 = arith.constant 0 : i32
        %parallel_loop3A_610 = arith.constant 64 : i32
        %parallel_loop3A_611 = arith.constant 1 : i32
        scf.for %parallel_loop3A_618 = %parallel_loop3A_609 to %parallel_loop3A_610 step %parallel_loop3A_611  : i32 {
          %parallel_loop3A_619 = arith.constant 8 : i32
          %parallel_loop3A_620 = arith.divsi %parallel_loop3A_618, %parallel_loop3A_619 : i32
          %parallel_loop3A_621 = arith.constant 0 : i32
          %parallel_loop3A_622 = arith.cmpi sgt, %parallel_loop3A_618, %parallel_loop3A_621 : i32
          %parallel_loop3A_623 = arith.extui %parallel_loop3A_622 : i1 to i32
          %parallel_loop3A_624 = arith.constant 0 : i32
          %parallel_loop3A_625 = arith.cmpi slt, %parallel_loop3A_618, %parallel_loop3A_624 : i32
          %parallel_loop3A_626 = arith.extui %parallel_loop3A_625 : i1 to i32
          %parallel_loop3A_627 = arith.subi %parallel_loop3A_623, %parallel_loop3A_626 : i32
          %parallel_loop3A_628 = arith.constant 0 : i32
          %parallel_loop3A_629 = arith.cmpi sgt, %parallel_loop3A_619, %parallel_loop3A_628 : i32
          %parallel_loop3A_630 = arith.extui %parallel_loop3A_629 : i1 to i32
          %parallel_loop3A_631 = arith.constant 0 : i32
          %parallel_loop3A_632 = arith.cmpi slt, %parallel_loop3A_619, %parallel_loop3A_631 : i32
          %parallel_loop3A_633 = arith.extui %parallel_loop3A_632 : i1 to i32
          %parallel_loop3A_634 = arith.subi %parallel_loop3A_630, %parallel_loop3A_633 : i32
          %parallel_loop3A_635 = arith.cmpi ne, %parallel_loop3A_627, %parallel_loop3A_634 : i32
          %parallel_loop3A_636 = arith.remsi %parallel_loop3A_618, %parallel_loop3A_619 : i32
          %parallel_loop3A_637 = arith.constant 0 : i32
          %parallel_loop3A_638 = arith.cmpi ne, %parallel_loop3A_636, %parallel_loop3A_637 : i32
          %parallel_loop3A_639 = arith.andi %parallel_loop3A_635, %parallel_loop3A_638 : i1
          %parallel_loop3A_640 = arith.constant 1 : i32
          %parallel_loop3A_641 = arith.subi %parallel_loop3A_620, %parallel_loop3A_640 : i32
          %parallel_loop3A_642 = arith.select %parallel_loop3A_639, %parallel_loop3A_641, %parallel_loop3A_620 : i32
          %parallel_loop3A_643 = arith.constant 8 : i32
          %parallel_loop3A_644 = arith.constant 0 : i32
          %parallel_loop3A_645 = arith.cmpi eq, %parallel_loop3A_643, %parallel_loop3A_644 : i32
          %parallel_loop3A_646 = arith.constant 1 : i32
          %parallel_loop3A_647 = arith.select %parallel_loop3A_645, %parallel_loop3A_646, %parallel_loop3A_643 : i32
          %parallel_loop3A_648 = arith.remsi %parallel_loop3A_618, %parallel_loop3A_647 : i32
          %parallel_loop3A_649 = arith.constant 0 : i32
          %parallel_loop3A_650 = arith.cmpi ne, %parallel_loop3A_648, %parallel_loop3A_649 : i32
          %parallel_loop3A_651 = arith.constant 0 : i32
          %parallel_loop3A_652 = arith.cmpi slt, %parallel_loop3A_648, %parallel_loop3A_651 : i32
          %parallel_loop3A_653 = arith.constant 0 : i32
          %parallel_loop3A_654 = arith.cmpi slt, %parallel_loop3A_647, %parallel_loop3A_653 : i32
          %parallel_loop3A_655 = arith.xori %parallel_loop3A_652, %parallel_loop3A_654 : i1
          %parallel_loop3A_656 = arith.andi %parallel_loop3A_655, %parallel_loop3A_650 : i1
          %parallel_loop3A_657 = arith.addi %parallel_loop3A_648, %parallel_loop3A_647 : i32
          %parallel_loop3A_658 = arith.select %parallel_loop3A_656, %parallel_loop3A_657, %parallel_loop3A_648 : i32
          %parallel_loop3A_659 = arith.constant 8 : i32
          %parallel_loop3A_660 = arith.muli %add3A_599, %parallel_loop3A_659 : i32
          %parallel_loop3A_661 = arith.addi %parallel_loop3A_660, %parallel_loop3A_642 : i32
          %parallel_loop3A_662 = arith.constant 16 : i32
          %parallel_loop3A_663 = arith.muli %parallel_loop3A_658, %parallel_loop3A_662 : i32
          %parallel_loop3A_664 = arith.index_cast %parallel_loop3A_661 : i32 to index
          %parallel_loop3A_665 = arith.index_cast %parallel_loop3A_663 : i32 to index
          %parallel_loop3A_666 = tpu.vector_load %arg8[%parallel_loop3A_664, %parallel_loop3A_665] {strides = array<i32>} : memref<128x128xi32, #tpu.memory_space<vmem>>, vector<16xi32>,
          %parallel_loop3A_667 = arith.constant 136 : i32
          %parallel_loop3A_668 = arith.muli %parallel_loop3A_661, %parallel_loop3A_667 : i32
          %parallel_loop3A_669 = arith.constant 16 : i32
          %parallel_loop3A_670 = arith.muli %parallel_loop3A_658, %parallel_loop3A_669 : i32
          %parallel_loop3A_671 = arith.addi %parallel_loop3A_668, %parallel_loop3A_670 : i32
          %parallel_loop3A_672 = arith.index_cast %parallel_loop3A_671 : i32 to index
          %parallel_loop3A_673 = tpu.vector_load %arg10[%parallel_loop3A_672] {strides = array<i32>} : memref<17408xi32, #tpu.memory_space<vmem>>, vector<16xi32>,
          %parallel_loop3A_674 = arith.constant 16 : i32
          %parallel_loop3A_675 = arith.muli %parallel_loop3A_658, %parallel_loop3A_674 : i32
          %parallel_loop3A_676 = arith.index_cast %parallel_loop3A_661 : i32 to index
          %parallel_loop3A_677 = arith.index_cast %parallel_loop3A_675 : i32 to index
          %parallel_loop3A_678 = tpu.vector_load %arg11[%parallel_loop3A_676, %parallel_loop3A_677] {strides = array<i32>} : memref<128x128xf32, #tpu.memory_space<vmem>>, vector<16xf32>,
          %parallel_loop3A_679 = arith.constant 0 : i32
          %parallel_loop3A_680 = vector.broadcast %parallel_loop3A_679 : i32 to vector<16xi32>
          %parallel_loop3A_681 = arith.addi %parallel_loop3A_666, %parallel_loop3A_680 : vector<16xi32>
          %parallel_loop3A_682 = tpu.vector_load_idx %arg12[%parallel_loop3A_681] : memref<4096xi32, #tpu.memory_space<vmem>>[vector<16xi32>], vector<16xi32>,
          %parallel_loop3A_683 = arith.constant 0 : i32
          %parallel_loop3A_684 = vector.broadcast %parallel_loop3A_683 : i32 to vector<16xi32>
          %parallel_loop3A_685 = arith.addi %parallel_loop3A_673, %parallel_loop3A_684 : vector<16xi32>
          %parallel_loop3A_686 = tpu.vector_load_idx %arg13[%parallel_loop3A_685] : memref<4096xi32, #tpu.memory_space<vmem>>[vector<16xi32>], vector<16xi32>,
          %parallel_loop3A_687 = vector.bitcast %parallel_loop3A_682 : vector<16xi32> to vector<32xbf16>
          %parallel_loop3A_688 = vector.bitcast %parallel_loop3A_686 : vector<16xi32> to vector<32xbf16>
          %parallel_loop3A_689 = arith.addf %parallel_loop3A_687, %parallel_loop3A_688 : vector<32xbf16>
          %parallel_loop3A_690 = tpu.unpack_subelements %parallel_loop3A_689, 0 {pack_format = #tpu.pack_format<interleaved>} : vector<32xbf16> -> vector<16xf32>
          %parallel_loop3A_691 = tpu.unpack_subelements %parallel_loop3A_689, 1 {pack_format = #tpu.pack_format<interleaved>} : vector<32xbf16> -> vector<16xf32>
          %parallel_loop3A_692 = arith.addf %parallel_loop3A_690, %parallel_loop3A_678 : vector<16xf32>
          %parallel_loop3A_693 = arith.constant 16 : i32
          %parallel_loop3A_694 = arith.muli %parallel_loop3A_658, %parallel_loop3A_693 : i32
          %parallel_loop3A_695 = arith.constant 0 : i32
          %parallel_loop3A_696 = arith.index_cast %parallel_loop3A_695 : i32 to index
          %parallel_loop3A_697 = arith.index_cast %parallel_loop3A_642 : i32 to index
          %parallel_loop3A_698 = arith.index_cast %parallel_loop3A_694 : i32 to index
          %parallel_loop3A_699 = tpu.vector_load %arg15[%parallel_loop3A_696, %parallel_loop3A_697, %parallel_loop3A_698] {strides = array<i32>} : memref<16x8x128xf32, #tpu.memory_space<vmem>>, vector<16xf32>,
          tpu.vector_store %arg15[%parallel_loop3A_696, %parallel_loop3A_697, %parallel_loop3A_698], %parallel_loop3A_692 {strides = array<i32>} : memref<16x8x128xf32, #tpu.memory_space<vmem>>, vector<16xf32>,
          %parallel_loop3A_700 = arith.addf %parallel_loop3A_691, %parallel_loop3A_678 : vector<16xf32>
          %parallel_loop3A_701 = arith.constant 16 : i32
          %parallel_loop3A_702 = arith.muli %parallel_loop3A_658, %parallel_loop3A_701 : i32
          %parallel_loop3A_703 = arith.constant 1 : i32
          %parallel_loop3A_704 = arith.index_cast %parallel_loop3A_703 : i32 to index
          %parallel_loop3A_705 = arith.index_cast %parallel_loop3A_642 : i32 to index
          %parallel_loop3A_706 = arith.index_cast %parallel_loop3A_702 : i32 to index
          %parallel_loop3A_707 = tpu.vector_load %arg15[%parallel_loop3A_704, %parallel_loop3A_705, %parallel_loop3A_706] {strides = array<i32>} : memref<16x8x128xf32, #tpu.memory_space<vmem>>, vector<16xf32>,
          tpu.vector_store %arg15[%parallel_loop3A_704, %parallel_loop3A_705, %parallel_loop3A_706], %parallel_loop3A_700 {strides = array<i32>} : memref<16x8x128xf32, #tpu.memory_space<vmem>>, vector<16xf32>,
          %parallel_loop3A_708 = arith.constant 512 : i32
          %parallel_loop3A_709 = vector.broadcast %parallel_loop3A_708 : i32 to vector<16xi32>
          %parallel_loop3A_710 = arith.addi %parallel_loop3A_666, %parallel_loop3A_709 : vector<16xi32>
          %parallel_loop3A_711 = tpu.vector_load_idx %arg12[%parallel_loop3A_710] : memref<4096xi32, #tpu.memory_space<vmem>>[vector<16xi32>], vector<16xi32>,
          %parallel_loop3A_712 = arith.constant 512 : i32
          %parallel_loop3A_713 = vector.broadcast %parallel_loop3A_712 : i32 to vector<16xi32>
          %parallel_loop3A_714 = arith.addi %parallel_loop3A_673, %parallel_loop3A_713 : vector<16xi32>
          %parallel_loop3A_715 = tpu.vector_load_idx %arg13[%parallel_loop3A_714] : memref<4096xi32, #tpu.memory_space<vmem>>[vector<16xi32>], vector<16xi32>,
          %parallel_loop3A_716 = vector.bitcast %parallel_loop3A_711 : vector<16xi32> to vector<32xbf16>
          %parallel_loop3A_717 = vector.bitcast %parallel_loop3A_715 : vector<16xi32> to vector<32xbf16>
          %parallel_loop3A_718 = arith.addf %parallel_loop3A_716, %parallel_loop3A_717 : vector<32xbf16>
          %parallel_loop3A_719 = tpu.unpack_subelements %parallel_loop3A_718, 0 {pack_format = #tpu.pack_format<interleaved>} : vector<32xbf16> -> vector<16xf32>
          %parallel_loop3A_720 = tpu.unpack_subelements %parallel_loop3A_718, 1 {pack_format = #tpu.pack_format<interleaved>} : vector<32xbf16> -> vector<16xf32>
          %parallel_loop3A_721 = arith.addf %parallel_loop3A_719, %parallel_loop3A_678 : vector<16xf32>
          %parallel_loop3A_722 = arith.constant 16 : i32
          %parallel_loop3A_723 = arith.muli %parallel_loop3A_658, %parallel_loop3A_722 : i32
          %parallel_loop3A_724 = arith.constant 2 : i32
          %parallel_loop3A_725 = arith.index_cast %parallel_loop3A_724 : i32 to index
          %parallel_loop3A_726 = arith.index_cast %parallel_loop3A_642 : i32 to index
          %parallel_loop3A_727 = arith.index_cast %parallel_loop3A_723 : i32 to index
          %parallel_loop3A_728 = tpu.vector_load %arg15[%parallel_loop3A_725, %parallel_loop3A_726, %parallel_loop3A_727] {strides = array<i32>} : memref<16x8x128xf32, #tpu.memory_space<vmem>>, vector<16xf32>,
          tpu.vector_store %arg15[%parallel_loop3A_725, %parallel_loop3A_726, %parallel_loop3A_727], %parallel_loop3A_721 {strides = array<i32>} : memref<16x8x128xf32, #tpu.memory_space<vmem>>, vector<16xf32>,
          %parallel_loop3A_729 = arith.addf %parallel_loop3A_720, %parallel_loop3A_678 : vector<16xf32>
          %parallel_loop3A_730 = arith.constant 16 : i32
          %parallel_loop3A_731 = arith.muli %parallel_loop3A_658, %parallel_loop3A_730 : i32
          %parallel_loop3A_732 = arith.constant 3 : i32
          %parallel_loop3A_733 = arith.index_cast %parallel_loop3A_732 : i32 to index
          %parallel_loop3A_734 = arith.index_cast %parallel_loop3A_642 : i32 to index
          %parallel_loop3A_735 = arith.index_cast %parallel_loop3A_731 : i32 to index
          %parallel_loop3A_736 = tpu.vector_load %arg15[%parallel_loop3A_733, %parallel_loop3A_734, %parallel_loop3A_735] {strides = array<i32>} : memref<16x8x128xf32, #tpu.memory_space<vmem>>, vector<16xf32>,
          tpu.vector_store %arg15[%parallel_loop3A_733, %parallel_loop3A_734, %parallel_loop3A_735], %parallel_loop3A_729 {strides = array<i32>} : memref<16x8x128xf32, #tpu.memory_space<vmem>>, vector<16xf32>,
          %parallel_loop3A_737 = arith.constant 1024 : i32
          %parallel_loop3A_738 = vector.broadcast %parallel_loop3A_737 : i32 to vector<16xi32>
          %parallel_loop3A_739 = arith.addi %parallel_loop3A_666, %parallel_loop3A_738 : vector<16xi32>
          %parallel_loop3A_740 = tpu.vector_load_idx %arg12[%parallel_loop3A_739] : memref<4096xi32, #tpu.memory_space<vmem>>[vector<16xi32>], vector<16xi32>,
          %parallel_loop3A_741 = arith.constant 1024 : i32
          %parallel_loop3A_742 = vector.broadcast %parallel_loop3A_741 : i32 to vector<16xi32>
          %parallel_loop3A_743 = arith.addi %parallel_loop3A_673, %parallel_loop3A_742 : vector<16xi32>
          %parallel_loop3A_744 = tpu.vector_load_idx %arg13[%parallel_loop3A_743] : memref<4096xi32, #tpu.memory_space<vmem>>[vector<16xi32>], vector<16xi32>,
          %parallel_loop3A_745 = vector.bitcast %parallel_loop3A_740 : vector<16xi32> to vector<32xbf16>
          %parallel_loop3A_746 = vector.bitcast %parallel_loop3A_744 : vector<16xi32> to vector<32xbf16>
          %parallel_loop3A_747 = arith.addf %parallel_loop3A_745, %parallel_loop3A_746 : vector<32xbf16>
          %parallel_loop3A_748 = tpu.unpack_subelements %parallel_loop3A_747, 0 {pack_format = #tpu.pack_format<interleaved>} : vector<32xbf16> -> vector<16xf32>
          %parallel_loop3A_749 = tpu.unpack_subelements %parallel_loop3A_747, 1 {pack_format = #tpu.pack_format<interleaved>} : vector<32xbf16> -> vector<16xf32>
          %parallel_loop3A_750 = arith.addf %parallel_loop3A_748, %parallel_loop3A_678 : vector<16xf32>
          %parallel_loop3A_751 = arith.constant 16 : i32
          %parallel_loop3A_752 = arith.muli %parallel_loop3A_658, %parallel_loop3A_751 : i32
          %parallel_loop3A_753 = arith.constant 4 : i32
          %parallel_loop3A_754 = arith.index_cast %parallel_loop3A_753 : i32 to index
          %parallel_loop3A_755 = arith.index_cast %parallel_loop3A_642 : i32 to index
          %parallel_loop3A_756 = arith.index_cast %parallel_loop3A_752 : i32 to index
          %parallel_loop3A_757 = tpu.vector_load %arg15[%parallel_loop3A_754, %parallel_loop3A_755, %parallel_loop3A_756] {strides = array<i32>} : memref<16x8x128xf32, #tpu.memory_space<vmem>>, vector<16xf32>,
          tpu.vector_store %arg15[%parallel_loop3A_754, %parallel_loop3A_755, %parallel_loop3A_756], %parallel_loop3A_750 {strides = array<i32>} : memref<16x8x128xf32, #tpu.memory_space<vmem>>, vector<16xf32>,
          %parallel_loop3A_758 = arith.addf %parallel_loop3A_749, %parallel_loop3A_678 : vector<16xf32>
          %parallel_loop3A_759 = arith.constant 16 : i32
          %parallel_loop3A_760 = arith.muli %parallel_loop3A_658, %parallel_loop3A_759 : i32
          %parallel_loop3A_761 = arith.constant 5 : i32
          %parallel_loop3A_762 = arith.index_cast %parallel_loop3A_761 : i32 to index
          %parallel_loop3A_763 = arith.index_cast %parallel_loop3A_642 : i32 to index
          %parallel_loop3A_764 = arith.index_cast %parallel_loop3A_760 : i32 to index
          %parallel_loop3A_765 = tpu.vector_load %arg15[%parallel_loop3A_762, %parallel_loop3A_763, %parallel_loop3A_764] {strides = array<i32>} : memref<16x8x128xf32, #tpu.memory_space<vmem>>, vector<16xf32>,
          tpu.vector_store %arg15[%parallel_loop3A_762, %parallel_loop3A_763, %parallel_loop3A_764], %parallel_loop3A_758 {strides = array<i32>} : memref<16x8x128xf32, #tpu.memory_space<vmem>>, vector<16xf32>,
          %parallel_loop3A_766 = arith.constant 1536 : i32
          %parallel_loop3A_767 = vector.broadcast %parallel_loop3A_766 : i32 to vector<16xi32>
          %parallel_loop3A_768 = arith.addi %parallel_loop3A_666, %parallel_loop3A_767 : vector<16xi32>
          %parallel_loop3A_769 = tpu.vector_load_idx %arg12[%parallel_loop3A_768] : memref<4096xi32, #tpu.memory_space<vmem>>[vector<16xi32>], vector<16xi32>,
          %parallel_loop3A_770 = arith.constant 1536 : i32
          %parallel_loop3A_771 = vector.broadcast %parallel_loop3A_770 : i32 to vector<16xi32>
          %parallel_loop3A_772 = arith.addi %parallel_loop3A_673, %parallel_loop3A_771 : vector<16xi32>
          %parallel_loop3A_773 = tpu.vector_load_idx %arg13[%parallel_loop3A_772] : memref<4096xi32, #tpu.memory_space<vmem>>[vector<16xi32>], vector<16xi32>,
          %parallel_loop3A_774 = vector.bitcast %parallel_loop3A_769 : vector<16xi32> to vector<32xbf16>
          %parallel_loop3A_775 = vector.bitcast %parallel_loop3A_773 : vector<16xi32> to vector<32xbf16>
          %parallel_loop3A_776 = arith.addf %parallel_loop3A_774, %parallel_loop3A_775 : vector<32xbf16>
          %parallel_loop3A_777 = tpu.unpack_subelements %parallel_loop3A_776, 0 {pack_format = #tpu.pack_format<interleaved>} : vector<32xbf16> -> vector<16xf32>
          %parallel_loop3A_778 = tpu.unpack_subelements %parallel_loop3A_776, 1 {pack_format = #tpu.pack_format<interleaved>} : vector<32xbf16> -> vector<16xf32>
          %parallel_loop3A_779 = arith.addf %parallel_loop3A_777, %parallel_loop3A_678 : vector<16xf32>
          %parallel_loop3A_780 = arith.constant 16 : i32
          %parallel_loop3A_781 = arith.muli %parallel_loop3A_658, %parallel_loop3A_780 : i32
          %parallel_loop3A_782 = arith.constant 6 : i32
          %parallel_loop3A_783 = arith.index_cast %parallel_loop3A_782 : i32 to index
          %parallel_loop3A_784 = arith.index_cast %parallel_loop3A_642 : i32 to index
          %parallel_loop3A_785 = arith.index_cast %parallel_loop3A_781 : i32 to index
          %parallel_loop3A_786 = tpu.vector_load %arg15[%parallel_loop3A_783, %parallel_loop3A_784, %parallel_loop3A_785] {strides = array<i32>} : memref<16x8x128xf32, #tpu.memory_space<vmem>>, vector<16xf32>,
          tpu.vector_store %arg15[%parallel_loop3A_783, %parallel_loop3A_784, %parallel_loop3A_785], %parallel_loop3A_779 {strides = array<i32>} : memref<16x8x128xf32, #tpu.memory_space<vmem>>, vector<16xf32>,
          %parallel_loop3A_787 = arith.addf %parallel_loop3A_778, %parallel_loop3A_678 : vector<16xf32>
          %parallel_loop3A_788 = arith.constant 16 : i32
          %parallel_loop3A_789 = arith.muli %parallel_loop3A_658, %parallel_loop3A_788 : i32
          %parallel_loop3A_790 = arith.constant 7 : i32
          %parallel_loop3A_791 = arith.index_cast %parallel_loop3A_790 : i32 to index
          %parallel_loop3A_792 = arith.index_cast %parallel_loop3A_642 : i32 to index
          %parallel_loop3A_793 = arith.index_cast %parallel_loop3A_789 : i32 to index
          %parallel_loop3A_794 = tpu.vector_load %arg15[%parallel_loop3A_791, %parallel_loop3A_792, %parallel_loop3A_793] {strides = array<i32>} : memref<16x8x128xf32, #tpu.memory_space<vmem>>, vector<16xf32>,
          tpu.vector_store %arg15[%parallel_loop3A_791, %parallel_loop3A_792, %parallel_loop3A_793], %parallel_loop3A_787 {strides = array<i32>} : memref<16x8x128xf32, #tpu.memory_space<vmem>>, vector<16xf32>,
          %parallel_loop3A_795 = arith.constant 2048 : i32
          %parallel_loop3A_796 = vector.broadcast %parallel_loop3A_795 : i32 to vector<16xi32>
          %parallel_loop3A_797 = arith.addi %parallel_loop3A_666, %parallel_loop3A_796 : vector<16xi32>
          %parallel_loop3A_798 = tpu.vector_load_idx %arg12[%parallel_loop3A_797] : memref<4096xi32, #tpu.memory_space<vmem>>[vector<16xi32>], vector<16xi32>,
          %parallel_loop3A_799 = arith.constant 2048 : i32
          %parallel_loop3A_800 = vector.broadcast %parallel_loop3A_799 : i32 to vector<16xi32>
          %parallel_loop3A_801 = arith.addi %parallel_loop3A_673, %parallel_loop3A_800 : vector<16xi32>
          %parallel_loop3A_802 = tpu.vector_load_idx %arg13[%parallel_loop3A_801] : memref<4096xi32, #tpu.memory_space<vmem>>[vector<16xi32>], vector<16xi32>,
          %parallel_loop3A_803 = vector.bitcast %parallel_loop3A_798 : vector<16xi32> to vector<32xbf16>
          %parallel_loop3A_804 = vector.bitcast %parallel_loop3A_802 : vector<16xi32> to vector<32xbf16>
          %parallel_loop3A_805 = arith.addf %parallel_loop3A_803, %parallel_loop3A_804 : vector<32xbf16>
          %parallel_loop3A_806 = tpu.unpack_subelements %parallel_loop3A_805, 0 {pack_format = #tpu.pack_format<interleaved>} : vector<32xbf16> -> vector<16xf32>
          %parallel_loop3A_807 = tpu.unpack_subelements %parallel_loop3A_805, 1 {pack_format = #tpu.pack_format<interleaved>} : vector<32xbf16> -> vector<16xf32>
          %parallel_loop3A_808 = arith.addf %parallel_loop3A_806, %parallel_loop3A_678 : vector<16xf32>
          %parallel_loop3A_809 = arith.constant 16 : i32
          %parallel_loop3A_810 = arith.muli %parallel_loop3A_658, %parallel_loop3A_809 : i32
          %parallel_loop3A_811 = arith.constant 8 : i32
          %parallel_loop3A_812 = arith.index_cast %parallel_loop3A_811 : i32 to index
          %parallel_loop3A_813 = arith.index_cast %parallel_loop3A_642 : i32 to index
          %parallel_loop3A_814 = arith.index_cast %parallel_loop3A_810 : i32 to index
          %parallel_loop3A_815 = tpu.vector_load %arg15[%parallel_loop3A_812, %parallel_loop3A_813, %parallel_loop3A_814] {strides = array<i32>} : memref<16x8x128xf32, #tpu.memory_space<vmem>>, vector<16xf32>,
          tpu.vector_store %arg15[%parallel_loop3A_812, %parallel_loop3A_813, %parallel_loop3A_814], %parallel_loop3A_808 {strides = array<i32>} : memref<16x8x128xf32, #tpu.memory_space<vmem>>, vector<16xf32>,
          %parallel_loop3A_816 = arith.addf %parallel_loop3A_807, %parallel_loop3A_678 : vector<16xf32>
          %parallel_loop3A_817 = arith.constant 16 : i32
          %parallel_loop3A_818 = arith.muli %parallel_loop3A_658, %parallel_loop3A_817 : i32
          %parallel_loop3A_819 = arith.constant 9 : i32
          %parallel_loop3A_820 = arith.index_cast %parallel_loop3A_819 : i32 to index
          %parallel_loop3A_821 = arith.index_cast %parallel_loop3A_642 : i32 to index
          %parallel_loop3A_822 = arith.index_cast %parallel_loop3A_818 : i32 to index
          %parallel_loop3A_823 = tpu.vector_load %arg15[%parallel_loop3A_820, %parallel_loop3A_821, %parallel_loop3A_822] {strides = array<i32>} : memref<16x8x128xf32, #tpu.memory_space<vmem>>, vector<16xf32>,
          tpu.vector_store %arg15[%parallel_loop3A_820, %parallel_loop3A_821, %parallel_loop3A_822], %parallel_loop3A_816 {strides = array<i32>} : memref<16x8x128xf32, #tpu.memory_space<vmem>>, vector<16xf32>,
          %parallel_loop3A_824 = arith.constant 2560 : i32
          %parallel_loop3A_825 = vector.broadcast %parallel_loop3A_824 : i32 to vector<16xi32>
          %parallel_loop3A_826 = arith.addi %parallel_loop3A_666, %parallel_loop3A_825 : vector<16xi32>
          %parallel_loop3A_827 = tpu.vector_load_idx %arg12[%parallel_loop3A_826] : memref<4096xi32, #tpu.memory_space<vmem>>[vector<16xi32>], vector<16xi32>,
          %parallel_loop3A_828 = arith.constant 2560 : i32
          %parallel_loop3A_829 = vector.broadcast %parallel_loop3A_828 : i32 to vector<16xi32>
          %parallel_loop3A_830 = arith.addi %parallel_loop3A_673, %parallel_loop3A_829 : vector<16xi32>
          %parallel_loop3A_831 = tpu.vector_load_idx %arg13[%parallel_loop3A_830] : memref<4096xi32, #tpu.memory_space<vmem>>[vector<16xi32>], vector<16xi32>,
          %parallel_loop3A_832 = vector.bitcast %parallel_loop3A_827 : vector<16xi32> to vector<32xbf16>
          %parallel_loop3A_833 = vector.bitcast %parallel_loop3A_831 : vector<16xi32> to vector<32xbf16>
          %parallel_loop3A_834 = arith.addf %parallel_loop3A_832, %parallel_loop3A_833 : vector<32xbf16>
          %parallel_loop3A_835 = tpu.unpack_subelements %parallel_loop3A_834, 0 {pack_format = #tpu.pack_format<interleaved>} : vector<32xbf16> -> vector<16xf32>
          %parallel_loop3A_836 = tpu.unpack_subelements %parallel_loop3A_834, 1 {pack_format = #tpu.pack_format<interleaved>} : vector<32xbf16> -> vector<16xf32>
          %parallel_loop3A_837 = arith.addf %parallel_loop3A_835, %parallel_loop3A_678 : vector<16xf32>
          %parallel_loop3A_838 = arith.constant 16 : i32
          %parallel_loop3A_839 = arith.muli %parallel_loop3A_658, %parallel_loop3A_838 : i32
          %parallel_loop3A_840 = arith.constant 10 : i32
          %parallel_loop3A_841 = arith.index_cast %parallel_loop3A_840 : i32 to index
          %parallel_loop3A_842 = arith.index_cast %parallel_loop3A_642 : i32 to index
          %parallel_loop3A_843 = arith.index_cast %parallel_loop3A_839 : i32 to index
          %parallel_loop3A_844 = tpu.vector_load %arg15[%parallel_loop3A_841, %parallel_loop3A_842, %parallel_loop3A_843] {strides = array<i32>} : memref<16x8x128xf32, #tpu.memory_space<vmem>>, vector<16xf32>,
          tpu.vector_store %arg15[%parallel_loop3A_841, %parallel_loop3A_842, %parallel_loop3A_843], %parallel_loop3A_837 {strides = array<i32>} : memref<16x8x128xf32, #tpu.memory_space<vmem>>, vector<16xf32>,
          %parallel_loop3A_845 = arith.addf %parallel_loop3A_836, %parallel_loop3A_678 : vector<16xf32>
          %parallel_loop3A_846 = arith.constant 16 : i32
          %parallel_loop3A_847 = arith.muli %parallel_loop3A_658, %parallel_loop3A_846 : i32
          %parallel_loop3A_848 = arith.constant 11 : i32
          %parallel_loop3A_849 = arith.index_cast %parallel_loop3A_848 : i32 to index
          %parallel_loop3A_850 = arith.index_cast %parallel_loop3A_642 : i32 to index
          %parallel_loop3A_851 = arith.index_cast %parallel_loop3A_847 : i32 to index
          %parallel_loop3A_852 = tpu.vector_load %arg15[%parallel_loop3A_849, %parallel_loop3A_850, %parallel_loop3A_851] {strides = array<i32>} : memref<16x8x128xf32, #tpu.memory_space<vmem>>, vector<16xf32>,
          tpu.vector_store %arg15[%parallel_loop3A_849, %parallel_loop3A_850, %parallel_loop3A_851], %parallel_loop3A_845 {strides = array<i32>} : memref<16x8x128xf32, #tpu.memory_space<vmem>>, vector<16xf32>,
          %parallel_loop3A_853 = arith.constant 3072 : i32
          %parallel_loop3A_854 = vector.broadcast %parallel_loop3A_853 : i32 to vector<16xi32>
          %parallel_loop3A_855 = arith.addi %parallel_loop3A_666, %parallel_loop3A_854 : vector<16xi32>
          %parallel_loop3A_856 = tpu.vector_load_idx %arg12[%parallel_loop3A_855] : memref<4096xi32, #tpu.memory_space<vmem>>[vector<16xi32>], vector<16xi32>,
          %parallel_loop3A_857 = arith.constant 3072 : i32
          %parallel_loop3A_858 = vector.broadcast %parallel_loop3A_857 : i32 to vector<16xi32>
          %parallel_loop3A_859 = arith.addi %parallel_loop3A_673, %parallel_loop3A_858 : vector<16xi32>
          %parallel_loop3A_860 = tpu.vector_load_idx %arg13[%parallel_loop3A_859] : memref<4096xi32, #tpu.memory_space<vmem>>[vector<16xi32>], vector<16xi32>,
          %parallel_loop3A_861 = vector.bitcast %parallel_loop3A_856 : vector<16xi32> to vector<32xbf16>
          %parallel_loop3A_862 = vector.bitcast %parallel_loop3A_860 : vector<16xi32> to vector<32xbf16>
          %parallel_loop3A_863 = arith.addf %parallel_loop3A_861, %parallel_loop3A_862 : vector<32xbf16>
          %parallel_loop3A_864 = tpu.unpack_subelements %parallel_loop3A_863, 0 {pack_format = #tpu.pack_format<interleaved>} : vector<32xbf16> -> vector<16xf32>
          %parallel_loop3A_865 = tpu.unpack_subelements %parallel_loop3A_863, 1 {pack_format = #tpu.pack_format<interleaved>} : vector<32xbf16> -> vector<16xf32>
          %parallel_loop3A_866 = arith.addf %parallel_loop3A_864, %parallel_loop3A_678 : vector<16xf32>
          %parallel_loop3A_867 = arith.constant 16 : i32
          %parallel_loop3A_868 = arith.muli %parallel_loop3A_658, %parallel_loop3A_867 : i32
          %parallel_loop3A_869 = arith.constant 12 : i32
          %parallel_loop3A_870 = arith.index_cast %parallel_loop3A_869 : i32 to index
          %parallel_loop3A_871 = arith.index_cast %parallel_loop3A_642 : i32 to index
          %parallel_loop3A_872 = arith.index_cast %parallel_loop3A_868 : i32 to index
          %parallel_loop3A_873 = tpu.vector_load %arg15[%parallel_loop3A_870, %parallel_loop3A_871, %parallel_loop3A_872] {strides = array<i32>} : memref<16x8x128xf32, #tpu.memory_space<vmem>>, vector<16xf32>,
          tpu.vector_store %arg15[%parallel_loop3A_870, %parallel_loop3A_871, %parallel_loop3A_872], %parallel_loop3A_866 {strides = array<i32>} : memref<16x8x128xf32, #tpu.memory_space<vmem>>, vector<16xf32>,
          %parallel_loop3A_874 = arith.addf %parallel_loop3A_865, %parallel_loop3A_678 : vector<16xf32>
          %parallel_loop3A_875 = arith.constant 16 : i32
          %parallel_loop3A_876 = arith.muli %parallel_loop3A_658, %parallel_loop3A_875 : i32
          %parallel_loop3A_877 = arith.constant 13 : i32
          %parallel_loop3A_878 = arith.index_cast %parallel_loop3A_877 : i32 to index
          %parallel_loop3A_879 = arith.index_cast %parallel_loop3A_642 : i32 to index
          %parallel_loop3A_880 = arith.index_cast %parallel_loop3A_876 : i32 to index
          %parallel_loop3A_881 = tpu.vector_load %arg15[%parallel_loop3A_878, %parallel_loop3A_879, %parallel_loop3A_880] {strides = array<i32>} : memref<16x8x128xf32, #tpu.memory_space<vmem>>, vector<16xf32>,
          tpu.vector_store %arg15[%parallel_loop3A_878, %parallel_loop3A_879, %parallel_loop3A_880], %parallel_loop3A_874 {strides = array<i32>} : memref<16x8x128xf32, #tpu.memory_space<vmem>>, vector<16xf32>,
          %parallel_loop3A_882 = arith.constant 3584 : i32
          %parallel_loop3A_883 = vector.broadcast %parallel_loop3A_882 : i32 to vector<16xi32>
          %parallel_loop3A_884 = arith.addi %parallel_loop3A_666, %parallel_loop3A_883 : vector<16xi32>
          %parallel_loop3A_885 = tpu.vector_load_idx %arg12[%parallel_loop3A_884] : memref<4096xi32, #tpu.memory_space<vmem>>[vector<16xi32>], vector<16xi32>,
          %parallel_loop3A_886 = arith.constant 3584 : i32
          %parallel_loop3A_887 = vector.broadcast %parallel_loop3A_886 : i32 to vector<16xi32>
          %parallel_loop3A_888 = arith.addi %parallel_loop3A_673, %parallel_loop3A_887 : vector<16xi32>
          %parallel_loop3A_889 = tpu.vector_load_idx %arg13[%parallel_loop3A_888] : memref<4096xi32, #tpu.memory_space<vmem>>[vector<16xi32>], vector<16xi32>,
          %parallel_loop3A_890 = vector.bitcast %parallel_loop3A_885 : vector<16xi32> to vector<32xbf16>
          %parallel_loop3A_891 = vector.bitcast %parallel_loop3A_889 : vector<16xi32> to vector<32xbf16>
          %parallel_loop3A_892 = arith.addf %parallel_loop3A_890, %parallel_loop3A_891 : vector<32xbf16>
          %parallel_loop3A_893 = tpu.unpack_subelements %parallel_loop3A_892, 0 {pack_format = #tpu.pack_format<interleaved>} : vector<32xbf16> -> vector<16xf32>
          %parallel_loop3A_894 = tpu.unpack_subelements %parallel_loop3A_892, 1 {pack_format = #tpu.pack_format<interleaved>} : vector<32xbf16> -> vector<16xf32>
          %parallel_loop3A_895 = arith.addf %parallel_loop3A_893, %parallel_loop3A_678 : vector<16xf32>
          %parallel_loop3A_896 = arith.constant 16 : i32
          %parallel_loop3A_897 = arith.muli %parallel_loop3A_658, %parallel_loop3A_896 : i32
          %parallel_loop3A_898 = arith.constant 14 : i32
          %parallel_loop3A_899 = arith.index_cast %parallel_loop3A_898 : i32 to index
          %parallel_loop3A_900 = arith.index_cast %parallel_loop3A_642 : i32 to index
          %parallel_loop3A_901 = arith.index_cast %parallel_loop3A_897 : i32 to index
          %parallel_loop3A_902 = tpu.vector_load %arg15[%parallel_loop3A_899, %parallel_loop3A_900, %parallel_loop3A_901] {strides = array<i32>} : memref<16x8x128xf32, #tpu.memory_space<vmem>>, vector<16xf32>,
          tpu.vector_store %arg15[%parallel_loop3A_899, %parallel_loop3A_900, %parallel_loop3A_901], %parallel_loop3A_895 {strides = array<i32>} : memref<16x8x128xf32, #tpu.memory_space<vmem>>, vector<16xf32>,
          %parallel_loop3A_903 = arith.addf %parallel_loop3A_894, %parallel_loop3A_678 : vector<16xf32>
          %parallel_loop3A_904 = arith.constant 16 : i32
          %parallel_loop3A_905 = arith.muli %parallel_loop3A_658, %parallel_loop3A_904 : i32
          %parallel_loop3A_906 = arith.constant 15 : i32
          %parallel_loop3A_907 = arith.index_cast %parallel_loop3A_906 : i32 to index
          %parallel_loop3A_908 = arith.index_cast %parallel_loop3A_642 : i32 to index
          %parallel_loop3A_909 = arith.index_cast %parallel_loop3A_905 : i32 to index
          %parallel_loop3A_910 = tpu.vector_load %arg15[%parallel_loop3A_907, %parallel_loop3A_908, %parallel_loop3A_909] {strides = array<i32>} : memref<16x8x128xf32, #tpu.memory_space<vmem>>, vector<16xf32>,
          tpu.vector_store %arg15[%parallel_loop3A_907, %parallel_loop3A_908, %parallel_loop3A_909], %parallel_loop3A_903 {strides = array<i32>} : memref<16x8x128xf32, #tpu.memory_space<vmem>>, vector<16xf32>,
        } {sc.loop_unroll_factor = 1 : i64, sc.parallel_access}
        %dma_start3A_612 = arith.constant 0 : i32
        %dma_start3A_613 = tpu.memref_slice %arg6[%select_n3A_389, %dma_start3A_612, %add3A_602, %mul3A_449] : memref<8x16x512x512xf32, #tpu.memory_space<hbm>> -> memref<1x16x8x128xf32, #tpu.memory_space<hbm>>
        %dma_start3A_614 = tpu.memref_squeeze %dma_start3A_613 : memref<1x16x8x128xf32, #tpu.memory_space<hbm>> -> memref<16x8x128xf32, #tpu.memory_space<hbm>>
        %dma_start3A_615 = arith.constant 0 : i32
        %dma_start3A_616 = tpu.memref_slice %arg6[%select_n3A_389, %dma_start3A_615, %add3A_602, %mul3A_449] : memref<8x16x512x512xf32, #tpu.memory_space<hbm>> -> memref<1x16x8x128xf32, #tpu.memory_space<hbm>>
        %dma_start3A_617 = tpu.memref_squeeze %dma_start3A_616 : memref<1x16x8x128xf32, #tpu.memory_space<hbm>> -> memref<16x8x128xf32, #tpu.memory_space<hbm>>
        tpu.enqueue_dma source(%arg15 : memref<16x8x128xf32, #tpu.memory_space<vmem>>) target(%dma_start3A_617 : memref<16x8x128xf32, #tpu.memory_space<hbm>>) target_semaphore(%arg17 : memref<!tpu.dma_semaphore, #tpu.memory_space<semaphore_mem>>)
      }
      %scan3A_572 = arith.constant 8 : i32
    }
    %scan3A_113 = arith.constant 2 : i32
    %dma_wait3A = arith.constant 0 : i32
    %dma_wait3A_114 = arith.constant 0 : i32
    %dma_wait3A_115 = arith.constant 0 : i32
    %dma_wait3A_116 = arith.constant 0 : i32
    %dma_wait3A_117 = tpu.memref_slice %arg6[%dma_wait3A, %dma_wait3A_114, %dma_wait3A_115, %dma_wait3A_116] : memref<8x16x512x512xf32, #tpu.memory_space<hbm>> -> memref<1x16x8x128xf32, #tpu.memory_space<hbm>>
    %dma_wait3A_118 = tpu.memref_squeeze %dma_wait3A_117 : memref<1x16x8x128xf32, #tpu.memory_space<hbm>> -> memref<16x8x128xf32, #tpu.memory_space<hbm>>
    %dma_wait3A_119 = arith.constant 0 : i32
    %dma_wait3A_120 = arith.constant 0 : i32
    %dma_wait3A_121 = arith.constant 0 : i32
    %dma_wait3A_122 = tpu.memref_slice %arg6[%dma_wait3A, %dma_wait3A_119, %dma_wait3A_120, %dma_wait3A_121] : memref<8x16x512x512xf32, #tpu.memory_space<hbm>> -> memref<1x16x8x128xf32, #tpu.memory_space<hbm>>
    %dma_wait3A_123 = tpu.memref_squeeze %dma_wait3A_122 : memref<1x16x8x128xf32, #tpu.memory_space<hbm>> -> memref<16x8x128xf32, #tpu.memory_space<hbm>>
    tpu.wait_dma2 semaphore(%arg16 : memref<!tpu.dma_semaphore, #tpu.memory_space<semaphore_mem>>) src(%arg14 : memref<16x8x128xf32, #tpu.memory_space<vmem>>) dst(%dma_wait3A_123 : memref<16x8x128xf32, #tpu.memory_space<hbm>>)
    %dma_wait3A_124 = arith.constant 0 : i32
    %dma_wait3A_125 = arith.constant 0 : i32
    %dma_wait3A_126 = arith.constant 0 : i32
    %dma_wait3A_127 = arith.constant 0 : i32
    %dma_wait3A_128 = tpu.memref_slice %arg6[%dma_wait3A_124, %dma_wait3A_125, %dma_wait3A_126, %dma_wait3A_127] : memref<8x16x512x512xf32, #tpu.memory_space<hbm>> -> memref<1x16x8x128xf32, #tpu.memory_space<hbm>>
    %dma_wait3A_129 = tpu.memref_squeeze %dma_wait3A_128 : memref<1x16x8x128xf32, #tpu.memory_space<hbm>> -> memref<16x8x128xf32, #tpu.memory_space<hbm>>
    %dma_wait3A_130 = arith.constant 0 : i32
    %dma_wait3A_131 = arith.constant 0 : i32
    %dma_wait3A_132 = arith.constant 0 : i32
    %dma_wait3A_133 = tpu.memref_slice %arg6[%dma_wait3A_124, %dma_wait3A_130, %dma_wait3A_131, %dma_wait3A_132] : memref<8x16x512x512xf32, #tpu.memory_space<hbm>> -> memref<1x16x8x128xf32, #tpu.memory_space<hbm>>
    %dma_wait3A_134 = tpu.memref_squeeze %dma_wait3A_133 : memref<1x16x8x128xf32, #tpu.memory_space<hbm>> -> memref<16x8x128xf32, #tpu.memory_space<hbm>>
    tpu.wait_dma2 semaphore(%arg17 : memref<!tpu.dma_semaphore, #tpu.memory_space<semaphore_mem>>) src(%arg15 : memref<16x8x128xf32, #tpu.memory_space<vmem>>) dst(%dma_wait3A_134 : memref<16x8x128xf32, #tpu.memory_space<hbm>>)
    %dma_wait3A_135 = arith.constant 0 : i32
    %dma_wait3A_136 = arith.constant 0 : i32
    %dma_wait3A_137 = arith.constant 0 : i32
    %dma_wait3A_138 = tpu.memref_slice %arg3[%dma_wait3A_135, %dma_wait3A_136, %dma_wait3A_137] : memref<8x512x512xi32, #tpu.memory_space<hbm>> -> memref<1x128x128xi32, #tpu.memory_space<hbm>>
    %dma_wait3A_139 = tpu.memref_squeeze %dma_wait3A_138 : memref<1x128x128xi32, #tpu.memory_space<hbm>> -> memref<128x128xi32, #tpu.memory_space<hbm>>
    %dma_wait3A_140 = arith.constant 0 : i32
    %dma_wait3A_141 = arith.constant 0 : i32
    %dma_wait3A_142 = tpu.memref_slice %arg3[%dma_wait3A_135, %dma_wait3A_140, %dma_wait3A_141] : memref<8x512x512xi32, #tpu.memory_space<hbm>> -> memref<1x128x128xi32, #tpu.memory_space<hbm>>
    %dma_wait3A_143 = tpu.memref_squeeze %dma_wait3A_142 : memref<1x128x128xi32, #tpu.memory_space<hbm>> -> memref<128x128xi32, #tpu.memory_space<hbm>>
    tpu.wait_dma2 semaphore(%arg18 : memref<!tpu.dma_semaphore, #tpu.memory_space<semaphore_mem>>) src(%dma_wait3A_143 : memref<128x128xi32, #tpu.memory_space<hbm>>) dst(%arg7 : memref<128x128xi32, #tpu.memory_space<vmem>>)
    %dma_wait3A_144 = arith.constant 0 : i32
    %dma_wait3A_145 = arith.constant 0 : i32
    %dma_wait3A_146 = arith.constant 0 : i32
    %dma_wait3A_147 = tpu.memref_slice %arg3[%dma_wait3A_144, %dma_wait3A_145, %dma_wait3A_146] : memref<8x512x512xi32, #tpu.memory_space<hbm>> -> memref<1x128x128xi32, #tpu.memory_space<hbm>>
    %dma_wait3A_148 = tpu.memref_squeeze %dma_wait3A_147 : memref<1x128x128xi32, #tpu.memory_space<hbm>> -> memref<128x128xi32, #tpu.memory_space<hbm>>
    %dma_wait3A_149 = arith.constant 0 : i32
    %dma_wait3A_150 = arith.constant 0 : i32
    %dma_wait3A_151 = tpu.memref_slice %arg3[%dma_wait3A_144, %dma_wait3A_149, %dma_wait3A_150] : memref<8x512x512xi32, #tpu.memory_space<hbm>> -> memref<1x128x128xi32, #tpu.memory_space<hbm>>
    %dma_wait3A_152 = tpu.memref_squeeze %dma_wait3A_151 : memref<1x128x128xi32, #tpu.memory_space<hbm>> -> memref<128x128xi32, #tpu.memory_space<hbm>>
    tpu.wait_dma2 semaphore(%arg19 : memref<!tpu.dma_semaphore, #tpu.memory_space<semaphore_mem>>) src(%dma_wait3A_152 : memref<128x128xi32, #tpu.memory_space<hbm>>) dst(%arg9 : memref<128x128xi32, #tpu.memory_space<vmem>>)
    return
  }
}

</mosaic_0001>

<sc_bundles>
// kernel: kernel.3.cloned.1.call-start
scs
__scs_entry_jumppad:
0x0: {  	(pc) =	sbr.rel $0x88, $3  }
0x1: {  	(tag) =	ssettag $0x0;
	lr =	simm.s32 $0x1  }
0x2: {  	[smem:$0x3F9D] =	sst lr;
	_ =	strace $0xD0000000  }
0x3: {  	_ = 	snop  }
0x4: {  	_ = 	snop  }
0x5: {  	_ = 	snop  }
0x6: {  	_ = 	snop  }
0x7: {  	_ = 	snop  }
__scs_overlays_trampoline_lowered:
0x8: {  	[smem:$0x3FAC] =	sst s0  }
0x9: {  	[smem:$0x3FAD] =	sst s1  }
0xa: {  	[smem:$0x3FAE] =	sst s2  }
0xb: {  	[smem:$0x3FAF] =	sst s3  }
0xc: {  	[smem:$0x3FB0] =	sst s4  }
0xd: {  	[smem:$0x3FB1] =	sst s5  }
0xe: {  	[smem:$0x3FB2] =	sst s6  }
0xf: {  	[smem:$0x3FB3] =	sst s7  }
0x10: {  	[smem:$0x3FB4] =	sst s8  }
0x11: {  	[smem:$0x3FB5] =	sst s9;
	s0 =	simm.s32 @!p0 $0x0  }
0x12: {  	s1 =	sld [smem:$0x3F9B];
	s0 =	simm.s32 @p0 $0x1  }
0x13: {  	[smem:$0x3FB6] =	sst s0;
	s0 =	simm.s32 @!p1 $0x0  }
0x14: {  	s2 =	sld [smem:$0x3F9A];
	s0 =	simm.s32 @p1 $0x1  }
0x15: {  	[smem:$0x3FB7] =	sst s0;
	s0 =	simm.s32 @!p2 $0x0  }
0x16: {  	s3 =	sld [smem:$0x3FDB];
	s0 =	simm.s32 @p2 $0x1  }
0x17: {  	s4 =	simm.s32 $0x1BF5;
	[smem:$0x3FB9] =	sst s0  }
0x18: {  	s0 =	sld [smem:$0x3F9C];
	_ =	swait.ge [sflag:s4], $0x0  }
0x19: {  	s7 =	sld [smem:$0x3F9D]  }
0x1a: {  	s8 =	sadd.s32 $0xFFFFE003, lr  }
0x1b: {  	s9 =	sadd.s32 $0xFFFFFEF7, lr;
	s5 =	simm.s32 $0xFFFFFFFF;
	p2 =	slt.u32 s8, $0xFFFFF086  }
0x1c: {  	p1 =	slt.u32 s9, $0xF7A;
	s5 =	simm.s32 @!p2 $0x0  }
0x1d: {  	s5 =	simm.s32 @p1 $0x1;
	p0 =	seq.s32 s7, s2  }
0x1e: {  	s7 =	smul.u32 @!p0 $0xF7A, s2;
	p2 =	seq.s32 @!p0 s5, $0x0  }
0x1f: {  	s9 =	smul.u32 $0xF7A, s1;
	s8 =	simm.s32 @!p0 $0x1BF5;
	p2 =	por !p2, p0  }
0x20: {  	[sflag:s8] =	ssyncset.s32 @!p0 $0xFFFFF086;
	s6 =	sadd.s32 @!p0 s3, s7;
	s7 =	simm.s32 @!p0 $0x108  }
0x21: {  	s3 =	sadd.s32 s3, s9;
	s6 =	sadd.s32 @!p0 $0x88, s6;
	s7 =	simm.s32 @p2 $0x1082  }
0x22: {  	[simem:s7], [sflag:s8] =	dma.local @!p0 [hbm:s6], $0xF7A  }
0x23: {  	s9 =	sor.u32 $0xD0000000, s2;
	s6 =	simm.s32 $0x108;
	_ =	swait.ge @!p0 [sflag:s8], $0x0  }
0x24: {  	s3 =	sadd.s32 $0x88, s3;
	s6 =	simm.s32 @!p1 $0x1082;
	[sflag:s4] =	ssyncset.s32 $0xFFFFF086  }
0x25: {  	[simem:s6], [sflag:s4] =	dma.local [hbm:s3], $0xF7A  }
0x26: {  	[smem:$0x3F9D] =	sst s1;
	(tag) =	ssettag s2;
	_ =	strace s9  }
0x27: {  	s1 =	sld [smem:$0x3FAD]  }
0x28: {  	s2 =	sld [smem:$0x3FAE]  }
0x29: {  	s4 =	sld [smem:$0x3FB0]  }
0x2a: {  	p0 =	seq.s32 s5, $0x0;
	s5 =	sld [smem:$0x3FB1]  }
0x2b: {  	s6 =	sld [smem:$0x3FB2]  }
0x2c: {  	s7 =	sld [smem:$0x3FB3]  }
0x2d: {  	s3 =	simm.s32 $0x108;
	s8 =	sld [smem:$0x3FB4]  }
0x2e: {  	s3 =	simm.s32 @!p0 $0x1082;
	s9 =	sld [smem:$0x3FB5]  }
0x2f: {  	lr =	sadd.s32 s0, s3;
	s0 =	sld [smem:$0x3FAC]  }
0x30: {  	s3 =	sld [smem:$0x3FAF]  }
0x31: {  	[smem:$0x3FB8] =	sst s10  }
0x32: {  	s10 =	sld [smem:$0x3FB6];
	_ =	sdelay $0x3  }
0x33: {  	p0 =	seq.s32 s10, $0x1;
	s10 =	sld [smem:$0x3FB8];
	_ =	sdelay $0x3  }
0x34: {  	[smem:$0x3FB8] =	sst s10  }
0x35: {  	s10 =	sld [smem:$0x3FB7];
	_ =	sdelay $0x3  }
0x36: {  	p1 =	seq.s32 s10, $0x1;
	s10 =	sld [smem:$0x3FB8];
	_ =	sdelay $0x3  }
0x37: {  	[smem:$0x3FB8] =	sst s10  }
0x38: {  	s10 =	sld [smem:$0x3FB9]  }
0x39: {  	_ = 	snop;
	(pc) =	sbr.ind lr, $3  }
0x3a: {  	_ = 	snop  }
0x3b: {  	_ = 	snop  }
0x3c: {  	p2 =	seq.s32 s10, $0x1;
	s10 =	sld [smem:$0x3FB8]  }
0x3d: {  	_ =	shalt  }
0x3e: {  	_ =	shalt  }
0x3f: {  	_ =	shalt  }
0x40: {  	_ =	shalt  }
0x41: {  	_ =	shalt  }
0x42: {  	_ =	shalt  }
0x43: {  	_ =	shalt  }
0x44: {  	_ =	shalt  }
0x45: {  	_ =	shalt  }
0x46: {  	_ =	shalt  }
0x47: {  	_ =	shalt  }
0x48: {  	_ =	shalt  }
0x49: {  	_ =	shalt  }
0x4a: {  	_ =	shalt  }
0x4b: {  	_ =	shalt  }
0x4c: {  	_ =	shalt  }
0x4d: {  	_ =	shalt  }
0x4e: {  	_ =	shalt  }
0x4f: {  	_ =	shalt  }
0x50: {  	_ =	shalt  }
0x51: {  	_ =	shalt  }
0x52: {  	_ =	shalt  }
0x53: {  	_ =	shalt  }
0x54: {  	_ =	shalt  }
0x55: {  	_ =	shalt  }
0x56: {  	_ =	shalt  }
0x57: {  	_ =	shalt  }
0x58: {  	_ =	shalt  }
0x59: {  	_ =	shalt  }
0x5a: {  	_ =	shalt  }
0x5b: {  	_ =	shalt  }
0x5c: {  	_ =	shalt  }
0x5d: {  	_ =	shalt  }
0x5e: {  	_ =	shalt  }
0x5f: {  	_ =	shalt  }
0x60: {  	_ =	shalt  }
0x61: {  	_ =	shalt  }
0x62: {  	_ =	shalt  }
0x63: {  	_ =	shalt  }
0x64: {  	_ =	shalt  }
0x65: {  	_ =	shalt  }
0x66: {  	_ =	shalt  }
0x67: {  	_ =	shalt  }
0x68: {  	_ =	shalt  }
0x69: {  	_ =	shalt  }
0x6a: {  	_ =	shalt  }
0x6b: {  	_ =	shalt  }
0x6c: {  	_ =	shalt  }
0x6d: {  	_ =	shalt  }
0x6e: {  	_ =	shalt  }
0x6f: {  	_ =	shalt  }
0x70: {  	_ =	shalt  }
0x71: {  	_ =	shalt  }
0x72: {  	_ =	shalt  }
0x73: {  	_ =	shalt  }
0x74: {  	_ =	shalt  }
0x75: {  	_ =	shalt  }
0x76: {  	_ =	shalt  }
0x77: {  	_ =	shalt  }
0x78: {  	_ =	shalt  }
0x79: {  	_ =	shalt  }
0x7a: {  	_ =	shalt  }
0x7b: {  	_ =	shalt  }
0x7c: {  	_ =	shalt  }
0x7d: {  	_ =	shalt  }
0x7e: {  	_ =	shalt  }
0x7f: {  	_ =	shalt  }
0x80: {  	_ =	shalt  }
0x81: {  	_ =	shalt  }
0x82: {  	_ =	shalt  }
0x83: {  	_ =	shalt  }
0x84: {  	_ =	shalt  }
0x85: {  	_ =	shalt  }
0x86: {  	_ =	shalt  }
0x87: {  	_ =	shalt  }
.Lfunc_end0:
.L_simem_size_0:
called_computation_lowered:
.L_overlay_start_0:
0x88: {  	s2 =	sld [smem:$0x3FD9]  }
0x89: {  	s3 =	sld [smem:$0x3FFE];
	_ =	sdelay $0x1  }
0x8a: {  	s1 =	srdreg.scid  }
0x8b: {  	s0 =	sand.u32 $0x1, s1  }
0x8c: {  	s17 =	sshll.u32 s0, $0xA;
	s2 =	sadd.s32 s3, s2  }
0x8d: {  	s2 =	sadd.s32 s2, s17  }
0x8e: {  	[smem:$0x3FC4] =	sst s2  }
0x8f: {  	_ = 	snop  }
0x90: {  	s2 =	sld [smem:$0x3FC9]  }
0x91: {  	s18 =	sld [smem:$0x3FC8]  }
0x92: {  	s4 =	sld [smem:$0x3FD0];
	(tm) =	ssettm $0x1  }
0x93: {  	s5 =	sld [smem:$0x3FFB];
	_ =	sdelay $0x3  }
0x94: {  	_ =	strace s5  }
0x95: {  	s5 =	sld [smem:$0x3FFC];
	_ =	sdelay $0x3  }
0x96: {  	_ =	strace s5  }
0x97: {  	s5 =	sld [smem:$0x3FFD];
	_ =	sdelay $0x3  }
0x98: {  	_ =	strace s5  }
0x99: {  	_ =	strace $0x8FFFFFFF  }
0x9a: {  	s19 =	sld [smem:$0x3FDB];
	_ =	sdelay $0x1  }
0x9b: {  	s6 =	simm.s32 $_scs_section_size  }
0x9c: {  	s7 =	simm.s32 $_size__tile_overlayer_lowered;
	s8 =	simm.s32 $_tile_overlayer_lowered  }
0x9d: {  	s22 =	simm.s32 $0x1BFF;
	s21 =	sshll.u32 s8, $0x1;
	s5 =	sadd.s32 s6, s19  }
0x9e: {  	s9 =	simm.s32 $0x0;
	s20 =	sshll.u32 s7, $0x1;
	s7 =	sadd.s32 s21, s5  }
0x9f: {  	[timem:s9], [sflag:s22] =	dma.local [hbm:s7], s20  }
0xa0: {  	_ =	swait.ge [sflag:s22], s20  }
0xa1: {  	s6 =	ssub.s32 $0x0, s20;
	[sflag:s22] =	ssyncset.done $0x0  }
0xa2: {  	[sflag:s22] =	ssyncadd.s32 s6;
	_ =	sdelay $0x1  }
0xa3: {  	s23 =	simm.s32 $0x1B8B  }
0xa4: {  	_ =	swait.ge [sflag:s23], $0x1  }
0xa5: {  	[sflag:s23] =	ssyncset.done $0x0  }
0xa6: {  	s25 =	simm.s32 $0x1B8E;
	s24 =	sld [smem:$0x3FFE];
	[sflag:s23] =	ssyncadd.s32 $0xFFFFFFFF  }
0xa7: {  	s26 =	simm.s32 $execute0_lowered;
	[smem:$0x3FD2] =	sst s25  }
0xa8: {  	s7 =	sshll.u32 s26, $0x1;
	_ =	strace $0x80000046;
	[dreg:$0x1] =	wrdreg $0xFFFFFFFF  }
0xa9: {  	s28 =	simm.s32 $_size_execute0_lowered;
	s5 =	sadd.s32 s5, s7;
	[dreg:$0x0] =	wrdreg $0x0  }
0xaa: {  	s7 =	sshll.u32 s28, $0x1;
	[dreg:$0x2] =	wrdreg s5  }
0xab: {  	[dreg:$0x3] =	wrdreg s7  }
0xac: {  	[dreg:$0x4] =	wrdreg $0xC0  }
0xad: {  	_ =	task [dreg:s9], $0x5FFFF  }
0xae: {  	[dreg:$0x1] =	wrdreg $0xFFFFFFFF  }
0xaf: {  	[dreg:$0x0] =	wrdreg $0x60  }
0xb0: {  	[dreg:$0x2] =	wrdreg s2  }
0xb1: {  	[dreg:$0x3] =	wrdreg s18  }
0xb2: {  	[dreg:$0x4] =	wrdreg s24  }
0xb3: {  	[dreg:$0x5] =	wrdreg s4  }
0xb4: {  	[dreg:$0x6] =	wrdreg $0x9  }
0xb5: {  	_ =	task.clear_ibuf [dreg:s9], $0x7FFFF;
	_ =	strace $0x90000046  }
0xb6: {  	s29 =	simm.s32 $0x9;
	_ =	strace $0x80000048  }
0xb7: {  	_ =	swait.ge [sflag:s29], $0x1  }
0xb8: {  	[sflag:s29] =	ssyncadd.s32 $0xFFFFFFFF  }
0xb9: {  	_ =	strace $0x90000048  }
0xba: {  	_ =	sfence  }
0xbb: {  	s30 =	sld [smem:$0x0];
	_ =	sdelay $0x2  }
0xbc: {  	s31 =	sshll.u32 s1, $0xD;
	s1 =	sshrl.u32 s1, $0x2  }
0xbd: {  	s3 =	sand.u32 $0x4000, s31;
	s1 =	sadd.s32 s1, s30  }
0xbe: {  	s0 =	sor.u32 s3, s0;
	s1 =	sshll.u32 s1, $0x11  }
0xbf: {  	s0 =	sor.u32 s1, s0  }
0xc0: {  	s0 =	sadd.s32 $0x8F2B, s0  }
0xc1: {  	[sflag:s0] =	ssyncadd.remote.s32 $0x1  }
0xc2: {  	_ =	sfence.sel $0xFFFF  }
0xc3: {  	[dreg:$0x0] =	wrdreg $0xFFFFFFFF;
	(pc) =	sbr.abs _section_cstart, $3  }
0xc4: {  	[dreg:$0x1] =	wrdreg $0xFFFFFFFF  }
0xc5: {  	_ =	task.clear_ibuf [dreg:s9], $0x2FFFF;
	_ =	strace $0x9FFFFFFF  }
0xc6: {  	(tm) =	ssettm $0x7FFFFFFF  }
0xc7: {  	_ =	shalt  }
tec
execute0_lowered:
.L_overlay_start_1:
0x0: {  	(tag) =	ssettag $0x1  }
0x1: {  	s30 =	rddreg [dreg:$0x0]  }
0x2: {  	s31 =	rddreg [dreg:$0x1]  }
0x3: {  	s0 =	rddreg [dreg:$0x2]  }
0x4: {  	s4 =	rddreg [dreg:$0x3]  }
0x5: {  	s1 =	srdreg.scid;
	s2 =	simm.s32 $0x0;
	s5 =	stileid.u32  }
0x6: {  	s13 =	simm.s32 $0x1000;
	s7 =	simm.s32 $0x1;
	s8 =	simm.s32 $0x2  }
0x7: {  	s1 =	sand.u32 $0x1, s1;
	[smem:$0x7FF] =	sst s2;
	s15 =	sshll.u32 s5, $0x3  }
0x8: {  	s16 =	sadd.s32 $0x400, s0;
	s0 =	sadd.s32 $0x600, s0;
	s18 =	sshll.u32 s5, $0x11  }
0x9: {  	s24 =	sshrl.u32 s5, $0x1;
	_ =	strace $0x80000047;
	[dreg:$0x6] =	wrdreg s16  }
0xa: {  	s3 =	sshll.u32 s1, $0x2;
	[dreg:$0x7] =	wrdreg s0;
	s20 =	sand.u32 $0x1C0000, s18  }
0xb: {  	s1 =	ssub.s32 $0x2, s1;
	s26 =	sshll.u32 s24, $0x12;
	[dreg:$0x8] =	wrdreg s20  }
0xc: {  	s2 =	sor.u32 s3, s15;
	s19 =	sshrl.u32 s1, $0x1;
	[dreg:$0xc] =	wrdreg s26  }
0xd: {  	s3 =	sshrl.u32 s20, $0x3;
	[dreg:$0x5] =	wrdreg s2;
	s17 =	sshll.u32 s2, $0x5  }
0xe: {  	s1 =	ssub.s32 s1, s19;
	s23 =	sadd.s32 s31, s3;
	s3 =	sshll.u32 s24, $0x16  }
0xf: {  	s19 =	simm.s32 $0x14400;
	s24 =	simm.s32 $0x16400;
	s9 =	sand.u32 $0x180, s17  }
0x10: {  	[dreg:$0xe] =	wrdreg s3;
	s29 =	smax.u32 s1, $0x1;
	s3 =	simm.s32 $0xC000  }
0x11: {  	s21 =	sshll.u32 s9, $0x9;
	s2 =	sadd.s32 s9, s23;
	[dreg:$0x10] =	wrdreg s29  }
0x12: {  	s28 =	sshll.u32 s9, $0x3;
	s23 =	simm.s32 $0x40000;
	[dreg:$0xb] =	wrdreg s2  }
0x13: {  	s22 =	sor.u32 s20, s21;
	[dreg:$0xd] =	wrdreg s28;
	s0 =	sor.u32 s26, s21  }
0x14: {  	s21 =	simm.s32 $0x15400;
	s6 =	sshrl.u32 s22, $0x3;
	[dreg:$0xf] =	wrdreg s0  }
0x15: {  	v0 =	vlaneseq.u32;
	s2 =	simm.s32 $0x0;
	[dreg:$0x9] =	wrdreg s6;
	s25 =	sadd.s32 s31, s6  }
0x16: {  	v0 =	vmul.u32 $0x88, v0;
	s22 =	simm.s32 $0x400;
	[dreg:$0xa] =	wrdreg s25;
	s25 =	simm.s32 $0x1A400  }
.LBB2_1:
0x17: {  	[dreg:$0x11] =	wrdreg s2  }
0x18: {  	s0 =	simm.s32 $0x0;
	s1 =	rddreg [dreg:$0x6];
	s18 =	simm.s32 $0x5  }
0x19: {  	[tilespmem:s19], [sflag:$0x5] =	stream.linear.gather [hbm4b:s1+s0], $0x1000, $0x38;
	[tilespmem:$0x1E400] =	vst v63  }
0x1a: {  	_ =	swait.ge [sflag:s18], $0x1000  }
0x1b: {  	[sflag:s18] =	ssyncset.done $0x0  }
0x1c: {  	s20 =	rddreg [dreg:$0x7];
	[sflag:s18] =	ssyncadd.s32 $0xFFFFF000  }
0x1d: {  	[tilespmem:s21], [sflag:$0x5] =	stream.linear.gather [hbm4b:s20+s0], $0x1000, $0x38;
	[tilespmem:$0x1E400] =	vst v63  }
0x1e: {  	_ =	swait.ge [sflag:s18], $0x1000  }
0x1f: {  	[sflag:s18] =	ssyncset.done $0x0  }
0x20: {  	[sflag:s18] =	ssyncadd.s32 $0xFFFFF000  }
0x21: {  	[tilespmem:s24], [sflag:$0x1] =	stream.strided.gather [hbm4b:s4+s22], $0x4000, s23, s22, $0x38;
	[tilespmem:$0x1E400] =	vst v63  }
0x22: {  	_ = 	snop  }
0x23: {  	[tilespmem:s25], [sflag:$0x2] =	stream.strided.gather [hbm4b:s4+s22], $0x4000, s23, s22, $0x38;
	[tilespmem:$0x1E400] =	vst v63  }
0x24: {  	s29 =	simm.s32 $0x8000;
	s26 =	rddreg [dreg:$0xa]  }
0x25: {  	[tilespmem:s0], [sflag:$0x3] =	stream.strided.gather [hbm4b:s26+s22], $0x4000, s13, s22, $0x38;
	[tilespmem:$0x1E400] =	vst v63  }
0x26: {  	p1 =	por $0x1, $0x1;
	s28 =	rddreg [dreg:$0xb];
	s0 =	simm.s32 $0x0  }
0x27: {  	[tilespmem:s29], [sflag:$0x4] =	stream.strided.gather [hbm4b:s28+s22], $0x4000, s13, s22, $0x38;
	[tilespmem:$0x1E400] =	vst v63  }
.LBB2_2:
0x28: {  	s1 =	rddreg [dreg:$0x5]  }
0x29: {  	s2 =	simm.s32 $0x3;
	s5 =	simm.s32 $0x4;
	s6 =	sor.u32 s1, s0  }
0x2a: {  	s17 =	simm.s32 $0x10400;
	_ =	swait.ge [sflag:s2], $0x4000;
	s0 =	sshll.u32 s6, $0x5  }
0x2b: {  	s20 =	simm.s32 $0x5;
	[sflag:s2] =	ssyncset.done $0x0;
	s18 =	sand.u32 $0x180, s0  }
0x2c: {  	s12 =	sshll.u32 s6, $0xA;
	s15 =	rddreg [dreg:$0xc];
	s14 =	sshll.u32 s18, $0x9  }
0x2d: {  	[sflag:s2] =	ssyncadd.s32 $0xFFFFC000;
	s0 =	sand.u32 $0x800, s12;
	s1 =	sor.u32 s15, s14  }
0x2e: {  	s16 =	sor.u32 $0x1, s6;
	_ =	swait.ge [sflag:s5], $0x4000;
	s1 =	sor.u32 s0, s1  }
0x2f: {  	[dreg:$0x12] =	wrdreg s6;
	[sflag:s5] =	ssyncset.done $0x0;
	s1 =	sshrl.u32 s1, $0x3  }
0x30: {  	[dreg:$0x13] =	wrdreg s16;
	[sflag:s5] =	ssyncadd.s32 $0xFFFFC000;
	s1 =	sadd.s32 s30, s1  }
0x31: {  	[tilespmem:s17], [sflag:$0x5] =	stream.strided.gather [hbm4b:s1+s22], $0x4000, s13, s22, $0x38;
	[tilespmem:$0x1E400] =	vst v63  }
0x32: {  	s2 =	sshll.u32 s16, $0x7;
	_ =	swait.ge [sflag:s20], $0x4000  }
0x33: {  	s1 =	sand.u32 $0x180, s2;
	s26 =	rddreg [dreg:$0x9]  }
0x34: {  	s28 =	simm.s32 $0x4000;
	[sflag:s20] =	ssyncset.done $0x0;
	s2 =	sor.u32 s1, s26  }
0x35: {  	s29 =	simm.s32 $0x0;
	[sflag:s20] =	ssyncadd.s32 $0xFFFFC000;
	s2 =	sadd.s32 s31, s2  }
0x36: {  	[tilespmem:s28], [sflag:$0x3] =	stream.strided.gather [hbm4b:s2+s22], $0x4000, s13, s22, $0x38;
	[tilespmem:$0x1E400] =	vst v63  }
0x37: {  	s2 =	sand.u32 $0x7, s29  }
0x38: {  	s30 =	simm.s32 $0x0;
	s10 =	smul.u32 $0x880, s2  }
0x39: {  	s6 =	sand.u32 $0x3FFFFF80, s30;
	s2 =	sshll.u32 s2, $0x4  }
0x3a: {  	s6 =	sor.u32 s2, s6;
	s10 =	sadd.s32 $0x0, s10  }
0x3b: {  	p0 =	por p1, p1;
	s2 =	simm.s32 $0x1;
	v1 =	vld [tilespmem:s6+$0x8000];
	v2 =	vadd.s32 s10, v0  }
.LBB2_3:
0x3c: {  	s6 =	sand.u32 $0x7, s2;
	p1 =	sne.s32 s2, $0x3FF  }
.Ltmp0:
0x3d: {  	s10 =	smov.u32 s2;
	s2 =	sadd.s32 $0x1, s2;
	(pc) =	sbr.rel @p1 .LBB2_3-.Ltmp0, $4  }
0x3e: {  	s11 =	sshll.u32 s10, $0x4;
	s12 =	smul.u32 $0x880, s6  }
0x3f: {  	s10 =	sshrl.u32 s10, $0x3;
	s6 =	sshll.u32 s6, $0x4;
	s11 =	sand.u32 $0x3FFFFF80, s11  }
0x40: {  	s6 =	sor.u32 s6, s11;
	s10 =	sadd.s32 s10, s12;
	[tilespmem:v2+s3+$0x0] =	vst.idx.msk $0xffff, v1  }
0x41: {  	v2 =	vadd.s32 s10, v0;
	v1 =	vld [tilespmem:s6+$0x8000]  }
0x42: {  	s1 =	sshll.u32 s1, $0x9;
	s2 =	rddreg [dreg:$0xd]  }
0x43: {  	s29 =	rddreg [dreg:$0x8];
	s1 =	sor.u32 s1, s2  }
0x44: {  	s1 =	sor.u32 s29, s1  }
0x45: {  	s1 =	sshrl.u32 s1, $0x3  }
0x46: {  	s30 =	simm.s32 $0x8000;
	[tilespmem:v2+s3+$0x0] =	vst.idx.msk $0xffff, v1;
	s1 =	sadd.s32 s31, s1  }
0x47: {  	[tilespmem:s30], [sflag:$0x4] =	stream.strided.gather [hbm4b:s1+s22], $0x4000, s13, s22, $0x38;
	[tilespmem:$0x1E400] =	vst v63  }
0x48: {  	s31 =	rddreg [dreg:$0xe]  }
0x49: {  	s1 =	simm.s32 $0x0;
	s12 =	sor.u32 s0, s31;
	s0 =	simm.s32 $0x0  }
.LBB2_5:
0x4a: {  	s6 =	sshll.u32 s1, $0x4;
	s2 =	simm.s32 $0x0  }
0x4b: {  	s2 =	sor.u32 s6, s2  }
0x4c: {  	_ =	swait.ge [sflag:s7], $0x4000;
	s10 =	smul.u32 $0x220, s2  }
0x4d: {  	s11 =	sand.u32 $0x70, s0;
	[sflag:s7] =	ssyncset.done $0x0;
	s2 =	sshll.u32 s2, $0x7  }
0x4e: {  	[sflag:s7] =	ssyncadd.s32 $0xFFFFC000;
	s2 =	sor.u32 s11, s2;
	s10 =	sshra.s32 s10, $0x2  }
0x4f: {  	v18 =	vld [tilespmem:s2+$0x0];
	s10 =	sadd.s32 s11, s10  }
0x50: {  	v17 =	vld [tilespmem:s10+$0xC000];
	_ =	sdelay $0x6  }
0x51: {  	v2 =	vld.idx.msk [tilespmem:v18+s19+$0x0], $0xffff  }
0x52: {  	v3 =	vld.idx.msk [tilespmem:v17+s21+$0x0], $0xffff;
	_ =	sdelay $0x2  }
0x53: {  	v1 =	vld [tilespmem:s2+$0x10400];
	_ =	sdelay $0x1  }
0x54: {  	s29 =	simm.s32 $0x0;
	v2 =	vadd.bf16 v3, v2  }
0x55: {  	s2 =	sor.u32 s6, s29  }
0x56: {  	s30 =	simm.s32 $0x10;
	s15 =	simm.s32 $0x0;
	s14 =	smul.u32 $0x220, s2;
	v5 =	vadd.s32 $0x200, v18;
	v3 =	vunpack.i.l.bf16.f32 v2  }
0x57: {  	s16 =	sand.u32 $0x70, s30;
	s5 =	sand.u32 $0x3FFFFF80, s15;
	s2 =	sshll.u32 s2, $0x7;
	v6 =	vadd.s32 $0x200, v17;
	v2 =	vunpack.i.u.bf16.f32 v2;
	v3 =	vadd.f32 v3, v1  }
0x58: {  	s2 =	sor.u32 s16, s2;
	s10 =	sor.u32 s11, s5;
	s14 =	sshra.s32 s14, $0x2;
	v2 =	vadd.f32 v2, v1  }
0x59: {  	v4 =	vld [tilespmem:s2+$0x0];
	s13 =	sadd.s32 s16, s14;
	[tilespmem:s10+$0x16400] =	vst v3  }
0x5a: {  	v7 =	vld [tilespmem:s13+$0xC000];
	[tilespmem:s10+$0x16800] =	vst v2  }
0x5b: {  	v2 =	vld.idx.msk [tilespmem:v5+s19+$0x0], $0xffff  }
0x5c: {  	v3 =	vld.idx.msk [tilespmem:v6+s21+$0x0], $0xffff;
	_ =	sdelay $0x4  }
0x5d: {  	v2 =	vadd.bf16 v3, v2  }
0x5e: {  	v5 =	vld.idx.msk [tilespmem:v4+s19+$0x0], $0xffff  }
0x5f: {  	v8 =	vadd.s32 $0x400, v18;
	v3 =	vld.idx.msk [tilespmem:v7+s21+$0x0], $0xffff;
	v6 =	vunpack.i.l.bf16.f32 v2  }
0x60: {  	v10 =	vadd.s32 $0x400, v17;
	v9 =	vunpack.i.u.bf16.f32 v2;
	v6 =	vadd.f32 v6, v1  }
0x61: {  	v9 =	vadd.f32 v9, v1  }
0x62: {  	v2 =	vld [tilespmem:s2+$0x10400];
	[tilespmem:s10+$0x16C00] =	vst v6  }
0x63: {  	[tilespmem:s10+$0x17000] =	vst v9  }
0x64: {  	s14 =	simm.s32 $0x0;
	v3 =	vadd.bf16 v3, v5;
	v8 =	vld.idx.msk [tilespmem:v8+s19+$0x0], $0xffff  }
0x65: {  	s2 =	sor.u32 s6, s14;
	v10 =	vld.idx.msk [tilespmem:v10+s21+$0x0], $0xffff  }
0x66: {  	s26 =	simm.s32 $0x10;
	s15 =	simm.s32 $0x20;
	s17 =	smul.u32 $0x220, s2;
	v9 =	vadd.s32 $0x200, v4;
	v5 =	vunpack.i.l.bf16.f32 v3  }
0x67: {  	s20 =	sand.u32 $0x70, s15;
	s11 =	sand.u32 $0x3FFFFF80, s26;
	v11 =	vadd.s32 $0x200, v7;
	s2 =	sshll.u32 s2, $0x7;
	v3 =	vunpack.i.u.bf16.f32 v3;
	v6 =	vadd.f32 v5, v2  }
0x68: {  	s11 =	sor.u32 s16, s11;
	s2 =	sor.u32 s20, s2;
	s15 =	sshra.s32 s17, $0x2;
	v3 =	vadd.f32 v3, v2  }
0x69: {  	s15 =	sadd.s32 s20, s15;
	v5 =	vld [tilespmem:s2+$0x0];
	[tilespmem:s11+$0x16400] =	vst v6  }
0x6a: {  	v6 =	vld [tilespmem:s15+$0xC000];
	[tilespmem:s11+$0x16800] =	vst v3;
	v8 =	vadd.bf16 v10, v8  }
0x6b: {  	v3 =	vld.idx.msk [tilespmem:v9+s19+$0x0], $0xffff  }
0x6c: {  	v9 =	vld.idx.msk [tilespmem:v11+s21+$0x0], $0xffff;
	v11 =	vadd.s32 $0x600, v18;
	v10 =	vunpack.i.l.bf16.f32 v8  }
0x6d: {  	v12 =	vadd.s32 $0x600, v17;
	v8 =	vunpack.i.u.bf16.f32 v8;
	v10 =	vadd.f32 v10, v1  }
0x6e: {  	v8 =	vadd.f32 v8, v1  }
0x6f: {  	[tilespmem:s10+$0x17400] =	vst v10  }
0x70: {  	[tilespmem:s10+$0x17800] =	vst v8  }
0x71: {  	v8 =	vld.idx.msk [tilespmem:v11+s19+$0x0], $0xffff  }
0x72: {  	v9 =	vadd.bf16 v9, v3;
	v12 =	vld.idx.msk [tilespmem:v12+s21+$0x0], $0xffff  }
0x73: {  	v13 =	vld.idx.msk [tilespmem:v5+s19+$0x0], $0xffff  }
0x74: {  	v14 =	vadd.s32 $0x400, v4;
	v10 =	vld.idx.msk [tilespmem:v6+s21+$0x0], $0xffff;
	v11 =	vunpack.i.l.bf16.f32 v9  }
0x75: {  	v15 =	vadd.s32 $0x400, v7;
	v9 =	vunpack.i.u.bf16.f32 v9;
	v11 =	vadd.f32 v11, v2  }
0x76: {  	v9 =	vadd.f32 v9, v2  }
0x77: {  	v3 =	vld [tilespmem:s2+$0x10400];
	[tilespmem:s11+$0x16C00] =	vst v11;
	v8 =	vadd.bf16 v12, v8  }
0x78: {  	s29 =	simm.s32 $0x0;
	[tilespmem:s11+$0x17000] =	vst v9  }
0x79: {  	s30 =	sor.u32 s6, s29;
	v11 =	vld.idx.msk [tilespmem:v14+s19+$0x0], $0xffff;
	v10 =	vadd.bf16 v10, v13;
	v19 =	vunpack.i.l.bf16.f32 v8  }
0x7a: {  	s5 =	simm.s32 $0x30;
	s13 =	smul.u32 $0x220, s30;
	v12 =	vld.idx.msk [tilespmem:v15+s21+$0x0], $0xffff;
	v15 =	vadd.s32 $0x800, v18;
	v8 =	vunpack.i.u.bf16.f32 v8;
	v19 =	vadd.f32 v19, v1  }
0x7b: {  	s17 =	simm.s32 $0x20;
	s15 =	sshll.u32 s30, $0x7;
	s2 =	sand.u32 $0x70, s5;
	v13 =	vadd.s32 $0x200, v5;
	v9 =	vunpack.i.l.bf16.f32 v10;
	v8 =	vadd.f32 v8, v1  }
0x7c: {  	s16 =	sshra.s32 s13, $0x2;
	s17 =	sand.u32 $0x3FFFFF80, s17;
	s26 =	sor.u32 s2, s15;
	v14 =	vadd.s32 $0x200, v6;
	v10 =	vunpack.i.u.bf16.f32 v10;
	v9 =	vadd.f32 v9, v3;
	[tilespmem:s10+$0x17C00] =	vst v19  }
0x7d: {  	s15 =	sor.u32 s20, s17;
	s17 =	sadd.s32 s2, s16;
	v16 =	vadd.f32 v10, v3;
	v10 =	vld [tilespmem:s26+$0x0];
	[tilespmem:s10+$0x18000] =	vst v8  }
0x7e: {  	v20 =	vadd.s32 $0x800, v17;
	[tilespmem:s15+$0x16400] =	vst v9;
	v9 =	vld [tilespmem:s17+$0xC000]  }
0x7f: {  	v11 =	vadd.bf16 v12, v11;
	[tilespmem:s15+$0x16800] =	vst v16;
	v8 =	vld.idx.msk [tilespmem:v15+s19+$0x0], $0xffff  }
0x80: {  	v13 =	vld.idx.msk [tilespmem:v13+s19+$0x0], $0xffff  }
0x81: {  	v15 =	vadd.s32 $0x600, v4;
	v14 =	vld.idx.msk [tilespmem:v14+s21+$0x0], $0xffff;
	v12 =	vunpack.i.l.bf16.f32 v11  }
0x82: {  	v11 =	vunpack.i.u.bf16.f32 v11;
	v12 =	vadd.f32 v12, v2  }
0x83: {  	v16 =	vld.idx.msk [tilespmem:v20+s21+$0x0], $0xffff;
	v11 =	vadd.f32 v11, v2  }
0x84: {  	[tilespmem:s11+$0x17400] =	vst v12  }
0x85: {  	v19 =	vadd.s32 $0x600, v7;
	[tilespmem:s11+$0x17800] =	vst v11  }
0x86: {  	v11 =	vld.idx.msk [tilespmem:v15+s19+$0x0], $0xffff;
	v12 =	vadd.bf16 v14, v13  }
0x87: {  	v20 =	vld.idx.msk [tilespmem:v10+s19+$0x0], $0xffff  }
0x88: {  	v15 =	vadd.s32 $0x400, v5;
	v16 =	vadd.bf16 v16, v8;
	v13 =	vld.idx.msk [tilespmem:v9+s21+$0x0], $0xffff;
	v14 =	vunpack.i.l.bf16.f32 v12  }
0x89: {  	v21 =	vadd.s32 $0x400, v6;
	v12 =	vunpack.i.u.bf16.f32 v12;
	v14 =	vadd.f32 v14, v3  }
0x8a: {  	v22 =	vadd.s32 $0xA00, v18;
	v19 =	vld.idx.msk [tilespmem:v19+s21+$0x0], $0xffff;
	v23 =	vunpack.i.l.bf16.f32 v16;
	v12 =	vadd.f32 v12, v3  }
0x8b: {  	v8 =	vld [tilespmem:s26+$0x10400];
	[tilespmem:s15+$0x16C00] =	vst v14;
	v14 =	vunpack.i.u.bf16.f32 v16;
	v16 =	vadd.f32 v23, v1;
	v23 =	vadd.s32 $0xA00, v17  }
0x8c: {  	s20 =	simm.s32 $0x0;
	[tilespmem:s15+$0x17000] =	vst v12;
	v12 =	vadd.f32 v14, v1  }
0x8d: {  	s26 =	sor.u32 s6, s20;
	v15 =	vld.idx.msk [tilespmem:v15+s19+$0x0], $0xffff;
	v13 =	vadd.bf16 v13, v20;
	[tilespmem:s10+$0x18400] =	vst v16  }
0x8e: {  	s29 =	simm.s32 $0x40;
	s30 =	smul.u32 $0x220, s26;
	v20 =	vld.idx.msk [tilespmem:v21+s21+$0x0], $0xffff;
	[tilespmem:s10+$0x18800] =	vst v12  }
0x8f: {  	s14 =	sand.u32 $0x70, s29;
	s5 =	simm.s32 $0x30;
	s16 =	sshll.u32 s26, $0x7;
	v11 =	vadd.bf16 v19, v11;
	v16 =	vadd.s32 $0x200, v10;
	v14 =	vunpack.i.l.bf16.f32 v13;
	v21 =	vld.idx.msk [tilespmem:v22+s19+$0x0], $0xffff  }
0x90: {  	s26 =	sand.u32 $0x3FFFFF80, s5;
	s16 =	sor.u32 s14, s16;
	s28 =	sshra.s32 s30, $0x2;
	v19 =	vadd.s32 $0x200, v9;
	v12 =	vunpack.i.u.bf16.f32 v13;
	v13 =	vadd.f32 v14, v8;
	v23 =	vld.idx.msk [tilespmem:v23+s21+$0x0], $0xffff  }
0x91: {  	s17 =	sor.u32 s2, s26;
	s13 =	sadd.s32 s14, s28;
	v22 =	vadd.s32 $0x800, v4;
	v24 =	vadd.f32 v12, v8;
	v12 =	vunpack.i.l.bf16.f32 v11;
	v14 =	vld [tilespmem:s16+$0x0]  }
0x92: {  	v25 =	vadd.s32 $0x800, v7;
	v11 =	vunpack.i.u.bf16.f32 v11;
	[tilespmem:s17+$0x16400] =	vst v13;
	v13 =	vadd.f32 v12, v2;
	v12 =	vld [tilespmem:s13+$0xC000]  }
0x93: {  	v11 =	vadd.f32 v11, v2;
	[tilespmem:s17+$0x16800] =	vst v24  }
0x94: {  	v16 =	vld.idx.msk [tilespmem:v16+s19+$0x0], $0xffff;
	[tilespmem:s11+$0x17C00] =	vst v13;
	v13 =	vadd.bf16 v20, v15  }
0x95: {  	[tilespmem:s11+$0x18000] =	vst v11;
	v15 =	vld.idx.msk [tilespmem:v19+s21+$0x0], $0xffff  }
0x96: {  	v24 =	vadd.s32 $0x600, v6;
	v20 =	vadd.s32 $0x600, v5;
	v19 =	vld.idx.msk [tilespmem:v22+s19+$0x0], $0xffff;
	v11 =	vunpack.i.l.bf16.f32 v13  }
0x97: {  	v22 =	vld.idx.msk [tilespmem:v25+s21+$0x0], $0xffff;
	v21 =	vadd.bf16 v23, v21;
	v13 =	vunpack.i.u.bf16.f32 v13;
	v23 =	vadd.f32 v11, v3  }
0x98: {  	v13 =	vadd.f32 v13, v3;
	v11 =	vld [tilespmem:s16+$0x10400]  }
0x99: {  	v26 =	vadd.s32 $0xC00, v18;
	v25 =	vunpack.i.l.bf16.f32 v21;
	v21 =	vunpack.i.u.bf16.f32 v21;
	v27 =	vld.idx.msk [tilespmem:v14+s19+$0x0], $0xffff;
	[tilespmem:s15+$0x17400] =	vst v23  }
0x9a: {  	v23 =	vadd.f32 v25, v1;
	v25 =	vadd.s32 $0xC00, v17;
	v15 =	vadd.bf16 v15, v16;
	[tilespmem:s15+$0x17800] =	vst v13;
	v16 =	vld.idx.msk [tilespmem:v12+s21+$0x0], $0xffff  }
0x9b: {  	v13 =	vadd.f32 v21, v1;
	v20 =	vld.idx.msk [tilespmem:v20+s19+$0x0], $0xffff  }
0x9c: {  	s16 =	simm.s32 $0x0;
	v19 =	vadd.bf16 v22, v19;
	v22 =	vld.idx.msk [tilespmem:v24+s21+$0x0], $0xffff;
	[tilespmem:s10+$0x18C00] =	vst v23;
	v21 =	vunpack.i.l.bf16.f32 v15;
	v23 =	vadd.s32 $0x400, v10  }
0x9d: {  	s28 =	simm.s32 $0x50;
	s20 =	sor.u32 s6, s16;
	[tilespmem:s10+$0x19000] =	vst v13;
	v13 =	vunpack.i.u.bf16.f32 v15;
	v15 =	vadd.f32 v21, v8;
	v21 =	vadd.s32 $0x400, v9  }
0x9e: {  	s2 =	sand.u32 $0x70, s28;
	s29 =	sshll.u32 s20, $0x7;
	v24 =	vadd.s32 $0xA00, v4;
	v26 =	vld.idx.msk [tilespmem:v26+s19+$0x0], $0xffff;
	v28 =	vadd.f32 v13, v8;
	v13 =	vunpack.i.l.bf16.f32 v19  }
0x9f: {  	v29 =	vadd.s32 $0xA00, v7;
	s26 =	sor.u32 s2, s29;
	v25 =	vld.idx.msk [tilespmem:v25+s21+$0x0], $0xffff;
	[tilespmem:s17+$0x16C00] =	vst v15;
	v15 =	vunpack.i.u.bf16.f32 v19;
	v19 =	vadd.f32 v13, v2  }
0xa0: {  	v13 =	vld [tilespmem:s26+$0x10400];
	[tilespmem:s17+$0x17000] =	vst v28;
	v16 =	vadd.bf16 v16, v27;
	v15 =	vadd.f32 v15, v2  }
0xa1: {  	v28 =	vadd.s32 $0x200, v14;
	v20 =	vadd.bf16 v22, v20;
	v23 =	vld.idx.msk [tilespmem:v23+s19+$0x0], $0xffff;
	[tilespmem:s11+$0x18400] =	vst v19  }
0xa2: {  	s16 =	smul.u32 $0x220, s20;
	s29 =	simm.s32 $0x40;
	v27 =	vadd.s32 $0x800, v5;
	v19 =	vunpack.i.l.bf16.f32 v16;
	v21 =	vld.idx.msk [tilespmem:v21+s21+$0x0], $0xffff;
	[tilespmem:s11+$0x18800] =	vst v15;
	v15 =	vunpack.i.u.bf16.f32 v16  }
0xa3: {  	s29 =	sand.u32 $0x3FFFFF80, s29;
	v30 =	vunpack.i.l.bf16.f32 v20;
	v16 =	vadd.f32 v19, v11;
	v19 =	vadd.s32 $0x200, v12;
	v22 =	vld.idx.msk [tilespmem:v24+s19+$0x0], $0xffff  }
0xa4: {  	s16 =	sshra.s32 s16, $0x2;
	s14 =	sor.u32 s14, s29;
	v20 =	vunpack.i.u.bf16.f32 v20;
	v24 =	vadd.f32 v15, v11;
	v29 =	vld.idx.msk [tilespmem:v29+s21+$0x0], $0xffff;
	v25 =	vadd.bf16 v25, v26  }
0xa5: {  	s16 =	sadd.s32 s2, s16;
	v15 =	vld [tilespmem:s26+$0x0];
	v20 =	vadd.f32 v20, v3;
	v26 =	vadd.f32 v30, v3;
	v30 =	vadd.s32 $0x800, v6;
	[tilespmem:s14+$0x16400] =	vst v16  }
0xa6: {  	v18 =	vadd.s32 $0xE00, v18;
	v16 =	vld [tilespmem:s16+$0xC000];
	[tilespmem:s14+$0x16800] =	vst v24;
	v24 =	vunpack.i.l.bf16.f32 v25  }
0xa7: {  	[tilespmem:s15+$0x18000] =	vst v20;
	v31 =	vld.idx.msk [tilespmem:v28+s19+$0x0], $0xffff;
	v25 =	vunpack.i.u.bf16.f32 v25;
	v28 =	vadd.s32 $0xE00, v17;
	v24 =	vadd.f32 v24, v1  }
0xa8: {  	[tilespmem:s15+$0x17C00] =	vst v26;
	v17 =	vadd.bf16 v21, v23;
	v32 =	vld.idx.msk [tilespmem:v19+s21+$0x0], $0xffff;
	v19 =	vadd.f32 v25, v1  }
0xa9: {  	v21 =	vld.idx.msk [tilespmem:v27+s19+$0x0], $0xffff;
	[tilespmem:s10+$0x19400] =	vst v24  }
0xaa: {  	s30 =	sadd.s32 s18, s6;
	v27 =	vadd.s32 $0x600, v10;
	v22 =	vadd.bf16 v29, v22;
	v20 =	vunpack.i.l.bf16.f32 v17;
	v23 =	vld.idx.msk [tilespmem:v30+s21+$0x0], $0xffff;
	[tilespmem:s10+$0x19800] =	vst v19  }
0xab: {  	s16 =	sshll.u32 s30, $0x9;
	v26 =	vadd.s32 $0x600, v9;
	v19 =	vunpack.i.u.bf16.f32 v17;
	v20 =	vadd.f32 v20, v8;
	v17 =	vld.idx.msk [tilespmem:v18+s19+$0x0], $0xffff  }
0xac: {  	s16 =	sadd.s32 s12, s16;
	v25 =	vunpack.i.l.bf16.f32 v22;
	v24 =	vadd.f32 v19, v8;
	v18 =	vld.idx.msk [tilespmem:v28+s21+$0x0], $0xffff;
	v19 =	vadd.s32 $0xC00, v4  }
0xad: {  	s16 =	sshrl.u32 s16, $0x3;
	v33 =	vunpack.i.u.bf16.f32 v22;
	v28 =	vld.idx.msk [tilespmem:v15+s19+$0x0], $0xffff;
	v22 =	vadd.f32 v25, v2;
	[tilespmem:s17+$0x17400] =	vst v20;
	v20 =	vadd.s32 $0xC00, v7  }
0xae: {  	s26 =	simm.s32 $0x6;
	s31 =	sadd.s32 s4, s16;
	s16 =	simm.s32 $0x5;
	v29 =	vld.idx.msk [tilespmem:v16+s21+$0x0], $0xffff;
	v30 =	vadd.bf16 v32, v31;
	[tilespmem:s17+$0x17800] =	vst v24;
	v24 =	vadd.f32 v33, v2  }
.LBB2_6:
0xaf: {  	p1 =	sne.s32 s26, $0x3F;
	v27 =	vld.idx.msk [tilespmem:v27+s19+$0x0], $0xffff;
	v31 =	vadd.s32 $0xA00, v5;
	[tilespmem:s11+$0x18C00] =	vst v22;
	v25 =	vmovc v9;
	v9 =	vmov v12;
	v12 =	vmov v16  }
0xb0: {  	s29 =	sshrl.u32 s26, $0x3;
	v22 =	vadd.s32 $0x400, v14;
	v21 =	vadd.bf16 v23, v21;
	v16 =	vunpack.i.l.bf16.f32 v30;
	v26 =	vld.idx.msk [tilespmem:v26+s21+$0x0], $0xffff;
	[tilespmem:s11+$0x19000] =	vst v24  }
0xb1: {  	s28 =	sadd.s32 $0x10, s28;
	s29 =	sor.u32 s6, s29;
	v23 =	vunpack.i.u.bf16.f32 v30;
	v24 =	vadd.s32 $0x400, v9;
	v16 =	vadd.f32 v16, v11;
	v19 =	vld.idx.msk [tilespmem:v19+s19+$0x0], $0xffff  }
0xb2: {  	s30 =	sand.u32 $0x70, s28;
	s20 =	sshll.u32 s29, $0x7;
	v23 =	vadd.f32 v23, v11;
	v30 =	vunpack.i.l.bf16.f32 v21;
	v17 =	vadd.bf16 v18, v17;
	v20 =	vld.idx.msk [tilespmem:v20+s21+$0x0], $0xffff  }
0xb3: {  	s20 =	sor.u32 s30, s20;
	v18 =	vadd.f32 v30, v3;
	[tilespmem:s14+$0x16C00] =	vst v16;
	v16 =	vunpack.i.u.bf16.f32 v21;
	v21 =	vadd.s32 $0xA00, v6  }
0xb4: {  	v28 =	vadd.bf16 v29, v28;
	v30 =	vld [tilespmem:s20+$0x10400];
	[tilespmem:s14+$0x17000] =	vst v23;
	v16 =	vadd.f32 v16, v3;
	v23 =	vunpack.i.u.bf16.f32 v17  }
0xb5: {  	v29 =	vadd.s32 $0x800, v10;
	v17 =	vunpack.i.l.bf16.f32 v17;
	v22 =	vld.idx.msk [tilespmem:v22+s19+$0x0], $0xffff;
	[tilespmem:s15+$0x18400] =	vst v18;
	v18 =	vadd.f32 v23, v1  }
0xb6: {  	s5 =	sshll.u32 s16, $0x4;
	v32 =	vadd.s32 $0x200, v15;
	s16 =	smov.u32 s26;
	s29 =	smul.u32 $0x220, s29;
	v23 =	vunpack.i.l.bf16.f32 v28;
	v26 =	vadd.bf16 v26, v27;
	v24 =	vld.idx.msk [tilespmem:v24+s21+$0x0], $0xffff;
	[tilespmem:s15+$0x18800] =	vst v16  }
0xb7: {  	s5 =	sand.u32 $0x3FFFFF80, s5;
	v27 =	vadd.s32 $0x200, v12;
	v16 =	vunpack.i.u.bf16.f32 v28;
	v23 =	vadd.f32 v23, v13;
	v28 =	vld.idx.msk [tilespmem:v31+s19+$0x0], $0xffff;
	[tilespmem:s10+$0x1A000] =	vst v18  }
0xb8: {  	s13 =	sshra.s32 s29, $0x2;
	s29 =	sor.u32 s2, s5;
	s2 =	smov.u32 s30;
	v18 =	vadd.f32 v16, v13;
	v16 =	vunpack.i.l.bf16.f32 v26;
	v19 =	vadd.bf16 v20, v19;
	v31 =	vld.idx.msk [tilespmem:v21+s21+$0x0], $0xffff  }
0xb9: {  	s5 =	sadd.s32 s2, s13;
	v21 =	vunpack.i.u.bf16.f32 v26;
	v26 =	vadd.s32 $0x800, v25;
	v20 =	vld [tilespmem:s20+$0x0];
	[tilespmem:s29+$0x16400] =	vst v23;
	v23 =	vadd.f32 v16, v8  }
0xba: {  	v33 =	vadd.s32 $0xE00, v4;
	v4 =	vmovc v5;
	v5 =	vmovc v10;
	v16 =	vld [tilespmem:s5+$0xC000];
	[tilespmem:s29+$0x16800] =	vst v18;
	v18 =	vadd.f32 v21, v8;
	v21 =	vunpack.i.l.bf16.f32 v19  }
0xbb: {  	v7 =	vadd.s32 $0xE00, v7;
	v10 =	vmovc v14;
	v19 =	vunpack.i.u.bf16.f32 v19;
	v32 =	vld.idx.msk [tilespmem:v32+s19+$0x0], $0xffff;
	[tilespmem:s17+$0x17C00] =	vst v23;
	v23 =	vadd.f32 v21, v2  }
0xbc: {  	v14 =	vmov v15;
	v22 =	vadd.bf16 v24, v22;
	v34 =	vld.idx.msk [tilespmem:v27+s21+$0x0], $0xffff;
	[tilespmem:s17+$0x18000] =	vst v18;
	v18 =	vadd.f32 v19, v2  }
0xbd: {  	v35 =	vadd.f32 v17, v1;
	v1 =	vmovc v2;
	v2 =	vmov v3;
	v3 =	vmov v8;
	v21 =	vld.idx.msk [tilespmem:v29+s19+$0x0], $0xffff;
	[tilespmem:s11+$0x19400] =	vst v23  }
.Ltmp1:
0xbe: {  	v27 =	vadd.s32 $0x600, v10;
	v8 =	vmovc v11;
	v17 =	vunpack.i.l.bf16.f32 v22;
	v24 =	vadd.bf16 v31, v28;
	v23 =	vld.idx.msk [tilespmem:v26+s21+$0x0], $0xffff;
	[tilespmem:s11+$0x19800] =	vst v18;
	(pc) =	sbr.rel @p1 .LBB2_6-.Ltmp1, $4  }
0xbf: {  	v11 =	vmovc v13;
	v18 =	vunpack.i.u.bf16.f32 v22;
	v22 =	vadd.f32 v17, v8;
	v26 =	vadd.s32 $0x600, v9;
	v17 =	vld.idx.msk [tilespmem:v33+s19+$0x0], $0xffff;
	[tilespmem:s10+$0x19C00] =	vst v35;
	s10 =	smov.u32 s11;
	s11 =	smov.u32 s15;
	s15 =	smov.u32 s17  }
0xc0: {  	v19 =	vadd.s32 $0xC00, v4;
	v13 =	vmovc v30;
	v15 =	vmovc v20;
	v31 =	vadd.f32 v18, v8;
	v29 =	vunpack.i.l.bf16.f32 v24;
	s17 =	smov.u32 s14;
	s14 =	smov.u32 s29;
	v18 =	vld.idx.msk [tilespmem:v7+s21+$0x0], $0xffff  }
0xc1: {  	v24 =	vunpack.i.u.bf16.f32 v24;
	v7 =	vmovc v6;
	v28 =	vld.idx.msk [tilespmem:v20+s19+$0x0], $0xffff;
	[tilespmem:s17+$0x17400] =	vst v22;
	v22 =	vadd.f32 v29, v2;
	v20 =	vadd.s32 $0xC00, v6  }
0xc2: {  	s26 =	sadd.s32 $0x1, s26;
	v24 =	vadd.f32 v24, v2;
	v30 =	vadd.bf16 v34, v32;
	v6 =	vmov v25;
	v29 =	vld.idx.msk [tilespmem:v16+s21+$0x0], $0xffff;
	[tilespmem:s17+$0x17800] =	vst v31  }
0xc3: {  	_ =	sdelay $0x3  }
0xc4: {  	v25 =	vadd.bf16 v29, v28;
	_ =	sdelay $0x1  }
0xc5: {  	s5 =	sshll.u32 s16, $0x4;
	v29 =	vadd.s32 $0x200, v15;
	v28 =	vunpack.i.l.bf16.f32 v25  }
0xc6: {  	v31 =	vadd.s32 $0x200, v16;
	s5 =	sand.u32 $0x3FFFFF80, s5;
	v25 =	vunpack.i.u.bf16.f32 v25;
	v28 =	vadd.f32 v28, v13  }
0xc7: {  	s28 =	sor.u32 s2, s5;
	v25 =	vadd.f32 v25, v13  }
0xc8: {  	[tilespmem:s28+$0x16400] =	vst v28  }
0xc9: {  	[tilespmem:s28+$0x16800] =	vst v25  }
0xca: {  	v25 =	vld.idx.msk [tilespmem:v29+s19+$0x0], $0xffff  }
0xcb: {  	v28 =	vld.idx.msk [tilespmem:v31+s21+$0x0], $0xffff;
	_ =	sdelay $0x4  }
0xcc: {  	v29 =	vunpack.i.l.bf16.f32 v30;
	v31 =	vadd.s32 $0x400, v14;
	v25 =	vadd.bf16 v28, v25  }
0xcd: {  	v29 =	vadd.f32 v29, v11;
	v28 =	vunpack.i.u.bf16.f32 v30;
	v30 =	vadd.s32 $0x400, v12  }
0xce: {  	v33 =	vadd.s32 $0x400, v15;
	v28 =	vadd.f32 v28, v11;
	v32 =	vunpack.i.l.bf16.f32 v25  }
0xcf: {  	v52 =	vadd.s32 $0x400, v16;
	[tilespmem:s14+$0x16C00] =	vst v29;
	v25 =	vunpack.i.u.bf16.f32 v25;
	v29 =	vadd.f32 v32, v13  }
0xd0: {  	[tilespmem:s14+$0x17000] =	vst v28;
	v25 =	vadd.f32 v25, v13  }
0xd1: {  	v28 =	vld.idx.msk [tilespmem:v31+s19+$0x0], $0xffff;
	[tilespmem:s28+$0x16C00] =	vst v29  }
0xd2: {  	v29 =	vld.idx.msk [tilespmem:v30+s21+$0x0], $0xffff;
	[tilespmem:s28+$0x17000] =	vst v25  }
0xd3: {  	v25 =	vld.idx.msk [tilespmem:v33+s19+$0x0], $0xffff  }
0xd4: {  	v30 =	vld.idx.msk [tilespmem:v52+s21+$0x0], $0xffff;
	_ =	sdelay $0x2  }
0xd5: {  	v28 =	vadd.bf16 v29, v28  }
0xd6: {  	v54 =	vadd.s32 $0x600, v15  }
0xd7: {  	v31 =	vadd.s32 $0x600, v14;
	v25 =	vadd.bf16 v30, v25;
	v29 =	vunpack.i.l.bf16.f32 v28  }
0xd8: {  	v27 =	vld.idx.msk [tilespmem:v27+s19+$0x0], $0xffff;
	v30 =	vadd.s32 $0x600, v12;
	v28 =	vunpack.i.u.bf16.f32 v28;
	v29 =	vadd.f32 v29, v11  }
0xd9: {  	v26 =	vld.idx.msk [tilespmem:v26+s21+$0x0], $0xffff;
	v28 =	vadd.f32 v28, v11;
	v53 =	vunpack.i.l.bf16.f32 v25;
	v25 =	vunpack.i.u.bf16.f32 v25  }
0xda: {  	v55 =	vadd.s32 $0x600, v16;
	v25 =	vadd.f32 v25, v13;
	[tilespmem:s14+$0x17400] =	vst v29  }
0xdb: {  	v29 =	vadd.f32 v53, v13;
	[tilespmem:s14+$0x17800] =	vst v28  }
0xdc: {  	v28 =	vld.idx.msk [tilespmem:v31+s19+$0x0], $0xffff;
	[tilespmem:s28+$0x17800] =	vst v25  }
0xdd: {  	[tilespmem:s28+$0x17400] =	vst v29;
	v29 =	vld.idx.msk [tilespmem:v30+s21+$0x0], $0xffff  }
0xde: {  	v26 =	vadd.bf16 v26, v27;
	v25 =	vld.idx.msk [tilespmem:v54+s19+$0x0], $0xffff  }
0xdf: {  	v27 =	vld.idx.msk [tilespmem:v55+s21+$0x0], $0xffff  }
0xe0: {  	v56 =	vadd.s32 $0x800, v9;
	v31 =	vunpack.i.l.bf16.f32 v26  }
0xe1: {  	v26 =	vunpack.i.u.bf16.f32 v26;
	v30 =	vadd.s32 $0x800, v10;
	v31 =	vadd.f32 v31, v8  }
0xe2: {  	v26 =	vadd.f32 v26, v8;
	v28 =	vadd.bf16 v29, v28  }
0xe3: {  	[tilespmem:s17+$0x17C00] =	vst v31;
	v29 =	vadd.s32 $0x800, v14  }
0xe4: {  	[tilespmem:s17+$0x18000] =	vst v26;
	v25 =	vadd.bf16 v27, v25;
	v31 =	vunpack.i.l.bf16.f32 v28;
	v26 =	vunpack.i.u.bf16.f32 v28  }
0xe5: {  	v32 =	vld.idx.msk [tilespmem:v56+s21+$0x0], $0xffff;
	v28 =	vadd.s32 $0x800, v12;
	v27 =	vadd.f32 v31, v11;
	v26 =	vadd.f32 v26, v11  }
0xe6: {  	v30 =	vld.idx.msk [tilespmem:v30+s19+$0x0], $0xffff;
	v31 =	vadd.s32 $0x800, v15;
	v57 =	vunpack.i.l.bf16.f32 v25;
	v25 =	vunpack.i.u.bf16.f32 v25  }
0xe7: {  	v58 =	vadd.s32 $0x800, v16;
	v25 =	vadd.f32 v25, v13;
	[tilespmem:s14+$0x17C00] =	vst v27  }
0xe8: {  	v27 =	vadd.f32 v57, v13;
	[tilespmem:s14+$0x18000] =	vst v26  }
0xe9: {  	v21 =	vadd.bf16 v23, v21;
	v23 =	vld.idx.msk [tilespmem:v29+s19+$0x0], $0xffff;
	[tilespmem:s28+$0x18000] =	vst v25  }
0xea: {  	[tilespmem:s28+$0x17C00] =	vst v27;
	v26 =	vld.idx.msk [tilespmem:v28+s21+$0x0], $0xffff  }
0xeb: {  	v30 =	vadd.bf16 v32, v30;
	v27 =	vunpack.i.l.bf16.f32 v21;
	v28 =	vld.idx.msk [tilespmem:v31+s19+$0x0], $0xffff  }
0xec: {  	v25 =	vadd.s32 $0xA00, v5;
	v21 =	vunpack.i.u.bf16.f32 v21;
	v27 =	vadd.f32 v27, v3;
	v31 =	vld.idx.msk [tilespmem:v58+s21+$0x0], $0xffff  }
0xed: {  	v29 =	vadd.s32 $0xA00, v6;
	v21 =	vadd.f32 v21, v3  }
0xee: {  	v59 =	vadd.s32 $0xA00, v9;
	v32 =	vunpack.i.l.bf16.f32 v30;
	[tilespmem:s15+$0x18400] =	vst v27;
	v27 =	vadd.s32 $0xA00, v10  }
0xef: {  	v30 =	vunpack.i.u.bf16.f32 v30;
	[tilespmem:s15+$0x18800] =	vst v21;
	v21 =	vadd.f32 v32, v8;
	v23 =	vadd.bf16 v26, v23  }
0xf0: {  	v26 =	vadd.f32 v30, v8  }
0xf1: {  	v25 =	vld.idx.msk [tilespmem:v25+s19+$0x0], $0xffff;
	[tilespmem:s17+$0x18400] =	vst v21;
	v21 =	vadd.s32 $0xA00, v14;
	v28 =	vadd.bf16 v31, v28;
	v30 =	vunpack.i.l.bf16.f32 v23  }
0xf2: {  	v29 =	vld.idx.msk [tilespmem:v29+s21+$0x0], $0xffff;
	[tilespmem:s17+$0x18800] =	vst v26;
	v23 =	vunpack.i.u.bf16.f32 v23;
	v26 =	vadd.f32 v30, v11;
	v30 =	vadd.s32 $0xA00, v12  }
0xf3: {  	v31 =	vadd.s32 $0xA00, v15;
	v27 =	vld.idx.msk [tilespmem:v27+s19+$0x0], $0xffff;
	v23 =	vadd.f32 v23, v11;
	v60 =	vunpack.i.l.bf16.f32 v28  }
0xf4: {  	v61 =	vadd.s32 $0xA00, v16;
	v32 =	vld.idx.msk [tilespmem:v59+s21+$0x0], $0xffff;
	[tilespmem:s14+$0x18400] =	vst v26;
	v26 =	vunpack.i.u.bf16.f32 v28;
	v28 =	vadd.f32 v60, v13  }
0xf5: {  	[tilespmem:s14+$0x18800] =	vst v23;
	v23 =	vadd.f32 v26, v13  }
0xf6: {  	v21 =	vld.idx.msk [tilespmem:v21+s19+$0x0], $0xffff;
	[tilespmem:s28+$0x18400] =	vst v28  }
0xf7: {  	v25 =	vadd.bf16 v29, v25;
	v26 =	vld.idx.msk [tilespmem:v30+s21+$0x0], $0xffff;
	[tilespmem:s28+$0x18800] =	vst v23  }
0xf8: {  	v28 =	vld.idx.msk [tilespmem:v31+s19+$0x0], $0xffff  }
0xf9: {  	v29 =	vadd.s32 $0xC00, v5;
	v23 =	vunpack.i.l.bf16.f32 v25;
	v27 =	vadd.bf16 v32, v27;
	v30 =	vld.idx.msk [tilespmem:v61+s21+$0x0], $0xffff  }
0xfa: {  	[tilespmem:s11+$0x18C00] =	vst v22;
	v25 =	vunpack.i.u.bf16.f32 v25;
	v22 =	vadd.f32 v23, v3;
	v23 =	vadd.s32 $0xC00, v6  }
0xfb: {  	[tilespmem:s11+$0x19000] =	vst v24;
	v25 =	vadd.f32 v25, v3;
	v31 =	vadd.s32 $0xC00, v10;
	v24 =	vunpack.i.l.bf16.f32 v27  }
0xfc: {  	v19 =	vld.idx.msk [tilespmem:v19+s19+$0x0], $0xffff;
	v27 =	vunpack.i.u.bf16.f32 v27;
	[tilespmem:s15+$0x18C00] =	vst v22;
	v22 =	vadd.f32 v24, v8;
	v21 =	vadd.bf16 v26, v21  }
0xfd: {  	v20 =	vld.idx.msk [tilespmem:v20+s21+$0x0], $0xffff;
	v24 =	vadd.s32 $0xC00, v9;
	[tilespmem:s15+$0x19000] =	vst v25;
	v25 =	vadd.f32 v27, v8  }
0xfe: {  	v27 =	vadd.s32 $0xC00, v14;
	v26 =	vld.idx.msk [tilespmem:v29+s19+$0x0], $0xffff;
	[tilespmem:s17+$0x18C00] =	vst v22;
	v28 =	vadd.bf16 v30, v28;
	v22 =	vunpack.i.l.bf16.f32 v21  }
0xff: {  	[tilespmem:s17+$0x19000] =	vst v25;
	v25 =	vadd.s32 $0xC00, v12;
	v23 =	vld.idx.msk [tilespmem:v23+s21+$0x0], $0xffff;
	v21 =	vunpack.i.u.bf16.f32 v21;
	v22 =	vadd.f32 v22, v11  }
0x100: {  	v29 =	vld.idx.msk [tilespmem:v31+s19+$0x0], $0xffff;
	v31 =	vadd.s32 $0xC00, v15;
	v21 =	vadd.f32 v21, v11;
	v30 =	vunpack.i.l.bf16.f32 v28  }
0x101: {  	[tilespmem:s14+$0x18C00] =	vst v22;
	v22 =	vunpack.i.u.bf16.f32 v28;
	v28 =	vadd.f32 v30, v13;
	v30 =	vadd.s32 $0xC00, v16  }
0x102: {  	v19 =	vadd.bf16 v20, v19;
	v24 =	vld.idx.msk [tilespmem:v24+s21+$0x0], $0xffff;
	[tilespmem:s14+$0x19000] =	vst v21;
	v20 =	vadd.f32 v22, v13  }
0x103: {  	v17 =	vadd.bf16 v18, v17;
	v18 =	vld.idx.msk [tilespmem:v27+s19+$0x0], $0xffff;
	[tilespmem:s28+$0x18C00] =	vst v28  }
0x104: {  	v4 =	vadd.s32 $0xE00, v4;
	v21 =	vunpack.i.l.bf16.f32 v19;
	v22 =	vadd.bf16 v23, v26;
	v23 =	vld.idx.msk [tilespmem:v25+s21+$0x0], $0xffff;
	[tilespmem:s28+$0x19000] =	vst v20  }
0x105: {  	v7 =	vadd.s32 $0xE00, v7;
	v19 =	vunpack.i.u.bf16.f32 v19;
	v20 =	vadd.f32 v21, v2;
	v21 =	vld.idx.msk [tilespmem:v31+s19+$0x0], $0xffff  }
0x106: {  	v5 =	vadd.s32 $0xE00, v5;
	v6 =	vadd.s32 $0xE00, v6;
	v19 =	vadd.f32 v19, v2;
	v26 =	vld.idx.msk [tilespmem:v30+s21+$0x0], $0xffff  }
0x107: {  	v10 =	vadd.s32 $0xE00, v10;
	v25 =	vunpack.i.l.bf16.f32 v22;
	v24 =	vadd.bf16 v24, v29  }
0x108: {  	v9 =	vadd.s32 $0xE00, v9;
	v22 =	vunpack.i.u.bf16.f32 v22;
	[tilespmem:s11+$0x19800] =	vst v19;
	v25 =	vadd.f32 v25, v3  }
0x109: {  	[tilespmem:s11+$0x19400] =	vst v20;
	v20 =	vadd.f32 v22, v3;
	v22 =	vunpack.i.l.bf16.f32 v24;
	v18 =	vadd.bf16 v23, v18  }
0x10a: {  	v14 =	vadd.s32 $0xE00, v14;
	v19 =	vunpack.i.u.bf16.f32 v24;
	v4 =	vld.idx.msk [tilespmem:v4+s19+$0x0], $0xffff;
	[tilespmem:s15+$0x19400] =	vst v25;
	v22 =	vadd.f32 v22, v8  }
0x10b: {  	v19 =	vadd.f32 v19, v8;
	v7 =	vld.idx.msk [tilespmem:v7+s21+$0x0], $0xffff;
	[tilespmem:s15+$0x19800] =	vst v20;
	v20 =	vunpack.i.l.bf16.f32 v18;
	v21 =	vadd.bf16 v26, v21  }
0x10c: {  	v12 =	vadd.s32 $0xE00, v12;
	v5 =	vld.idx.msk [tilespmem:v5+s19+$0x0], $0xffff;
	[tilespmem:s17+$0x19400] =	vst v22;
	v18 =	vunpack.i.u.bf16.f32 v18;
	v20 =	vadd.f32 v20, v11  }
0x10d: {  	v15 =	vadd.s32 $0xE00, v15;
	v6 =	vld.idx.msk [tilespmem:v6+s21+$0x0], $0xffff;
	[tilespmem:s17+$0x19800] =	vst v19;
	v18 =	vadd.f32 v18, v11;
	v19 =	vunpack.i.l.bf16.f32 v21  }
0x10e: {  	v16 =	vadd.s32 $0xE00, v16;
	v10 =	vld.idx.msk [tilespmem:v10+s19+$0x0], $0xffff;
	[tilespmem:s14+$0x19400] =	vst v20;
	v20 =	vunpack.i.u.bf16.f32 v21;
	v19 =	vadd.f32 v19, v13  }
0x10f: {  	v9 =	vld.idx.msk [tilespmem:v9+s21+$0x0], $0xffff;
	[tilespmem:s14+$0x19800] =	vst v18;
	v18 =	vadd.f32 v20, v13  }
0x110: {  	v4 =	vadd.bf16 v7, v4;
	v7 =	vld.idx.msk [tilespmem:v14+s19+$0x0], $0xffff;
	v20 =	vunpack.i.u.bf16.f32 v17;
	[tilespmem:s28+$0x19400] =	vst v19  }
0x111: {  	v14 =	vunpack.i.l.bf16.f32 v17;
	v12 =	vld.idx.msk [tilespmem:v12+s21+$0x0], $0xffff;
	v17 =	vadd.f32 v20, v1;
	[tilespmem:s28+$0x19800] =	vst v18  }
0x112: {  	v5 =	vadd.bf16 v6, v5;
	v1 =	vadd.f32 v14, v1;
	v14 =	vunpack.i.u.bf16.f32 v4;
	v6 =	vld.idx.msk [tilespmem:v15+s19+$0x0], $0xffff  }
0x113: {  	v4 =	vunpack.i.l.bf16.f32 v4;
	v14 =	vadd.f32 v14, v2;
	[tilespmem:s10+$0x1A000] =	vst v17;
	v15 =	vld.idx.msk [tilespmem:v16+s21+$0x0], $0xffff  }
0x114: {  	[tilespmem:s10+$0x19C00] =	vst v1;
	v1 =	vadd.f32 v4, v2;
	v2 =	vunpack.i.u.bf16.f32 v5;
	v4 =	vadd.bf16 v9, v10  }
0x115: {  	v5 =	vunpack.i.l.bf16.f32 v5;
	[tilespmem:s11+$0x1A000] =	vst v14;
	v2 =	vadd.f32 v2, v3  }
0x116: {  	[tilespmem:s11+$0x19C00] =	vst v1;
	v1 =	vadd.f32 v5, v3;
	v3 =	vunpack.i.u.bf16.f32 v4;
	v5 =	vadd.bf16 v12, v7  }
0x117: {  	[tilespmem:s15+$0x1A000] =	vst v2;
	v2 =	vunpack.i.l.bf16.f32 v4;
	v3 =	vadd.f32 v3, v8  }
0x118: {  	[tilespmem:s15+$0x19C00] =	vst v1;
	v1 =	vadd.f32 v2, v8;
	v2 =	vunpack.i.u.bf16.f32 v5;
	v4 =	vadd.bf16 v15, v6  }
0x119: {  	[tilespmem:s17+$0x1A000] =	vst v3;
	v3 =	vunpack.i.l.bf16.f32 v5;
	v2 =	vadd.f32 v2, v11  }
0x11a: {  	[tilespmem:s17+$0x19C00] =	vst v1;
	v1 =	vadd.f32 v3, v11;
	v3 =	vunpack.i.u.bf16.f32 v4  }
0x11b: {  	[tilespmem:s14+$0x1A000] =	vst v2;
	v2 =	vunpack.i.l.bf16.f32 v4;
	v3 =	vadd.f32 v3, v13  }
0x11c: {  	[tilespmem:s14+$0x19C00] =	vst v1;
	v1 =	vadd.f32 v2, v13  }
0x11d: {  	s17 =	sor.u32 $0x8, s6;
	s14 =	simm.s32 $0x0;
	[tilespmem:s28+$0x1A000] =	vst v3  }
0x11e: {  	s2 =	sor.u32 s17, s14;
	[tilespmem:s28+$0x19C00] =	vst v1  }
0x11f: {  	[hbm4b:s31+s22] =	stream.strided.scatter [tilespmem:s24], [sflag:$0x1], $0x4000, s23, s22, $0x38;
	[tilespmem:$0x1E400] =	vst v63  }
0x120: {  	s15 =	simm.s32 $0x0;
	s16 =	smul.u32 $0x220, s2;
	_ =	swait.ge [sflag:s8], $0x4000  }
0x121: {  	s5 =	sand.u32 $0x70, s15;
	s2 =	sshll.u32 s2, $0x7;
	[sflag:s8] =	ssyncset.done $0x0  }
0x122: {  	s2 =	sor.u32 s5, s2;
	s6 =	sshra.s32 s16, $0x2;
	[sflag:s8] =	ssyncadd.s32 $0xFFFFC000  }
0x123: {  	s6 =	sadd.s32 s5, s6;
	v18 =	vld [tilespmem:s2+$0x0]  }
0x124: {  	v17 =	vld [tilespmem:s6+$0xC000];
	_ =	sdelay $0x6  }
0x125: {  	v2 =	vld.idx.msk [tilespmem:v18+s19+$0x0], $0xffff  }
0x126: {  	v3 =	vld.idx.msk [tilespmem:v17+s21+$0x0], $0xffff;
	_ =	sdelay $0x2  }
0x127: {  	v1 =	vld [tilespmem:s2+$0x10400];
	_ =	sdelay $0x1  }
0x128: {  	s20 =	simm.s32 $0x0;
	v2 =	vadd.bf16 v3, v2  }
0x129: {  	s2 =	sor.u32 s17, s20  }
0x12a: {  	s26 =	simm.s32 $0x10;
	s30 =	simm.s32 $0x0;
	s29 =	smul.u32 $0x220, s2;
	v5 =	vadd.s32 $0x200, v18;
	v3 =	vunpack.i.l.bf16.f32 v2  }
0x12b: {  	s13 =	sand.u32 $0x70, s26;
	s14 =	sand.u32 $0x3FFFFF80, s30;
	s2 =	sshll.u32 s2, $0x7;
	v6 =	vadd.s32 $0x200, v17;
	v2 =	vunpack.i.u.bf16.f32 v2;
	v3 =	vadd.f32 v3, v1  }
0x12c: {  	s6 =	sor.u32 s5, s14;
	s2 =	sor.u32 s13, s2;
	s10 =	sshra.s32 s29, $0x2;
	v2 =	vadd.f32 v2, v1  }
0x12d: {  	v4 =	vld [tilespmem:s2+$0x0];
	s15 =	sadd.s32 s13, s10;
	[tilespmem:s6+$0x1A400] =	vst v3  }
0x12e: {  	v7 =	vld [tilespmem:s15+$0xC000];
	[tilespmem:s6+$0x1A800] =	vst v2  }
0x12f: {  	v2 =	vld.idx.msk [tilespmem:v5+s19+$0x0], $0xffff  }
0x130: {  	v3 =	vld.idx.msk [tilespmem:v6+s21+$0x0], $0xffff;
	_ =	sdelay $0x4  }
0x131: {  	v2 =	vadd.bf16 v3, v2  }
0x132: {  	v5 =	vld.idx.msk [tilespmem:v4+s19+$0x0], $0xffff  }
0x133: {  	v8 =	vadd.s32 $0x400, v18;
	v3 =	vld.idx.msk [tilespmem:v7+s21+$0x0], $0xffff;
	v6 =	vunpack.i.l.bf16.f32 v2  }
0x134: {  	v10 =	vadd.s32 $0x400, v17;
	v9 =	vunpack.i.u.bf16.f32 v2;
	v6 =	vadd.f32 v6, v1  }
0x135: {  	v9 =	vadd.f32 v9, v1  }
0x136: {  	v2 =	vld [tilespmem:s2+$0x10400];
	[tilespmem:s6+$0x1AC00] =	vst v6  }
0x137: {  	[tilespmem:s6+$0x1B000] =	vst v9  }
0x138: {  	s16 =	simm.s32 $0x0;
	v3 =	vadd.bf16 v3, v5;
	v8 =	vld.idx.msk [tilespmem:v8+s19+$0x0], $0xffff  }
0x139: {  	s2 =	sor.u32 s17, s16;
	v10 =	vld.idx.msk [tilespmem:v10+s21+$0x0], $0xffff  }
0x13a: {  	s20 =	simm.s32 $0x20;
	s29 =	simm.s32 $0x10;
	s26 =	smul.u32 $0x220, s2;
	v9 =	vadd.s32 $0x200, v4;
	v5 =	vunpack.i.l.bf16.f32 v3  }
0x13b: {  	s11 =	sand.u32 $0x70, s20;
	s5 =	sand.u32 $0x3FFFFF80, s29;
	v11 =	vadd.s32 $0x200, v7;
	s2 =	sshll.u32 s2, $0x7;
	v3 =	vunpack.i.u.bf16.f32 v3;
	v6 =	vadd.f32 v5, v2  }
0x13c: {  	s10 =	sor.u32 s13, s5;
	s2 =	sor.u32 s11, s2;
	s30 =	sshra.s32 s26, $0x2;
	v3 =	vadd.f32 v3, v2  }
0x13d: {  	s15 =	sadd.s32 s11, s30;
	v5 =	vld [tilespmem:s2+$0x0];
	[tilespmem:s10+$0x1A400] =	vst v6  }
0x13e: {  	v6 =	vld [tilespmem:s15+$0xC000];
	[tilespmem:s10+$0x1A800] =	vst v3;
	v8 =	vadd.bf16 v10, v8  }
0x13f: {  	v3 =	vld.idx.msk [tilespmem:v9+s19+$0x0], $0xffff  }
0x140: {  	v9 =	vld.idx.msk [tilespmem:v11+s21+$0x0], $0xffff;
	v11 =	vadd.s32 $0x600, v18;
	v10 =	vunpack.i.l.bf16.f32 v8  }
0x141: {  	v12 =	vadd.s32 $0x600, v17;
	v8 =	vunpack.i.u.bf16.f32 v8;
	v10 =	vadd.f32 v10, v1  }
0x142: {  	v8 =	vadd.f32 v8, v1  }
0x143: {  	[tilespmem:s6+$0x1B400] =	vst v10  }
0x144: {  	[tilespmem:s6+$0x1B800] =	vst v8  }
0x145: {  	v8 =	vld.idx.msk [tilespmem:v11+s19+$0x0], $0xffff  }
0x146: {  	v9 =	vadd.bf16 v9, v3;
	v12 =	vld.idx.msk [tilespmem:v12+s21+$0x0], $0xffff  }
0x147: {  	v13 =	vld.idx.msk [tilespmem:v5+s19+$0x0], $0xffff  }
0x148: {  	v14 =	vadd.s32 $0x400, v4;
	v10 =	vld.idx.msk [tilespmem:v6+s21+$0x0], $0xffff;
	v11 =	vunpack.i.l.bf16.f32 v9  }
0x149: {  	v15 =	vadd.s32 $0x400, v7;
	v9 =	vunpack.i.u.bf16.f32 v9;
	v11 =	vadd.f32 v11, v2  }
0x14a: {  	v9 =	vadd.f32 v9, v2  }
0x14b: {  	v3 =	vld [tilespmem:s2+$0x10400];
	[tilespmem:s10+$0x1AC00] =	vst v11;
	v8 =	vadd.bf16 v12, v8  }
0x14c: {  	s16 =	simm.s32 $0x0;
	[tilespmem:s10+$0x1B000] =	vst v9  }
0x14d: {  	s20 =	sor.u32 s17, s16;
	v11 =	vld.idx.msk [tilespmem:v14+s19+$0x0], $0xffff;
	v10 =	vadd.bf16 v10, v13;
	v19 =	vunpack.i.l.bf16.f32 v8  }
0x14e: {  	s29 =	smul.u32 $0x220, s20;
	s26 =	simm.s32 $0x30;
	v12 =	vld.idx.msk [tilespmem:v15+s21+$0x0], $0xffff;
	v15 =	vadd.s32 $0x800, v18;
	v8 =	vunpack.i.u.bf16.f32 v8;
	v19 =	vadd.f32 v19, v1  }
0x14f: {  	s5 =	sshll.u32 s20, $0x7;
	s30 =	simm.s32 $0x20;
	s2 =	sand.u32 $0x70, s26;
	v13 =	vadd.s32 $0x200, v5;
	v9 =	vunpack.i.l.bf16.f32 v10;
	v8 =	vadd.f32 v8, v1  }
0x150: {  	s13 =	sshra.s32 s29, $0x2;
	s14 =	sand.u32 $0x3FFFFF80, s30;
	s5 =	sor.u32 s2, s5;
	v14 =	vadd.s32 $0x200, v6;
	v10 =	vunpack.i.u.bf16.f32 v10;
	v9 =	vadd.f32 v9, v3;
	[tilespmem:s6+$0x1BC00] =	vst v19  }
0x151: {  	s11 =	sor.u32 s11, s14;
	s13 =	sadd.s32 s2, s13;
	v16 =	vadd.f32 v10, v3;
	v10 =	vld [tilespmem:s5+$0x0];
	[tilespmem:s6+$0x1C000] =	vst v8  }
0x152: {  	v20 =	vadd.s32 $0x800, v17;
	[tilespmem:s11+$0x1A400] =	vst v9;
	v9 =	vld [tilespmem:s13+$0xC000]  }
0x153: {  	v11 =	vadd.bf16 v12, v11;
	[tilespmem:s11+$0x1A800] =	vst v16;
	v8 =	vld.idx.msk [tilespmem:v15+s19+$0x0], $0xffff  }
0x154: {  	v13 =	vld.idx.msk [tilespmem:v13+s19+$0x0], $0xffff  }
0x155: {  	v15 =	vadd.s32 $0x600, v4;
	v14 =	vld.idx.msk [tilespmem:v14+s21+$0x0], $0xffff;
	v12 =	vunpack.i.l.bf16.f32 v11  }
0x156: {  	v11 =	vunpack.i.u.bf16.f32 v11;
	v12 =	vadd.f32 v12, v2  }
0x157: {  	v16 =	vld.idx.msk [tilespmem:v20+s21+$0x0], $0xffff;
	v11 =	vadd.f32 v11, v2  }
0x158: {  	[tilespmem:s10+$0x1B400] =	vst v12  }
0x159: {  	v19 =	vadd.s32 $0x600, v7;
	[tilespmem:s10+$0x1B800] =	vst v11  }
0x15a: {  	v11 =	vld.idx.msk [tilespmem:v15+s19+$0x0], $0xffff;
	v12 =	vadd.bf16 v14, v13  }
0x15b: {  	v20 =	vld.idx.msk [tilespmem:v10+s19+$0x0], $0xffff  }
0x15c: {  	v15 =	vadd.s32 $0x400, v5;
	v16 =	vadd.bf16 v16, v8;
	v13 =	vld.idx.msk [tilespmem:v9+s21+$0x0], $0xffff;
	v14 =	vunpack.i.l.bf16.f32 v12  }
0x15d: {  	v21 =	vadd.s32 $0x400, v6;
	v12 =	vunpack.i.u.bf16.f32 v12;
	v14 =	vadd.f32 v14, v3  }
0x15e: {  	v22 =	vadd.s32 $0xA00, v18;
	v19 =	vld.idx.msk [tilespmem:v19+s21+$0x0], $0xffff;
	v23 =	vunpack.i.l.bf16.f32 v16;
	v12 =	vadd.f32 v12, v3  }
0x15f: {  	v8 =	vld [tilespmem:s5+$0x10400];
	[tilespmem:s11+$0x1AC00] =	vst v14;
	v14 =	vunpack.i.u.bf16.f32 v16;
	v16 =	vadd.f32 v23, v1;
	v23 =	vadd.s32 $0xA00, v17  }
0x160: {  	s15 =	simm.s32 $0x0;
	[tilespmem:s11+$0x1B000] =	vst v12;
	v12 =	vadd.f32 v14, v1  }
0x161: {  	s5 =	sor.u32 s17, s15;
	v15 =	vld.idx.msk [tilespmem:v15+s19+$0x0], $0xffff;
	v13 =	vadd.bf16 v13, v20;
	[tilespmem:s6+$0x1C400] =	vst v16  }
0x162: {  	s16 =	simm.s32 $0x40;
	s20 =	smul.u32 $0x220, s5;
	v20 =	vld.idx.msk [tilespmem:v21+s21+$0x0], $0xffff;
	[tilespmem:s6+$0x1C800] =	vst v12  }
0x163: {  	s14 =	sand.u32 $0x70, s16;
	s26 =	simm.s32 $0x30;
	s5 =	sshll.u32 s5, $0x7;
	v11 =	vadd.bf16 v19, v11;
	v16 =	vadd.s32 $0x200, v10;
	v14 =	vunpack.i.l.bf16.f32 v13;
	v21 =	vld.idx.msk [tilespmem:v22+s19+$0x0], $0xffff  }
0x164: {  	s29 =	sand.u32 $0x3FFFFF80, s26;
	s5 =	sor.u32 s14, s5;
	s30 =	sshra.s32 s20, $0x2;
	v19 =	vadd.s32 $0x200, v9;
	v12 =	vunpack.i.u.bf16.f32 v13;
	v13 =	vadd.f32 v14, v8;
	v23 =	vld.idx.msk [tilespmem:v23+s21+$0x0], $0xffff  }
0x165: {  	s15 =	sor.u32 s2, s29;
	s13 =	sadd.s32 s14, s30;
	v22 =	vadd.s32 $0x800, v4;
	v24 =	vadd.f32 v12, v8;
	v12 =	vunpack.i.l.bf16.f32 v11;
	v14 =	vld [tilespmem:s5+$0x0]  }
0x166: {  	v25 =	vadd.s32 $0x800, v7;
	v11 =	vunpack.i.u.bf16.f32 v11;
	[tilespmem:s15+$0x1A400] =	vst v13;
	v13 =	vadd.f32 v12, v2;
	v12 =	vld [tilespmem:s13+$0xC000]  }
0x167: {  	v11 =	vadd.f32 v11, v2;
	[tilespmem:s15+$0x1A800] =	vst v24  }
0x168: {  	v16 =	vld.idx.msk [tilespmem:v16+s19+$0x0], $0xffff;
	[tilespmem:s10+$0x1BC00] =	vst v13;
	v13 =	vadd.bf16 v20, v15  }
0x169: {  	[tilespmem:s10+$0x1C000] =	vst v11;
	v15 =	vld.idx.msk [tilespmem:v19+s21+$0x0], $0xffff  }
0x16a: {  	v24 =	vadd.s32 $0x600, v6;
	v20 =	vadd.s32 $0x600, v5;
	v19 =	vld.idx.msk [tilespmem:v22+s19+$0x0], $0xffff;
	v11 =	vunpack.i.l.bf16.f32 v13  }
0x16b: {  	v22 =	vld.idx.msk [tilespmem:v25+s21+$0x0], $0xffff;
	v21 =	vadd.bf16 v23, v21;
	v13 =	vunpack.i.u.bf16.f32 v13;
	v23 =	vadd.f32 v11, v3  }
0x16c: {  	v13 =	vadd.f32 v13, v3  }
0x16d: {  	v26 =	vadd.s32 $0xC00, v18;
	v25 =	vunpack.i.l.bf16.f32 v21;
	v21 =	vunpack.i.u.bf16.f32 v21;
	v27 =	vld.idx.msk [tilespmem:v14+s19+$0x0], $0xffff;
	[tilespmem:s11+$0x1B400] =	vst v23  }
0x16e: {  	v23 =	vadd.f32 v25, v1;
	v25 =	vadd.s32 $0xC00, v17;
	v15 =	vadd.bf16 v15, v16;
	[tilespmem:s11+$0x1B800] =	vst v13;
	v16 =	vld.idx.msk [tilespmem:v12+s21+$0x0], $0xffff  }
0x16f: {  	v13 =	vadd.f32 v21, v1;
	v20 =	vld.idx.msk [tilespmem:v20+s19+$0x0], $0xffff  }
0x170: {  	s16 =	simm.s32 $0x0;
	v19 =	vadd.bf16 v22, v19;
	v22 =	vld.idx.msk [tilespmem:v24+s21+$0x0], $0xffff;
	[tilespmem:s6+$0x1CC00] =	vst v23;
	v21 =	vunpack.i.l.bf16.f32 v15;
	v23 =	vadd.s32 $0x400, v10  }
0x171: {  	s28 =	simm.s32 $0x50;
	s20 =	sor.u32 s17, s16;
	v11 =	vld [tilespmem:s5+$0x10400];
	[tilespmem:s6+$0x1D000] =	vst v13;
	v13 =	vunpack.i.u.bf16.f32 v15;
	v15 =	vadd.f32 v21, v8;
	v21 =	vadd.s32 $0x400, v9  }
0x172: {  	s2 =	sand.u32 $0x70, s28;
	s26 =	sshll.u32 s20, $0x7;
	v24 =	vadd.s32 $0xA00, v4;
	v26 =	vld.idx.msk [tilespmem:v26+s19+$0x0], $0xffff;
	v28 =	vadd.f32 v13, v8;
	v13 =	vunpack.i.l.bf16.f32 v19  }
0x173: {  	v29 =	vadd.s32 $0xA00, v7;
	s13 =	sor.u32 s2, s26;
	v25 =	vld.idx.msk [tilespmem:v25+s21+$0x0], $0xffff;
	[tilespmem:s15+$0x1AC00] =	vst v15;
	v15 =	vunpack.i.u.bf16.f32 v19;
	v19 =	vadd.f32 v13, v2  }
0x174: {  	v13 =	vld [tilespmem:s13+$0x10400];
	[tilespmem:s15+$0x1B000] =	vst v28;
	v16 =	vadd.bf16 v16, v27;
	v15 =	vadd.f32 v15, v2  }
0x175: {  	v28 =	vadd.s32 $0x200, v14;
	v20 =	vadd.bf16 v22, v20;
	v23 =	vld.idx.msk [tilespmem:v23+s19+$0x0], $0xffff;
	[tilespmem:s10+$0x1C400] =	vst v19  }
0x176: {  	s29 =	simm.s32 $0x40;
	s5 =	smul.u32 $0x220, s20;
	v27 =	vadd.s32 $0x800, v5;
	v19 =	vunpack.i.l.bf16.f32 v16;
	v21 =	vld.idx.msk [tilespmem:v21+s21+$0x0], $0xffff;
	[tilespmem:s10+$0x1C800] =	vst v15;
	v15 =	vunpack.i.u.bf16.f32 v16  }
0x177: {  	s16 =	sand.u32 $0x3FFFFF80, s29;
	v30 =	vunpack.i.l.bf16.f32 v20;
	v16 =	vadd.f32 v19, v11;
	v19 =	vadd.s32 $0x200, v12;
	v22 =	vld.idx.msk [tilespmem:v24+s19+$0x0], $0xffff  }
0x178: {  	s14 =	sor.u32 s14, s16;
	s5 =	sshra.s32 s5, $0x2;
	v20 =	vunpack.i.u.bf16.f32 v20;
	v24 =	vadd.f32 v15, v11;
	v29 =	vld.idx.msk [tilespmem:v29+s21+$0x0], $0xffff;
	v25 =	vadd.bf16 v25, v26  }
0x179: {  	s5 =	sadd.s32 s2, s5;
	v15 =	vld [tilespmem:s13+$0x0];
	v20 =	vadd.f32 v20, v3;
	v26 =	vadd.f32 v30, v3;
	v30 =	vadd.s32 $0x800, v6;
	[tilespmem:s14+$0x1A400] =	vst v16  }
0x17a: {  	v18 =	vadd.s32 $0xE00, v18;
	v16 =	vld [tilespmem:s5+$0xC000];
	[tilespmem:s14+$0x1A800] =	vst v24;
	v24 =	vunpack.i.l.bf16.f32 v25  }
0x17b: {  	[tilespmem:s11+$0x1C000] =	vst v20;
	v31 =	vld.idx.msk [tilespmem:v28+s19+$0x0], $0xffff;
	v25 =	vunpack.i.u.bf16.f32 v25;
	v28 =	vadd.s32 $0xE00, v17;
	v24 =	vadd.f32 v24, v1  }
0x17c: {  	[tilespmem:s11+$0x1BC00] =	vst v26;
	v17 =	vadd.bf16 v21, v23;
	v62 =	vld.idx.msk [tilespmem:v19+s21+$0x0], $0xffff;
	v19 =	vadd.f32 v25, v1  }
0x17d: {  	v21 =	vld.idx.msk [tilespmem:v27+s19+$0x0], $0xffff;
	[tilespmem:s6+$0x1D400] =	vst v24  }
0x17e: {  	s30 =	sadd.s32 s18, s17;
	v27 =	vadd.s32 $0x600, v10;
	v22 =	vadd.bf16 v29, v22;
	v20 =	vunpack.i.l.bf16.f32 v17;
	v23 =	vld.idx.msk [tilespmem:v30+s21+$0x0], $0xffff;
	[tilespmem:s6+$0x1D800] =	vst v19  }
0x17f: {  	s5 =	sshll.u32 s30, $0x9;
	v26 =	vadd.s32 $0x600, v9;
	v19 =	vunpack.i.u.bf16.f32 v17;
	v20 =	vadd.f32 v20, v8;
	v17 =	vld.idx.msk [tilespmem:v18+s19+$0x0], $0xffff  }
0x180: {  	s5 =	sadd.s32 s12, s5;
	v25 =	vunpack.i.l.bf16.f32 v22;
	v24 =	vadd.f32 v19, v8;
	v18 =	vld.idx.msk [tilespmem:v28+s21+$0x0], $0xffff;
	v19 =	vadd.s32 $0xC00, v4  }
0x181: {  	s5 =	sshrl.u32 s5, $0x3;
	v63 =	vunpack.i.u.bf16.f32 v22;
	v28 =	vld.idx.msk [tilespmem:v15+s19+$0x0], $0xffff;
	v22 =	vadd.f32 v25, v2;
	[tilespmem:s15+$0x1B400] =	vst v20;
	v20 =	vadd.s32 $0xC00, v7  }
0x182: {  	s16 =	simm.s32 $0x5;
	s26 =	simm.s32 $0x6;
	s31 =	sadd.s32 s4, s5;
	v29 =	vld.idx.msk [tilespmem:v16+s21+$0x0], $0xffff;
	v30 =	vadd.bf16 v62, v31;
	[tilespmem:s15+$0x1B800] =	vst v24;
	v24 =	vadd.f32 v63, v2  }
.LBB2_8:
0x183: {  	p1 =	sne.s32 s26, $0x3F;
	v27 =	vld.idx.msk [tilespmem:v27+s19+$0x0], $0xffff;
	v31 =	vadd.s32 $0xA00, v5;
	[tilespmem:s10+$0x1CC00] =	vst v22;
	v25 =	vmovc v9;
	v9 =	vmov v12;
	v12 =	vmov v16  }
0x184: {  	s5 =	sshrl.u32 s26, $0x3;
	v22 =	vadd.s32 $0x400, v14;
	v21 =	vadd.bf16 v23, v21;
	v16 =	vunpack.i.l.bf16.f32 v30;
	v26 =	vld.idx.msk [tilespmem:v26+s21+$0x0], $0xffff;
	[tilespmem:s10+$0x1D000] =	vst v24  }
0x185: {  	s28 =	sadd.s32 $0x10, s28;
	s5 =	sor.u32 s17, s5;
	v23 =	vunpack.i.u.bf16.f32 v30;
	v24 =	vadd.s32 $0x400, v9;
	v16 =	vadd.f32 v16, v11;
	v19 =	vld.idx.msk [tilespmem:v19+s19+$0x0], $0xffff  }
0x186: {  	s13 =	sand.u32 $0x70, s28;
	s20 =	sshll.u32 s5, $0x7;
	v23 =	vadd.f32 v23, v11;
	v30 =	vunpack.i.l.bf16.f32 v21;
	v17 =	vadd.bf16 v18, v17;
	v20 =	vld.idx.msk [tilespmem:v20+s21+$0x0], $0xffff  }
0x187: {  	s20 =	sor.u32 s13, s20;
	v18 =	vadd.f32 v30, v3;
	[tilespmem:s14+$0x1AC00] =	vst v16;
	v16 =	vunpack.i.u.bf16.f32 v21;
	v21 =	vadd.s32 $0xA00, v6  }
0x188: {  	v28 =	vadd.bf16 v29, v28;
	v30 =	vld [tilespmem:s20+$0x10400];
	[tilespmem:s14+$0x1B000] =	vst v23;
	v16 =	vadd.f32 v16, v3;
	v23 =	vunpack.i.u.bf16.f32 v17  }
0x189: {  	v29 =	vadd.s32 $0x800, v10;
	v17 =	vunpack.i.l.bf16.f32 v17;
	v22 =	vld.idx.msk [tilespmem:v22+s19+$0x0], $0xffff;
	[tilespmem:s11+$0x1C400] =	vst v18;
	v18 =	vadd.f32 v23, v1  }
0x18a: {  	s29 =	sshll.u32 s16, $0x4;
	v32 =	vadd.s32 $0x200, v15;
	s16 =	smov.u32 s26;
	s5 =	smul.u32 $0x220, s5;
	v23 =	vunpack.i.l.bf16.f32 v28;
	v26 =	vadd.bf16 v26, v27;
	v24 =	vld.idx.msk [tilespmem:v24+s21+$0x0], $0xffff;
	[tilespmem:s11+$0x1C800] =	vst v16  }
0x18b: {  	s29 =	sand.u32 $0x3FFFFF80, s29;
	v27 =	vadd.s32 $0x200, v12;
	v16 =	vunpack.i.u.bf16.f32 v28;
	v23 =	vadd.f32 v23, v13;
	v28 =	vld.idx.msk [tilespmem:v31+s19+$0x0], $0xffff;
	[tilespmem:s6+$0x1E000] =	vst v18  }
0x18c: {  	s29 =	sor.u32 s2, s29;
	s2 =	smov.u32 s13;
	s5 =	sshra.s32 s5, $0x2;
	v18 =	vadd.f32 v16, v13;
	v16 =	vunpack.i.l.bf16.f32 v26;
	v19 =	vadd.bf16 v20, v19;
	v31 =	vld.idx.msk [tilespmem:v21+s21+$0x0], $0xffff  }
0x18d: {  	s5 =	sadd.s32 s2, s5;
	v21 =	vunpack.i.u.bf16.f32 v26;
	v26 =	vadd.s32 $0x800, v25;
	v20 =	vld [tilespmem:s20+$0x0];
	[tilespmem:s29+$0x1A400] =	vst v23;
	v23 =	vadd.f32 v16, v8  }
0x18e: {  	v33 =	vadd.s32 $0xE00, v4;
	v4 =	vmovc v5;
	v5 =	vmovc v10;
	v16 =	vld [tilespmem:s5+$0xC000];
	[tilespmem:s29+$0x1A800] =	vst v18;
	v18 =	vadd.f32 v21, v8;
	v21 =	vunpack.i.l.bf16.f32 v19  }
0x18f: {  	v7 =	vadd.s32 $0xE00, v7;
	v10 =	vmovc v14;
	v19 =	vunpack.i.u.bf16.f32 v19;
	v32 =	vld.idx.msk [tilespmem:v32+s19+$0x0], $0xffff;
	[tilespmem:s15+$0x1BC00] =	vst v23;
	v23 =	vadd.f32 v21, v2  }
0x190: {  	v14 =	vmov v15;
	v22 =	vadd.bf16 v24, v22;
	v34 =	vld.idx.msk [tilespmem:v27+s21+$0x0], $0xffff;
	[tilespmem:s15+$0x1C000] =	vst v18;
	v18 =	vadd.f32 v19, v2  }
0x191: {  	v35 =	vadd.f32 v17, v1;
	v1 =	vmovc v2;
	v2 =	vmov v3;
	v3 =	vmov v8;
	v21 =	vld.idx.msk [tilespmem:v29+s19+$0x0], $0xffff;
	[tilespmem:s10+$0x1D400] =	vst v23  }
.Ltmp2:
0x192: {  	v27 =	vadd.s32 $0x600, v10;
	v8 =	vmovc v11;
	v17 =	vunpack.i.l.bf16.f32 v22;
	v24 =	vadd.bf16 v31, v28;
	v23 =	vld.idx.msk [tilespmem:v26+s21+$0x0], $0xffff;
	[tilespmem:s10+$0x1D800] =	vst v18;
	(pc) =	sbr.rel @p1 .LBB2_8-.Ltmp2, $4  }
0x193: {  	v11 =	vmovc v13;
	v18 =	vunpack.i.u.bf16.f32 v22;
	v22 =	vadd.f32 v17, v8;
	v26 =	vadd.s32 $0x600, v9;
	v17 =	vld.idx.msk [tilespmem:v33+s19+$0x0], $0xffff;
	[tilespmem:s6+$0x1DC00] =	vst v35;
	s6 =	smov.u32 s10;
	s10 =	smov.u32 s11;
	s11 =	smov.u32 s15  }
0x194: {  	v19 =	vadd.s32 $0xC00, v4;
	v13 =	vmovc v30;
	v15 =	vmovc v20;
	v31 =	vadd.f32 v18, v8;
	v29 =	vunpack.i.l.bf16.f32 v24;
	s15 =	smov.u32 s14;
	s14 =	smov.u32 s29;
	v18 =	vld.idx.msk [tilespmem:v7+s21+$0x0], $0xffff  }
0x195: {  	v24 =	vunpack.i.u.bf16.f32 v24;
	v7 =	vmovc v6;
	v28 =	vld.idx.msk [tilespmem:v20+s19+$0x0], $0xffff;
	[tilespmem:s15+$0x1B400] =	vst v22;
	v22 =	vadd.f32 v29, v2;
	v20 =	vadd.s32 $0xC00, v6  }
0x196: {  	s26 =	sadd.s32 $0x1, s26;
	v24 =	vadd.f32 v24, v2;
	v30 =	vadd.bf16 v34, v32;
	v6 =	vmov v25;
	v29 =	vld.idx.msk [tilespmem:v16+s21+$0x0], $0xffff;
	[tilespmem:s15+$0x1B800] =	vst v31  }
0x197: {  	_ =	sdelay $0x3  }
0x198: {  	v25 =	vadd.bf16 v29, v28;
	_ =	sdelay $0x1  }
0x199: {  	s5 =	sshll.u32 s16, $0x4;
	v49 =	vadd.s32 $0x200, v15;
	v28 =	vunpack.i.l.bf16.f32 v25  }
0x19a: {  	v31 =	vadd.s32 $0x200, v16;
	s5 =	sand.u32 $0x3FFFFF80, s5;
	v25 =	vunpack.i.u.bf16.f32 v25;
	v28 =	vadd.f32 v28, v13  }
0x19b: {  	s17 =	sor.u32 s2, s5;
	v25 =	vadd.f32 v25, v13  }
0x19c: {  	[tilespmem:s17+$0x1A400] =	vst v28  }
0x19d: {  	[tilespmem:s17+$0x1A800] =	vst v25  }
0x19e: {  	v25 =	vld.idx.msk [tilespmem:v49+s19+$0x0], $0xffff  }
0x19f: {  	v28 =	vld.idx.msk [tilespmem:v31+s21+$0x0], $0xffff;
	_ =	sdelay $0x4  }
0x1a0: {  	v51 =	vadd.s32 $0x400, v14;
	v50 =	vunpack.i.l.bf16.f32 v30;
	v25 =	vadd.bf16 v28, v25  }
0x1a1: {  	v53 =	vadd.s32 $0x400, v12;
	v52 =	vunpack.i.u.bf16.f32 v30;
	v29 =	vadd.f32 v50, v11  }
0x1a2: {  	v33 =	vadd.s32 $0x400, v15;
	v28 =	vadd.f32 v52, v11;
	v32 =	vunpack.i.l.bf16.f32 v25  }
0x1a3: {  	v55 =	vadd.s32 $0x400, v16;
	[tilespmem:s14+$0x1AC00] =	vst v29;
	v25 =	vunpack.i.u.bf16.f32 v25;
	v54 =	vadd.f32 v32, v13  }
0x1a4: {  	[tilespmem:s14+$0x1B000] =	vst v28;
	v25 =	vadd.f32 v25, v13  }
0x1a5: {  	v28 =	vld.idx.msk [tilespmem:v51+s19+$0x0], $0xffff;
	[tilespmem:s17+$0x1AC00] =	vst v54  }
0x1a6: {  	v56 =	vld.idx.msk [tilespmem:v53+s21+$0x0], $0xffff;
	[tilespmem:s17+$0x1B000] =	vst v25  }
0x1a7: {  	v25 =	vld.idx.msk [tilespmem:v33+s19+$0x0], $0xffff  }
0x1a8: {  	v57 =	vld.idx.msk [tilespmem:v55+s21+$0x0], $0xffff;
	_ =	sdelay $0x2  }
0x1a9: {  	v28 =	vadd.bf16 v56, v28  }
0x1aa: {  	v27 =	vld.idx.msk [tilespmem:v27+s19+$0x0], $0xffff  }
0x1ab: {  	v58 =	vadd.s32 $0x600, v14;
	v26 =	vld.idx.msk [tilespmem:v26+s21+$0x0], $0xffff;
	v29 =	vunpack.i.l.bf16.f32 v28;
	v25 =	vadd.bf16 v57, v25  }
0x1ac: {  	v59 =	vadd.s32 $0x600, v12;
	v28 =	vunpack.i.u.bf16.f32 v28;
	v29 =	vadd.f32 v29, v11  }
0x1ad: {  	v61 =	vadd.s32 $0x600, v15;
	v28 =	vadd.f32 v28, v11;
	v60 =	vunpack.i.l.bf16.f32 v25  }
0x1ae: {  	v63 =	vadd.s32 $0x600, v16;
	[tilespmem:s14+$0x1B400] =	vst v29;
	v25 =	vunpack.i.u.bf16.f32 v25;
	v62 =	vadd.f32 v60, v13  }
0x1af: {  	[tilespmem:s14+$0x1B800] =	vst v28;
	v25 =	vadd.f32 v25, v13  }
0x1b0: {  	v26 =	vadd.bf16 v26, v27;
	v28 =	vld.idx.msk [tilespmem:v58+s19+$0x0], $0xffff;
	[tilespmem:s17+$0x1B400] =	vst v62  }
0x1b1: {  	v36 =	vld.idx.msk [tilespmem:v59+s21+$0x0], $0xffff;
	[tilespmem:s17+$0x1B800] =	vst v25  }
0x1b2: {  	v38 =	vadd.s32 $0x800, v10;
	v39 =	vunpack.i.l.bf16.f32 v26;
	v26 =	vunpack.i.u.bf16.f32 v26;
	v25 =	vld.idx.msk [tilespmem:v61+s19+$0x0], $0xffff  }
0x1b3: {  	v40 =	vadd.s32 $0x800, v9;
	v26 =	vadd.f32 v26, v8;
	v37 =	vld.idx.msk [tilespmem:v63+s21+$0x0], $0xffff  }
0x1b4: {  	v31 =	vadd.f32 v39, v8  }
0x1b5: {  	[tilespmem:s15+$0x1C000] =	vst v26  }
0x1b6: {  	[tilespmem:s15+$0x1BC00] =	vst v31;
	v28 =	vadd.bf16 v36, v28  }
0x1b7: {  	v30 =	vld.idx.msk [tilespmem:v38+s19+$0x0], $0xffff  }
0x1b8: {  	v41 =	vadd.s32 $0x800, v14;
	v32 =	vld.idx.msk [tilespmem:v40+s21+$0x0], $0xffff;
	v42 =	vunpack.i.l.bf16.f32 v28;
	v25 =	vadd.bf16 v37, v25  }
0x1b9: {  	v45 =	vadd.s32 $0x800, v12;
	v43 =	vunpack.i.u.bf16.f32 v28;
	v44 =	vadd.f32 v42, v11  }
0x1ba: {  	v46 =	vadd.s32 $0x800, v15;
	v26 =	vadd.f32 v43, v11;
	v47 =	vunpack.i.l.bf16.f32 v25  }
0x1bb: {  	v49 =	vadd.s32 $0x800, v16;
	[tilespmem:s14+$0x1BC00] =	vst v44;
	v25 =	vunpack.i.u.bf16.f32 v25;
	v48 =	vadd.f32 v47, v13  }
0x1bc: {  	[tilespmem:s14+$0x1C000] =	vst v26;
	v25 =	vadd.f32 v25, v13  }
0x1bd: {  	v30 =	vadd.bf16 v32, v30;
	v50 =	vld.idx.msk [tilespmem:v41+s19+$0x0], $0xffff;
	[tilespmem:s17+$0x1BC00] =	vst v48  }
0x1be: {  	v26 =	vld.idx.msk [tilespmem:v45+s21+$0x0], $0xffff;
	[tilespmem:s17+$0x1C000] =	vst v25  }
0x1bf: {  	v21 =	vadd.bf16 v23, v21;
	v56 =	vadd.s32 $0xA00, v10;
	v32 =	vunpack.i.l.bf16.f32 v30;
	v53 =	vld.idx.msk [tilespmem:v46+s19+$0x0], $0xffff  }
0x1c0: {  	v30 =	vunpack.i.u.bf16.f32 v30;
	v57 =	vadd.f32 v32, v8;
	v58 =	vadd.s32 $0xA00, v9;
	v55 =	vld.idx.msk [tilespmem:v49+s21+$0x0], $0xffff  }
0x1c1: {  	v52 =	vunpack.i.l.bf16.f32 v21;
	v54 =	vadd.s32 $0xA00, v6;
	v59 =	vadd.f32 v30, v8  }
0x1c2: {  	v21 =	vunpack.i.u.bf16.f32 v21;
	v27 =	vadd.f32 v52, v3;
	v51 =	vadd.s32 $0xA00, v5;
	[tilespmem:s15+$0x1C400] =	vst v57  }
0x1c3: {  	v21 =	vadd.f32 v21, v3;
	[tilespmem:s15+$0x1C800] =	vst v59;
	v23 =	vadd.bf16 v26, v50  }
0x1c4: {  	[tilespmem:s11+$0x1C400] =	vst v27;
	v27 =	vld.idx.msk [tilespmem:v56+s19+$0x0], $0xffff  }
0x1c5: {  	[tilespmem:s11+$0x1C800] =	vst v21;
	v60 =	vadd.s32 $0xA00, v14;
	v32 =	vld.idx.msk [tilespmem:v58+s21+$0x0], $0xffff;
	v61 =	vunpack.i.l.bf16.f32 v23;
	v28 =	vadd.bf16 v55, v53  }
0x1c6: {  	v29 =	vld.idx.msk [tilespmem:v54+s21+$0x0], $0xffff;
	v63 =	vadd.s32 $0xA00, v12;
	v23 =	vunpack.i.u.bf16.f32 v23;
	v62 =	vadd.f32 v61, v11  }
0x1c7: {  	v36 =	vadd.s32 $0xA00, v15;
	v25 =	vld.idx.msk [tilespmem:v51+s19+$0x0], $0xffff;
	v23 =	vadd.f32 v23, v11;
	v37 =	vunpack.i.l.bf16.f32 v28  }
0x1c8: {  	v40 =	vadd.s32 $0xA00, v16;
	[tilespmem:s14+$0x1C400] =	vst v62;
	v38 =	vunpack.i.u.bf16.f32 v28;
	v39 =	vadd.f32 v37, v13  }
0x1c9: {  	[tilespmem:s14+$0x1C800] =	vst v23;
	v41 =	vadd.f32 v38, v13  }
0x1ca: {  	v27 =	vadd.bf16 v32, v27;
	v21 =	vld.idx.msk [tilespmem:v60+s19+$0x0], $0xffff;
	[tilespmem:s17+$0x1C400] =	vst v39  }
0x1cb: {  	v42 =	vld.idx.msk [tilespmem:v63+s21+$0x0], $0xffff;
	[tilespmem:s17+$0x1C800] =	vst v41  }
0x1cc: {  	v48 =	vunpack.i.l.bf16.f32 v27;
	v27 =	vunpack.i.u.bf16.f32 v27;
	v25 =	vadd.bf16 v29, v25;
	v28 =	vld.idx.msk [tilespmem:v36+s19+$0x0], $0xffff  }
0x1cd: {  	[tilespmem:s10+$0x1CC00] =	vst v22;
	v49 =	vadd.s32 $0xC00, v10;
	v52 =	vadd.f32 v27, v8;
	v45 =	vld.idx.msk [tilespmem:v40+s21+$0x0], $0xffff  }
0x1ce: {  	[tilespmem:s10+$0x1D000] =	vst v24;
	v44 =	vadd.s32 $0xC00, v5;
	v50 =	vadd.f32 v48, v8;
	v43 =	vunpack.i.l.bf16.f32 v25  }
0x1cf: {  	v47 =	vadd.s32 $0xC00, v6;
	[tilespmem:s15+$0x1D000] =	vst v52;
	v25 =	vunpack.i.u.bf16.f32 v25;
	v46 =	vadd.f32 v43, v3  }
0x1d0: {  	v19 =	vld.idx.msk [tilespmem:v19+s19+$0x0], $0xffff;
	v51 =	vadd.s32 $0xC00, v9;
	[tilespmem:s15+$0x1CC00] =	vst v50;
	v25 =	vadd.f32 v25, v3;
	v21 =	vadd.bf16 v42, v21  }
0x1d1: {  	v20 =	vld.idx.msk [tilespmem:v20+s21+$0x0], $0xffff;
	[tilespmem:s11+$0x1CC00] =	vst v46  }
0x1d2: {  	v55 =	vadd.s32 $0xC00, v14;
	v57 =	vld.idx.msk [tilespmem:v49+s19+$0x0], $0xffff;
	[tilespmem:s11+$0x1D000] =	vst v25;
	v54 =	vunpack.i.l.bf16.f32 v21;
	v28 =	vadd.bf16 v45, v28  }
0x1d3: {  	v56 =	vadd.s32 $0xC00, v12;
	v53 =	vld.idx.msk [tilespmem:v44+s19+$0x0], $0xffff;
	v21 =	vunpack.i.u.bf16.f32 v21;
	v22 =	vadd.f32 v54, v11  }
0x1d4: {  	v58 =	vadd.s32 $0xC00, v15;
	v23 =	vld.idx.msk [tilespmem:v47+s21+$0x0], $0xffff;
	v21 =	vadd.f32 v21, v11;
	v30 =	vunpack.i.l.bf16.f32 v28  }
0x1d5: {  	v24 =	vld.idx.msk [tilespmem:v51+s21+$0x0], $0xffff;
	v61 =	vadd.s32 $0xC00, v16;
	[tilespmem:s14+$0x1CC00] =	vst v22;
	v59 =	vunpack.i.u.bf16.f32 v28;
	v60 =	vadd.f32 v30, v13  }
0x1d6: {  	v19 =	vadd.bf16 v20, v19;
	[tilespmem:s14+$0x1D000] =	vst v21;
	v62 =	vadd.f32 v59, v13  }
0x1d7: {  	v4 =	vadd.s32 $0xE00, v4;
	v63 =	vld.idx.msk [tilespmem:v55+s19+$0x0], $0xffff;
	[tilespmem:s17+$0x1CC00] =	vst v60  }
0x1d8: {  	v7 =	vadd.s32 $0xE00, v7;
	v17 =	vadd.bf16 v18, v17;
	v32 =	vunpack.i.l.bf16.f32 v19;
	v34 =	vld.idx.msk [tilespmem:v56+s21+$0x0], $0xffff;
	[tilespmem:s17+$0x1D000] =	vst v62  }
0x1d9: {  	v19 =	vunpack.i.u.bf16.f32 v19;
	v35 =	vadd.f32 v32, v2;
	v33 =	vadd.bf16 v23, v53;
	v36 =	vld.idx.msk [tilespmem:v58+s19+$0x0], $0xffff  }
0x1da: {  	v19 =	vadd.f32 v19, v2;
	v43 =	vadd.s32 $0xE00, v10;
	v24 =	vadd.bf16 v24, v57;
	v38 =	vld.idx.msk [tilespmem:v61+s21+$0x0], $0xffff  }
0x1db: {  	v39 =	vadd.s32 $0xE00, v5;
	v47 =	vadd.s32 $0xE00, v14;
	v37 =	vunpack.i.l.bf16.f32 v33  }
0x1dc: {  	[tilespmem:s10+$0x1D400] =	vst v35;
	v40 =	vadd.s32 $0xE00, v6;
	v22 =	vunpack.i.u.bf16.f32 v33;
	v25 =	vadd.f32 v37, v3  }
0x1dd: {  	[tilespmem:s10+$0x1D800] =	vst v19;
	v44 =	vunpack.i.u.bf16.f32 v24;
	v41 =	vadd.f32 v22, v3;
	v18 =	vadd.bf16 v34, v63  }
0x1de: {  	v4 =	vld.idx.msk [tilespmem:v4+s19+$0x0], $0xffff;
	v42 =	vunpack.i.l.bf16.f32 v24;
	v19 =	vadd.f32 v44, v8;
	v45 =	vadd.s32 $0xE00, v9;
	[tilespmem:s11+$0x1D400] =	vst v25  }
0x1df: {  	v7 =	vld.idx.msk [tilespmem:v7+s21+$0x0], $0xffff;
	v22 =	vadd.f32 v42, v8;
	[tilespmem:s11+$0x1D800] =	vst v41;
	v46 =	vunpack.i.l.bf16.f32 v18;
	v21 =	vadd.bf16 v38, v36  }
0x1e0: {  	v48 =	vadd.s32 $0xE00, v12;
	[tilespmem:s15+$0x1D800] =	vst v19;
	v5 =	vld.idx.msk [tilespmem:v39+s19+$0x0], $0xffff;
	v18 =	vunpack.i.u.bf16.f32 v18;
	v20 =	vadd.f32 v46, v11  }
0x1e1: {  	v50 =	vadd.s32 $0xE00, v15;
	[tilespmem:s15+$0x1D400] =	vst v22;
	v6 =	vld.idx.msk [tilespmem:v40+s21+$0x0], $0xffff;
	v18 =	vadd.f32 v18, v11;
	v49 =	vunpack.i.l.bf16.f32 v21  }
0x1e2: {  	v52 =	vadd.s32 $0xE00, v16;
	v10 =	vld.idx.msk [tilespmem:v43+s19+$0x0], $0xffff;
	[tilespmem:s14+$0x1D400] =	vst v20;
	v51 =	vunpack.i.u.bf16.f32 v21;
	v19 =	vadd.f32 v49, v13  }
0x1e3: {  	v9 =	vld.idx.msk [tilespmem:v45+s21+$0x0], $0xffff;
	[tilespmem:s14+$0x1D800] =	vst v18;
	v53 =	vadd.f32 v51, v13  }
0x1e4: {  	v4 =	vadd.bf16 v7, v4;
	v54 =	vunpack.i.u.bf16.f32 v17;
	v55 =	vld.idx.msk [tilespmem:v47+s19+$0x0], $0xffff;
	[tilespmem:s17+$0x1D400] =	vst v19  }
0x1e5: {  	v57 =	vadd.f32 v54, v1;
	v56 =	vunpack.i.l.bf16.f32 v17;
	v12 =	vld.idx.msk [tilespmem:v48+s21+$0x0], $0xffff;
	[tilespmem:s17+$0x1D800] =	vst v53  }
0x1e6: {  	v1 =	vadd.f32 v56, v1;
	v58 =	vunpack.i.u.bf16.f32 v4;
	v5 =	vadd.bf16 v6, v5;
	v59 =	vld.idx.msk [tilespmem:v50+s19+$0x0], $0xffff  }
0x1e7: {  	[tilespmem:s6+$0x1E000] =	vst v57;
	v4 =	vunpack.i.l.bf16.f32 v4;
	v14 =	vadd.f32 v58, v2;
	v60 =	vld.idx.msk [tilespmem:v52+s21+$0x0], $0xffff  }
0x1e8: {  	[tilespmem:s6+$0x1DC00] =	vst v1;
	v1 =	vadd.f32 v4, v2;
	v61 =	vadd.bf16 v9, v10;
	v2 =	vunpack.i.u.bf16.f32 v5  }
0x1e9: {  	[tilespmem:s10+$0x1E000] =	vst v14;
	v5 =	vunpack.i.l.bf16.f32 v5;
	v2 =	vadd.f32 v2, v3  }
0x1ea: {  	[tilespmem:s10+$0x1DC00] =	vst v1;
	v1 =	vadd.f32 v5, v3;
	v3 =	vunpack.i.u.bf16.f32 v61;
	v62 =	vadd.bf16 v12, v55  }
0x1eb: {  	v3 =	vadd.f32 v3, v8;
	[tilespmem:s11+$0x1E000] =	vst v2;
	v2 =	vunpack.i.l.bf16.f32 v61  }
0x1ec: {  	[tilespmem:s11+$0x1DC00] =	vst v1;
	v1 =	vadd.f32 v2, v8;
	v2 =	vunpack.i.u.bf16.f32 v62;
	v63 =	vadd.bf16 v60, v59  }
0x1ed: {  	s1 =	sadd.s32 $0x1, s1;
	[tilespmem:s15+$0x1E000] =	vst v3;
	v3 =	vunpack.i.l.bf16.f32 v62;
	v2 =	vadd.f32 v2, v11  }
0x1ee: {  	p1 =	sne.s32 s1, $0x8;
	[tilespmem:s15+$0x1DC00] =	vst v1;
	v1 =	vadd.f32 v3, v11;
	v3 =	vunpack.i.u.bf16.f32 v63  }
.Ltmp3:
0x1ef: {  	[tilespmem:s14+$0x1E000] =	vst v2;
	v2 =	vunpack.i.l.bf16.f32 v63;
	v3 =	vadd.f32 v3, v13;
	(pc) =	sbr.rel @p1 .LBB2_5-.Ltmp3, $4  }
0x1f0: {  	[tilespmem:s14+$0x1DC00] =	vst v1;
	v1 =	vadd.f32 v2, v13  }
0x1f1: {  	[tilespmem:s17+$0x1E000] =	vst v3  }
0x1f2: {  	[tilespmem:s17+$0x1DC00] =	vst v1  }
0x1f3: {  	[hbm4b:s31+s22] =	stream.strided.scatter [tilespmem:s25], [sflag:$0x2], $0x4000, s23, s22, $0x38;
	[tilespmem:$0x1E400] =	vst v63  }
0x1f4: {  	s0 =	rddreg [dreg:$0x12]  }
0x1f5: {  	s2 =	simm.s32 $0x3;
	s14 =	simm.s32 $0x1000;
	p1 =	slt.s32 s0, $0x7D  }
0x1f6: {  	s15 =	simm.s32 $0x10400;
	_ =	swait.ge [sflag:s2], $0x4000;
	s0 =	simm.s32 @!p1 $0x7D  }
0x1f7: {  	[sflag:s2] =	ssyncset.done $0x0;
	s11 =	rddreg [dreg:$0x13];
	s5 =	sadd.s32 $0x2, s0  }
0x1f8: {  	s0 =	sshll.u32 s11, $0xA;
	[sflag:s2] =	ssyncadd.s32 $0xFFFFC000;
	s11 =	simm.s32 $0x4  }
0x1f9: {  	s18 =	simm.s32 $0x5;
	s1 =	sshll.u32 s5, $0x5;
	_ =	swait.ge [sflag:s11], $0x4000  }
0x1fa: {  	s0 =	sand.u32 $0xC00, s0;
	s12 =	rddreg [dreg:$0xf];
	[sflag:s11] =	ssyncset.done $0x0  }
0x1fb: {  	s6 =	sshll.u32 s5, $0x7;
	s2 =	sor.u32 s0, s12;
	[sflag:s11] =	ssyncadd.s32 $0xFFFFC000  }
0x1fc: {  	s5 =	sshll.u32 s5, $0xE;
	s10 =	sshrl.u32 s2, $0x3;
	s30 =	rddreg [dreg:$0x0]  }
0x1fd: {  	s1 =	sand.u32 $0x180, s1;
	s2 =	sand.u32 $0x180, s6;
	s13 =	sadd.s32 s30, s10  }
0x1fe: {  	[tilespmem:s15], [sflag:$0x5] =	stream.strided.gather [hbm4b:s13+s22], $0x4000, s14, s22, $0x38;
	[tilespmem:$0x1E400] =	vst v63  }
0x1ff: {  	s16 =	sshll.u32 s1, $0x9;
	s17 =	sshll.u32 s2, $0x3;
	_ =	swait.ge [sflag:s18], $0x4000  }
0x200: {  	s5 =	sand.u32 $0x7FFC0000, s5;
	s6 =	sor.u32 s17, s16;
	[sflag:s18] =	ssyncset.done $0x0  }
0x201: {  	s20 =	simm.s32 $0x0;
	s6 =	sor.u32 s5, s6;
	[sflag:s18] =	ssyncadd.s32 $0xFFFFC000  }
0x202: {  	s26 =	sand.u32 $0x7, s20;
	s6 =	sshrl.u32 s6, $0x3;
	s31 =	rddreg [dreg:$0x1]  }
0x203: {  	s28 =	simm.s32 $0x0;
	s29 =	smul.u32 $0x880, s26;
	s6 =	sadd.s32 s31, s6  }
0x204: {  	[tilespmem:s20], [sflag:$0x3] =	stream.strided.gather [hbm4b:s6+s22], $0x4000, s14, s22, $0x38;
	[tilespmem:$0x1E400] =	vst v63  }
0x205: {  	s10 =	sand.u32 $0x3FFFFF80, s28;
	s6 =	sshll.u32 s26, $0x4  }
0x206: {  	s11 =	sadd.s32 $0x0, s29;
	s10 =	sor.u32 s6, s10  }
0x207: {  	v2 =	vadd.s32 s11, v0;
	s6 =	simm.s32 $0x1;
	v1 =	vld [tilespmem:s10+$0x8000]  }
.LBB2_11:
0x208: {  	s10 =	sand.u32 $0x7, s6;
	p1 =	sne.s32 s6, $0x3FF  }
.Ltmp4:
0x209: {  	s11 =	smov.u32 s6;
	s6 =	sadd.s32 $0x1, s6;
	(pc) =	sbr.rel @p1 .LBB2_11-.Ltmp4, $4  }
0x20a: {  	s12 =	sshll.u32 s11, $0x4;
	s13 =	smul.u32 $0x880, s10  }
0x20b: {  	s11 =	sshrl.u32 s11, $0x3;
	s10 =	sshll.u32 s10, $0x4;
	s12 =	sand.u32 $0x3FFFFF80, s12  }
0x20c: {  	s10 =	sor.u32 s10, s12;
	s11 =	sadd.s32 s11, s13;
	[tilespmem:v2+s3+$0x0] =	vst.idx.msk $0xffff, v1  }
0x20d: {  	v2 =	vadd.s32 s11, v0;
	v1 =	vld [tilespmem:s10+$0x8000]  }
0x20e: {  	s2 =	sshll.u32 s2, $0x9;
	s1 =	sshll.u32 s1, $0x3  }
0x20f: {  	s1 =	sor.u32 s1, s2  }
0x210: {  	s1 =	sor.u32 s5, s1  }
0x211: {  	s1 =	sshrl.u32 s1, $0x3  }
0x212: {  	s28 =	simm.s32 $0x8000;
	[tilespmem:v2+s3+$0x0] =	vst.idx.msk $0xffff, v1;
	s1 =	sadd.s32 s31, s1  }
0x213: {  	[tilespmem:s28], [sflag:$0x4] =	stream.strided.gather [hbm4b:s1+s22], $0x4000, s14, s22, $0x38;
	[tilespmem:$0x1E400] =	vst v63  }
0x214: {  	s29 =	rddreg [dreg:$0xe]  }
0x215: {  	s1 =	simm.s32 $0x0;
	s5 =	sor.u32 s0, s29;
	s0 =	simm.s32 $0x0  }
.LBB2_13:
0x216: {  	s6 =	sshll.u32 s1, $0x4;
	s2 =	simm.s32 $0x0  }
0x217: {  	s2 =	sor.u32 s6, s2  }
0x218: {  	_ =	swait.ge [sflag:s7], $0x4000;
	s10 =	smul.u32 $0x220, s2  }
0x219: {  	s11 =	sand.u32 $0x70, s0;
	[sflag:s7] =	ssyncset.done $0x0;
	s2 =	sshll.u32 s2, $0x7  }
0x21a: {  	[sflag:s7] =	ssyncadd.s32 $0xFFFFC000;
	s2 =	sor.u32 s11, s2;
	s10 =	sshra.s32 s10, $0x2  }
0x21b: {  	v18 =	vld [tilespmem:s2+$0x4000];
	s10 =	sadd.s32 s11, s10  }
0x21c: {  	v17 =	vld [tilespmem:s10+$0xC000];
	_ =	sdelay $0x6  }
0x21d: {  	v2 =	vld.idx.msk [tilespmem:v18+s19+$0x0], $0xffff  }
0x21e: {  	v3 =	vld.idx.msk [tilespmem:v17+s21+$0x0], $0xffff;
	_ =	sdelay $0x2  }
0x21f: {  	v1 =	vld [tilespmem:s2+$0x10400];
	_ =	sdelay $0x1  }
0x220: {  	s15 =	simm.s32 $0x0;
	v2 =	vadd.bf16 v3, v2  }
0x221: {  	s2 =	sor.u32 s6, s15  }
0x222: {  	s16 =	simm.s32 $0x10;
	s13 =	simm.s32 $0x0;
	s12 =	smul.u32 $0x220, s2;
	v5 =	vadd.s32 $0x200, v18;
	v3 =	vunpack.i.l.bf16.f32 v2  }
0x223: {  	s14 =	sand.u32 $0x70, s16;
	s17 =	sand.u32 $0x3FFFFF80, s13;
	s2 =	sshll.u32 s2, $0x7;
	v6 =	vadd.s32 $0x200, v17;
	v2 =	vunpack.i.u.bf16.f32 v2;
	v3 =	vadd.f32 v3, v1  }
0x224: {  	s2 =	sor.u32 s14, s2;
	s10 =	sor.u32 s11, s17;
	s12 =	sshra.s32 s12, $0x2;
	v2 =	vadd.f32 v2, v1  }
0x225: {  	v4 =	vld [tilespmem:s2+$0x4000];
	s18 =	sadd.s32 s14, s12;
	[tilespmem:s10+$0x16400] =	vst v3  }
0x226: {  	v7 =	vld [tilespmem:s18+$0xC000];
	[tilespmem:s10+$0x16800] =	vst v2  }
0x227: {  	v2 =	vld.idx.msk [tilespmem:v5+s19+$0x0], $0xffff  }
0x228: {  	v3 =	vld.idx.msk [tilespmem:v6+s21+$0x0], $0xffff;
	_ =	sdelay $0x4  }
0x229: {  	v2 =	vadd.bf16 v3, v2  }
0x22a: {  	v5 =	vld.idx.msk [tilespmem:v4+s19+$0x0], $0xffff  }
0x22b: {  	v8 =	vadd.s32 $0x400, v18;
	v3 =	vld.idx.msk [tilespmem:v7+s21+$0x0], $0xffff;
	v6 =	vunpack.i.l.bf16.f32 v2  }
0x22c: {  	v10 =	vadd.s32 $0x400, v17;
	v9 =	vunpack.i.u.bf16.f32 v2;
	v6 =	vadd.f32 v6, v1  }
0x22d: {  	v9 =	vadd.f32 v9, v1  }
0x22e: {  	v2 =	vld [tilespmem:s2+$0x10400];
	[tilespmem:s10+$0x16C00] =	vst v6  }
0x22f: {  	[tilespmem:s10+$0x17000] =	vst v9  }
0x230: {  	s20 =	simm.s32 $0x0;
	v3 =	vadd.bf16 v3, v5;
	v8 =	vld.idx.msk [tilespmem:v8+s19+$0x0], $0xffff  }
0x231: {  	s2 =	sor.u32 s6, s20;
	v10 =	vld.idx.msk [tilespmem:v10+s21+$0x0], $0xffff  }
0x232: {  	s26 =	simm.s32 $0x20;
	s15 =	simm.s32 $0x10;
	s28 =	smul.u32 $0x220, s2;
	v9 =	vadd.s32 $0x200, v4;
	v5 =	vunpack.i.l.bf16.f32 v3  }
0x233: {  	s29 =	sand.u32 $0x70, s26;
	s11 =	sand.u32 $0x3FFFFF80, s15;
	v11 =	vadd.s32 $0x200, v7;
	s2 =	sshll.u32 s2, $0x7;
	v3 =	vunpack.i.u.bf16.f32 v3;
	v6 =	vadd.f32 v5, v2  }
0x234: {  	s11 =	sor.u32 s14, s11;
	s2 =	sor.u32 s29, s2;
	s13 =	sshra.s32 s28, $0x2;
	v3 =	vadd.f32 v3, v2  }
0x235: {  	s13 =	sadd.s32 s29, s13;
	v5 =	vld [tilespmem:s2+$0x4000];
	[tilespmem:s11+$0x16400] =	vst v6  }
0x236: {  	v6 =	vld [tilespmem:s13+$0xC000];
	[tilespmem:s11+$0x16800] =	vst v3;
	v8 =	vadd.bf16 v10, v8  }
0x237: {  	v3 =	vld.idx.msk [tilespmem:v9+s19+$0x0], $0xffff  }
0x238: {  	v9 =	vld.idx.msk [tilespmem:v11+s21+$0x0], $0xffff;
	v11 =	vadd.s32 $0x600, v18;
	v10 =	vunpack.i.l.bf16.f32 v8  }
0x239: {  	v12 =	vadd.s32 $0x600, v17;
	v8 =	vunpack.i.u.bf16.f32 v8;
	v10 =	vadd.f32 v10, v1  }
0x23a: {  	v8 =	vadd.f32 v8, v1  }
0x23b: {  	[tilespmem:s10+$0x17400] =	vst v10  }
0x23c: {  	[tilespmem:s10+$0x17800] =	vst v8  }
0x23d: {  	v8 =	vld.idx.msk [tilespmem:v11+s19+$0x0], $0xffff  }
0x23e: {  	v9 =	vadd.bf16 v9, v3;
	v12 =	vld.idx.msk [tilespmem:v12+s21+$0x0], $0xffff  }
0x23f: {  	v13 =	vld.idx.msk [tilespmem:v5+s19+$0x0], $0xffff  }
0x240: {  	v14 =	vadd.s32 $0x400, v4;
	v10 =	vld.idx.msk [tilespmem:v6+s21+$0x0], $0xffff;
	v11 =	vunpack.i.l.bf16.f32 v9  }
0x241: {  	v15 =	vadd.s32 $0x400, v7;
	v9 =	vunpack.i.u.bf16.f32 v9;
	v11 =	vadd.f32 v11, v2  }
0x242: {  	v9 =	vadd.f32 v9, v2  }
0x243: {  	v3 =	vld [tilespmem:s2+$0x10400];
	[tilespmem:s11+$0x16C00] =	vst v11;
	v8 =	vadd.bf16 v12, v8  }
0x244: {  	s16 =	simm.s32 $0x0;
	[tilespmem:s11+$0x17000] =	vst v9  }
0x245: {  	s17 =	sor.u32 s6, s16;
	v11 =	vld.idx.msk [tilespmem:v14+s19+$0x0], $0xffff;
	v10 =	vadd.bf16 v10, v13;
	v19 =	vunpack.i.l.bf16.f32 v8  }
0x246: {  	s18 =	simm.s32 $0x30;
	s20 =	smul.u32 $0x220, s17;
	v12 =	vld.idx.msk [tilespmem:v15+s21+$0x0], $0xffff;
	v15 =	vadd.s32 $0x800, v18;
	v8 =	vunpack.i.u.bf16.f32 v8;
	v19 =	vadd.f32 v19, v1  }
0x247: {  	s15 =	simm.s32 $0x20;
	s13 =	sshll.u32 s17, $0x7;
	s2 =	sand.u32 $0x70, s18;
	v13 =	vadd.s32 $0x200, v5;
	v9 =	vunpack.i.l.bf16.f32 v10;
	v8 =	vadd.f32 v8, v1  }
0x248: {  	s15 =	sand.u32 $0x3FFFFF80, s15;
	s14 =	sshra.s32 s20, $0x2;
	s13 =	sor.u32 s2, s13;
	v14 =	vadd.s32 $0x200, v6;
	v10 =	vunpack.i.u.bf16.f32 v10;
	v9 =	vadd.f32 v9, v3;
	[tilespmem:s10+$0x17C00] =	vst v19  }
0x249: {  	s12 =	sor.u32 s29, s15;
	s14 =	sadd.s32 s2, s14;
	v16 =	vadd.f32 v10, v3;
	v10 =	vld [tilespmem:s13+$0x4000];
	[tilespmem:s10+$0x18000] =	vst v8  }
0x24a: {  	v20 =	vadd.s32 $0x800, v17;
	[tilespmem:s12+$0x16400] =	vst v9;
	v9 =	vld [tilespmem:s14+$0xC000]  }
0x24b: {  	v11 =	vadd.bf16 v12, v11;
	[tilespmem:s12+$0x16800] =	vst v16;
	v8 =	vld.idx.msk [tilespmem:v15+s19+$0x0], $0xffff  }
0x24c: {  	v13 =	vld.idx.msk [tilespmem:v13+s19+$0x0], $0xffff  }
0x24d: {  	v15 =	vadd.s32 $0x600, v4;
	v14 =	vld.idx.msk [tilespmem:v14+s21+$0x0], $0xffff;
	v12 =	vunpack.i.l.bf16.f32 v11  }
0x24e: {  	v11 =	vunpack.i.u.bf16.f32 v11;
	v12 =	vadd.f32 v12, v2  }
0x24f: {  	v16 =	vld.idx.msk [tilespmem:v20+s21+$0x0], $0xffff;
	v11 =	vadd.f32 v11, v2  }
0x250: {  	[tilespmem:s11+$0x17400] =	vst v12  }
0x251: {  	v19 =	vadd.s32 $0x600, v7;
	[tilespmem:s11+$0x17800] =	vst v11  }
0x252: {  	v11 =	vld.idx.msk [tilespmem:v15+s19+$0x0], $0xffff;
	v12 =	vadd.bf16 v14, v13  }
0x253: {  	v20 =	vld.idx.msk [tilespmem:v10+s19+$0x0], $0xffff  }
0x254: {  	v15 =	vadd.s32 $0x400, v5;
	v16 =	vadd.bf16 v16, v8;
	v13 =	vld.idx.msk [tilespmem:v9+s21+$0x0], $0xffff;
	v14 =	vunpack.i.l.bf16.f32 v12  }
0x255: {  	v21 =	vadd.s32 $0x400, v6;
	v12 =	vunpack.i.u.bf16.f32 v12;
	v14 =	vadd.f32 v14, v3  }
0x256: {  	v22 =	vadd.s32 $0xA00, v18;
	v19 =	vld.idx.msk [tilespmem:v19+s21+$0x0], $0xffff;
	v23 =	vunpack.i.l.bf16.f32 v16;
	v12 =	vadd.f32 v12, v3  }
0x257: {  	v8 =	vld [tilespmem:s13+$0x10400];
	[tilespmem:s12+$0x16C00] =	vst v14;
	v14 =	vunpack.i.u.bf16.f32 v16;
	v16 =	vadd.f32 v23, v1;
	v23 =	vadd.s32 $0xA00, v17  }
0x258: {  	s26 =	simm.s32 $0x0;
	[tilespmem:s12+$0x17000] =	vst v12;
	v12 =	vadd.f32 v14, v1  }
0x259: {  	s13 =	sor.u32 s6, s26;
	v15 =	vld.idx.msk [tilespmem:v15+s19+$0x0], $0xffff;
	v13 =	vadd.bf16 v13, v20;
	[tilespmem:s10+$0x18400] =	vst v16  }
0x25a: {  	s28 =	simm.s32 $0x40;
	s29 =	smul.u32 $0x220, s13;
	v20 =	vld.idx.msk [tilespmem:v21+s21+$0x0], $0xffff;
	[tilespmem:s10+$0x18800] =	vst v12  }
0x25b: {  	s16 =	simm.s32 $0x30;
	s14 =	sand.u32 $0x70, s28;
	s13 =	sshll.u32 s13, $0x7;
	v11 =	vadd.bf16 v19, v11;
	v16 =	vadd.s32 $0x200, v10;
	v14 =	vunpack.i.l.bf16.f32 v13;
	v21 =	vld.idx.msk [tilespmem:v22+s19+$0x0], $0xffff  }
0x25c: {  	s16 =	sand.u32 $0x3FFFFF80, s16;
	s17 =	sor.u32 s14, s13;
	s15 =	sshra.s32 s29, $0x2;
	v19 =	vadd.s32 $0x200, v9;
	v12 =	vunpack.i.u.bf16.f32 v13;
	v13 =	vadd.f32 v14, v8;
	v23 =	vld.idx.msk [tilespmem:v23+s21+$0x0], $0xffff  }
0x25d: {  	s13 =	sor.u32 s2, s16;
	s18 =	sadd.s32 s14, s15;
	v22 =	vadd.s32 $0x800, v4;
	v24 =	vadd.f32 v12, v8;
	v12 =	vunpack.i.l.bf16.f32 v11;
	v14 =	vld [tilespmem:s17+$0x4000]  }
0x25e: {  	v25 =	vadd.s32 $0x800, v7;
	v11 =	vunpack.i.u.bf16.f32 v11;
	[tilespmem:s13+$0x16400] =	vst v13;
	v13 =	vadd.f32 v12, v2;
	v12 =	vld [tilespmem:s18+$0xC000]  }
0x25f: {  	v11 =	vadd.f32 v11, v2;
	[tilespmem:s13+$0x16800] =	vst v24  }
0x260: {  	v16 =	vld.idx.msk [tilespmem:v16+s19+$0x0], $0xffff;
	[tilespmem:s11+$0x17C00] =	vst v13;
	v13 =	vadd.bf16 v20, v15  }
0x261: {  	[tilespmem:s11+$0x18000] =	vst v11;
	v15 =	vld.idx.msk [tilespmem:v19+s21+$0x0], $0xffff  }
0x262: {  	v24 =	vadd.s32 $0x600, v6;
	v20 =	vadd.s32 $0x600, v5;
	v19 =	vld.idx.msk [tilespmem:v22+s19+$0x0], $0xffff;
	v11 =	vunpack.i.l.bf16.f32 v13  }
0x263: {  	v22 =	vld.idx.msk [tilespmem:v25+s21+$0x0], $0xffff;
	v21 =	vadd.bf16 v23, v21;
	v13 =	vunpack.i.u.bf16.f32 v13;
	v23 =	vadd.f32 v11, v3  }
0x264: {  	v13 =	vadd.f32 v13, v3  }
0x265: {  	v26 =	vadd.s32 $0xC00, v18;
	v25 =	vunpack.i.l.bf16.f32 v21;
	v21 =	vunpack.i.u.bf16.f32 v21;
	v27 =	vld.idx.msk [tilespmem:v14+s19+$0x0], $0xffff;
	[tilespmem:s12+$0x17400] =	vst v23  }
0x266: {  	v23 =	vadd.f32 v25, v1;
	v25 =	vadd.s32 $0xC00, v17;
	v15 =	vadd.bf16 v15, v16;
	[tilespmem:s12+$0x17800] =	vst v13;
	v16 =	vld.idx.msk [tilespmem:v12+s21+$0x0], $0xffff  }
0x267: {  	v13 =	vadd.f32 v21, v1;
	v20 =	vld.idx.msk [tilespmem:v20+s19+$0x0], $0xffff  }
0x268: {  	s20 =	simm.s32 $0x0;
	v19 =	vadd.bf16 v22, v19;
	v22 =	vld.idx.msk [tilespmem:v24+s21+$0x0], $0xffff;
	[tilespmem:s10+$0x18C00] =	vst v23;
	v21 =	vunpack.i.l.bf16.f32 v15;
	v23 =	vadd.s32 $0x400, v10  }
0x269: {  	s26 =	sor.u32 s6, s20;
	v11 =	vld [tilespmem:s17+$0x10400];
	s17 =	simm.s32 $0x50;
	[tilespmem:s10+$0x19000] =	vst v13;
	v13 =	vunpack.i.u.bf16.f32 v15;
	v15 =	vadd.f32 v21, v8;
	v21 =	vadd.s32 $0x400, v9  }
0x26a: {  	s28 =	sshll.u32 s26, $0x7;
	s2 =	sand.u32 $0x70, s17;
	v24 =	vadd.s32 $0xA00, v4;
	v26 =	vld.idx.msk [tilespmem:v26+s19+$0x0], $0xffff;
	v28 =	vadd.f32 v13, v8;
	v13 =	vunpack.i.l.bf16.f32 v19  }
0x26b: {  	v29 =	vadd.s32 $0xA00, v7;
	s16 =	sor.u32 s2, s28;
	v25 =	vld.idx.msk [tilespmem:v25+s21+$0x0], $0xffff;
	[tilespmem:s13+$0x16C00] =	vst v15;
	v15 =	vunpack.i.u.bf16.f32 v19;
	v19 =	vadd.f32 v13, v2  }
0x26c: {  	v13 =	vld [tilespmem:s16+$0x10400];
	[tilespmem:s13+$0x17000] =	vst v28;
	v16 =	vadd.bf16 v16, v27;
	v15 =	vadd.f32 v15, v2  }
0x26d: {  	v28 =	vadd.s32 $0x200, v14;
	v20 =	vadd.bf16 v22, v20;
	v23 =	vld.idx.msk [tilespmem:v23+s19+$0x0], $0xffff;
	[tilespmem:s11+$0x18400] =	vst v19  }
0x26e: {  	s15 =	smul.u32 $0x220, s26;
	s18 =	simm.s32 $0x40;
	v27 =	vadd.s32 $0x800, v5;
	v19 =	vunpack.i.l.bf16.f32 v16;
	v21 =	vld.idx.msk [tilespmem:v21+s21+$0x0], $0xffff;
	[tilespmem:s11+$0x18800] =	vst v15;
	v15 =	vunpack.i.u.bf16.f32 v16  }
0x26f: {  	s18 =	sand.u32 $0x3FFFFF80, s18;
	v30 =	vunpack.i.l.bf16.f32 v20;
	v16 =	vadd.f32 v19, v11;
	v19 =	vadd.s32 $0x200, v12;
	v22 =	vld.idx.msk [tilespmem:v24+s19+$0x0], $0xffff  }
0x270: {  	s15 =	sshra.s32 s15, $0x2;
	s14 =	sor.u32 s14, s18;
	v20 =	vunpack.i.u.bf16.f32 v20;
	v24 =	vadd.f32 v15, v11;
	v29 =	vld.idx.msk [tilespmem:v29+s21+$0x0], $0xffff;
	v25 =	vadd.bf16 v25, v26  }
0x271: {  	s15 =	sadd.s32 s2, s15;
	v15 =	vld [tilespmem:s16+$0x4000];
	v20 =	vadd.f32 v20, v3;
	v26 =	vadd.f32 v30, v3;
	v30 =	vadd.s32 $0x800, v6;
	[tilespmem:s14+$0x16400] =	vst v16  }
0x272: {  	v18 =	vadd.s32 $0xE00, v18;
	v16 =	vld [tilespmem:s15+$0xC000];
	[tilespmem:s14+$0x16800] =	vst v24;
	v24 =	vunpack.i.l.bf16.f32 v25  }
0x273: {  	[tilespmem:s12+$0x18000] =	vst v20;
	v31 =	vld.idx.msk [tilespmem:v28+s19+$0x0], $0xffff;
	v25 =	vunpack.i.u.bf16.f32 v25;
	v28 =	vadd.s32 $0xE00, v17;
	v24 =	vadd.f32 v24, v1  }
0x274: {  	[tilespmem:s12+$0x17C00] =	vst v26;
	v17 =	vadd.bf16 v21, v23;
	v32 =	vld.idx.msk [tilespmem:v19+s21+$0x0], $0xffff;
	v19 =	vadd.f32 v25, v1  }
0x275: {  	v21 =	vld.idx.msk [tilespmem:v27+s19+$0x0], $0xffff;
	[tilespmem:s10+$0x19400] =	vst v24  }
0x276: {  	s29 =	sadd.s32 s9, s6;
	v27 =	vadd.s32 $0x600, v10;
	v22 =	vadd.bf16 v29, v22;
	v20 =	vunpack.i.l.bf16.f32 v17;
	v23 =	vld.idx.msk [tilespmem:v30+s21+$0x0], $0xffff;
	[tilespmem:s10+$0x19800] =	vst v19  }
0x277: {  	s15 =	sshll.u32 s29, $0x9;
	v26 =	vadd.s32 $0x600, v9;
	v19 =	vunpack.i.u.bf16.f32 v17;
	v20 =	vadd.f32 v20, v8;
	v17 =	vld.idx.msk [tilespmem:v18+s19+$0x0], $0xffff  }
0x278: {  	s15 =	sadd.s32 s5, s15;
	v25 =	vunpack.i.l.bf16.f32 v22;
	v24 =	vadd.f32 v19, v8;
	v18 =	vld.idx.msk [tilespmem:v28+s21+$0x0], $0xffff;
	v19 =	vadd.s32 $0xC00, v4  }
0x279: {  	s15 =	sshrl.u32 s15, $0x3;
	v33 =	vunpack.i.u.bf16.f32 v22;
	v28 =	vld.idx.msk [tilespmem:v15+s19+$0x0], $0xffff;
	v22 =	vadd.f32 v25, v2;
	[tilespmem:s13+$0x17400] =	vst v20;
	v20 =	vadd.s32 $0xC00, v7  }
0x27a: {  	s18 =	simm.s32 $0x6;
	s16 =	simm.s32 $0x5;
	s15 =	sadd.s32 s4, s15;
	v29 =	vld.idx.msk [tilespmem:v16+s21+$0x0], $0xffff;
	v30 =	vadd.bf16 v32, v31;
	[tilespmem:s13+$0x17800] =	vst v24;
	v24 =	vadd.f32 v33, v2  }
.LBB2_14:
0x27b: {  	p1 =	sne.s32 s18, $0x3F;
	v27 =	vld.idx.msk [tilespmem:v27+s19+$0x0], $0xffff;
	v31 =	vadd.s32 $0xA00, v5;
	[tilespmem:s11+$0x18C00] =	vst v22;
	v25 =	vmovc v9;
	v9 =	vmov v12;
	v12 =	vmov v16  }
0x27c: {  	s20 =	sshrl.u32 s18, $0x3;
	v22 =	vadd.s32 $0x400, v14;
	v21 =	vadd.bf16 v23, v21;
	v16 =	vunpack.i.l.bf16.f32 v30;
	v26 =	vld.idx.msk [tilespmem:v26+s21+$0x0], $0xffff;
	[tilespmem:s11+$0x19000] =	vst v24  }
0x27d: {  	s17 =	sadd.s32 $0x10, s17;
	s20 =	sor.u32 s6, s20;
	v23 =	vunpack.i.u.bf16.f32 v30;
	v24 =	vadd.s32 $0x400, v9;
	v16 =	vadd.f32 v16, v11;
	v19 =	vld.idx.msk [tilespmem:v19+s19+$0x0], $0xffff  }
0x27e: {  	s28 =	sand.u32 $0x70, s17;
	s26 =	sshll.u32 s20, $0x7;
	v23 =	vadd.f32 v23, v11;
	v30 =	vunpack.i.l.bf16.f32 v21;
	v17 =	vadd.bf16 v18, v17;
	v20 =	vld.idx.msk [tilespmem:v20+s21+$0x0], $0xffff  }
0x27f: {  	s29 =	sor.u32 s28, s26;
	v18 =	vadd.f32 v30, v3;
	[tilespmem:s14+$0x16C00] =	vst v16;
	v16 =	vunpack.i.u.bf16.f32 v21;
	v21 =	vadd.s32 $0xA00, v6  }
0x280: {  	v28 =	vadd.bf16 v29, v28;
	v30 =	vld [tilespmem:s29+$0x10400];
	[tilespmem:s14+$0x17000] =	vst v23;
	v16 =	vadd.f32 v16, v3;
	v23 =	vunpack.i.u.bf16.f32 v17  }
0x281: {  	v29 =	vadd.s32 $0x800, v10;
	v17 =	vunpack.i.l.bf16.f32 v17;
	v22 =	vld.idx.msk [tilespmem:v22+s19+$0x0], $0xffff;
	[tilespmem:s12+$0x18400] =	vst v18;
	v18 =	vadd.f32 v23, v1  }
0x282: {  	v32 =	vadd.s32 $0x200, v15;
	s20 =	smul.u32 $0x220, s20;
	s26 =	sshll.u32 s16, $0x4;
	s16 =	smov.u32 s18;
	v23 =	vunpack.i.l.bf16.f32 v28;
	v26 =	vadd.bf16 v26, v27;
	v24 =	vld.idx.msk [tilespmem:v24+s21+$0x0], $0xffff;
	[tilespmem:s12+$0x18800] =	vst v16  }
0x283: {  	s26 =	sand.u32 $0x3FFFFF80, s26;
	v27 =	vadd.s32 $0x200, v12;
	v16 =	vunpack.i.u.bf16.f32 v28;
	v23 =	vadd.f32 v23, v13;
	v28 =	vld.idx.msk [tilespmem:v31+s19+$0x0], $0xffff;
	[tilespmem:s10+$0x1A000] =	vst v18  }
0x284: {  	s20 =	sshra.s32 s20, $0x2;
	s26 =	sor.u32 s2, s26;
	s2 =	smov.u32 s28;
	v18 =	vadd.f32 v16, v13;
	v16 =	vunpack.i.l.bf16.f32 v26;
	v19 =	vadd.bf16 v20, v19;
	v31 =	vld.idx.msk [tilespmem:v21+s21+$0x0], $0xffff  }
0x285: {  	s20 =	sadd.s32 s2, s20;
	v21 =	vunpack.i.u.bf16.f32 v26;
	v26 =	vadd.s32 $0x800, v25;
	v20 =	vld [tilespmem:s29+$0x4000];
	[tilespmem:s26+$0x16400] =	vst v23;
	v23 =	vadd.f32 v16, v8  }
0x286: {  	v33 =	vadd.s32 $0xE00, v4;
	v4 =	vmovc v5;
	v5 =	vmovc v10;
	v16 =	vld [tilespmem:s20+$0xC000];
	[tilespmem:s26+$0x16800] =	vst v18;
	v18 =	vadd.f32 v21, v8;
	v21 =	vunpack.i.l.bf16.f32 v19  }
0x287: {  	v7 =	vadd.s32 $0xE00, v7;
	v10 =	vmovc v14;
	v19 =	vunpack.i.u.bf16.f32 v19;
	v32 =	vld.idx.msk [tilespmem:v32+s19+$0x0], $0xffff;
	[tilespmem:s13+$0x17C00] =	vst v23;
	v23 =	vadd.f32 v21, v2  }
0x288: {  	v14 =	vmov v15;
	v22 =	vadd.bf16 v24, v22;
	v34 =	vld.idx.msk [tilespmem:v27+s21+$0x0], $0xffff;
	[tilespmem:s13+$0x18000] =	vst v18;
	v18 =	vadd.f32 v19, v2  }
0x289: {  	v35 =	vadd.f32 v17, v1;
	v1 =	vmovc v2;
	v2 =	vmov v3;
	v3 =	vmov v8;
	v21 =	vld.idx.msk [tilespmem:v29+s19+$0x0], $0xffff;
	[tilespmem:s11+$0x19400] =	vst v23  }
.Ltmp5:
0x28a: {  	v27 =	vadd.s32 $0x600, v10;
	v8 =	vmovc v11;
	v17 =	vunpack.i.l.bf16.f32 v22;
	v24 =	vadd.bf16 v31, v28;
	v23 =	vld.idx.msk [tilespmem:v26+s21+$0x0], $0xffff;
	[tilespmem:s11+$0x19800] =	vst v18;
	(pc) =	sbr.rel @p1 .LBB2_14-.Ltmp5, $4  }
0x28b: {  	v11 =	vmovc v13;
	v18 =	vunpack.i.u.bf16.f32 v22;
	v22 =	vadd.f32 v17, v8;
	v26 =	vadd.s32 $0x600, v9;
	v17 =	vld.idx.msk [tilespmem:v33+s19+$0x0], $0xffff;
	[tilespmem:s10+$0x19C00] =	vst v35;
	s10 =	smov.u32 s11;
	s11 =	smov.u32 s12;
	s12 =	smov.u32 s13  }
0x28c: {  	v19 =	vadd.s32 $0xC00, v4;
	v13 =	vmovc v30;
	v15 =	vmovc v20;
	v31 =	vadd.f32 v18, v8;
	v29 =	vunpack.i.l.bf16.f32 v24;
	s13 =	smov.u32 s14;
	s14 =	smov.u32 s26;
	v18 =	vld.idx.msk [tilespmem:v7+s21+$0x0], $0xffff  }
0x28d: {  	v24 =	vunpack.i.u.bf16.f32 v24;
	v7 =	vmovc v6;
	v28 =	vld.idx.msk [tilespmem:v20+s19+$0x0], $0xffff;
	[tilespmem:s13+$0x17400] =	vst v22;
	v22 =	vadd.f32 v29, v2;
	v20 =	vadd.s32 $0xC00, v6  }
0x28e: {  	s18 =	sadd.s32 $0x1, s18;
	v24 =	vadd.f32 v24, v2;
	v30 =	vadd.bf16 v34, v32;
	v6 =	vmov v25;
	v29 =	vld.idx.msk [tilespmem:v16+s21+$0x0], $0xffff;
	[tilespmem:s13+$0x17800] =	vst v31  }
0x28f: {  	_ =	sdelay $0x3  }
0x290: {  	v25 =	vadd.bf16 v29, v28;
	_ =	sdelay $0x1  }
0x291: {  	s16 =	sshll.u32 s16, $0x4;
	v29 =	vadd.s32 $0x200, v15;
	v28 =	vunpack.i.l.bf16.f32 v25  }
0x292: {  	v31 =	vadd.s32 $0x200, v16;
	s16 =	sand.u32 $0x3FFFFF80, s16;
	v25 =	vunpack.i.u.bf16.f32 v25;
	v28 =	vadd.f32 v28, v13  }
0x293: {  	s17 =	sor.u32 s2, s16;
	v25 =	vadd.f32 v25, v13  }
0x294: {  	[tilespmem:s17+$0x16400] =	vst v28  }
0x295: {  	[tilespmem:s17+$0x16800] =	vst v25  }
0x296: {  	v25 =	vld.idx.msk [tilespmem:v29+s19+$0x0], $0xffff  }
0x297: {  	v28 =	vld.idx.msk [tilespmem:v31+s21+$0x0], $0xffff;
	_ =	sdelay $0x4  }
0x298: {  	v29 =	vunpack.i.l.bf16.f32 v30;
	v31 =	vadd.s32 $0x400, v14;
	v25 =	vadd.bf16 v28, v25  }
0x299: {  	v29 =	vadd.f32 v29, v11;
	v28 =	vunpack.i.u.bf16.f32 v30;
	v30 =	vadd.s32 $0x400, v12  }
0x29a: {  	v33 =	vadd.s32 $0x400, v15;
	v28 =	vadd.f32 v28, v11;
	v32 =	vunpack.i.l.bf16.f32 v25  }
0x29b: {  	v52 =	vadd.s32 $0x400, v16;
	[tilespmem:s14+$0x16C00] =	vst v29;
	v25 =	vunpack.i.u.bf16.f32 v25;
	v29 =	vadd.f32 v32, v13  }
0x29c: {  	[tilespmem:s14+$0x17000] =	vst v28;
	v25 =	vadd.f32 v25, v13  }
0x29d: {  	v28 =	vld.idx.msk [tilespmem:v31+s19+$0x0], $0xffff;
	[tilespmem:s17+$0x16C00] =	vst v29  }
0x29e: {  	v29 =	vld.idx.msk [tilespmem:v30+s21+$0x0], $0xffff;
	[tilespmem:s17+$0x17000] =	vst v25  }
0x29f: {  	v25 =	vld.idx.msk [tilespmem:v33+s19+$0x0], $0xffff  }
0x2a0: {  	v30 =	vld.idx.msk [tilespmem:v52+s21+$0x0], $0xffff;
	_ =	sdelay $0x2  }
0x2a1: {  	v28 =	vadd.bf16 v29, v28  }
0x2a2: {  	v54 =	vadd.s32 $0x600, v15  }
0x2a3: {  	v31 =	vadd.s32 $0x600, v14;
	v25 =	vadd.bf16 v30, v25;
	v29 =	vunpack.i.l.bf16.f32 v28  }
0x2a4: {  	v27 =	vld.idx.msk [tilespmem:v27+s19+$0x0], $0xffff;
	v30 =	vadd.s32 $0x600, v12;
	v28 =	vunpack.i.u.bf16.f32 v28;
	v29 =	vadd.f32 v29, v11  }
0x2a5: {  	v26 =	vld.idx.msk [tilespmem:v26+s21+$0x0], $0xffff;
	v28 =	vadd.f32 v28, v11;
	v53 =	vunpack.i.l.bf16.f32 v25;
	v25 =	vunpack.i.u.bf16.f32 v25  }
0x2a6: {  	v55 =	vadd.s32 $0x600, v16;
	v25 =	vadd.f32 v25, v13;
	[tilespmem:s14+$0x17400] =	vst v29  }
0x2a7: {  	v29 =	vadd.f32 v53, v13;
	[tilespmem:s14+$0x17800] =	vst v28  }
0x2a8: {  	v28 =	vld.idx.msk [tilespmem:v31+s19+$0x0], $0xffff;
	[tilespmem:s17+$0x17800] =	vst v25  }
0x2a9: {  	[tilespmem:s17+$0x17400] =	vst v29;
	v29 =	vld.idx.msk [tilespmem:v30+s21+$0x0], $0xffff  }
0x2aa: {  	v26 =	vadd.bf16 v26, v27;
	v25 =	vld.idx.msk [tilespmem:v54+s19+$0x0], $0xffff  }
0x2ab: {  	v27 =	vld.idx.msk [tilespmem:v55+s21+$0x0], $0xffff  }
0x2ac: {  	v56 =	vadd.s32 $0x800, v9;
	v31 =	vunpack.i.l.bf16.f32 v26  }
0x2ad: {  	v26 =	vunpack.i.u.bf16.f32 v26;
	v30 =	vadd.s32 $0x800, v10;
	v31 =	vadd.f32 v31, v8  }
0x2ae: {  	v26 =	vadd.f32 v26, v8;
	v28 =	vadd.bf16 v29, v28  }
0x2af: {  	[tilespmem:s13+$0x17C00] =	vst v31;
	v29 =	vadd.s32 $0x800, v14  }
0x2b0: {  	[tilespmem:s13+$0x18000] =	vst v26;
	v25 =	vadd.bf16 v27, v25;
	v31 =	vunpack.i.l.bf16.f32 v28;
	v26 =	vunpack.i.u.bf16.f32 v28  }
0x2b1: {  	v32 =	vld.idx.msk [tilespmem:v56+s21+$0x0], $0xffff;
	v28 =	vadd.s32 $0x800, v12;
	v27 =	vadd.f32 v31, v11;
	v26 =	vadd.f32 v26, v11  }
0x2b2: {  	v30 =	vld.idx.msk [tilespmem:v30+s19+$0x0], $0xffff;
	v31 =	vadd.s32 $0x800, v15;
	v57 =	vunpack.i.l.bf16.f32 v25;
	v25 =	vunpack.i.u.bf16.f32 v25  }
0x2b3: {  	v58 =	vadd.s32 $0x800, v16;
	v25 =	vadd.f32 v25, v13;
	[tilespmem:s14+$0x17C00] =	vst v27  }
0x2b4: {  	v27 =	vadd.f32 v57, v13;
	[tilespmem:s14+$0x18000] =	vst v26  }
0x2b5: {  	v21 =	vadd.bf16 v23, v21;
	v23 =	vld.idx.msk [tilespmem:v29+s19+$0x0], $0xffff;
	[tilespmem:s17+$0x18000] =	vst v25  }
0x2b6: {  	[tilespmem:s17+$0x17C00] =	vst v27;
	v26 =	vld.idx.msk [tilespmem:v28+s21+$0x0], $0xffff  }
0x2b7: {  	v30 =	vadd.bf16 v32, v30;
	v27 =	vunpack.i.l.bf16.f32 v21;
	v28 =	vld.idx.msk [tilespmem:v31+s19+$0x0], $0xffff  }
0x2b8: {  	v25 =	vadd.s32 $0xA00, v5;
	v21 =	vunpack.i.u.bf16.f32 v21;
	v27 =	vadd.f32 v27, v3;
	v31 =	vld.idx.msk [tilespmem:v58+s21+$0x0], $0xffff  }
0x2b9: {  	v29 =	vadd.s32 $0xA00, v6;
	v21 =	vadd.f32 v21, v3  }
0x2ba: {  	v59 =	vadd.s32 $0xA00, v9;
	v32 =	vunpack.i.l.bf16.f32 v30;
	[tilespmem:s12+$0x18400] =	vst v27;
	v27 =	vadd.s32 $0xA00, v10  }
0x2bb: {  	v30 =	vunpack.i.u.bf16.f32 v30;
	[tilespmem:s12+$0x18800] =	vst v21;
	v21 =	vadd.f32 v32, v8;
	v23 =	vadd.bf16 v26, v23  }
0x2bc: {  	v26 =	vadd.f32 v30, v8  }
0x2bd: {  	v25 =	vld.idx.msk [tilespmem:v25+s19+$0x0], $0xffff;
	[tilespmem:s13+$0x18400] =	vst v21;
	v21 =	vadd.s32 $0xA00, v14;
	v28 =	vadd.bf16 v31, v28;
	v30 =	vunpack.i.l.bf16.f32 v23  }
0x2be: {  	v29 =	vld.idx.msk [tilespmem:v29+s21+$0x0], $0xffff;
	[tilespmem:s13+$0x18800] =	vst v26;
	v23 =	vunpack.i.u.bf16.f32 v23;
	v26 =	vadd.f32 v30, v11;
	v30 =	vadd.s32 $0xA00, v12  }
0x2bf: {  	v31 =	vadd.s32 $0xA00, v15;
	v27 =	vld.idx.msk [tilespmem:v27+s19+$0x0], $0xffff;
	v23 =	vadd.f32 v23, v11;
	v60 =	vunpack.i.l.bf16.f32 v28  }
0x2c0: {  	v61 =	vadd.s32 $0xA00, v16;
	v32 =	vld.idx.msk [tilespmem:v59+s21+$0x0], $0xffff;
	[tilespmem:s14+$0x18400] =	vst v26;
	v26 =	vunpack.i.u.bf16.f32 v28;
	v28 =	vadd.f32 v60, v13  }
0x2c1: {  	[tilespmem:s14+$0x18800] =	vst v23;
	v23 =	vadd.f32 v26, v13  }
0x2c2: {  	v21 =	vld.idx.msk [tilespmem:v21+s19+$0x0], $0xffff;
	[tilespmem:s17+$0x18400] =	vst v28  }
0x2c3: {  	v25 =	vadd.bf16 v29, v25;
	v26 =	vld.idx.msk [tilespmem:v30+s21+$0x0], $0xffff;
	[tilespmem:s17+$0x18800] =	vst v23  }
0x2c4: {  	v28 =	vld.idx.msk [tilespmem:v31+s19+$0x0], $0xffff  }
0x2c5: {  	v29 =	vadd.s32 $0xC00, v5;
	v23 =	vunpack.i.l.bf16.f32 v25;
	v27 =	vadd.bf16 v32, v27;
	v30 =	vld.idx.msk [tilespmem:v61+s21+$0x0], $0xffff  }
0x2c6: {  	[tilespmem:s11+$0x18C00] =	vst v22;
	v25 =	vunpack.i.u.bf16.f32 v25;
	v22 =	vadd.f32 v23, v3;
	v23 =	vadd.s32 $0xC00, v6  }
0x2c7: {  	[tilespmem:s11+$0x19000] =	vst v24;
	v25 =	vadd.f32 v25, v3;
	v31 =	vadd.s32 $0xC00, v10;
	v24 =	vunpack.i.l.bf16.f32 v27  }
0x2c8: {  	v19 =	vld.idx.msk [tilespmem:v19+s19+$0x0], $0xffff;
	v27 =	vunpack.i.u.bf16.f32 v27;
	[tilespmem:s12+$0x18C00] =	vst v22;
	v22 =	vadd.f32 v24, v8;
	v21 =	vadd.bf16 v26, v21  }
0x2c9: {  	v20 =	vld.idx.msk [tilespmem:v20+s21+$0x0], $0xffff;
	v24 =	vadd.s32 $0xC00, v9;
	[tilespmem:s12+$0x19000] =	vst v25;
	v25 =	vadd.f32 v27, v8  }
0x2ca: {  	v27 =	vadd.s32 $0xC00, v14;
	v26 =	vld.idx.msk [tilespmem:v29+s19+$0x0], $0xffff;
	[tilespmem:s13+$0x18C00] =	vst v22;
	v28 =	vadd.bf16 v30, v28;
	v22 =	vunpack.i.l.bf16.f32 v21  }
0x2cb: {  	[tilespmem:s13+$0x19000] =	vst v25;
	v25 =	vadd.s32 $0xC00, v12;
	v23 =	vld.idx.msk [tilespmem:v23+s21+$0x0], $0xffff;
	v21 =	vunpack.i.u.bf16.f32 v21;
	v22 =	vadd.f32 v22, v11  }
0x2cc: {  	v29 =	vld.idx.msk [tilespmem:v31+s19+$0x0], $0xffff;
	v31 =	vadd.s32 $0xC00, v15;
	v21 =	vadd.f32 v21, v11;
	v30 =	vunpack.i.l.bf16.f32 v28  }
0x2cd: {  	[tilespmem:s14+$0x18C00] =	vst v22;
	v22 =	vunpack.i.u.bf16.f32 v28;
	v28 =	vadd.f32 v30, v13;
	v30 =	vadd.s32 $0xC00, v16  }
0x2ce: {  	v19 =	vadd.bf16 v20, v19;
	v24 =	vld.idx.msk [tilespmem:v24+s21+$0x0], $0xffff;
	[tilespmem:s14+$0x19000] =	vst v21;
	v20 =	vadd.f32 v22, v13  }
0x2cf: {  	v17 =	vadd.bf16 v18, v17;
	v18 =	vld.idx.msk [tilespmem:v27+s19+$0x0], $0xffff;
	[tilespmem:s17+$0x18C00] =	vst v28  }
0x2d0: {  	v4 =	vadd.s32 $0xE00, v4;
	v21 =	vunpack.i.l.bf16.f32 v19;
	v22 =	vadd.bf16 v23, v26;
	v23 =	vld.idx.msk [tilespmem:v25+s21+$0x0], $0xffff;
	[tilespmem:s17+$0x19000] =	vst v20  }
0x2d1: {  	v7 =	vadd.s32 $0xE00, v7;
	v19 =	vunpack.i.u.bf16.f32 v19;
	v20 =	vadd.f32 v21, v2;
	v21 =	vld.idx.msk [tilespmem:v31+s19+$0x0], $0xffff  }
0x2d2: {  	v5 =	vadd.s32 $0xE00, v5;
	v6 =	vadd.s32 $0xE00, v6;
	v19 =	vadd.f32 v19, v2;
	v26 =	vld.idx.msk [tilespmem:v30+s21+$0x0], $0xffff  }
0x2d3: {  	v10 =	vadd.s32 $0xE00, v10;
	v25 =	vunpack.i.l.bf16.f32 v22;
	v24 =	vadd.bf16 v24, v29  }
0x2d4: {  	v9 =	vadd.s32 $0xE00, v9;
	v22 =	vunpack.i.u.bf16.f32 v22;
	[tilespmem:s11+$0x19800] =	vst v19;
	v25 =	vadd.f32 v25, v3  }
0x2d5: {  	[tilespmem:s11+$0x19400] =	vst v20;
	v20 =	vadd.f32 v22, v3;
	v22 =	vunpack.i.l.bf16.f32 v24;
	v18 =	vadd.bf16 v23, v18  }
0x2d6: {  	v14 =	vadd.s32 $0xE00, v14;
	v19 =	vunpack.i.u.bf16.f32 v24;
	v4 =	vld.idx.msk [tilespmem:v4+s19+$0x0], $0xffff;
	[tilespmem:s12+$0x19400] =	vst v25;
	v22 =	vadd.f32 v22, v8  }
0x2d7: {  	v19 =	vadd.f32 v19, v8;
	v7 =	vld.idx.msk [tilespmem:v7+s21+$0x0], $0xffff;
	[tilespmem:s12+$0x19800] =	vst v20;
	v20 =	vunpack.i.l.bf16.f32 v18;
	v21 =	vadd.bf16 v26, v21  }
0x2d8: {  	v12 =	vadd.s32 $0xE00, v12;
	v5 =	vld.idx.msk [tilespmem:v5+s19+$0x0], $0xffff;
	[tilespmem:s13+$0x19400] =	vst v22;
	v18 =	vunpack.i.u.bf16.f32 v18;
	v20 =	vadd.f32 v20, v11  }
0x2d9: {  	v15 =	vadd.s32 $0xE00, v15;
	v6 =	vld.idx.msk [tilespmem:v6+s21+$0x0], $0xffff;
	[tilespmem:s13+$0x19800] =	vst v19;
	v18 =	vadd.f32 v18, v11;
	v19 =	vunpack.i.l.bf16.f32 v21  }
0x2da: {  	v16 =	vadd.s32 $0xE00, v16;
	v10 =	vld.idx.msk [tilespmem:v10+s19+$0x0], $0xffff;
	[tilespmem:s14+$0x19400] =	vst v20;
	v20 =	vunpack.i.u.bf16.f32 v21;
	v19 =	vadd.f32 v19, v13  }
0x2db: {  	v9 =	vld.idx.msk [tilespmem:v9+s21+$0x0], $0xffff;
	[tilespmem:s14+$0x19800] =	vst v18;
	v18 =	vadd.f32 v20, v13  }
0x2dc: {  	v4 =	vadd.bf16 v7, v4;
	v7 =	vld.idx.msk [tilespmem:v14+s19+$0x0], $0xffff;
	v20 =	vunpack.i.u.bf16.f32 v17;
	[tilespmem:s17+$0x19400] =	vst v19  }
0x2dd: {  	v14 =	vunpack.i.l.bf16.f32 v17;
	v12 =	vld.idx.msk [tilespmem:v12+s21+$0x0], $0xffff;
	v17 =	vadd.f32 v20, v1;
	[tilespmem:s17+$0x19800] =	vst v18  }
0x2de: {  	v5 =	vadd.bf16 v6, v5;
	v1 =	vadd.f32 v14, v1;
	v14 =	vunpack.i.u.bf16.f32 v4;
	v6 =	vld.idx.msk [tilespmem:v15+s19+$0x0], $0xffff  }
0x2df: {  	v4 =	vunpack.i.l.bf16.f32 v4;
	v14 =	vadd.f32 v14, v2;
	[tilespmem:s10+$0x1A000] =	vst v17;
	v15 =	vld.idx.msk [tilespmem:v16+s21+$0x0], $0xffff  }
0x2e0: {  	[tilespmem:s10+$0x19C00] =	vst v1;
	v1 =	vadd.f32 v4, v2;
	v2 =	vunpack.i.u.bf16.f32 v5;
	v4 =	vadd.bf16 v9, v10  }
0x2e1: {  	v5 =	vunpack.i.l.bf16.f32 v5;
	[tilespmem:s11+$0x1A000] =	vst v14;
	v2 =	vadd.f32 v2, v3  }
0x2e2: {  	[tilespmem:s11+$0x19C00] =	vst v1;
	v1 =	vadd.f32 v5, v3;
	v3 =	vunpack.i.u.bf16.f32 v4;
	v5 =	vadd.bf16 v12, v7  }
0x2e3: {  	[tilespmem:s12+$0x1A000] =	vst v2;
	v2 =	vunpack.i.l.bf16.f32 v4;
	v3 =	vadd.f32 v3, v8  }
0x2e4: {  	[tilespmem:s12+$0x19C00] =	vst v1;
	v1 =	vadd.f32 v2, v8;
	v2 =	vunpack.i.u.bf16.f32 v5;
	v4 =	vadd.bf16 v15, v6  }
0x2e5: {  	[tilespmem:s13+$0x1A000] =	vst v3;
	v3 =	vunpack.i.l.bf16.f32 v5;
	v2 =	vadd.f32 v2, v11  }
0x2e6: {  	[tilespmem:s13+$0x19C00] =	vst v1;
	v1 =	vadd.f32 v3, v11;
	v3 =	vunpack.i.u.bf16.f32 v4  }
0x2e7: {  	[tilespmem:s14+$0x1A000] =	vst v2;
	v2 =	vunpack.i.l.bf16.f32 v4;
	v3 =	vadd.f32 v3, v13  }
0x2e8: {  	[tilespmem:s14+$0x19C00] =	vst v1;
	v1 =	vadd.f32 v2, v13  }
0x2e9: {  	s11 =	simm.s32 $0x0;
	s13 =	sor.u32 $0x8, s6;
	[tilespmem:s17+$0x1A000] =	vst v3  }
0x2ea: {  	s2 =	sor.u32 s13, s11;
	[tilespmem:s17+$0x19C00] =	vst v1  }
0x2eb: {  	[hbm4b:s15+s22] =	stream.strided.scatter [tilespmem:s24], [sflag:$0x1], $0x4000, s23, s22, $0x38;
	[tilespmem:$0x1E400] =	vst v63  }
0x2ec: {  	s12 =	simm.s32 $0x0;
	s14 =	smul.u32 $0x220, s2;
	_ =	swait.ge [sflag:s8], $0x4000  }
0x2ed: {  	s6 =	sand.u32 $0x70, s12;
	s2 =	sshll.u32 s2, $0x7;
	[sflag:s8] =	ssyncset.done $0x0  }
0x2ee: {  	s2 =	sor.u32 s6, s2;
	s10 =	sshra.s32 s14, $0x2;
	[sflag:s8] =	ssyncadd.s32 $0xFFFFC000  }
0x2ef: {  	s10 =	sadd.s32 s6, s10;
	v18 =	vld [tilespmem:s2+$0x4000]  }
0x2f0: {  	v17 =	vld [tilespmem:s10+$0xC000];
	_ =	sdelay $0x6  }
0x2f1: {  	v2 =	vld.idx.msk [tilespmem:v18+s19+$0x0], $0xffff  }
0x2f2: {  	v3 =	vld.idx.msk [tilespmem:v17+s21+$0x0], $0xffff;
	_ =	sdelay $0x2  }
0x2f3: {  	v1 =	vld [tilespmem:s2+$0x10400];
	_ =	sdelay $0x1  }
0x2f4: {  	s15 =	simm.s32 $0x0;
	v2 =	vadd.bf16 v3, v2  }
0x2f5: {  	s2 =	sor.u32 s13, s15  }
0x2f6: {  	s18 =	simm.s32 $0x0;
	s16 =	simm.s32 $0x10;
	s17 =	smul.u32 $0x220, s2;
	v5 =	vadd.s32 $0x200, v18;
	v3 =	vunpack.i.l.bf16.f32 v2  }
0x2f7: {  	s12 =	sand.u32 $0x3FFFFF80, s18;
	s10 =	sand.u32 $0x70, s16;
	s2 =	sshll.u32 s2, $0x7;
	v6 =	vadd.s32 $0x200, v17;
	v2 =	vunpack.i.u.bf16.f32 v2;
	v3 =	vadd.f32 v3, v1  }
0x2f8: {  	s6 =	sor.u32 s6, s12;
	s2 =	sor.u32 s10, s2;
	s11 =	sshra.s32 s17, $0x2;
	v2 =	vadd.f32 v2, v1  }
0x2f9: {  	v4 =	vld [tilespmem:s2+$0x4000];
	s11 =	sadd.s32 s10, s11;
	[tilespmem:s6+$0x1A400] =	vst v3  }
0x2fa: {  	v7 =	vld [tilespmem:s11+$0xC000];
	[tilespmem:s6+$0x1A800] =	vst v2  }
0x2fb: {  	v2 =	vld.idx.msk [tilespmem:v5+s19+$0x0], $0xffff  }
0x2fc: {  	v3 =	vld.idx.msk [tilespmem:v6+s21+$0x0], $0xffff;
	_ =	sdelay $0x4  }
0x2fd: {  	v2 =	vadd.bf16 v3, v2  }
0x2fe: {  	v5 =	vld.idx.msk [tilespmem:v4+s19+$0x0], $0xffff  }
0x2ff: {  	v8 =	vadd.s32 $0x400, v18;
	v3 =	vld.idx.msk [tilespmem:v7+s21+$0x0], $0xffff;
	v6 =	vunpack.i.l.bf16.f32 v2  }
0x300: {  	v10 =	vadd.s32 $0x400, v17;
	v9 =	vunpack.i.u.bf16.f32 v2;
	v6 =	vadd.f32 v6, v1  }
0x301: {  	v9 =	vadd.f32 v9, v1  }
0x302: {  	v2 =	vld [tilespmem:s2+$0x10400];
	[tilespmem:s6+$0x1AC00] =	vst v6  }
0x303: {  	[tilespmem:s6+$0x1B000] =	vst v9  }
0x304: {  	s20 =	simm.s32 $0x0;
	v3 =	vadd.bf16 v3, v5;
	v8 =	vld.idx.msk [tilespmem:v8+s19+$0x0], $0xffff  }
0x305: {  	s2 =	sor.u32 s13, s20;
	v10 =	vld.idx.msk [tilespmem:v10+s21+$0x0], $0xffff  }
0x306: {  	s26 =	simm.s32 $0x20;
	s29 =	simm.s32 $0x10;
	s28 =	smul.u32 $0x220, s2;
	v9 =	vadd.s32 $0x200, v4;
	v5 =	vunpack.i.l.bf16.f32 v3  }
0x307: {  	s14 =	sand.u32 $0x3FFFFF80, s29;
	s11 =	sand.u32 $0x70, s26;
	v11 =	vadd.s32 $0x200, v7;
	s2 =	sshll.u32 s2, $0x7;
	v3 =	vunpack.i.u.bf16.f32 v3;
	v6 =	vadd.f32 v5, v2  }
0x308: {  	s10 =	sor.u32 s10, s14;
	s2 =	sor.u32 s11, s2;
	s12 =	sshra.s32 s28, $0x2;
	v3 =	vadd.f32 v3, v2  }
0x309: {  	s12 =	sadd.s32 s11, s12;
	v5 =	vld [tilespmem:s2+$0x4000];
	[tilespmem:s10+$0x1A400] =	vst v6  }
0x30a: {  	v6 =	vld [tilespmem:s12+$0xC000];
	[tilespmem:s10+$0x1A800] =	vst v3;
	v8 =	vadd.bf16 v10, v8  }
0x30b: {  	v3 =	vld.idx.msk [tilespmem:v9+s19+$0x0], $0xffff  }
0x30c: {  	v9 =	vld.idx.msk [tilespmem:v11+s21+$0x0], $0xffff;
	v11 =	vadd.s32 $0x600, v18;
	v10 =	vunpack.i.l.bf16.f32 v8  }
0x30d: {  	v12 =	vadd.s32 $0x600, v17;
	v8 =	vunpack.i.u.bf16.f32 v8;
	v10 =	vadd.f32 v10, v1  }
0x30e: {  	v8 =	vadd.f32 v8, v1  }
0x30f: {  	[tilespmem:s6+$0x1B400] =	vst v10  }
0x310: {  	[tilespmem:s6+$0x1B800] =	vst v8  }
0x311: {  	v8 =	vld.idx.msk [tilespmem:v11+s19+$0x0], $0xffff  }
0x312: {  	v9 =	vadd.bf16 v9, v3;
	v12 =	vld.idx.msk [tilespmem:v12+s21+$0x0], $0xffff  }
0x313: {  	v13 =	vld.idx.msk [tilespmem:v5+s19+$0x0], $0xffff  }
0x314: {  	v14 =	vadd.s32 $0x400, v4;
	v10 =	vld.idx.msk [tilespmem:v6+s21+$0x0], $0xffff;
	v11 =	vunpack.i.l.bf16.f32 v9  }
0x315: {  	v15 =	vadd.s32 $0x400, v7;
	v9 =	vunpack.i.u.bf16.f32 v9;
	v11 =	vadd.f32 v11, v2  }
0x316: {  	v9 =	vadd.f32 v9, v2  }
0x317: {  	v3 =	vld [tilespmem:s2+$0x10400];
	[tilespmem:s10+$0x1AC00] =	vst v11;
	v8 =	vadd.bf16 v12, v8  }
0x318: {  	s12 =	simm.s32 $0x0;
	[tilespmem:s10+$0x1B000] =	vst v9  }
0x319: {  	s14 =	sor.u32 s13, s12;
	v11 =	vld.idx.msk [tilespmem:v14+s19+$0x0], $0xffff;
	v10 =	vadd.bf16 v10, v13;
	v19 =	vunpack.i.l.bf16.f32 v8  }
0x31a: {  	s15 =	simm.s32 $0x30;
	s16 =	smul.u32 $0x220, s14;
	v12 =	vld.idx.msk [tilespmem:v15+s21+$0x0], $0xffff;
	v15 =	vadd.s32 $0x800, v18;
	v8 =	vunpack.i.u.bf16.f32 v8;
	v19 =	vadd.f32 v19, v1  }
0x31b: {  	s17 =	simm.s32 $0x20;
	s12 =	sshll.u32 s14, $0x7;
	s2 =	sand.u32 $0x70, s15;
	v13 =	vadd.s32 $0x200, v5;
	v9 =	vunpack.i.l.bf16.f32 v10;
	v8 =	vadd.f32 v8, v1  }
0x31c: {  	s14 =	sshra.s32 s16, $0x2;
	s15 =	sand.u32 $0x3FFFFF80, s17;
	s12 =	sor.u32 s2, s12;
	v14 =	vadd.s32 $0x200, v6;
	v10 =	vunpack.i.u.bf16.f32 v10;
	v9 =	vadd.f32 v9, v3;
	[tilespmem:s6+$0x1BC00] =	vst v19  }
0x31d: {  	s11 =	sor.u32 s11, s15;
	s14 =	sadd.s32 s2, s14;
	v16 =	vadd.f32 v10, v3;
	v10 =	vld [tilespmem:s12+$0x4000];
	[tilespmem:s6+$0x1C000] =	vst v8  }
0x31e: {  	v20 =	vadd.s32 $0x800, v17;
	[tilespmem:s11+$0x1A400] =	vst v9;
	v9 =	vld [tilespmem:s14+$0xC000]  }
0x31f: {  	v11 =	vadd.bf16 v12, v11;
	[tilespmem:s11+$0x1A800] =	vst v16;
	v8 =	vld.idx.msk [tilespmem:v15+s19+$0x0], $0xffff  }
0x320: {  	v13 =	vld.idx.msk [tilespmem:v13+s19+$0x0], $0xffff  }
0x321: {  	v15 =	vadd.s32 $0x600, v4;
	v14 =	vld.idx.msk [tilespmem:v14+s21+$0x0], $0xffff;
	v12 =	vunpack.i.l.bf16.f32 v11  }
0x322: {  	v11 =	vunpack.i.u.bf16.f32 v11;
	v12 =	vadd.f32 v12, v2  }
0x323: {  	v16 =	vld.idx.msk [tilespmem:v20+s21+$0x0], $0xffff;
	v11 =	vadd.f32 v11, v2  }
0x324: {  	[tilespmem:s10+$0x1B400] =	vst v12  }
0x325: {  	v19 =	vadd.s32 $0x600, v7;
	[tilespmem:s10+$0x1B800] =	vst v11  }
0x326: {  	v11 =	vld.idx.msk [tilespmem:v15+s19+$0x0], $0xffff;
	v12 =	vadd.bf16 v14, v13  }
0x327: {  	v20 =	vld.idx.msk [tilespmem:v10+s19+$0x0], $0xffff  }
0x328: {  	v15 =	vadd.s32 $0x400, v5;
	v16 =	vadd.bf16 v16, v8;
	v13 =	vld.idx.msk [tilespmem:v9+s21+$0x0], $0xffff;
	v14 =	vunpack.i.l.bf16.f32 v12  }
0x329: {  	v21 =	vadd.s32 $0x400, v6;
	v12 =	vunpack.i.u.bf16.f32 v12;
	v14 =	vadd.f32 v14, v3  }
0x32a: {  	v22 =	vadd.s32 $0xA00, v18;
	v19 =	vld.idx.msk [tilespmem:v19+s21+$0x0], $0xffff;
	v23 =	vunpack.i.l.bf16.f32 v16;
	v12 =	vadd.f32 v12, v3  }
0x32b: {  	v8 =	vld [tilespmem:s12+$0x10400];
	[tilespmem:s11+$0x1AC00] =	vst v14;
	v14 =	vunpack.i.u.bf16.f32 v16;
	v16 =	vadd.f32 v23, v1;
	v23 =	vadd.s32 $0xA00, v17  }
0x32c: {  	s18 =	simm.s32 $0x0;
	[tilespmem:s11+$0x1B000] =	vst v12;
	v12 =	vadd.f32 v14, v1  }
0x32d: {  	s12 =	sor.u32 s13, s18;
	v15 =	vld.idx.msk [tilespmem:v15+s19+$0x0], $0xffff;
	v13 =	vadd.bf16 v13, v20;
	[tilespmem:s6+$0x1C400] =	vst v16  }
0x32e: {  	s20 =	simm.s32 $0x40;
	s26 =	smul.u32 $0x220, s12;
	v20 =	vld.idx.msk [tilespmem:v21+s21+$0x0], $0xffff;
	[tilespmem:s6+$0x1C800] =	vst v12  }
0x32f: {  	s28 =	simm.s32 $0x30;
	s14 =	sand.u32 $0x70, s20;
	s12 =	sshll.u32 s12, $0x7;
	v11 =	vadd.bf16 v19, v11;
	v16 =	vadd.s32 $0x200, v10;
	v14 =	vunpack.i.l.bf16.f32 v13;
	v21 =	vld.idx.msk [tilespmem:v22+s19+$0x0], $0xffff  }
0x330: {  	s16 =	sand.u32 $0x3FFFFF80, s28;
	s29 =	sor.u32 s14, s12;
	s15 =	sshra.s32 s26, $0x2;
	v19 =	vadd.s32 $0x200, v9;
	v12 =	vunpack.i.u.bf16.f32 v13;
	v13 =	vadd.f32 v14, v8;
	v23 =	vld.idx.msk [tilespmem:v23+s21+$0x0], $0xffff  }
0x331: {  	s12 =	sor.u32 s2, s16;
	s18 =	sadd.s32 s14, s15;
	v22 =	vadd.s32 $0x800, v4;
	v24 =	vadd.f32 v12, v8;
	v12 =	vunpack.i.l.bf16.f32 v11;
	v14 =	vld [tilespmem:s29+$0x4000]  }
0x332: {  	v25 =	vadd.s32 $0x800, v7;
	v11 =	vunpack.i.u.bf16.f32 v11;
	[tilespmem:s12+$0x1A400] =	vst v13;
	v13 =	vadd.f32 v12, v2;
	v12 =	vld [tilespmem:s18+$0xC000]  }
0x333: {  	v11 =	vadd.f32 v11, v2;
	[tilespmem:s12+$0x1A800] =	vst v24  }
0x334: {  	v16 =	vld.idx.msk [tilespmem:v16+s19+$0x0], $0xffff;
	[tilespmem:s10+$0x1BC00] =	vst v13;
	v13 =	vadd.bf16 v20, v15  }
0x335: {  	[tilespmem:s10+$0x1C000] =	vst v11;
	v15 =	vld.idx.msk [tilespmem:v19+s21+$0x0], $0xffff  }
0x336: {  	v24 =	vadd.s32 $0x600, v6;
	v20 =	vadd.s32 $0x600, v5;
	v19 =	vld.idx.msk [tilespmem:v22+s19+$0x0], $0xffff;
	v11 =	vunpack.i.l.bf16.f32 v13  }
0x337: {  	v22 =	vld.idx.msk [tilespmem:v25+s21+$0x0], $0xffff;
	v21 =	vadd.bf16 v23, v21;
	v13 =	vunpack.i.u.bf16.f32 v13;
	v23 =	vadd.f32 v11, v3  }
0x338: {  	v13 =	vadd.f32 v13, v3  }
0x339: {  	v26 =	vadd.s32 $0xC00, v18;
	v25 =	vunpack.i.l.bf16.f32 v21;
	v21 =	vunpack.i.u.bf16.f32 v21;
	v27 =	vld.idx.msk [tilespmem:v14+s19+$0x0], $0xffff;
	[tilespmem:s11+$0x1B400] =	vst v23  }
0x33a: {  	v23 =	vadd.f32 v25, v1;
	v25 =	vadd.s32 $0xC00, v17;
	v15 =	vadd.bf16 v15, v16;
	[tilespmem:s11+$0x1B800] =	vst v13;
	v16 =	vld.idx.msk [tilespmem:v12+s21+$0x0], $0xffff  }
0x33b: {  	v13 =	vadd.f32 v21, v1;
	v20 =	vld.idx.msk [tilespmem:v20+s19+$0x0], $0xffff  }
0x33c: {  	s20 =	simm.s32 $0x0;
	v19 =	vadd.bf16 v22, v19;
	v22 =	vld.idx.msk [tilespmem:v24+s21+$0x0], $0xffff;
	[tilespmem:s6+$0x1CC00] =	vst v23;
	v21 =	vunpack.i.l.bf16.f32 v15;
	v23 =	vadd.s32 $0x400, v10  }
0x33d: {  	s17 =	simm.s32 $0x50;
	s26 =	sor.u32 s13, s20;
	v11 =	vld [tilespmem:s29+$0x10400];
	[tilespmem:s6+$0x1D000] =	vst v13;
	v13 =	vunpack.i.u.bf16.f32 v15;
	v15 =	vadd.f32 v21, v8;
	v21 =	vadd.s32 $0x400, v9  }
0x33e: {  	s2 =	sand.u32 $0x70, s17;
	s28 =	sshll.u32 s26, $0x7;
	v24 =	vadd.s32 $0xA00, v4;
	v26 =	vld.idx.msk [tilespmem:v26+s19+$0x0], $0xffff;
	v28 =	vadd.f32 v13, v8;
	v13 =	vunpack.i.l.bf16.f32 v19  }
0x33f: {  	v29 =	vadd.s32 $0xA00, v7;
	s16 =	sor.u32 s2, s28;
	v25 =	vld.idx.msk [tilespmem:v25+s21+$0x0], $0xffff;
	[tilespmem:s12+$0x1AC00] =	vst v15;
	v15 =	vunpack.i.u.bf16.f32 v19;
	v19 =	vadd.f32 v13, v2  }
0x340: {  	v13 =	vld [tilespmem:s16+$0x10400];
	[tilespmem:s12+$0x1B000] =	vst v28;
	v16 =	vadd.bf16 v16, v27;
	v15 =	vadd.f32 v15, v2  }
0x341: {  	v28 =	vadd.s32 $0x200, v14;
	v20 =	vadd.bf16 v22, v20;
	v23 =	vld.idx.msk [tilespmem:v23+s19+$0x0], $0xffff;
	[tilespmem:s10+$0x1C400] =	vst v19  }
0x342: {  	s15 =	smul.u32 $0x220, s26;
	s18 =	simm.s32 $0x40;
	v27 =	vadd.s32 $0x800, v5;
	v19 =	vunpack.i.l.bf16.f32 v16;
	v21 =	vld.idx.msk [tilespmem:v21+s21+$0x0], $0xffff;
	[tilespmem:s10+$0x1C800] =	vst v15;
	v15 =	vunpack.i.u.bf16.f32 v16  }
0x343: {  	s18 =	sand.u32 $0x3FFFFF80, s18;
	v30 =	vunpack.i.l.bf16.f32 v20;
	v16 =	vadd.f32 v19, v11;
	v19 =	vadd.s32 $0x200, v12;
	v22 =	vld.idx.msk [tilespmem:v24+s19+$0x0], $0xffff  }
0x344: {  	s15 =	sshra.s32 s15, $0x2;
	s14 =	sor.u32 s14, s18;
	v20 =	vunpack.i.u.bf16.f32 v20;
	v24 =	vadd.f32 v15, v11;
	v29 =	vld.idx.msk [tilespmem:v29+s21+$0x0], $0xffff;
	v25 =	vadd.bf16 v25, v26  }
0x345: {  	s15 =	sadd.s32 s2, s15;
	v15 =	vld [tilespmem:s16+$0x4000];
	v20 =	vadd.f32 v20, v3;
	v26 =	vadd.f32 v30, v3;
	v30 =	vadd.s32 $0x800, v6;
	[tilespmem:s14+$0x1A400] =	vst v16  }
0x346: {  	v18 =	vadd.s32 $0xE00, v18;
	v16 =	vld [tilespmem:s15+$0xC000];
	[tilespmem:s14+$0x1A800] =	vst v24;
	v24 =	vunpack.i.l.bf16.f32 v25  }
0x347: {  	[tilespmem:s11+$0x1C000] =	vst v20;
	v31 =	vld.idx.msk [tilespmem:v28+s19+$0x0], $0xffff;
	v25 =	vunpack.i.u.bf16.f32 v25;
	v28 =	vadd.s32 $0xE00, v17;
	v24 =	vadd.f32 v24, v1  }
0x348: {  	[tilespmem:s11+$0x1BC00] =	vst v26;
	v17 =	vadd.bf16 v21, v23;
	v62 =	vld.idx.msk [tilespmem:v19+s21+$0x0], $0xffff;
	v19 =	vadd.f32 v25, v1  }
0x349: {  	v21 =	vld.idx.msk [tilespmem:v27+s19+$0x0], $0xffff;
	[tilespmem:s6+$0x1D400] =	vst v24  }
0x34a: {  	s29 =	sadd.s32 s9, s13;
	v27 =	vadd.s32 $0x600, v10;
	v22 =	vadd.bf16 v29, v22;
	v20 =	vunpack.i.l.bf16.f32 v17;
	v23 =	vld.idx.msk [tilespmem:v30+s21+$0x0], $0xffff;
	[tilespmem:s6+$0x1D800] =	vst v19  }
0x34b: {  	s15 =	sshll.u32 s29, $0x9;
	v26 =	vadd.s32 $0x600, v9;
	v19 =	vunpack.i.u.bf16.f32 v17;
	v20 =	vadd.f32 v20, v8;
	v17 =	vld.idx.msk [tilespmem:v18+s19+$0x0], $0xffff  }
0x34c: {  	s15 =	sadd.s32 s5, s15;
	v25 =	vunpack.i.l.bf16.f32 v22;
	v24 =	vadd.f32 v19, v8;
	v18 =	vld.idx.msk [tilespmem:v28+s21+$0x0], $0xffff;
	v19 =	vadd.s32 $0xC00, v4  }
0x34d: {  	s15 =	sshrl.u32 s15, $0x3;
	v63 =	vunpack.i.u.bf16.f32 v22;
	v28 =	vld.idx.msk [tilespmem:v15+s19+$0x0], $0xffff;
	v22 =	vadd.f32 v25, v2;
	[tilespmem:s12+$0x1B400] =	vst v20;
	v20 =	vadd.s32 $0xC00, v7  }
0x34e: {  	s18 =	simm.s32 $0x6;
	s16 =	simm.s32 $0x5;
	s15 =	sadd.s32 s4, s15;
	v29 =	vld.idx.msk [tilespmem:v16+s21+$0x0], $0xffff;
	v30 =	vadd.bf16 v62, v31;
	[tilespmem:s12+$0x1B800] =	vst v24;
	v24 =	vadd.f32 v63, v2  }
.LBB2_16:
0x34f: {  	p1 =	sne.s32 s18, $0x3F;
	v27 =	vld.idx.msk [tilespmem:v27+s19+$0x0], $0xffff;
	v31 =	vadd.s32 $0xA00, v5;
	[tilespmem:s10+$0x1CC00] =	vst v22;
	v25 =	vmovc v9;
	v9 =	vmov v12;
	v12 =	vmov v16  }
0x350: {  	s20 =	sshrl.u32 s18, $0x3;
	v22 =	vadd.s32 $0x400, v14;
	v21 =	vadd.bf16 v23, v21;
	v16 =	vunpack.i.l.bf16.f32 v30;
	v26 =	vld.idx.msk [tilespmem:v26+s21+$0x0], $0xffff;
	[tilespmem:s10+$0x1D000] =	vst v24  }
0x351: {  	s17 =	sadd.s32 $0x10, s17;
	s20 =	sor.u32 s13, s20;
	v23 =	vunpack.i.u.bf16.f32 v30;
	v24 =	vadd.s32 $0x400, v9;
	v16 =	vadd.f32 v16, v11;
	v19 =	vld.idx.msk [tilespmem:v19+s19+$0x0], $0xffff  }
0x352: {  	s28 =	sand.u32 $0x70, s17;
	s26 =	sshll.u32 s20, $0x7;
	v23 =	vadd.f32 v23, v11;
	v30 =	vunpack.i.l.bf16.f32 v21;
	v17 =	vadd.bf16 v18, v17;
	v20 =	vld.idx.msk [tilespmem:v20+s21+$0x0], $0xffff  }
0x353: {  	s29 =	sor.u32 s28, s26;
	v18 =	vadd.f32 v30, v3;
	[tilespmem:s14+$0x1AC00] =	vst v16;
	v16 =	vunpack.i.u.bf16.f32 v21;
	v21 =	vadd.s32 $0xA00, v6  }
0x354: {  	v28 =	vadd.bf16 v29, v28;
	v30 =	vld [tilespmem:s29+$0x10400];
	[tilespmem:s14+$0x1B000] =	vst v23;
	v16 =	vadd.f32 v16, v3;
	v23 =	vunpack.i.u.bf16.f32 v17  }
0x355: {  	v29 =	vadd.s32 $0x800, v10;
	v17 =	vunpack.i.l.bf16.f32 v17;
	v22 =	vld.idx.msk [tilespmem:v22+s19+$0x0], $0xffff;
	[tilespmem:s11+$0x1C400] =	vst v18;
	v18 =	vadd.f32 v23, v1  }
0x356: {  	v32 =	vadd.s32 $0x200, v15;
	s20 =	smul.u32 $0x220, s20;
	s26 =	sshll.u32 s16, $0x4;
	s16 =	smov.u32 s18;
	v23 =	vunpack.i.l.bf16.f32 v28;
	v26 =	vadd.bf16 v26, v27;
	v24 =	vld.idx.msk [tilespmem:v24+s21+$0x0], $0xffff;
	[tilespmem:s11+$0x1C800] =	vst v16  }
0x357: {  	s26 =	sand.u32 $0x3FFFFF80, s26;
	v27 =	vadd.s32 $0x200, v12;
	v16 =	vunpack.i.u.bf16.f32 v28;
	v23 =	vadd.f32 v23, v13;
	v28 =	vld.idx.msk [tilespmem:v31+s19+$0x0], $0xffff;
	[tilespmem:s6+$0x1E000] =	vst v18  }
0x358: {  	s20 =	sshra.s32 s20, $0x2;
	s26 =	sor.u32 s2, s26;
	s2 =	smov.u32 s28;
	v18 =	vadd.f32 v16, v13;
	v16 =	vunpack.i.l.bf16.f32 v26;
	v19 =	vadd.bf16 v20, v19;
	v31 =	vld.idx.msk [tilespmem:v21+s21+$0x0], $0xffff  }
0x359: {  	s20 =	sadd.s32 s2, s20;
	v21 =	vunpack.i.u.bf16.f32 v26;
	v26 =	vadd.s32 $0x800, v25;
	v20 =	vld [tilespmem:s29+$0x4000];
	[tilespmem:s26+$0x1A400] =	vst v23;
	v23 =	vadd.f32 v16, v8  }
0x35a: {  	v33 =	vadd.s32 $0xE00, v4;
	v4 =	vmovc v5;
	v5 =	vmovc v10;
	v16 =	vld [tilespmem:s20+$0xC000];
	[tilespmem:s26+$0x1A800] =	vst v18;
	v18 =	vadd.f32 v21, v8;
	v21 =	vunpack.i.l.bf16.f32 v19  }
0x35b: {  	v7 =	vadd.s32 $0xE00, v7;
	v10 =	vmovc v14;
	v19 =	vunpack.i.u.bf16.f32 v19;
	v32 =	vld.idx.msk [tilespmem:v32+s19+$0x0], $0xffff;
	[tilespmem:s12+$0x1BC00] =	vst v23;
	v23 =	vadd.f32 v21, v2  }
0x35c: {  	v14 =	vmov v15;
	v22 =	vadd.bf16 v24, v22;
	v34 =	vld.idx.msk [tilespmem:v27+s21+$0x0], $0xffff;
	[tilespmem:s12+$0x1C000] =	vst v18;
	v18 =	vadd.f32 v19, v2  }
0x35d: {  	v35 =	vadd.f32 v17, v1;
	v1 =	vmovc v2;
	v2 =	vmov v3;
	v3 =	vmov v8;
	v21 =	vld.idx.msk [tilespmem:v29+s19+$0x0], $0xffff;
	[tilespmem:s10+$0x1D400] =	vst v23  }
.Ltmp6:
0x35e: {  	v27 =	vadd.s32 $0x600, v10;
	v8 =	vmovc v11;
	v17 =	vunpack.i.l.bf16.f32 v22;
	v24 =	vadd.bf16 v31, v28;
	v23 =	vld.idx.msk [tilespmem:v26+s21+$0x0], $0xffff;
	[tilespmem:s10+$0x1D800] =	vst v18;
	(pc) =	sbr.rel @p1 .LBB2_16-.Ltmp6, $4  }
0x35f: {  	v11 =	vmovc v13;
	v18 =	vunpack.i.u.bf16.f32 v22;
	v22 =	vadd.f32 v17, v8;
	v26 =	vadd.s32 $0x600, v9;
	v17 =	vld.idx.msk [tilespmem:v33+s19+$0x0], $0xffff;
	[tilespmem:s6+$0x1DC00] =	vst v35;
	s6 =	smov.u32 s10;
	s10 =	smov.u32 s11;
	s11 =	smov.u32 s12  }
0x360: {  	v19 =	vadd.s32 $0xC00, v4;
	v13 =	vmovc v30;
	v15 =	vmovc v20;
	v31 =	vadd.f32 v18, v8;
	v29 =	vunpack.i.l.bf16.f32 v24;
	s12 =	smov.u32 s14;
	s14 =	smov.u32 s26;
	v18 =	vld.idx.msk [tilespmem:v7+s21+$0x0], $0xffff  }
0x361: {  	v24 =	vunpack.i.u.bf16.f32 v24;
	v7 =	vmovc v6;
	v28 =	vld.idx.msk [tilespmem:v20+s19+$0x0], $0xffff;
	[tilespmem:s12+$0x1B400] =	vst v22;
	v22 =	vadd.f32 v29, v2;
	v20 =	vadd.s32 $0xC00, v6  }
0x362: {  	s18 =	sadd.s32 $0x1, s18;
	v24 =	vadd.f32 v24, v2;
	v30 =	vadd.bf16 v34, v32;
	v6 =	vmov v25;
	v29 =	vld.idx.msk [tilespmem:v16+s21+$0x0], $0xffff;
	[tilespmem:s12+$0x1B800] =	vst v31  }
0x363: {  	_ =	sdelay $0x3  }
0x364: {  	v25 =	vadd.bf16 v29, v28;
	_ =	sdelay $0x1  }
0x365: {  	s13 =	sshll.u32 s16, $0x4;
	v49 =	vadd.s32 $0x200, v15;
	v28 =	vunpack.i.l.bf16.f32 v25  }
0x366: {  	v31 =	vadd.s32 $0x200, v16;
	s13 =	sand.u32 $0x3FFFFF80, s13;
	v25 =	vunpack.i.u.bf16.f32 v25;
	v28 =	vadd.f32 v28, v13  }
0x367: {  	s13 =	sor.u32 s2, s13;
	v25 =	vadd.f32 v25, v13  }
0x368: {  	[tilespmem:s13+$0x1A400] =	vst v28  }
0x369: {  	[tilespmem:s13+$0x1A800] =	vst v25  }
0x36a: {  	v25 =	vld.idx.msk [tilespmem:v49+s19+$0x0], $0xffff  }
0x36b: {  	v28 =	vld.idx.msk [tilespmem:v31+s21+$0x0], $0xffff;
	_ =	sdelay $0x4  }
0x36c: {  	v51 =	vadd.s32 $0x400, v14;
	v50 =	vunpack.i.l.bf16.f32 v30;
	v25 =	vadd.bf16 v28, v25  }
0x36d: {  	v53 =	vadd.s32 $0x400, v12;
	v52 =	vunpack.i.u.bf16.f32 v30;
	v29 =	vadd.f32 v50, v11  }
0x36e: {  	v33 =	vadd.s32 $0x400, v15;
	v28 =	vadd.f32 v52, v11;
	v32 =	vunpack.i.l.bf16.f32 v25  }
0x36f: {  	v55 =	vadd.s32 $0x400, v16;
	[tilespmem:s14+$0x1AC00] =	vst v29;
	v25 =	vunpack.i.u.bf16.f32 v25;
	v54 =	vadd.f32 v32, v13  }
0x370: {  	[tilespmem:s14+$0x1B000] =	vst v28;
	v25 =	vadd.f32 v25, v13  }
0x371: {  	v28 =	vld.idx.msk [tilespmem:v51+s19+$0x0], $0xffff;
	[tilespmem:s13+$0x1AC00] =	vst v54  }
0x372: {  	v56 =	vld.idx.msk [tilespmem:v53+s21+$0x0], $0xffff;
	[tilespmem:s13+$0x1B000] =	vst v25  }
0x373: {  	v25 =	vld.idx.msk [tilespmem:v33+s19+$0x0], $0xffff  }
0x374: {  	v57 =	vld.idx.msk [tilespmem:v55+s21+$0x0], $0xffff;
	_ =	sdelay $0x2  }
0x375: {  	v28 =	vadd.bf16 v56, v28  }
0x376: {  	v27 =	vld.idx.msk [tilespmem:v27+s19+$0x0], $0xffff  }
0x377: {  	v58 =	vadd.s32 $0x600, v14;
	v26 =	vld.idx.msk [tilespmem:v26+s21+$0x0], $0xffff;
	v29 =	vunpack.i.l.bf16.f32 v28;
	v25 =	vadd.bf16 v57, v25  }
0x378: {  	v59 =	vadd.s32 $0x600, v12;
	v28 =	vunpack.i.u.bf16.f32 v28;
	v29 =	vadd.f32 v29, v11  }
0x379: {  	v61 =	vadd.s32 $0x600, v15;
	v28 =	vadd.f32 v28, v11;
	v60 =	vunpack.i.l.bf16.f32 v25  }
0x37a: {  	v63 =	vadd.s32 $0x600, v16;
	[tilespmem:s14+$0x1B400] =	vst v29;
	v25 =	vunpack.i.u.bf16.f32 v25;
	v62 =	vadd.f32 v60, v13  }
0x37b: {  	[tilespmem:s14+$0x1B800] =	vst v28;
	v25 =	vadd.f32 v25, v13  }
0x37c: {  	v26 =	vadd.bf16 v26, v27;
	v28 =	vld.idx.msk [tilespmem:v58+s19+$0x0], $0xffff;
	[tilespmem:s13+$0x1B400] =	vst v62  }
0x37d: {  	v36 =	vld.idx.msk [tilespmem:v59+s21+$0x0], $0xffff;
	[tilespmem:s13+$0x1B800] =	vst v25  }
0x37e: {  	v38 =	vadd.s32 $0x800, v10;
	v39 =	vunpack.i.l.bf16.f32 v26;
	v26 =	vunpack.i.u.bf16.f32 v26;
	v25 =	vld.idx.msk [tilespmem:v61+s19+$0x0], $0xffff  }
0x37f: {  	v40 =	vadd.s32 $0x800, v9;
	v26 =	vadd.f32 v26, v8;
	v37 =	vld.idx.msk [tilespmem:v63+s21+$0x0], $0xffff  }
0x380: {  	v31 =	vadd.f32 v39, v8  }
0x381: {  	[tilespmem:s12+$0x1C000] =	vst v26  }
0x382: {  	[tilespmem:s12+$0x1BC00] =	vst v31;
	v28 =	vadd.bf16 v36, v28  }
0x383: {  	v30 =	vld.idx.msk [tilespmem:v38+s19+$0x0], $0xffff  }
0x384: {  	v41 =	vadd.s32 $0x800, v14;
	v32 =	vld.idx.msk [tilespmem:v40+s21+$0x0], $0xffff;
	v42 =	vunpack.i.l.bf16.f32 v28;
	v25 =	vadd.bf16 v37, v25  }
0x385: {  	v45 =	vadd.s32 $0x800, v12;
	v43 =	vunpack.i.u.bf16.f32 v28;
	v44 =	vadd.f32 v42, v11  }
0x386: {  	v46 =	vadd.s32 $0x800, v15;
	v26 =	vadd.f32 v43, v11;
	v47 =	vunpack.i.l.bf16.f32 v25  }
0x387: {  	v49 =	vadd.s32 $0x800, v16;
	[tilespmem:s14+$0x1BC00] =	vst v44;
	v25 =	vunpack.i.u.bf16.f32 v25;
	v48 =	vadd.f32 v47, v13  }
0x388: {  	[tilespmem:s14+$0x1C000] =	vst v26;
	v25 =	vadd.f32 v25, v13  }
0x389: {  	v30 =	vadd.bf16 v32, v30;
	v50 =	vld.idx.msk [tilespmem:v41+s19+$0x0], $0xffff;
	[tilespmem:s13+$0x1BC00] =	vst v48  }
0x38a: {  	v26 =	vld.idx.msk [tilespmem:v45+s21+$0x0], $0xffff;
	[tilespmem:s13+$0x1C000] =	vst v25  }
0x38b: {  	v21 =	vadd.bf16 v23, v21;
	v56 =	vadd.s32 $0xA00, v10;
	v32 =	vunpack.i.l.bf16.f32 v30;
	v53 =	vld.idx.msk [tilespmem:v46+s19+$0x0], $0xffff  }
0x38c: {  	v30 =	vunpack.i.u.bf16.f32 v30;
	v57 =	vadd.f32 v32, v8;
	v58 =	vadd.s32 $0xA00, v9;
	v55 =	vld.idx.msk [tilespmem:v49+s21+$0x0], $0xffff  }
0x38d: {  	v52 =	vunpack.i.l.bf16.f32 v21;
	v54 =	vadd.s32 $0xA00, v6;
	v59 =	vadd.f32 v30, v8  }
0x38e: {  	v21 =	vunpack.i.u.bf16.f32 v21;
	v27 =	vadd.f32 v52, v3;
	v51 =	vadd.s32 $0xA00, v5;
	[tilespmem:s12+$0x1C400] =	vst v57  }
0x38f: {  	v21 =	vadd.f32 v21, v3;
	[tilespmem:s12+$0x1C800] =	vst v59;
	v23 =	vadd.bf16 v26, v50  }
0x390: {  	[tilespmem:s11+$0x1C400] =	vst v27;
	v27 =	vld.idx.msk [tilespmem:v56+s19+$0x0], $0xffff  }
0x391: {  	[tilespmem:s11+$0x1C800] =	vst v21;
	v60 =	vadd.s32 $0xA00, v14;
	v32 =	vld.idx.msk [tilespmem:v58+s21+$0x0], $0xffff;
	v61 =	vunpack.i.l.bf16.f32 v23;
	v28 =	vadd.bf16 v55, v53  }
0x392: {  	v29 =	vld.idx.msk [tilespmem:v54+s21+$0x0], $0xffff;
	v63 =	vadd.s32 $0xA00, v12;
	v23 =	vunpack.i.u.bf16.f32 v23;
	v62 =	vadd.f32 v61, v11  }
0x393: {  	v36 =	vadd.s32 $0xA00, v15;
	v25 =	vld.idx.msk [tilespmem:v51+s19+$0x0], $0xffff;
	v23 =	vadd.f32 v23, v11;
	v37 =	vunpack.i.l.bf16.f32 v28  }
0x394: {  	v40 =	vadd.s32 $0xA00, v16;
	[tilespmem:s14+$0x1C400] =	vst v62;
	v38 =	vunpack.i.u.bf16.f32 v28;
	v39 =	vadd.f32 v37, v13  }
0x395: {  	[tilespmem:s14+$0x1C800] =	vst v23;
	v41 =	vadd.f32 v38, v13  }
0x396: {  	v27 =	vadd.bf16 v32, v27;
	v21 =	vld.idx.msk [tilespmem:v60+s19+$0x0], $0xffff;
	[tilespmem:s13+$0x1C400] =	vst v39  }
0x397: {  	v42 =	vld.idx.msk [tilespmem:v63+s21+$0x0], $0xffff;
	[tilespmem:s13+$0x1C800] =	vst v41  }
0x398: {  	v48 =	vunpack.i.l.bf16.f32 v27;
	v27 =	vunpack.i.u.bf16.f32 v27;
	v25 =	vadd.bf16 v29, v25;
	v28 =	vld.idx.msk [tilespmem:v36+s19+$0x0], $0xffff  }
0x399: {  	[tilespmem:s10+$0x1CC00] =	vst v22;
	v49 =	vadd.s32 $0xC00, v10;
	v52 =	vadd.f32 v27, v8;
	v45 =	vld.idx.msk [tilespmem:v40+s21+$0x0], $0xffff  }
0x39a: {  	[tilespmem:s10+$0x1D000] =	vst v24;
	v44 =	vadd.s32 $0xC00, v5;
	v50 =	vadd.f32 v48, v8;
	v43 =	vunpack.i.l.bf16.f32 v25  }
0x39b: {  	v47 =	vadd.s32 $0xC00, v6;
	[tilespmem:s12+$0x1D000] =	vst v52;
	v25 =	vunpack.i.u.bf16.f32 v25;
	v46 =	vadd.f32 v43, v3  }
0x39c: {  	v19 =	vld.idx.msk [tilespmem:v19+s19+$0x0], $0xffff;
	v51 =	vadd.s32 $0xC00, v9;
	[tilespmem:s12+$0x1CC00] =	vst v50;
	v25 =	vadd.f32 v25, v3;
	v21 =	vadd.bf16 v42, v21  }
0x39d: {  	v20 =	vld.idx.msk [tilespmem:v20+s21+$0x0], $0xffff;
	[tilespmem:s11+$0x1CC00] =	vst v46  }
0x39e: {  	v55 =	vadd.s32 $0xC00, v14;
	v57 =	vld.idx.msk [tilespmem:v49+s19+$0x0], $0xffff;
	[tilespmem:s11+$0x1D000] =	vst v25;
	v54 =	vunpack.i.l.bf16.f32 v21;
	v28 =	vadd.bf16 v45, v28  }
0x39f: {  	v56 =	vadd.s32 $0xC00, v12;
	v53 =	vld.idx.msk [tilespmem:v44+s19+$0x0], $0xffff;
	v21 =	vunpack.i.u.bf16.f32 v21;
	v22 =	vadd.f32 v54, v11  }
0x3a0: {  	v58 =	vadd.s32 $0xC00, v15;
	v23 =	vld.idx.msk [tilespmem:v47+s21+$0x0], $0xffff;
	v21 =	vadd.f32 v21, v11;
	v30 =	vunpack.i.l.bf16.f32 v28  }
0x3a1: {  	v24 =	vld.idx.msk [tilespmem:v51+s21+$0x0], $0xffff;
	v61 =	vadd.s32 $0xC00, v16;
	[tilespmem:s14+$0x1CC00] =	vst v22;
	v59 =	vunpack.i.u.bf16.f32 v28;
	v60 =	vadd.f32 v30, v13  }
0x3a2: {  	v19 =	vadd.bf16 v20, v19;
	[tilespmem:s14+$0x1D000] =	vst v21;
	v62 =	vadd.f32 v59, v13  }
0x3a3: {  	v4 =	vadd.s32 $0xE00, v4;
	v63 =	vld.idx.msk [tilespmem:v55+s19+$0x0], $0xffff;
	[tilespmem:s13+$0x1CC00] =	vst v60  }
0x3a4: {  	v7 =	vadd.s32 $0xE00, v7;
	v17 =	vadd.bf16 v18, v17;
	v32 =	vunpack.i.l.bf16.f32 v19;
	v34 =	vld.idx.msk [tilespmem:v56+s21+$0x0], $0xffff;
	[tilespmem:s13+$0x1D000] =	vst v62  }
0x3a5: {  	v19 =	vunpack.i.u.bf16.f32 v19;
	v35 =	vadd.f32 v32, v2;
	v33 =	vadd.bf16 v23, v53;
	v36 =	vld.idx.msk [tilespmem:v58+s19+$0x0], $0xffff  }
0x3a6: {  	v19 =	vadd.f32 v19, v2;
	v43 =	vadd.s32 $0xE00, v10;
	v24 =	vadd.bf16 v24, v57;
	v38 =	vld.idx.msk [tilespmem:v61+s21+$0x0], $0xffff  }
0x3a7: {  	v39 =	vadd.s32 $0xE00, v5;
	v47 =	vadd.s32 $0xE00, v14;
	v37 =	vunpack.i.l.bf16.f32 v33  }
0x3a8: {  	[tilespmem:s10+$0x1D400] =	vst v35;
	v40 =	vadd.s32 $0xE00, v6;
	v22 =	vunpack.i.u.bf16.f32 v33;
	v25 =	vadd.f32 v37, v3  }
0x3a9: {  	[tilespmem:s10+$0x1D800] =	vst v19;
	v44 =	vunpack.i.u.bf16.f32 v24;
	v41 =	vadd.f32 v22, v3;
	v18 =	vadd.bf16 v34, v63  }
0x3aa: {  	v4 =	vld.idx.msk [tilespmem:v4+s19+$0x0], $0xffff;
	v42 =	vunpack.i.l.bf16.f32 v24;
	v19 =	vadd.f32 v44, v8;
	v45 =	vadd.s32 $0xE00, v9;
	[tilespmem:s11+$0x1D400] =	vst v25  }
0x3ab: {  	v7 =	vld.idx.msk [tilespmem:v7+s21+$0x0], $0xffff;
	v22 =	vadd.f32 v42, v8;
	[tilespmem:s11+$0x1D800] =	vst v41;
	v46 =	vunpack.i.l.bf16.f32 v18;
	v21 =	vadd.bf16 v38, v36  }
0x3ac: {  	v48 =	vadd.s32 $0xE00, v12;
	[tilespmem:s12+$0x1D800] =	vst v19;
	v5 =	vld.idx.msk [tilespmem:v39+s19+$0x0], $0xffff;
	v18 =	vunpack.i.u.bf16.f32 v18;
	v20 =	vadd.f32 v46, v11  }
0x3ad: {  	v50 =	vadd.s32 $0xE00, v15;
	[tilespmem:s12+$0x1D400] =	vst v22;
	v6 =	vld.idx.msk [tilespmem:v40+s21+$0x0], $0xffff;
	v18 =	vadd.f32 v18, v11;
	v49 =	vunpack.i.l.bf16.f32 v21  }
0x3ae: {  	v52 =	vadd.s32 $0xE00, v16;
	v10 =	vld.idx.msk [tilespmem:v43+s19+$0x0], $0xffff;
	[tilespmem:s14+$0x1D400] =	vst v20;
	v51 =	vunpack.i.u.bf16.f32 v21;
	v19 =	vadd.f32 v49, v13  }
0x3af: {  	v9 =	vld.idx.msk [tilespmem:v45+s21+$0x0], $0xffff;
	[tilespmem:s14+$0x1D800] =	vst v18;
	v53 =	vadd.f32 v51, v13  }
0x3b0: {  	v4 =	vadd.bf16 v7, v4;
	v54 =	vunpack.i.u.bf16.f32 v17;
	v55 =	vld.idx.msk [tilespmem:v47+s19+$0x0], $0xffff;
	[tilespmem:s13+$0x1D400] =	vst v19  }
0x3b1: {  	v57 =	vadd.f32 v54, v1;
	v56 =	vunpack.i.l.bf16.f32 v17;
	v12 =	vld.idx.msk [tilespmem:v48+s21+$0x0], $0xffff;
	[tilespmem:s13+$0x1D800] =	vst v53  }
0x3b2: {  	v1 =	vadd.f32 v56, v1;
	v58 =	vunpack.i.u.bf16.f32 v4;
	v5 =	vadd.bf16 v6, v5;
	v59 =	vld.idx.msk [tilespmem:v50+s19+$0x0], $0xffff  }
0x3b3: {  	[tilespmem:s6+$0x1E000] =	vst v57;
	v4 =	vunpack.i.l.bf16.f32 v4;
	v14 =	vadd.f32 v58, v2;
	v60 =	vld.idx.msk [tilespmem:v52+s21+$0x0], $0xffff  }
0x3b4: {  	[tilespmem:s6+$0x1DC00] =	vst v1;
	v1 =	vadd.f32 v4, v2;
	v61 =	vadd.bf16 v9, v10;
	v2 =	vunpack.i.u.bf16.f32 v5  }
0x3b5: {  	[tilespmem:s10+$0x1E000] =	vst v14;
	v5 =	vunpack.i.l.bf16.f32 v5;
	v2 =	vadd.f32 v2, v3  }
0x3b6: {  	[tilespmem:s10+$0x1DC00] =	vst v1;
	v1 =	vadd.f32 v5, v3;
	v3 =	vunpack.i.u.bf16.f32 v61;
	v62 =	vadd.bf16 v12, v55  }
0x3b7: {  	v3 =	vadd.f32 v3, v8;
	[tilespmem:s11+$0x1E000] =	vst v2;
	v2 =	vunpack.i.l.bf16.f32 v61  }
0x3b8: {  	[tilespmem:s11+$0x1DC00] =	vst v1;
	v1 =	vadd.f32 v2, v8;
	v2 =	vunpack.i.u.bf16.f32 v62;
	v63 =	vadd.bf16 v60, v59  }
0x3b9: {  	s1 =	sadd.s32 $0x1, s1;
	[tilespmem:s12+$0x1E000] =	vst v3;
	v3 =	vunpack.i.l.bf16.f32 v62;
	v2 =	vadd.f32 v2, v11  }
0x3ba: {  	p1 =	sne.s32 s1, $0x8;
	[tilespmem:s12+$0x1DC00] =	vst v1;
	v1 =	vadd.f32 v3, v11;
	v3 =	vunpack.i.u.bf16.f32 v63  }
.Ltmp7:
0x3bb: {  	[tilespmem:s14+$0x1E000] =	vst v2;
	v2 =	vunpack.i.l.bf16.f32 v63;
	v3 =	vadd.f32 v3, v13;
	(pc) =	sbr.rel @p1 .LBB2_13-.Ltmp7, $4  }
0x3bc: {  	[tilespmem:s14+$0x1DC00] =	vst v1;
	v1 =	vadd.f32 v2, v13  }
0x3bd: {  	[tilespmem:s13+$0x1E000] =	vst v3  }
0x3be: {  	[tilespmem:s13+$0x1DC00] =	vst v1  }
0x3bf: {  	[hbm4b:s15+s22] =	stream.strided.scatter [tilespmem:s25], [sflag:$0x2], $0x4000, s23, s22, $0x38;
	[tilespmem:$0x1E400] =	vst v63  }
.Ltmp8:
0x3c0: {  	(pc) =	sbr.rel @p0 .LBB2_2-.Ltmp8, $2  }
0x3c1: {  	_ =	sdelay $0x2  }
0x3c2: {  	s0 =	simm.s32 $0x2;
	p1 =	por $0x0, $0x0;
	s13 =	simm.s32 $0x1000  }
0x3c3: {  	_ =	swait.ge [sflag:s7], $0x4000  }
0x3c4: {  	[sflag:s7] =	ssyncset.done $0x0  }
0x3c5: {  	[sflag:s7] =	ssyncadd.s32 $0xFFFFC000  }
0x3c6: {  	_ =	swait.ge [sflag:s8], $0x4000  }
0x3c7: {  	[sflag:s8] =	ssyncset.done $0x0  }
0x3c8: {  	s0 =	simm.s32 $0x3;
	[sflag:s8] =	ssyncadd.s32 $0xFFFFC000  }
0x3c9: {  	_ =	swait.ge [sflag:s0], $0x4000  }
0x3ca: {  	[sflag:s0] =	ssyncset.done $0x0  }
0x3cb: {  	s1 =	simm.s32 $0x4;
	[sflag:s0] =	ssyncadd.s32 $0xFFFFC000  }
0x3cc: {  	_ =	swait.ge [sflag:s1], $0x4000  }
0x3cd: {  	s2 =	rddreg [dreg:$0x11]  }
0x3ce: {  	s29 =	rddreg [dreg:$0x10];
	s2 =	sadd.s32 $0x1, s2  }
0x3cf: {  	p0 =	sne.s32 s2, s29  }
.Ltmp9:
0x3d0: {  	_ = 	snop;
	(pc) =	sbr.rel @p0 .LBB2_1-.Ltmp9, $3  }
0x3d1: {  	_ =	sdelay $0x1  }
0x3d2: {  	[sflag:s1] =	ssyncset.done $0x0  }
0x3d3: {  	[sflag:s1] =	ssyncadd.s32 $0xFFFFC000  }
0x3d4: {  	_ =	sfence.sel $0x180000  }
0x3d5: {  	[bflag:$0x0] =	sbarrier.arrive $0xFFFF  }
0x3d6: {  	_ =	strace $0x90000047  }
0x3d7: {  	s0 =	stileid.u32;
	[bflag:$0x2] =	sbarrier.arrive $0xFFFF  }
0x3d8: {  	p0 =	sne.s32 s0, $0x0;
	s0 =	rddreg [dreg:$0x4]  }
0x3d9: {  	s0 =	sadd.s32 @!p0 $0x100000, s0  }
0x3da: {  	[sflag:s0] =	ssyncadd.tile.s32 @!p0 $0x1;
	_ =	shalt  }
.Lfunc_end2:
_tile_overlayer_lowered:
.L_overlay_start_2:
0x3db: {  	(tag) =	ssettag $0x2  }
0x3dc: {  	s0 =	rddreg [dreg:$0x0];
	s2 =	stileid.u32  }
0x3dd: {  	s1 =	rddreg [dreg:$0x1];
	p0 =	sne.s32 s2, $0x0  }
0x3de: {  	s3 =	rddreg [dreg:$0x2];
	[bflag:$0x3] =	sbarrier.arrive $0xFFFF;
	s2 =	simm.s32 @!p0 $0x1C05  }
0x3df: {  	[timem:s3], [sflag:s2] =	dma.local @!p0 [hbm:s0], s1  }
0x3e0: {  	s0 =	simm.s32 @!p0 $0x5  }
0x3e1: {  	_ =	swait.ge @!p0 [sflag:s0], s1  }
0x3e2: {  	s1 =	ssub.s32 @!p0 $0x0, s1;
	[sflag:s0] =	ssyncset.done @!p0 $0x0  }
0x3e3: {  	[sflag:s0] =	ssyncadd.s32 @!p0 s1  }
0x3e4: {  	[bflag:$0x3] =	sbarrier.arrive $0xFFFF  }
0x3e5: {  	_ =	shalt  }

</sc_bundles>
